<compile_context>
chip_gen: v7x
topology: tpu7x:2x2x1
jax: 0.10.2.dev20260603
libtpu: 0.0.44.dev20260713+nightly
codegen_flags: <defaults>
</compile_context>

<pallas_src>
import jax
import jax.numpy as jnp
from jax import lax
from jax.experimental import pallas as pl
from jax.experimental.pallas import tpu as pltpu
from jax.experimental.pallas import tpu_sc as plsc

NROWS = 100000
TBLK = 2560
B = 1024
K = 50
KP = 56
D = 1032
L = 16
NC = 2
NS = 16
NW = NC * NS
SPB = B // NW
NFULL = D // L
TAIL_OFF = D - L


def _sc_body(fi0, fv0, fi1, fv1, w, bias, out0, out1,
             idxv, valv, rows0, rows1, biasv, obuf, sem0, sem1):
    wid = lax.axis_index("s") * NC + lax.axis_index("c")
    base = wid * SPB

    pltpu.sync_copy(bias, biasv)

    def run_side(fi, fv, out):
        pltpu.sync_copy(fi.at[pl.ds(base, SPB)], idxv)
        pltpu.sync_copy(fv.at[pl.ds(base * KP, SPB * KP)], valv)

        def gather(i, buf, sem):
            return pltpu.make_async_copy(w.at[idxv.at[i]], buf, sem)

        WINDOWS = [c * L for c in range(NFULL)] + [TAIL_OFF]
        HALVES = (WINDOWS[:33], WINDOWS[33:])

        def compute(rbuf, i):
            j = lax.rem(i, 8)
            vbase = jnp.full((L,), i * KP, jnp.int32)
            for half in HALVES:
                def k_body(k, accs):
                    v = plsc.load_gather(valv, [vbase + k])
                    return tuple(a + v * rbuf[k, pl.ds(o, L)]
                                 for a, o in zip(accs, half))

                init = tuple(biasv[pl.ds(o, L)] for o in half)
                accs = lax.fori_loop(0, K, k_body, init)
                for a, o in zip(accs, half):
                    obuf[j, pl.ds(o, L)] = a

            @pl.when(j == 7)
            def _():
                gb = pl.multiple_of(base + i - 7, 8)
                pltpu.sync_copy(obuf, out.at[pl.ds(gb, 8)])

        gather(0, rows0, sem0).start()

        def body(j, _):
            i = 2 * j
            gather(i + 1, rows1, sem1).start()
            gather(i, rows0, sem0).wait()
            compute(rows0, i)

            @pl.when(j < SPB // 2 - 1)
            def _():
                gather(i + 2, rows0, sem0).start()

            gather(i + 1, rows1, sem1).wait()
            compute(rows1, i + 1)
            return 0

        lax.fori_loop(0, SPB // 2, body, 0)

    run_side(fi0, fv0, out0)
    run_side(fi1, fv1, out1)


@jax.jit
def _transform(fi0, fv0, fi1, fv1, w, merged_bias):
    f32 = jnp.float32
    mesh = plsc.VectorSubcoreMesh(core_axis_name="c", subcore_axis_name="s")
    out0, out1 = pl.kernel(
        _sc_body,
        out_type=(jax.ShapeDtypeStruct((B, D), f32),
                  jax.ShapeDtypeStruct((B, D), f32)),
        mesh=mesh,
        compiler_params=pltpu.CompilerParams(
            needs_layout_passes=False, use_tc_tiling_on_sc=False),
        scratch_types=[
            pltpu.VMEM((SPB, KP), jnp.int32),
            pltpu.VMEM((SPB * KP,), f32),
            pltpu.VMEM((KP, D), f32),
            pltpu.VMEM((KP, D), f32),
            pltpu.VMEM((D,), f32),
            pltpu.VMEM((8, D), f32),
            pltpu.SemaphoreType.DMA,
            pltpu.SemaphoreType.DMA,
        ],
    )(fi0, fv0, fi1, fv1, w, merged_bias)
    return out0, out1


def _tp_body(in_ref, out_ref):
    out_ref[...] = in_ref[...].T


def _to_row_major(wT):
    return pl.pallas_call(
        _tp_body,
        grid=(pl.cdiv(NROWS, TBLK),),
        in_specs=[pl.BlockSpec((D, TBLK), lambda i: (0, i))],
        out_specs=pl.BlockSpec((TBLK, D), lambda i: (i, 0)),
        out_shape=jax.ShapeDtypeStruct((NROWS, D), jnp.float32),
    )(wT)


def kernel(feature_indices_0, feature_values_0, feature_indices_1,
           feature_values_1, weight, bias_ft, bias_psqt):
    pad = ((0, 0), (0, KP - K))
    fi0 = jnp.pad(feature_indices_0, pad)
    fi1 = jnp.pad(feature_indices_1, pad)
    fv0 = jnp.pad(feature_values_0, pad).reshape(-1)
    fv1 = jnp.pad(feature_values_1, pad).reshape(-1)
    merged_bias = jnp.concatenate([bias_ft, bias_psqt], axis=0)
    w_rm = _to_row_major(weight.T)
    return _transform(fi0, fv0, fi1, fv1, w_rm, merged_bias)

# --- scband reference (transcript-rebuilt; emitter-appended) ---
"""Pipeline reference for scband-composed-feature-transformer-11682311045695 (READ-ONLY COPY).

The authoritative reference and input builder live on the scoring server;
editing this copy changes nothing except your own understanding.
"""

import jax, jax.numpy as jnp
import numpy as np

B = 1024
K = 50
NUM_INPUTS = 100000
L1 = 1024
NUM_PSQT = 8
D = L1 + NUM_PSQT


def setup_inputs(seed: int = 0) -> dict:
    key = jax.random.key(seed)
    k0, k1, k2, k3, k4, k5, k6 = jax.random.split(key, 7)
    feature_indices_0 = jax.random.randint(k0, (B, K), 0, NUM_INPUTS, dtype=jnp.int64 if jax.config.jax_enable_x64 else jnp.int32)
    feature_values_0 = jax.random.uniform(k1, (B, K), dtype=jnp.float32)
    feature_indices_1 = jax.random.randint(k2, (B, K), 0, NUM_INPUTS, dtype=jnp.int64 if jax.config.jax_enable_x64 else jnp.int32)
    feature_values_1 = jax.random.uniform(k3, (B, K), dtype=jnp.float32)
    # learned params: merged weight of the single InputFeature [NUM_INPUTS, l1+psqt]
    sigma = float(np.sqrt(1.0 / NUM_INPUTS))
    weight = jax.random.normal(k4, (NUM_INPUTS, D), dtype=jnp.float32) * sigma
    bias_ft = jax.random.uniform(k5, (L1,), dtype=jnp.float32, minval=-sigma, maxval=sigma)
    bias_psqt = jax.random.uniform(k6, (NUM_PSQT,), dtype=jnp.float32, minval=-sigma, maxval=sigma)
    return {
        "feature_indices_0": feature_indices_0,
        "feature_values_0": feature_values_0,
        "feature_indices_1": feature_indices_1,
        "feature_values_1": feature_values_1,
        "weight": weight,
        "bias_ft": bias_ft,
        "bias_psqt": bias_psqt,
    }


def _sparse_linear(indices, values, weight, merged_bias):
    # SparseLinearFunction: out[b] = bias + sum_k values[b,k] * weight[indices[b,k], :]
    gathered = jnp.take(weight, indices, axis=0)  # [B, K, D]
    return jnp.sum(gathered * values[..., None], axis=1) + merged_bias


def reference(feature_indices_0, feature_values_0, feature_indices_1, feature_values_1, weight, bias_ft, bias_psqt):
    # merged_weights = cat of per-feature merged_weight(); single feature here
    merged_weights = weight
    merged_bias = jnp.concatenate([bias_ft, bias_psqt], axis=0)
    out0 = _sparse_linear(feature_indices_0, feature_values_0, merged_weights, merged_bias)
    out1 = _sparse_linear(feature_indices_1, feature_values_1, merged_weights, merged_bias)
    return (out0, out1)

if __name__ == "__main__":
    import jax
    _d = setup_inputs()
    print(jax.jit(kernel)(*tuple(_d.values())))

</pallas_src>

<mosaic_0001>
#map = affine_map<(d0, d1) -> (0, 0)>
#map1 = affine_map<(d0, d1) -> (0)>
module attributes {stable_mosaic.version = 14 : i64} {
  func.func @_sc_body(%arg0: i32, %arg1: i32, %arg2: memref<1024x56xi32, #tpu.memory_space<hbm>>, %arg3: memref<57344xf32, #tpu.memory_space<hbm>>, %arg4: memref<1024x56xi32, #tpu.memory_space<hbm>>, %arg5: memref<57344xf32, #tpu.memory_space<hbm>>, %arg6: memref<100000x1032xf32, #tpu.memory_space<hbm>>, %arg7: memref<1032xf32, #tpu.memory_space<hbm>>, %arg8: memref<1024x1032xf32, #tpu.memory_space<hbm>>, %arg9: memref<1024x1032xf32, #tpu.memory_space<hbm>>, %arg10: memref<32x56xi32, #tpu.memory_space<vmem>>, %arg11: memref<1792xf32, #tpu.memory_space<vmem>>, %arg12: memref<56x1032xf32, #tpu.memory_space<vmem>>, %arg13: memref<56x1032xf32, #tpu.memory_space<vmem>>, %arg14: memref<1032xf32, #tpu.memory_space<vmem>>, %arg15: memref<8x1032xf32, #tpu.memory_space<vmem>>, %arg16: memref<!tpu.dma_semaphore, #tpu.memory_space<semaphore_mem>>, %arg17: memref<!tpu.dma_semaphore, #tpu.memory_space<semaphore_mem>>) attributes {dimension_semantics = [#tpu.dimension_semantics<core_parallel>, #tpu.dimension_semantics<subcore_parallel>], iteration_bounds = array<i64: 2, 16>, scalar_prefetch = 0 : i64, scratch_operands = 8 : i64, tpu.core_type = #tpu.core_type<sc_vector_subcore>, window_params = [{transform_indices = #map}, {transform_indices = #map1}, {transform_indices = #map}, {transform_indices = #map1}, {transform_indices = #map}, {transform_indices = #map1}, {transform_indices = #map}, {transform_indices = #map}]} {
    %mul3A = arith.constant 2 : i32
    %mul3A_0 = arith.muli %arg1, %mul3A : i32
    %add3A = arith.addi %mul3A_0, %arg0 : i32
    %mul3A_1 = arith.constant 32 : i32
    %mul3A_2 = arith.muli %add3A, %mul3A_1 : i32
    "tpu.region"() ({
      %run_scoped3A = tpu.sem_alloc : memref<!tpu.dma_semaphore, #tpu.memory_space<semaphore_mem>>
      tpu.enqueue_dma source(%arg7 : memref<1032xf32, #tpu.memory_space<hbm>>) target(%arg14 : memref<1032xf32, #tpu.memory_space<vmem>>) target_semaphore(%run_scoped3A : memref<!tpu.dma_semaphore, #tpu.memory_space<semaphore_mem>>)
      tpu.wait_dma2 semaphore(%run_scoped3A : memref<!tpu.dma_semaphore, #tpu.memory_space<semaphore_mem>>) src(%arg7 : memref<1032xf32, #tpu.memory_space<hbm>>) dst(%arg14 : memref<1032xf32, #tpu.memory_space<vmem>>)
      tpu.yield
    }) : () -> ()
    "tpu.region"() ({
      %run_scoped3A = tpu.sem_alloc : memref<!tpu.dma_semaphore, #tpu.memory_space<semaphore_mem>>
      %dma_start3A_33 = arith.constant 0 : i32
      %dma_start3A_34 = tpu.memref_slice %arg2[%mul3A_2, %dma_start3A_33] : memref<1024x56xi32, #tpu.memory_space<hbm>> -> memref<32x56xi32, #tpu.memory_space<hbm>>
      %dma_start3A_35 = arith.constant 0 : i32
      %dma_start3A_36 = tpu.memref_slice %arg2[%mul3A_2, %dma_start3A_35] : memref<1024x56xi32, #tpu.memory_space<hbm>> -> memref<32x56xi32, #tpu.memory_space<hbm>>
      tpu.enqueue_dma source(%dma_start3A_36 : memref<32x56xi32, #tpu.memory_space<hbm>>) target(%arg10 : memref<32x56xi32, #tpu.memory_space<vmem>>) target_semaphore(%run_scoped3A : memref<!tpu.dma_semaphore, #tpu.memory_space<semaphore_mem>>)
      %dma_wait3A = arith.constant 0 : i32
      %dma_wait3A_37 = tpu.memref_slice %arg2[%mul3A_2, %dma_wait3A] : memref<1024x56xi32, #tpu.memory_space<hbm>> -> memref<32x56xi32, #tpu.memory_space<hbm>>
      %dma_wait3A_38 = arith.constant 0 : i32
      %dma_wait3A_39 = tpu.memref_slice %arg2[%mul3A_2, %dma_wait3A_38] : memref<1024x56xi32, #tpu.memory_space<hbm>> -> memref<32x56xi32, #tpu.memory_space<hbm>>
      tpu.wait_dma2 semaphore(%run_scoped3A : memref<!tpu.dma_semaphore, #tpu.memory_space<semaphore_mem>>) src(%dma_wait3A_39 : memref<32x56xi32, #tpu.memory_space<hbm>>) dst(%arg10 : memref<32x56xi32, #tpu.memory_space<vmem>>)
      tpu.yield
    }) : () -> ()
    %mul3A_3 = arith.constant 56 : i32
    %mul3A_4 = arith.muli %mul3A_2, %mul3A_3 : i32
    "tpu.region"() ({
      %run_scoped3A = tpu.sem_alloc : memref<!tpu.dma_semaphore, #tpu.memory_space<semaphore_mem>>
      %dma_start3A_33 = tpu.memref_slice %arg3[%mul3A_4] : memref<57344xf32, #tpu.memory_space<hbm>> -> memref<1792xf32, #tpu.memory_space<hbm>>
      %dma_start3A_34 = tpu.memref_slice %arg3[%mul3A_4] : memref<57344xf32, #tpu.memory_space<hbm>> -> memref<1792xf32, #tpu.memory_space<hbm>>
      tpu.enqueue_dma source(%dma_start3A_34 : memref<1792xf32, #tpu.memory_space<hbm>>) target(%arg11 : memref<1792xf32, #tpu.memory_space<vmem>>) target_semaphore(%run_scoped3A : memref<!tpu.dma_semaphore, #tpu.memory_space<semaphore_mem>>)
      %dma_wait3A = tpu.memref_slice %arg3[%mul3A_4] : memref<57344xf32, #tpu.memory_space<hbm>> -> memref<1792xf32, #tpu.memory_space<hbm>>
      %dma_wait3A_35 = tpu.memref_slice %arg3[%mul3A_4] : memref<57344xf32, #tpu.memory_space<hbm>> -> memref<1792xf32, #tpu.memory_space<hbm>>
      tpu.wait_dma2 semaphore(%run_scoped3A : memref<!tpu.dma_semaphore, #tpu.memory_space<semaphore_mem>>) src(%dma_wait3A_35 : memref<1792xf32, #tpu.memory_space<hbm>>) dst(%arg11 : memref<1792xf32, #tpu.memory_space<vmem>>)
      tpu.yield
    }) : () -> ()
    %dma_start3A = arith.constant 0 : i32
    %dma_start3A_5 = arith.constant 0 : i32
    %dma_start3A_6 = tpu.memref_slice %arg10[%dma_start3A, %dma_start3A_5] : memref<32x56xi32, #tpu.memory_space<vmem>> -> memref<1x56xi32, #tpu.memory_space<vmem>>
    %dma_start3A_7 = tpu.memref_squeeze %dma_start3A_6 : memref<1x56xi32, #tpu.memory_space<vmem>> -> memref<56xi32, #tpu.memory_space<vmem>>
    %dma_start3A_8 = arith.constant 0 : i32
    %dma_start3A_9 = arith.constant 0 : i32
    %dma_start3A_10 = tpu.memref_slice %arg6[%dma_start3A_8, %dma_start3A_9] : memref<100000x1032xf32, #tpu.memory_space<hbm>> -> memref<100000x1032xf32, #tpu.memory_space<hbm>>
    tpu.enqueue_indirect_dma source(%dma_start3A_10 : memref<100000x1032xf32, #tpu.memory_space<hbm>>) target(%arg12 : memref<56x1032xf32, #tpu.memory_space<vmem>>) offsets(%dma_start3A_7 : memref<56xi32, #tpu.memory_space<vmem>>) semaphore(%arg16 : memref<!tpu.dma_semaphore, #tpu.memory_space<semaphore_mem>>)
    %scan3A = arith.constant 0 : i32
    %scan3A_11 = arith.constant 0 : i32
    %scan3A_12 = arith.constant 16 : i32
    %scan3A_13 = arith.addi %scan3A_11, %scan3A_12 : i32
    %scan3A_14 = arith.constant 1 : i32
    %scan3A_15 = scf.for %scan3A_33 = %scan3A_11 to %scan3A_13 step %scan3A_14 iter_args(%scan3A_34 = %scan3A) -> (i32)  : i32 {
      %mul3A_35 = arith.constant 2 : i32
      %mul3A_36 = arith.muli %mul3A_35, %scan3A_33 : i32
      %add3A_37 = arith.constant 1 : i32
      %add3A_38 = arith.addi %mul3A_36, %add3A_37 : i32
      %dma_start3A_39 = arith.constant 0 : i32
      %dma_start3A_40 = tpu.memref_slice %arg10[%add3A_38, %dma_start3A_39] : memref<32x56xi32, #tpu.memory_space<vmem>> -> memref<1x56xi32, #tpu.memory_space<vmem>>
      %dma_start3A_41 = tpu.memref_squeeze %dma_start3A_40 : memref<1x56xi32, #tpu.memory_space<vmem>> -> memref<56xi32, #tpu.memory_space<vmem>>
      %dma_start3A_42 = arith.constant 0 : i32
      %dma_start3A_43 = arith.constant 0 : i32
      %dma_start3A_44 = tpu.memref_slice %arg6[%dma_start3A_42, %dma_start3A_43] : memref<100000x1032xf32, #tpu.memory_space<hbm>> -> memref<100000x1032xf32, #tpu.memory_space<hbm>>
      tpu.enqueue_indirect_dma source(%dma_start3A_44 : memref<100000x1032xf32, #tpu.memory_space<hbm>>) target(%arg13 : memref<56x1032xf32, #tpu.memory_space<vmem>>) offsets(%dma_start3A_41 : memref<56xi32, #tpu.memory_space<vmem>>) semaphore(%arg17 : memref<!tpu.dma_semaphore, #tpu.memory_space<semaphore_mem>>)
      %dma_wait3A = arith.constant 0 : i32
      %dma_wait3A_45 = tpu.memref_slice %arg10[%mul3A_36, %dma_wait3A] : memref<32x56xi32, #tpu.memory_space<vmem>> -> memref<1x56xi32, #tpu.memory_space<vmem>>
      %dma_wait3A_46 = tpu.memref_squeeze %dma_wait3A_45 : memref<1x56xi32, #tpu.memory_space<vmem>> -> memref<56xi32, #tpu.memory_space<vmem>>
      %dma_wait3A_47 = arith.constant 0 : i32
      %dma_wait3A_48 = arith.constant 0 : i32
      %dma_wait3A_49 = tpu.memref_slice %arg6[%dma_wait3A_47, %dma_wait3A_48] : memref<100000x1032xf32, #tpu.memory_space<hbm>> -> memref<100000x1032xf32, #tpu.memory_space<hbm>>
      tpu.wait_indirect_dma semaphore(%arg16 : memref<!tpu.dma_semaphore, #tpu.memory_space<semaphore_mem>>) src(%dma_wait3A_49 : memref<100000x1032xf32, #tpu.memory_space<hbm>>) dst(%arg12 : memref<56x1032xf32, #tpu.memory_space<vmem>>)
      %rem3A = arith.constant 8 : i32
      %rem3A_50 = arith.remsi %mul3A_36, %rem3A : i32
      %mul3A_51 = arith.constant 56 : i32
      %mul3A_52 = arith.muli %mul3A_36, %mul3A_51 : i32
      %broadcast_in_dim3A = vector.broadcast %mul3A_52 : i32 to vector<16xi32>
      %get3A = arith.constant 0 : index
      %get3A_53 = tpu.vector_load %arg14[%get3A] {strides = array<i32>} : memref<1032xf32, #tpu.memory_space<vmem>>, vector<16xf32>,
      %get3A_54 = arith.constant 16 : index
      %get3A_55 = tpu.vector_load %arg14[%get3A_54] {strides = array<i32>} : memref<1032xf32, #tpu.memory_space<vmem>>, vector<16xf32>,
      %get3A_56 = arith.constant 32 : index
      %get3A_57 = tpu.vector_load %arg14[%get3A_56] {strides = array<i32>} : memref<1032xf32, #tpu.memory_space<vmem>>, vector<16xf32>,
      %get3A_58 = arith.constant 48 : index
      %get3A_59 = tpu.vector_load %arg14[%get3A_58] {strides = array<i32>} : memref<1032xf32, #tpu.memory_space<vmem>>, vector<16xf32>,
      %get3A_60 = arith.constant 64 : index
      %get3A_61 = tpu.vector_load %arg14[%get3A_60] {strides = array<i32>} : memref<1032xf32, #tpu.memory_space<vmem>>, vector<16xf32>,
      %get3A_62 = arith.constant 80 : index
      %get3A_63 = tpu.vector_load %arg14[%get3A_62] {strides = array<i32>} : memref<1032xf32, #tpu.memory_space<vmem>>, vector<16xf32>,
      %get3A_64 = arith.constant 96 : index
      %get3A_65 = tpu.vector_load %arg14[%get3A_64] {strides = array<i32>} : memref<1032xf32, #tpu.memory_space<vmem>>, vector<16xf32>,
      %get3A_66 = arith.constant 112 : index
      %get3A_67 = tpu.vector_load %arg14[%get3A_66] {strides = array<i32>} : memref<1032xf32, #tpu.memory_space<vmem>>, vector<16xf32>,
      %get3A_68 = arith.constant 128 : index
      %get3A_69 = tpu.vector_load %arg14[%get3A_68] {strides = array<i32>} : memref<1032xf32, #tpu.memory_space<vmem>>, vector<16xf32>,
      %get3A_70 = arith.constant 144 : index
      %get3A_71 = tpu.vector_load %arg14[%get3A_70] {strides = array<i32>} : memref<1032xf32, #tpu.memory_space<vmem>>, vector<16xf32>,
      %get3A_72 = arith.constant 160 : index
      %get3A_73 = tpu.vector_load %arg14[%get3A_72] {strides = array<i32>} : memref<1032xf32, #tpu.memory_space<vmem>>, vector<16xf32>,
      %get3A_74 = arith.constant 176 : index
      %get3A_75 = tpu.vector_load %arg14[%get3A_74] {strides = array<i32>} : memref<1032xf32, #tpu.memory_space<vmem>>, vector<16xf32>,
      %get3A_76 = arith.constant 192 : index
      %get3A_77 = tpu.vector_load %arg14[%get3A_76] {strides = array<i32>} : memref<1032xf32, #tpu.memory_space<vmem>>, vector<16xf32>,
      %get3A_78 = arith.constant 208 : index
      %get3A_79 = tpu.vector_load %arg14[%get3A_78] {strides = array<i32>} : memref<1032xf32, #tpu.memory_space<vmem>>, vector<16xf32>,
      %get3A_80 = arith.constant 224 : index
      %get3A_81 = tpu.vector_load %arg14[%get3A_80] {strides = array<i32>} : memref<1032xf32, #tpu.memory_space<vmem>>, vector<16xf32>,
      %get3A_82 = arith.constant 240 : index
      %get3A_83 = tpu.vector_load %arg14[%get3A_82] {strides = array<i32>} : memref<1032xf32, #tpu.memory_space<vmem>>, vector<16xf32>,
      %get3A_84 = arith.constant 256 : index
      %get3A_85 = tpu.vector_load %arg14[%get3A_84] {strides = array<i32>} : memref<1032xf32, #tpu.memory_space<vmem>>, vector<16xf32>,
      %get3A_86 = arith.constant 272 : index
      %get3A_87 = tpu.vector_load %arg14[%get3A_86] {strides = array<i32>} : memref<1032xf32, #tpu.memory_space<vmem>>, vector<16xf32>,
      %get3A_88 = arith.constant 288 : index
      %get3A_89 = tpu.vector_load %arg14[%get3A_88] {strides = array<i32>} : memref<1032xf32, #tpu.memory_space<vmem>>, vector<16xf32>,
      %get3A_90 = arith.constant 304 : index
      %get3A_91 = tpu.vector_load %arg14[%get3A_90] {strides = array<i32>} : memref<1032xf32, #tpu.memory_space<vmem>>, vector<16xf32>,
      %get3A_92 = arith.constant 320 : index
      %get3A_93 = tpu.vector_load %arg14[%get3A_92] {strides = array<i32>} : memref<1032xf32, #tpu.memory_space<vmem>>, vector<16xf32>,
      %get3A_94 = arith.constant 336 : index
      %get3A_95 = tpu.vector_load %arg14[%get3A_94] {strides = array<i32>} : memref<1032xf32, #tpu.memory_space<vmem>>, vector<16xf32>,
      %get3A_96 = arith.constant 352 : index
      %get3A_97 = tpu.vector_load %arg14[%get3A_96] {strides = array<i32>} : memref<1032xf32, #tpu.memory_space<vmem>>, vector<16xf32>,
      %get3A_98 = arith.constant 368 : index
      %get3A_99 = tpu.vector_load %arg14[%get3A_98] {strides = array<i32>} : memref<1032xf32, #tpu.memory_space<vmem>>, vector<16xf32>,
      %get3A_100 = arith.constant 384 : index
      %get3A_101 = tpu.vector_load %arg14[%get3A_100] {strides = array<i32>} : memref<1032xf32, #tpu.memory_space<vmem>>, vector<16xf32>,
      %get3A_102 = arith.constant 400 : index
      %get3A_103 = tpu.vector_load %arg14[%get3A_102] {strides = array<i32>} : memref<1032xf32, #tpu.memory_space<vmem>>, vector<16xf32>,
      %get3A_104 = arith.constant 416 : index
      %get3A_105 = tpu.vector_load %arg14[%get3A_104] {strides = array<i32>} : memref<1032xf32, #tpu.memory_space<vmem>>, vector<16xf32>,
      %get3A_106 = arith.constant 432 : index
      %get3A_107 = tpu.vector_load %arg14[%get3A_106] {strides = array<i32>} : memref<1032xf32, #tpu.memory_space<vmem>>, vector<16xf32>,
      %get3A_108 = arith.constant 448 : index
      %get3A_109 = tpu.vector_load %arg14[%get3A_108] {strides = array<i32>} : memref<1032xf32, #tpu.memory_space<vmem>>, vector<16xf32>,
      %get3A_110 = arith.constant 464 : index
      %get3A_111 = tpu.vector_load %arg14[%get3A_110] {strides = array<i32>} : memref<1032xf32, #tpu.memory_space<vmem>>, vector<16xf32>,
      %get3A_112 = arith.constant 480 : index
      %get3A_113 = tpu.vector_load %arg14[%get3A_112] {strides = array<i32>} : memref<1032xf32, #tpu.memory_space<vmem>>, vector<16xf32>,
      %get3A_114 = arith.constant 496 : index
      %get3A_115 = tpu.vector_load %arg14[%get3A_114] {strides = array<i32>} : memref<1032xf32, #tpu.memory_space<vmem>>, vector<16xf32>,
      %get3A_116 = arith.constant 512 : index
      %get3A_117 = tpu.vector_load %arg14[%get3A_116] {strides = array<i32>} : memref<1032xf32, #tpu.memory_space<vmem>>, vector<16xf32>,
      %scan3A_118 = arith.constant 0 : i32
      %scan3A_119 = arith.constant 50 : i32
      %scan3A_120 = arith.addi %scan3A_118, %scan3A_119 : i32
      %scan3A_121 = arith.constant 1 : i32
      %scan3A_122:33 = scf.for %scan3A_752 = %scan3A_118 to %scan3A_120 step %scan3A_121 iter_args(%scan3A_753 = %get3A_53, %scan3A_754 = %get3A_55, %scan3A_755 = %get3A_57, %scan3A_756 = %get3A_59, %scan3A_757 = %get3A_61, %scan3A_758 = %get3A_63, %scan3A_759 = %get3A_65, %scan3A_760 = %get3A_67, %scan3A_761 = %get3A_69, %scan3A_762 = %get3A_71, %scan3A_763 = %get3A_73, %scan3A_764 = %get3A_75, %scan3A_765 = %get3A_77, %scan3A_766 = %get3A_79, %scan3A_767 = %get3A_81, %scan3A_768 = %get3A_83, %scan3A_769 = %get3A_85, %scan3A_770 = %get3A_87, %scan3A_771 = %get3A_89, %scan3A_772 = %get3A_91, %scan3A_773 = %get3A_93, %scan3A_774 = %get3A_95, %scan3A_775 = %get3A_97, %scan3A_776 = %get3A_99, %scan3A_777 = %get3A_101, %scan3A_778 = %get3A_103, %scan3A_779 = %get3A_105, %scan3A_780 = %get3A_107, %scan3A_781 = %get3A_109, %scan3A_782 = %get3A_111, %scan3A_783 = %get3A_113, %scan3A_784 = %get3A_115, %scan3A_785 = %get3A_117) -> (vector<16xf32>, vector<16xf32>, vector<16xf32>, vector<16xf32>, vector<16xf32>, vector<16xf32>, vector<16xf32>, vector<16xf32>, vector<16xf32>, vector<16xf32>, vector<16xf32>, vector<16xf32>, vector<16xf32>, vector<16xf32>, vector<16xf32>, vector<16xf32>, vector<16xf32>, vector<16xf32>, vector<16xf32>, vector<16xf32>, vector<16xf32>, vector<16xf32>, vector<16xf32>, vector<16xf32>, vector<16xf32>, vector<16xf32>, vector<16xf32>, vector<16xf32>, vector<16xf32>, vector<16xf32>, vector<16xf32>, vector<16xf32>, vector<16xf32>)  : i32 {
        %add3A_786 = vector.broadcast %scan3A_752 : i32 to vector<16xi32>
        %add3A_787 = arith.addi %broadcast_in_dim3A, %add3A_786 : vector<16xi32>
        %gather3A = tpu.vector_load_idx %arg11[%add3A_787] : memref<1792xf32, #tpu.memory_space<vmem>>[vector<16xi32>], vector<16xf32>,
        %get3A_788 = arith.index_cast %scan3A_752 : i32 to index
        %get3A_789 = arith.constant 0 : index
        %get3A_790 = tpu.vector_load %arg12[%get3A_788, %get3A_789] {strides = array<i32>} : memref<56x1032xf32, #tpu.memory_space<vmem>>, vector<16xf32>,
        %mul3A_791 = arith.mulf %gather3A, %get3A_790 : vector<16xf32>
        %add3A_792 = arith.addf %scan3A_753, %mul3A_791 : vector<16xf32>
        %get3A_793 = arith.index_cast %scan3A_752 : i32 to index
        %get3A_794 = arith.constant 16 : index
        %get3A_795 = tpu.vector_load %arg12[%get3A_793, %get3A_794] {strides = array<i32>} : memref<56x1032xf32, #tpu.memory_space<vmem>>, vector<16xf32>,
        %mul3A_796 = arith.mulf %gather3A, %get3A_795 : vector<16xf32>
        %add3A_797 = arith.addf %scan3A_754, %mul3A_796 : vector<16xf32>
        %get3A_798 = arith.index_cast %scan3A_752 : i32 to index
        %get3A_799 = arith.constant 32 : index
        %get3A_800 = tpu.vector_load %arg12[%get3A_798, %get3A_799] {strides = array<i32>} : memref<56x1032xf32, #tpu.memory_space<vmem>>, vector<16xf32>,
        %mul3A_801 = arith.mulf %gather3A, %get3A_800 : vector<16xf32>
        %add3A_802 = arith.addf %scan3A_755, %mul3A_801 : vector<16xf32>
        %get3A_803 = arith.index_cast %scan3A_752 : i32 to index
        %get3A_804 = arith.constant 48 : index
        %get3A_805 = tpu.vector_load %arg12[%get3A_803, %get3A_804] {strides = array<i32>} : memref<56x1032xf32, #tpu.memory_space<vmem>>, vector<16xf32>,
        %mul3A_806 = arith.mulf %gather3A, %get3A_805 : vector<16xf32>
        %add3A_807 = arith.addf %scan3A_756, %mul3A_806 : vector<16xf32>
        %get3A_808 = arith.index_cast %scan3A_752 : i32 to index
        %get3A_809 = arith.constant 64 : index
        %get3A_810 = tpu.vector_load %arg12[%get3A_808, %get3A_809] {strides = array<i32>} : memref<56x1032xf32, #tpu.memory_space<vmem>>, vector<16xf32>,
        %mul3A_811 = arith.mulf %gather3A, %get3A_810 : vector<16xf32>
        %add3A_812 = arith.addf %scan3A_757, %mul3A_811 : vector<16xf32>
        %get3A_813 = arith.index_cast %scan3A_752 : i32 to index
        %get3A_814 = arith.constant 80 : index
        %get3A_815 = tpu.vector_load %arg12[%get3A_813, %get3A_814] {strides = array<i32>} : memref<56x1032xf32, #tpu.memory_space<vmem>>, vector<16xf32>,
        %mul3A_816 = arith.mulf %gather3A, %get3A_815 : vector<16xf32>
        %add3A_817 = arith.addf %scan3A_758, %mul3A_816 : vector<16xf32>
        %get3A_818 = arith.index_cast %scan3A_752 : i32 to index
        %get3A_819 = arith.constant 96 : index
        %get3A_820 = tpu.vector_load %arg12[%get3A_818, %get3A_819] {strides = array<i32>} : memref<56x1032xf32, #tpu.memory_space<vmem>>, vector<16xf32>,
        %mul3A_821 = arith.mulf %gather3A, %get3A_820 : vector<16xf32>
        %add3A_822 = arith.addf %scan3A_759, %mul3A_821 : vector<16xf32>
        %get3A_823 = arith.index_cast %scan3A_752 : i32 to index
        %get3A_824 = arith.constant 112 : index
        %get3A_825 = tpu.vector_load %arg12[%get3A_823, %get3A_824] {strides = array<i32>} : memref<56x1032xf32, #tpu.memory_space<vmem>>, vector<16xf32>,
        %mul3A_826 = arith.mulf %gather3A, %get3A_825 : vector<16xf32>
        %add3A_827 = arith.addf %scan3A_760, %mul3A_826 : vector<16xf32>
        %get3A_828 = arith.index_cast %scan3A_752 : i32 to index
        %get3A_829 = arith.constant 128 : index
        %get3A_830 = tpu.vector_load %arg12[%get3A_828, %get3A_829] {strides = array<i32>} : memref<56x1032xf32, #tpu.memory_space<vmem>>, vector<16xf32>,
        %mul3A_831 = arith.mulf %gather3A, %get3A_830 : vector<16xf32>
        %add3A_832 = arith.addf %scan3A_761, %mul3A_831 : vector<16xf32>
        %get3A_833 = arith.index_cast %scan3A_752 : i32 to index
        %get3A_834 = arith.constant 144 : index
        %get3A_835 = tpu.vector_load %arg12[%get3A_833, %get3A_834] {strides = array<i32>} : memref<56x1032xf32, #tpu.memory_space<vmem>>, vector<16xf32>,
        %mul3A_836 = arith.mulf %gather3A, %get3A_835 : vector<16xf32>
        %add3A_837 = arith.addf %scan3A_762, %mul3A_836 : vector<16xf32>
        %get3A_838 = arith.index_cast %scan3A_752 : i32 to index
        %get3A_839 = arith.constant 160 : index
        %get3A_840 = tpu.vector_load %arg12[%get3A_838, %get3A_839] {strides = array<i32>} : memref<56x1032xf32, #tpu.memory_space<vmem>>, vector<16xf32>,
        %mul3A_841 = arith.mulf %gather3A, %get3A_840 : vector<16xf32>
        %add3A_842 = arith.addf %scan3A_763, %mul3A_841 : vector<16xf32>
        %get3A_843 = arith.index_cast %scan3A_752 : i32 to index
        %get3A_844 = arith.constant 176 : index
        %get3A_845 = tpu.vector_load %arg12[%get3A_843, %get3A_844] {strides = array<i32>} : memref<56x1032xf32, #tpu.memory_space<vmem>>, vector<16xf32>,
        %mul3A_846 = arith.mulf %gather3A, %get3A_845 : vector<16xf32>
        %add3A_847 = arith.addf %scan3A_764, %mul3A_846 : vector<16xf32>
        %get3A_848 = arith.index_cast %scan3A_752 : i32 to index
        %get3A_849 = arith.constant 192 : index
        %get3A_850 = tpu.vector_load %arg12[%get3A_848, %get3A_849] {strides = array<i32>} : memref<56x1032xf32, #tpu.memory_space<vmem>>, vector<16xf32>,
        %mul3A_851 = arith.mulf %gather3A, %get3A_850 : vector<16xf32>
        %add3A_852 = arith.addf %scan3A_765, %mul3A_851 : vector<16xf32>
        %get3A_853 = arith.index_cast %scan3A_752 : i32 to index
        %get3A_854 = arith.constant 208 : index
        %get3A_855 = tpu.vector_load %arg12[%get3A_853, %get3A_854] {strides = array<i32>} : memref<56x1032xf32, #tpu.memory_space<vmem>>, vector<16xf32>,
        %mul3A_856 = arith.mulf %gather3A, %get3A_855 : vector<16xf32>
        %add3A_857 = arith.addf %scan3A_766, %mul3A_856 : vector<16xf32>
        %get3A_858 = arith.index_cast %scan3A_752 : i32 to index
        %get3A_859 = arith.constant 224 : index
        %get3A_860 = tpu.vector_load %arg12[%get3A_858, %get3A_859] {strides = array<i32>} : memref<56x1032xf32, #tpu.memory_space<vmem>>, vector<16xf32>,
        %mul3A_861 = arith.mulf %gather3A, %get3A_860 : vector<16xf32>
        %add3A_862 = arith.addf %scan3A_767, %mul3A_861 : vector<16xf32>
        %get3A_863 = arith.index_cast %scan3A_752 : i32 to index
        %get3A_864 = arith.constant 240 : index
        %get3A_865 = tpu.vector_load %arg12[%get3A_863, %get3A_864] {strides = array<i32>} : memref<56x1032xf32, #tpu.memory_space<vmem>>, vector<16xf32>,
        %mul3A_866 = arith.mulf %gather3A, %get3A_865 : vector<16xf32>
        %add3A_867 = arith.addf %scan3A_768, %mul3A_866 : vector<16xf32>
        %get3A_868 = arith.index_cast %scan3A_752 : i32 to index
        %get3A_869 = arith.constant 256 : index
        %get3A_870 = tpu.vector_load %arg12[%get3A_868, %get3A_869] {strides = array<i32>} : memref<56x1032xf32, #tpu.memory_space<vmem>>, vector<16xf32>,
        %mul3A_871 = arith.mulf %gather3A, %get3A_870 : vector<16xf32>
        %add3A_872 = arith.addf %scan3A_769, %mul3A_871 : vector<16xf32>
        %get3A_873 = arith.index_cast %scan3A_752 : i32 to index
        %get3A_874 = arith.constant 272 : index
        %get3A_875 = tpu.vector_load %arg12[%get3A_873, %get3A_874] {strides = array<i32>} : memref<56x1032xf32, #tpu.memory_space<vmem>>, vector<16xf32>,
        %mul3A_876 = arith.mulf %gather3A, %get3A_875 : vector<16xf32>
        %add3A_877 = arith.addf %scan3A_770, %mul3A_876 : vector<16xf32>
        %get3A_878 = arith.index_cast %scan3A_752 : i32 to index
        %get3A_879 = arith.constant 288 : index
        %get3A_880 = tpu.vector_load %arg12[%get3A_878, %get3A_879] {strides = array<i32>} : memref<56x1032xf32, #tpu.memory_space<vmem>>, vector<16xf32>,
        %mul3A_881 = arith.mulf %gather3A, %get3A_880 : vector<16xf32>
        %add3A_882 = arith.addf %scan3A_771, %mul3A_881 : vector<16xf32>
        %get3A_883 = arith.index_cast %scan3A_752 : i32 to index
        %get3A_884 = arith.constant 304 : index
        %get3A_885 = tpu.vector_load %arg12[%get3A_883, %get3A_884] {strides = array<i32>} : memref<56x1032xf32, #tpu.memory_space<vmem>>, vector<16xf32>,
        %mul3A_886 = arith.mulf %gather3A, %get3A_885 : vector<16xf32>
        %add3A_887 = arith.addf %scan3A_772, %mul3A_886 : vector<16xf32>
        %get3A_888 = arith.index_cast %scan3A_752 : i32 to index
        %get3A_889 = arith.constant 320 : index
        %get3A_890 = tpu.vector_load %arg12[%get3A_888, %get3A_889] {strides = array<i32>} : memref<56x1032xf32, #tpu.memory_space<vmem>>, vector<16xf32>,
        %mul3A_891 = arith.mulf %gather3A, %get3A_890 : vector<16xf32>
        %add3A_892 = arith.addf %scan3A_773, %mul3A_891 : vector<16xf32>
        %get3A_893 = arith.index_cast %scan3A_752 : i32 to index
        %get3A_894 = arith.constant 336 : index
        %get3A_895 = tpu.vector_load %arg12[%get3A_893, %get3A_894] {strides = array<i32>} : memref<56x1032xf32, #tpu.memory_space<vmem>>, vector<16xf32>,
        %mul3A_896 = arith.mulf %gather3A, %get3A_895 : vector<16xf32>
        %add3A_897 = arith.addf %scan3A_774, %mul3A_896 : vector<16xf32>
        %get3A_898 = arith.index_cast %scan3A_752 : i32 to index
        %get3A_899 = arith.constant 352 : index
        %get3A_900 = tpu.vector_load %arg12[%get3A_898, %get3A_899] {strides = array<i32>} : memref<56x1032xf32, #tpu.memory_space<vmem>>, vector<16xf32>,
        %mul3A_901 = arith.mulf %gather3A, %get3A_900 : vector<16xf32>
        %add3A_902 = arith.addf %scan3A_775, %mul3A_901 : vector<16xf32>
        %get3A_903 = arith.index_cast %scan3A_752 : i32 to index
        %get3A_904 = arith.constant 368 : index
        %get3A_905 = tpu.vector_load %arg12[%get3A_903, %get3A_904] {strides = array<i32>} : memref<56x1032xf32, #tpu.memory_space<vmem>>, vector<16xf32>,
        %mul3A_906 = arith.mulf %gather3A, %get3A_905 : vector<16xf32>
        %add3A_907 = arith.addf %scan3A_776, %mul3A_906 : vector<16xf32>
        %get3A_908 = arith.index_cast %scan3A_752 : i32 to index
        %get3A_909 = arith.constant 384 : index
        %get3A_910 = tpu.vector_load %arg12[%get3A_908, %get3A_909] {strides = array<i32>} : memref<56x1032xf32, #tpu.memory_space<vmem>>, vector<16xf32>,
        %mul3A_911 = arith.mulf %gather3A, %get3A_910 : vector<16xf32>
        %add3A_912 = arith.addf %scan3A_777, %mul3A_911 : vector<16xf32>
        %get3A_913 = arith.index_cast %scan3A_752 : i32 to index
        %get3A_914 = arith.constant 400 : index
        %get3A_915 = tpu.vector_load %arg12[%get3A_913, %get3A_914] {strides = array<i32>} : memref<56x1032xf32, #tpu.memory_space<vmem>>, vector<16xf32>,
        %mul3A_916 = arith.mulf %gather3A, %get3A_915 : vector<16xf32>
        %add3A_917 = arith.addf %scan3A_778, %mul3A_916 : vector<16xf32>
        %get3A_918 = arith.index_cast %scan3A_752 : i32 to index
        %get3A_919 = arith.constant 416 : index
        %get3A_920 = tpu.vector_load %arg12[%get3A_918, %get3A_919] {strides = array<i32>} : memref<56x1032xf32, #tpu.memory_space<vmem>>, vector<16xf32>,
        %mul3A_921 = arith.mulf %gather3A, %get3A_920 : vector<16xf32>
        %add3A_922 = arith.addf %scan3A_779, %mul3A_921 : vector<16xf32>
        %get3A_923 = arith.index_cast %scan3A_752 : i32 to index
        %get3A_924 = arith.constant 432 : index
        %get3A_925 = tpu.vector_load %arg12[%get3A_923, %get3A_924] {strides = array<i32>} : memref<56x1032xf32, #tpu.memory_space<vmem>>, vector<16xf32>,
        %mul3A_926 = arith.mulf %gather3A, %get3A_925 : vector<16xf32>
        %add3A_927 = arith.addf %scan3A_780, %mul3A_926 : vector<16xf32>
        %get3A_928 = arith.index_cast %scan3A_752 : i32 to index
        %get3A_929 = arith.constant 448 : index
        %get3A_930 = tpu.vector_load %arg12[%get3A_928, %get3A_929] {strides = array<i32>} : memref<56x1032xf32, #tpu.memory_space<vmem>>, vector<16xf32>,
        %mul3A_931 = arith.mulf %gather3A, %get3A_930 : vector<16xf32>
        %add3A_932 = arith.addf %scan3A_781, %mul3A_931 : vector<16xf32>
        %get3A_933 = arith.index_cast %scan3A_752 : i32 to index
        %get3A_934 = arith.constant 464 : index
        %get3A_935 = tpu.vector_load %arg12[%get3A_933, %get3A_934] {strides = array<i32>} : memref<56x1032xf32, #tpu.memory_space<vmem>>, vector<16xf32>,
        %mul3A_936 = arith.mulf %gather3A, %get3A_935 : vector<16xf32>
        %add3A_937 = arith.addf %scan3A_782, %mul3A_936 : vector<16xf32>
        %get3A_938 = arith.index_cast %scan3A_752 : i32 to index
        %get3A_939 = arith.constant 480 : index
        %get3A_940 = tpu.vector_load %arg12[%get3A_938, %get3A_939] {strides = array<i32>} : memref<56x1032xf32, #tpu.memory_space<vmem>>, vector<16xf32>,
        %mul3A_941 = arith.mulf %gather3A, %get3A_940 : vector<16xf32>
        %add3A_942 = arith.addf %scan3A_783, %mul3A_941 : vector<16xf32>
        %get3A_943 = arith.index_cast %scan3A_752 : i32 to index
        %get3A_944 = arith.constant 496 : index
        %get3A_945 = tpu.vector_load %arg12[%get3A_943, %get3A_944] {strides = array<i32>} : memref<56x1032xf32, #tpu.memory_space<vmem>>, vector<16xf32>,
        %mul3A_946 = arith.mulf %gather3A, %get3A_945 : vector<16xf32>
        %add3A_947 = arith.addf %scan3A_784, %mul3A_946 : vector<16xf32>
        %get3A_948 = arith.index_cast %scan3A_752 : i32 to index
        %get3A_949 = arith.constant 512 : index
        %get3A_950 = tpu.vector_load %arg12[%get3A_948, %get3A_949] {strides = array<i32>} : memref<56x1032xf32, #tpu.memory_space<vmem>>, vector<16xf32>,
        %mul3A_951 = arith.mulf %gather3A, %get3A_950 : vector<16xf32>
        %add3A_952 = arith.addf %scan3A_785, %mul3A_951 : vector<16xf32>
        scf.yield %add3A_792, %add3A_797, %add3A_802, %add3A_807, %add3A_812, %add3A_817, %add3A_822, %add3A_827, %add3A_832, %add3A_837, %add3A_842, %add3A_847, %add3A_852, %add3A_857, %add3A_862, %add3A_867, %add3A_872, %add3A_877, %add3A_882, %add3A_887, %add3A_892, %add3A_897, %add3A_902, %add3A_907, %add3A_912, %add3A_917, %add3A_922, %add3A_927, %add3A_932, %add3A_937, %add3A_942, %add3A_947, %add3A_952 : vector<16xf32>, vector<16xf32>, vector<16xf32>, vector<16xf32>, vector<16xf32>, vector<16xf32>, vector<16xf32>, vector<16xf32>, vector<16xf32>, vector<16xf32>, vector<16xf32>, vector<16xf32>, vector<16xf32>, vector<16xf32>, vector<16xf32>, vector<16xf32>, vector<16xf32>, vector<16xf32>, vector<16xf32>, vector<16xf32>, vector<16xf32>, vector<16xf32>, vector<16xf32>, vector<16xf32>, vector<16xf32>, vector<16xf32>, vector<16xf32>, vector<16xf32>, vector<16xf32>, vector<16xf32>, vector<16xf32>, vector<16xf32>, vector<16xf32>
      }
      %scan3A_123 = arith.constant 50 : i32
      %swap3A = arith.index_cast %rem3A_50 : i32 to index
      %swap3A_124 = arith.constant 0 : index
      %swap3A_125 = tpu.vector_load %arg15[%swap3A, %swap3A_124] {strides = array<i32>} : memref<8x1032xf32, #tpu.memory_space<vmem>>, vector<16xf32>,
      tpu.vector_store %arg15[%swap3A, %swap3A_124], %scan3A_122#0 {strides = array<i32>} : memref<8x1032xf32, #tpu.memory_space<vmem>>, vector<16xf32>,
      %swap3A_126 = arith.index_cast %rem3A_50 : i32 to index
      %swap3A_127 = arith.constant 16 : index
      %swap3A_128 = tpu.vector_load %arg15[%swap3A_126, %swap3A_127] {strides = array<i32>} : memref<8x1032xf32, #tpu.memory_space<vmem>>, vector<16xf32>,
      tpu.vector_store %arg15[%swap3A_126, %swap3A_127], %scan3A_122#1 {strides = array<i32>} : memref<8x1032xf32, #tpu.memory_space<vmem>>, vector<16xf32>,
      %swap3A_129 = arith.index_cast %rem3A_50 : i32 to index
      %swap3A_130 = arith.constant 32 : index
      %swap3A_131 = tpu.vector_load %arg15[%swap3A_129, %swap3A_130] {strides = array<i32>} : memref<8x1032xf32, #tpu.memory_space<vmem>>, vector<16xf32>,
      tpu.vector_store %arg15[%swap3A_129, %swap3A_130], %scan3A_122#2 {strides = array<i32>} : memref<8x1032xf32, #tpu.memory_space<vmem>>, vector<16xf32>,
      %swap3A_132 = arith.index_cast %rem3A_50 : i32 to index
      %swap3A_133 = arith.constant 48 : index
      %swap3A_134 = tpu.vector_load %arg15[%swap3A_132, %swap3A_133] {strides = array<i32>} : memref<8x1032xf32, #tpu.memory_space<vmem>>, vector<16xf32>,
      tpu.vector_store %arg15[%swap3A_132, %swap3A_133], %scan3A_122#3 {strides = array<i32>} : memref<8x1032xf32, #tpu.memory_space<vmem>>, vector<16xf32>,
      %swap3A_135 = arith.index_cast %rem3A_50 : i32 to index
      %swap3A_136 = arith.constant 64 : index
      %swap3A_137 = tpu.vector_load %arg15[%swap3A_135, %swap3A_136] {strides = array<i32>} : memref<8x1032xf32, #tpu.memory_space<vmem>>, vector<16xf32>,
      tpu.vector_store %arg15[%swap3A_135, %swap3A_136], %scan3A_122#4 {strides = array<i32>} : memref<8x1032xf32, #tpu.memory_space<vmem>>, vector<16xf32>,
      %swap3A_138 = arith.index_cast %rem3A_50 : i32 to index
      %swap3A_139 = arith.constant 80 : index
      %swap3A_140 = tpu.vector_load %arg15[%swap3A_138, %swap3A_139] {strides = array<i32>} : memref<8x1032xf32, #tpu.memory_space<vmem>>, vector<16xf32>,
      tpu.vector_store %arg15[%swap3A_138, %swap3A_139], %scan3A_122#5 {strides = array<i32>} : memref<8x1032xf32, #tpu.memory_space<vmem>>, vector<16xf32>,
      %swap3A_141 = arith.index_cast %rem3A_50 : i32 to index
      %swap3A_142 = arith.constant 96 : index
      %swap3A_143 = tpu.vector_load %arg15[%swap3A_141, %swap3A_142] {strides = array<i32>} : memref<8x1032xf32, #tpu.memory_space<vmem>>, vector<16xf32>,
      tpu.vector_store %arg15[%swap3A_141, %swap3A_142], %scan3A_122#6 {strides = array<i32>} : memref<8x1032xf32, #tpu.memory_space<vmem>>, vector<16xf32>,
      %swap3A_144 = arith.index_cast %rem3A_50 : i32 to index
      %swap3A_145 = arith.constant 112 : index
      %swap3A_146 = tpu.vector_load %arg15[%swap3A_144, %swap3A_145] {strides = array<i32>} : memref<8x1032xf32, #tpu.memory_space<vmem>>, vector<16xf32>,
      tpu.vector_store %arg15[%swap3A_144, %swap3A_145], %scan3A_122#7 {strides = array<i32>} : memref<8x1032xf32, #tpu.memory_space<vmem>>, vector<16xf32>,
      %swap3A_147 = arith.index_cast %rem3A_50 : i32 to index
      %swap3A_148 = arith.constant 128 : index
      %swap3A_149 = tpu.vector_load %arg15[%swap3A_147, %swap3A_148] {strides = array<i32>} : memref<8x1032xf32, #tpu.memory_space<vmem>>, vector<16xf32>,
      tpu.vector_store %arg15[%swap3A_147, %swap3A_148], %scan3A_122#8 {strides = array<i32>} : memref<8x1032xf32, #tpu.memory_space<vmem>>, vector<16xf32>,
      %swap3A_150 = arith.index_cast %rem3A_50 : i32 to index
      %swap3A_151 = arith.constant 144 : index
      %swap3A_152 = tpu.vector_load %arg15[%swap3A_150, %swap3A_151] {strides = array<i32>} : memref<8x1032xf32, #tpu.memory_space<vmem>>, vector<16xf32>,
      tpu.vector_store %arg15[%swap3A_150, %swap3A_151], %scan3A_122#9 {strides = array<i32>} : memref<8x1032xf32, #tpu.memory_space<vmem>>, vector<16xf32>,
      %swap3A_153 = arith.index_cast %rem3A_50 : i32 to index
      %swap3A_154 = arith.constant 160 : index
      %swap3A_155 = tpu.vector_load %arg15[%swap3A_153, %swap3A_154] {strides = array<i32>} : memref<8x1032xf32, #tpu.memory_space<vmem>>, vector<16xf32>,
      tpu.vector_store %arg15[%swap3A_153, %swap3A_154], %scan3A_122#10 {strides = array<i32>} : memref<8x1032xf32, #tpu.memory_space<vmem>>, vector<16xf32>,
      %swap3A_156 = arith.index_cast %rem3A_50 : i32 to index
      %swap3A_157 = arith.constant 176 : index
      %swap3A_158 = tpu.vector_load %arg15[%swap3A_156, %swap3A_157] {strides = array<i32>} : memref<8x1032xf32, #tpu.memory_space<vmem>>, vector<16xf32>,
      tpu.vector_store %arg15[%swap3A_156, %swap3A_157], %scan3A_122#11 {strides = array<i32>} : memref<8x1032xf32, #tpu.memory_space<vmem>>, vector<16xf32>,
      %swap3A_159 = arith.index_cast %rem3A_50 : i32 to index
      %swap3A_160 = arith.constant 192 : index
      %swap3A_161 = tpu.vector_load %arg15[%swap3A_159, %swap3A_160] {strides = array<i32>} : memref<8x1032xf32, #tpu.memory_space<vmem>>, vector<16xf32>,
      tpu.vector_store %arg15[%swap3A_159, %swap3A_160], %scan3A_122#12 {strides = array<i32>} : memref<8x1032xf32, #tpu.memory_space<vmem>>, vector<16xf32>,
      %swap3A_162 = arith.index_cast %rem3A_50 : i32 to index
      %swap3A_163 = arith.constant 208 : index
      %swap3A_164 = tpu.vector_load %arg15[%swap3A_162, %swap3A_163] {strides = array<i32>} : memref<8x1032xf32, #tpu.memory_space<vmem>>, vector<16xf32>,
      tpu.vector_store %arg15[%swap3A_162, %swap3A_163], %scan3A_122#13 {strides = array<i32>} : memref<8x1032xf32, #tpu.memory_space<vmem>>, vector<16xf32>,
      %swap3A_165 = arith.index_cast %rem3A_50 : i32 to index
      %swap3A_166 = arith.constant 224 : index
      %swap3A_167 = tpu.vector_load %arg15[%swap3A_165, %swap3A_166] {strides = array<i32>} : memref<8x1032xf32, #tpu.memory_space<vmem>>, vector<16xf32>,
      tpu.vector_store %arg15[%swap3A_165, %swap3A_166], %scan3A_122#14 {strides = array<i32>} : memref<8x1032xf32, #tpu.memory_space<vmem>>, vector<16xf32>,
      %swap3A_168 = arith.index_cast %rem3A_50 : i32 to index
      %swap3A_169 = arith.constant 240 : index
      %swap3A_170 = tpu.vector_load %arg15[%swap3A_168, %swap3A_169] {strides = array<i32>} : memref<8x1032xf32, #tpu.memory_space<vmem>>, vector<16xf32>,
      tpu.vector_store %arg15[%swap3A_168, %swap3A_169], %scan3A_122#15 {strides = array<i32>} : memref<8x1032xf32, #tpu.memory_space<vmem>>, vector<16xf32>,
      %swap3A_171 = arith.index_cast %rem3A_50 : i32 to index
      %swap3A_172 = arith.constant 256 : index
      %swap3A_173 = tpu.vector_load %arg15[%swap3A_171, %swap3A_172] {strides = array<i32>} : memref<8x1032xf32, #tpu.memory_space<vmem>>, vector<16xf32>,
      tpu.vector_store %arg15[%swap3A_171, %swap3A_172], %scan3A_122#16 {strides = array<i32>} : memref<8x1032xf32, #tpu.memory_space<vmem>>, vector<16xf32>,
      %swap3A_174 = arith.index_cast %rem3A_50 : i32 to index
      %swap3A_175 = arith.constant 272 : index
      %swap3A_176 = tpu.vector_load %arg15[%swap3A_174, %swap3A_175] {strides = array<i32>} : memref<8x1032xf32, #tpu.memory_space<vmem>>, vector<16xf32>,
      tpu.vector_store %arg15[%swap3A_174, %swap3A_175], %scan3A_122#17 {strides = array<i32>} : memref<8x1032xf32, #tpu.memory_space<vmem>>, vector<16xf32>,
      %swap3A_177 = arith.index_cast %rem3A_50 : i32 to index
      %swap3A_178 = arith.constant 288 : index
      %swap3A_179 = tpu.vector_load %arg15[%swap3A_177, %swap3A_178] {strides = array<i32>} : memref<8x1032xf32, #tpu.memory_space<vmem>>, vector<16xf32>,
      tpu.vector_store %arg15[%swap3A_177, %swap3A_178], %scan3A_122#18 {strides = array<i32>} : memref<8x1032xf32, #tpu.memory_space<vmem>>, vector<16xf32>,
      %swap3A_180 = arith.index_cast %rem3A_50 : i32 to index
      %swap3A_181 = arith.constant 304 : index
      %swap3A_182 = tpu.vector_load %arg15[%swap3A_180, %swap3A_181] {strides = array<i32>} : memref<8x1032xf32, #tpu.memory_space<vmem>>, vector<16xf32>,
      tpu.vector_store %arg15[%swap3A_180, %swap3A_181], %scan3A_122#19 {strides = array<i32>} : memref<8x1032xf32, #tpu.memory_space<vmem>>, vector<16xf32>,
      %swap3A_183 = arith.index_cast %rem3A_50 : i32 to index
      %swap3A_184 = arith.constant 320 : index
      %swap3A_185 = tpu.vector_load %arg15[%swap3A_183, %swap3A_184] {strides = array<i32>} : memref<8x1032xf32, #tpu.memory_space<vmem>>, vector<16xf32>,
      tpu.vector_store %arg15[%swap3A_183, %swap3A_184], %scan3A_122#20 {strides = array<i32>} : memref<8x1032xf32, #tpu.memory_space<vmem>>, vector<16xf32>,
      %swap3A_186 = arith.index_cast %rem3A_50 : i32 to index
      %swap3A_187 = arith.constant 336 : index
      %swap3A_188 = tpu.vector_load %arg15[%swap3A_186, %swap3A_187] {strides = array<i32>} : memref<8x1032xf32, #tpu.memory_space<vmem>>, vector<16xf32>,
      tpu.vector_store %arg15[%swap3A_186, %swap3A_187], %scan3A_122#21 {strides = array<i32>} : memref<8x1032xf32, #tpu.memory_space<vmem>>, vector<16xf32>,
      %swap3A_189 = arith.index_cast %rem3A_50 : i32 to index
      %swap3A_190 = arith.constant 352 : index
      %swap3A_191 = tpu.vector_load %arg15[%swap3A_189, %swap3A_190] {strides = array<i32>} : memref<8x1032xf32, #tpu.memory_space<vmem>>, vector<16xf32>,
      tpu.vector_store %arg15[%swap3A_189, %swap3A_190], %scan3A_122#22 {strides = array<i32>} : memref<8x1032xf32, #tpu.memory_space<vmem>>, vector<16xf32>,
      %swap3A_192 = arith.index_cast %rem3A_50 : i32 to index
      %swap3A_193 = arith.constant 368 : index
      %swap3A_194 = tpu.vector_load %arg15[%swap3A_192, %swap3A_193] {strides = array<i32>} : memref<8x1032xf32, #tpu.memory_space<vmem>>, vector<16xf32>,
      tpu.vector_store %arg15[%swap3A_192, %swap3A_193], %scan3A_122#23 {strides = array<i32>} : memref<8x1032xf32, #tpu.memory_space<vmem>>, vector<16xf32>,
      %swap3A_195 = arith.index_cast %rem3A_50 : i32 to index
      %swap3A_196 = arith.constant 384 : index
      %swap3A_197 = tpu.vector_load %arg15[%swap3A_195, %swap3A_196] {strides = array<i32>} : memref<8x1032xf32, #tpu.memory_space<vmem>>, vector<16xf32>,
      tpu.vector_store %arg15[%swap3A_195, %swap3A_196], %scan3A_122#24 {strides = array<i32>} : memref<8x1032xf32, #tpu.memory_space<vmem>>, vector<16xf32>,
      %swap3A_198 = arith.index_cast %rem3A_50 : i32 to index
      %swap3A_199 = arith.constant 400 : index
      %swap3A_200 = tpu.vector_load %arg15[%swap3A_198, %swap3A_199] {strides = array<i32>} : memref<8x1032xf32, #tpu.memory_space<vmem>>, vector<16xf32>,
      tpu.vector_store %arg15[%swap3A_198, %swap3A_199], %scan3A_122#25 {strides = array<i32>} : memref<8x1032xf32, #tpu.memory_space<vmem>>, vector<16xf32>,
      %swap3A_201 = arith.index_cast %rem3A_50 : i32 to index
      %swap3A_202 = arith.constant 416 : index
      %swap3A_203 = tpu.vector_load %arg15[%swap3A_201, %swap3A_202] {strides = array<i32>} : memref<8x1032xf32, #tpu.memory_space<vmem>>, vector<16xf32>,
      tpu.vector_store %arg15[%swap3A_201, %swap3A_202], %scan3A_122#26 {strides = array<i32>} : memref<8x1032xf32, #tpu.memory_space<vmem>>, vector<16xf32>,
      %swap3A_204 = arith.index_cast %rem3A_50 : i32 to index
      %swap3A_205 = arith.constant 432 : index
      %swap3A_206 = tpu.vector_load %arg15[%swap3A_204, %swap3A_205] {strides = array<i32>} : memref<8x1032xf32, #tpu.memory_space<vmem>>, vector<16xf32>,
      tpu.vector_store %arg15[%swap3A_204, %swap3A_205], %scan3A_122#27 {strides = array<i32>} : memref<8x1032xf32, #tpu.memory_space<vmem>>, vector<16xf32>,
      %swap3A_207 = arith.index_cast %rem3A_50 : i32 to index
      %swap3A_208 = arith.constant 448 : index
      %swap3A_209 = tpu.vector_load %arg15[%swap3A_207, %swap3A_208] {strides = array<i32>} : memref<8x1032xf32, #tpu.memory_space<vmem>>, vector<16xf32>,
      tpu.vector_store %arg15[%swap3A_207, %swap3A_208], %scan3A_122#28 {strides = array<i32>} : memref<8x1032xf32, #tpu.memory_space<vmem>>, vector<16xf32>,
      %swap3A_210 = arith.index_cast %rem3A_50 : i32 to index
      %swap3A_211 = arith.constant 464 : index
      %swap3A_212 = tpu.vector_load %arg15[%swap3A_210, %swap3A_211] {strides = array<i32>} : memref<8x1032xf32, #tpu.memory_space<vmem>>, vector<16xf32>,
      tpu.vector_store %arg15[%swap3A_210, %swap3A_211], %scan3A_122#29 {strides = array<i32>} : memref<8x1032xf32, #tpu.memory_space<vmem>>, vector<16xf32>,
      %swap3A_213 = arith.index_cast %rem3A_50 : i32 to index
      %swap3A_214 = arith.constant 480 : index
      %swap3A_215 = tpu.vector_load %arg15[%swap3A_213, %swap3A_214] {strides = array<i32>} : memref<8x1032xf32, #tpu.memory_space<vmem>>, vector<16xf32>,
      tpu.vector_store %arg15[%swap3A_213, %swap3A_214], %scan3A_122#30 {strides = array<i32>} : memref<8x1032xf32, #tpu.memory_space<vmem>>, vector<16xf32>,
      %swap3A_216 = arith.index_cast %rem3A_50 : i32 to index
      %swap3A_217 = arith.constant 496 : index
      %swap3A_218 = tpu.vector_load %arg15[%swap3A_216, %swap3A_217] {strides = array<i32>} : memref<8x1032xf32, #tpu.memory_space<vmem>>, vector<16xf32>,
      tpu.vector_store %arg15[%swap3A_216, %swap3A_217], %scan3A_122#31 {strides = array<i32>} : memref<8x1032xf32, #tpu.memory_space<vmem>>, vector<16xf32>,
      %swap3A_219 = arith.index_cast %rem3A_50 : i32 to index
      %swap3A_220 = arith.constant 512 : index
      %swap3A_221 = tpu.vector_load %arg15[%swap3A_219, %swap3A_220] {strides = array<i32>} : memref<8x1032xf32, #tpu.memory_space<vmem>>, vector<16xf32>,
      tpu.vector_store %arg15[%swap3A_219, %swap3A_220], %scan3A_122#32 {strides = array<i32>} : memref<8x1032xf32, #tpu.memory_space<vmem>>, vector<16xf32>,
      %get3A_222 = arith.constant 528 : index
      %get3A_223 = tpu.vector_load %arg14[%get3A_222] {strides = array<i32>} : memref<1032xf32, #tpu.memory_space<vmem>>, vector<16xf32>,
      %get3A_224 = arith.constant 544 : index
      %get3A_225 = tpu.vector_load %arg14[%get3A_224] {strides = array<i32>} : memref<1032xf32, #tpu.memory_space<vmem>>, vector<16xf32>,
      %get3A_226 = arith.constant 560 : index
      %get3A_227 = tpu.vector_load %arg14[%get3A_226] {strides = array<i32>} : memref<1032xf32, #tpu.memory_space<vmem>>, vector<16xf32>,
      %get3A_228 = arith.constant 576 : index
      %get3A_229 = tpu.vector_load %arg14[%get3A_228] {strides = array<i32>} : memref<1032xf32, #tpu.memory_space<vmem>>, vector<16xf32>,
      %get3A_230 = arith.constant 592 : index
      %get3A_231 = tpu.vector_load %arg14[%get3A_230] {strides = array<i32>} : memref<1032xf32, #tpu.memory_space<vmem>>, vector<16xf32>,
      %get3A_232 = arith.constant 608 : index
      %get3A_233 = tpu.vector_load %arg14[%get3A_232] {strides = array<i32>} : memref<1032xf32, #tpu.memory_space<vmem>>, vector<16xf32>,
      %get3A_234 = arith.constant 624 : index
      %get3A_235 = tpu.vector_load %arg14[%get3A_234] {strides = array<i32>} : memref<1032xf32, #tpu.memory_space<vmem>>, vector<16xf32>,
      %get3A_236 = arith.constant 640 : index
      %get3A_237 = tpu.vector_load %arg14[%get3A_236] {strides = array<i32>} : memref<1032xf32, #tpu.memory_space<vmem>>, vector<16xf32>,
      %get3A_238 = arith.constant 656 : index
      %get3A_239 = tpu.vector_load %arg14[%get3A_238] {strides = array<i32>} : memref<1032xf32, #tpu.memory_space<vmem>>, vector<16xf32>,
      %get3A_240 = arith.constant 672 : index
      %get3A_241 = tpu.vector_load %arg14[%get3A_240] {strides = array<i32>} : memref<1032xf32, #tpu.memory_space<vmem>>, vector<16xf32>,
      %get3A_242 = arith.constant 688 : index
      %get3A_243 = tpu.vector_load %arg14[%get3A_242] {strides = array<i32>} : memref<1032xf32, #tpu.memory_space<vmem>>, vector<16xf32>,
      %get3A_244 = arith.constant 704 : index
      %get3A_245 = tpu.vector_load %arg14[%get3A_244] {strides = array<i32>} : memref<1032xf32, #tpu.memory_space<vmem>>, vector<16xf32>,
      %get3A_246 = arith.constant 720 : index
      %get3A_247 = tpu.vector_load %arg14[%get3A_246] {strides = array<i32>} : memref<1032xf32, #tpu.memory_space<vmem>>, vector<16xf32>,
      %get3A_248 = arith.constant 736 : index
      %get3A_249 = tpu.vector_load %arg14[%get3A_248] {strides = array<i32>} : memref<1032xf32, #tpu.memory_space<vmem>>, vector<16xf32>,
      %get3A_250 = arith.constant 752 : index
      %get3A_251 = tpu.vector_load %arg14[%get3A_250] {strides = array<i32>} : memref<1032xf32, #tpu.memory_space<vmem>>, vector<16xf32>,
      %get3A_252 = arith.constant 768 : index
      %get3A_253 = tpu.vector_load %arg14[%get3A_252] {strides = array<i32>} : memref<1032xf32, #tpu.memory_space<vmem>>, vector<16xf32>,
      %get3A_254 = arith.constant 784 : index
      %get3A_255 = tpu.vector_load %arg14[%get3A_254] {strides = array<i32>} : memref<1032xf32, #tpu.memory_space<vmem>>, vector<16xf32>,
      %get3A_256 = arith.constant 800 : index
      %get3A_257 = tpu.vector_load %arg14[%get3A_256] {strides = array<i32>} : memref<1032xf32, #tpu.memory_space<vmem>>, vector<16xf32>,
      %get3A_258 = arith.constant 816 : index
      %get3A_259 = tpu.vector_load %arg14[%get3A_258] {strides = array<i32>} : memref<1032xf32, #tpu.memory_space<vmem>>, vector<16xf32>,
      %get3A_260 = arith.constant 832 : index
      %get3A_261 = tpu.vector_load %arg14[%get3A_260] {strides = array<i32>} : memref<1032xf32, #tpu.memory_space<vmem>>, vector<16xf32>,
      %get3A_262 = arith.constant 848 : index
      %get3A_263 = tpu.vector_load %arg14[%get3A_262] {strides = array<i32>} : memref<1032xf32, #tpu.memory_space<vmem>>, vector<16xf32>,
      %get3A_264 = arith.constant 864 : index
      %get3A_265 = tpu.vector_load %arg14[%get3A_264] {strides = array<i32>} : memref<1032xf32, #tpu.memory_space<vmem>>, vector<16xf32>,
      %get3A_266 = arith.constant 880 : index
      %get3A_267 = tpu.vector_load %arg14[%get3A_266] {strides = array<i32>} : memref<1032xf32, #tpu.memory_space<vmem>>, vector<16xf32>,
      %get3A_268 = arith.constant 896 : index
      %get3A_269 = tpu.vector_load %arg14[%get3A_268] {strides = array<i32>} : memref<1032xf32, #tpu.memory_space<vmem>>, vector<16xf32>,
      %get3A_270 = arith.constant 912 : index
      %get3A_271 = tpu.vector_load %arg14[%get3A_270] {strides = array<i32>} : memref<1032xf32, #tpu.memory_space<vmem>>, vector<16xf32>,
      %get3A_272 = arith.constant 928 : index
      %get3A_273 = tpu.vector_load %arg14[%get3A_272] {strides = array<i32>} : memref<1032xf32, #tpu.memory_space<vmem>>, vector<16xf32>,
      %get3A_274 = arith.constant 944 : index
      %get3A_275 = tpu.vector_load %arg14[%get3A_274] {strides = array<i32>} : memref<1032xf32, #tpu.memory_space<vmem>>, vector<16xf32>,
      %get3A_276 = arith.constant 960 : index
      %get3A_277 = tpu.vector_load %arg14[%get3A_276] {strides = array<i32>} : memref<1032xf32, #tpu.memory_space<vmem>>, vector<16xf32>,
      %get3A_278 = arith.constant 976 : index
      %get3A_279 = tpu.vector_load %arg14[%get3A_278] {strides = array<i32>} : memref<1032xf32, #tpu.memory_space<vmem>>, vector<16xf32>,
      %get3A_280 = arith.constant 992 : index
      %get3A_281 = tpu.vector_load %arg14[%get3A_280] {strides = array<i32>} : memref<1032xf32, #tpu.memory_space<vmem>>, vector<16xf32>,
      %get3A_282 = arith.constant 1008 : index
      %get3A_283 = tpu.vector_load %arg14[%get3A_282] {strides = array<i32>} : memref<1032xf32, #tpu.memory_space<vmem>>, vector<16xf32>,
      %get3A_284 = arith.constant 1016 : index
      %get3A_285 = tpu.vector_load %arg14[%get3A_284] {strides = array<i32>} : memref<1032xf32, #tpu.memory_space<vmem>>, vector<16xf32>,
      %scan3A_286 = arith.constant 0 : i32
      %scan3A_287 = arith.constant 50 : i32
      %scan3A_288 = arith.addi %scan3A_286, %scan3A_287 : i32
      %scan3A_289 = arith.constant 1 : i32
      %scan3A_290:32 = scf.for %scan3A_752 = %scan3A_286 to %scan3A_288 step %scan3A_289 iter_args(%scan3A_753 = %get3A_223, %scan3A_754 = %get3A_225, %scan3A_755 = %get3A_227, %scan3A_756 = %get3A_229, %scan3A_757 = %get3A_231, %scan3A_758 = %get3A_233, %scan3A_759 = %get3A_235, %scan3A_760 = %get3A_237, %scan3A_761 = %get3A_239, %scan3A_762 = %get3A_241, %scan3A_763 = %get3A_243, %scan3A_764 = %get3A_245, %scan3A_765 = %get3A_247, %scan3A_766 = %get3A_249, %scan3A_767 = %get3A_251, %scan3A_768 = %get3A_253, %scan3A_769 = %get3A_255, %scan3A_770 = %get3A_257, %scan3A_771 = %get3A_259, %scan3A_772 = %get3A_261, %scan3A_773 = %get3A_263, %scan3A_774 = %get3A_265, %scan3A_775 = %get3A_267, %scan3A_776 = %get3A_269, %scan3A_777 = %get3A_271, %scan3A_778 = %get3A_273, %scan3A_779 = %get3A_275, %scan3A_780 = %get3A_277, %scan3A_781 = %get3A_279, %scan3A_782 = %get3A_281, %scan3A_783 = %get3A_283, %scan3A_784 = %get3A_285) -> (vector<16xf32>, vector<16xf32>, vector<16xf32>, vector<16xf32>, vector<16xf32>, vector<16xf32>, vector<16xf32>, vector<16xf32>, vector<16xf32>, vector<16xf32>, vector<16xf32>, vector<16xf32>, vector<16xf32>, vector<16xf32>, vector<16xf32>, vector<16xf32>, vector<16xf32>, vector<16xf32>, vector<16xf32>, vector<16xf32>, vector<16xf32>, vector<16xf32>, vector<16xf32>, vector<16xf32>, vector<16xf32>, vector<16xf32>, vector<16xf32>, vector<16xf32>, vector<16xf32>, vector<16xf32>, vector<16xf32>, vector<16xf32>)  : i32 {
        %add3A_785 = vector.broadcast %scan3A_752 : i32 to vector<16xi32>
        %add3A_786 = arith.addi %broadcast_in_dim3A, %add3A_785 : vector<16xi32>
        %gather3A = tpu.vector_load_idx %arg11[%add3A_786] : memref<1792xf32, #tpu.memory_space<vmem>>[vector<16xi32>], vector<16xf32>,
        %get3A_787 = arith.index_cast %scan3A_752 : i32 to index
        %get3A_788 = arith.constant 528 : index
        %get3A_789 = tpu.vector_load %arg12[%get3A_787, %get3A_788] {strides = array<i32>} : memref<56x1032xf32, #tpu.memory_space<vmem>>, vector<16xf32>,
        %mul3A_790 = arith.mulf %gather3A, %get3A_789 : vector<16xf32>
        %add3A_791 = arith.addf %scan3A_753, %mul3A_790 : vector<16xf32>
        %get3A_792 = arith.index_cast %scan3A_752 : i32 to index
        %get3A_793 = arith.constant 544 : index
        %get3A_794 = tpu.vector_load %arg12[%get3A_792, %get3A_793] {strides = array<i32>} : memref<56x1032xf32, #tpu.memory_space<vmem>>, vector<16xf32>,
        %mul3A_795 = arith.mulf %gather3A, %get3A_794 : vector<16xf32>
        %add3A_796 = arith.addf %scan3A_754, %mul3A_795 : vector<16xf32>
        %get3A_797 = arith.index_cast %scan3A_752 : i32 to index
        %get3A_798 = arith.constant 560 : index
        %get3A_799 = tpu.vector_load %arg12[%get3A_797, %get3A_798] {strides = array<i32>} : memref<56x1032xf32, #tpu.memory_space<vmem>>, vector<16xf32>,
        %mul3A_800 = arith.mulf %gather3A, %get3A_799 : vector<16xf32>
        %add3A_801 = arith.addf %scan3A_755, %mul3A_800 : vector<16xf32>
        %get3A_802 = arith.index_cast %scan3A_752 : i32 to index
        %get3A_803 = arith.constant 576 : index
        %get3A_804 = tpu.vector_load %arg12[%get3A_802, %get3A_803] {strides = array<i32>} : memref<56x1032xf32, #tpu.memory_space<vmem>>, vector<16xf32>,
        %mul3A_805 = arith.mulf %gather3A, %get3A_804 : vector<16xf32>
        %add3A_806 = arith.addf %scan3A_756, %mul3A_805 : vector<16xf32>
        %get3A_807 = arith.index_cast %scan3A_752 : i32 to index
        %get3A_808 = arith.constant 592 : index
        %get3A_809 = tpu.vector_load %arg12[%get3A_807, %get3A_808] {strides = array<i32>} : memref<56x1032xf32, #tpu.memory_space<vmem>>, vector<16xf32>,
        %mul3A_810 = arith.mulf %gather3A, %get3A_809 : vector<16xf32>
        %add3A_811 = arith.addf %scan3A_757, %mul3A_810 : vector<16xf32>
        %get3A_812 = arith.index_cast %scan3A_752 : i32 to index
        %get3A_813 = arith.constant 608 : index
        %get3A_814 = tpu.vector_load %arg12[%get3A_812, %get3A_813] {strides = array<i32>} : memref<56x1032xf32, #tpu.memory_space<vmem>>, vector<16xf32>,
        %mul3A_815 = arith.mulf %gather3A, %get3A_814 : vector<16xf32>
        %add3A_816 = arith.addf %scan3A_758, %mul3A_815 : vector<16xf32>
        %get3A_817 = arith.index_cast %scan3A_752 : i32 to index
        %get3A_818 = arith.constant 624 : index
        %get3A_819 = tpu.vector_load %arg12[%get3A_817, %get3A_818] {strides = array<i32>} : memref<56x1032xf32, #tpu.memory_space<vmem>>, vector<16xf32>,
        %mul3A_820 = arith.mulf %gather3A, %get3A_819 : vector<16xf32>
        %add3A_821 = arith.addf %scan3A_759, %mul3A_820 : vector<16xf32>
        %get3A_822 = arith.index_cast %scan3A_752 : i32 to index
        %get3A_823 = arith.constant 640 : index
        %get3A_824 = tpu.vector_load %arg12[%get3A_822, %get3A_823] {strides = array<i32>} : memref<56x1032xf32, #tpu.memory_space<vmem>>, vector<16xf32>,
        %mul3A_825 = arith.mulf %gather3A, %get3A_824 : vector<16xf32>
        %add3A_826 = arith.addf %scan3A_760, %mul3A_825 : vector<16xf32>
        %get3A_827 = arith.index_cast %scan3A_752 : i32 to index
        %get3A_828 = arith.constant 656 : index
        %get3A_829 = tpu.vector_load %arg12[%get3A_827, %get3A_828] {strides = array<i32>} : memref<56x1032xf32, #tpu.memory_space<vmem>>, vector<16xf32>,
        %mul3A_830 = arith.mulf %gather3A, %get3A_829 : vector<16xf32>
        %add3A_831 = arith.addf %scan3A_761, %mul3A_830 : vector<16xf32>
        %get3A_832 = arith.index_cast %scan3A_752 : i32 to index
        %get3A_833 = arith.constant 672 : index
        %get3A_834 = tpu.vector_load %arg12[%get3A_832, %get3A_833] {strides = array<i32>} : memref<56x1032xf32, #tpu.memory_space<vmem>>, vector<16xf32>,
        %mul3A_835 = arith.mulf %gather3A, %get3A_834 : vector<16xf32>
        %add3A_836 = arith.addf %scan3A_762, %mul3A_835 : vector<16xf32>
        %get3A_837 = arith.index_cast %scan3A_752 : i32 to index
        %get3A_838 = arith.constant 688 : index
        %get3A_839 = tpu.vector_load %arg12[%get3A_837, %get3A_838] {strides = array<i32>} : memref<56x1032xf32, #tpu.memory_space<vmem>>, vector<16xf32>,
        %mul3A_840 = arith.mulf %gather3A, %get3A_839 : vector<16xf32>
        %add3A_841 = arith.addf %scan3A_763, %mul3A_840 : vector<16xf32>
        %get3A_842 = arith.index_cast %scan3A_752 : i32 to index
        %get3A_843 = arith.constant 704 : index
        %get3A_844 = tpu.vector_load %arg12[%get3A_842, %get3A_843] {strides = array<i32>} : memref<56x1032xf32, #tpu.memory_space<vmem>>, vector<16xf32>,
        %mul3A_845 = arith.mulf %gather3A, %get3A_844 : vector<16xf32>
        %add3A_846 = arith.addf %scan3A_764, %mul3A_845 : vector<16xf32>
        %get3A_847 = arith.index_cast %scan3A_752 : i32 to index
        %get3A_848 = arith.constant 720 : index
        %get3A_849 = tpu.vector_load %arg12[%get3A_847, %get3A_848] {strides = array<i32>} : memref<56x1032xf32, #tpu.memory_space<vmem>>, vector<16xf32>,
        %mul3A_850 = arith.mulf %gather3A, %get3A_849 : vector<16xf32>
        %add3A_851 = arith.addf %scan3A_765, %mul3A_850 : vector<16xf32>
        %get3A_852 = arith.index_cast %scan3A_752 : i32 to index
        %get3A_853 = arith.constant 736 : index
        %get3A_854 = tpu.vector_load %arg12[%get3A_852, %get3A_853] {strides = array<i32>} : memref<56x1032xf32, #tpu.memory_space<vmem>>, vector<16xf32>,
        %mul3A_855 = arith.mulf %gather3A, %get3A_854 : vector<16xf32>
        %add3A_856 = arith.addf %scan3A_766, %mul3A_855 : vector<16xf32>
        %get3A_857 = arith.index_cast %scan3A_752 : i32 to index
        %get3A_858 = arith.constant 752 : index
        %get3A_859 = tpu.vector_load %arg12[%get3A_857, %get3A_858] {strides = array<i32>} : memref<56x1032xf32, #tpu.memory_space<vmem>>, vector<16xf32>,
        %mul3A_860 = arith.mulf %gather3A, %get3A_859 : vector<16xf32>
        %add3A_861 = arith.addf %scan3A_767, %mul3A_860 : vector<16xf32>
        %get3A_862 = arith.index_cast %scan3A_752 : i32 to index
        %get3A_863 = arith.constant 768 : index
        %get3A_864 = tpu.vector_load %arg12[%get3A_862, %get3A_863] {strides = array<i32>} : memref<56x1032xf32, #tpu.memory_space<vmem>>, vector<16xf32>,
        %mul3A_865 = arith.mulf %gather3A, %get3A_864 : vector<16xf32>
        %add3A_866 = arith.addf %scan3A_768, %mul3A_865 : vector<16xf32>
        %get3A_867 = arith.index_cast %scan3A_752 : i32 to index
        %get3A_868 = arith.constant 784 : index
        %get3A_869 = tpu.vector_load %arg12[%get3A_867, %get3A_868] {strides = array<i32>} : memref<56x1032xf32, #tpu.memory_space<vmem>>, vector<16xf32>,
        %mul3A_870 = arith.mulf %gather3A, %get3A_869 : vector<16xf32>
        %add3A_871 = arith.addf %scan3A_769, %mul3A_870 : vector<16xf32>
        %get3A_872 = arith.index_cast %scan3A_752 : i32 to index
        %get3A_873 = arith.constant 800 : index
        %get3A_874 = tpu.vector_load %arg12[%get3A_872, %get3A_873] {strides = array<i32>} : memref<56x1032xf32, #tpu.memory_space<vmem>>, vector<16xf32>,
        %mul3A_875 = arith.mulf %gather3A, %get3A_874 : vector<16xf32>
        %add3A_876 = arith.addf %scan3A_770, %mul3A_875 : vector<16xf32>
        %get3A_877 = arith.index_cast %scan3A_752 : i32 to index
        %get3A_878 = arith.constant 816 : index
        %get3A_879 = tpu.vector_load %arg12[%get3A_877, %get3A_878] {strides = array<i32>} : memref<56x1032xf32, #tpu.memory_space<vmem>>, vector<16xf32>,
        %mul3A_880 = arith.mulf %gather3A, %get3A_879 : vector<16xf32>
        %add3A_881 = arith.addf %scan3A_771, %mul3A_880 : vector<16xf32>
        %get3A_882 = arith.index_cast %scan3A_752 : i32 to index
        %get3A_883 = arith.constant 832 : index
        %get3A_884 = tpu.vector_load %arg12[%get3A_882, %get3A_883] {strides = array<i32>} : memref<56x1032xf32, #tpu.memory_space<vmem>>, vector<16xf32>,
        %mul3A_885 = arith.mulf %gather3A, %get3A_884 : vector<16xf32>
        %add3A_886 = arith.addf %scan3A_772, %mul3A_885 : vector<16xf32>
        %get3A_887 = arith.index_cast %scan3A_752 : i32 to index
        %get3A_888 = arith.constant 848 : index
        %get3A_889 = tpu.vector_load %arg12[%get3A_887, %get3A_888] {strides = array<i32>} : memref<56x1032xf32, #tpu.memory_space<vmem>>, vector<16xf32>,
        %mul3A_890 = arith.mulf %gather3A, %get3A_889 : vector<16xf32>
        %add3A_891 = arith.addf %scan3A_773, %mul3A_890 : vector<16xf32>
        %get3A_892 = arith.index_cast %scan3A_752 : i32 to index
        %get3A_893 = arith.constant 864 : index
        %get3A_894 = tpu.vector_load %arg12[%get3A_892, %get3A_893] {strides = array<i32>} : memref<56x1032xf32, #tpu.memory_space<vmem>>, vector<16xf32>,
        %mul3A_895 = arith.mulf %gather3A, %get3A_894 : vector<16xf32>
        %add3A_896 = arith.addf %scan3A_774, %mul3A_895 : vector<16xf32>
        %get3A_897 = arith.index_cast %scan3A_752 : i32 to index
        %get3A_898 = arith.constant 880 : index
        %get3A_899 = tpu.vector_load %arg12[%get3A_897, %get3A_898] {strides = array<i32>} : memref<56x1032xf32, #tpu.memory_space<vmem>>, vector<16xf32>,
        %mul3A_900 = arith.mulf %gather3A, %get3A_899 : vector<16xf32>
        %add3A_901 = arith.addf %scan3A_775, %mul3A_900 : vector<16xf32>
        %get3A_902 = arith.index_cast %scan3A_752 : i32 to index
        %get3A_903 = arith.constant 896 : index
        %get3A_904 = tpu.vector_load %arg12[%get3A_902, %get3A_903] {strides = array<i32>} : memref<56x1032xf32, #tpu.memory_space<vmem>>, vector<16xf32>,
        %mul3A_905 = arith.mulf %gather3A, %get3A_904 : vector<16xf32>
        %add3A_906 = arith.addf %scan3A_776, %mul3A_905 : vector<16xf32>
        %get3A_907 = arith.index_cast %scan3A_752 : i32 to index
        %get3A_908 = arith.constant 912 : index
        %get3A_909 = tpu.vector_load %arg12[%get3A_907, %get3A_908] {strides = array<i32>} : memref<56x1032xf32, #tpu.memory_space<vmem>>, vector<16xf32>,
        %mul3A_910 = arith.mulf %gather3A, %get3A_909 : vector<16xf32>
        %add3A_911 = arith.addf %scan3A_777, %mul3A_910 : vector<16xf32>
        %get3A_912 = arith.index_cast %scan3A_752 : i32 to index
        %get3A_913 = arith.constant 928 : index
        %get3A_914 = tpu.vector_load %arg12[%get3A_912, %get3A_913] {strides = array<i32>} : memref<56x1032xf32, #tpu.memory_space<vmem>>, vector<16xf32>,
        %mul3A_915 = arith.mulf %gather3A, %get3A_914 : vector<16xf32>
        %add3A_916 = arith.addf %scan3A_778, %mul3A_915 : vector<16xf32>
        %get3A_917 = arith.index_cast %scan3A_752 : i32 to index
        %get3A_918 = arith.constant 944 : index
        %get3A_919 = tpu.vector_load %arg12[%get3A_917, %get3A_918] {strides = array<i32>} : memref<56x1032xf32, #tpu.memory_space<vmem>>, vector<16xf32>,
        %mul3A_920 = arith.mulf %gather3A, %get3A_919 : vector<16xf32>
        %add3A_921 = arith.addf %scan3A_779, %mul3A_920 : vector<16xf32>
        %get3A_922 = arith.index_cast %scan3A_752 : i32 to index
        %get3A_923 = arith.constant 960 : index
        %get3A_924 = tpu.vector_load %arg12[%get3A_922, %get3A_923] {strides = array<i32>} : memref<56x1032xf32, #tpu.memory_space<vmem>>, vector<16xf32>,
        %mul3A_925 = arith.mulf %gather3A, %get3A_924 : vector<16xf32>
        %add3A_926 = arith.addf %scan3A_780, %mul3A_925 : vector<16xf32>
        %get3A_927 = arith.index_cast %scan3A_752 : i32 to index
        %get3A_928 = arith.constant 976 : index
        %get3A_929 = tpu.vector_load %arg12[%get3A_927, %get3A_928] {strides = array<i32>} : memref<56x1032xf32, #tpu.memory_space<vmem>>, vector<16xf32>,
        %mul3A_930 = arith.mulf %gather3A, %get3A_929 : vector<16xf32>
        %add3A_931 = arith.addf %scan3A_781, %mul3A_930 : vector<16xf32>
        %get3A_932 = arith.index_cast %scan3A_752 : i32 to index
        %get3A_933 = arith.constant 992 : index
        %get3A_934 = tpu.vector_load %arg12[%get3A_932, %get3A_933] {strides = array<i32>} : memref<56x1032xf32, #tpu.memory_space<vmem>>, vector<16xf32>,
        %mul3A_935 = arith.mulf %gather3A, %get3A_934 : vector<16xf32>
        %add3A_936 = arith.addf %scan3A_782, %mul3A_935 : vector<16xf32>
        %get3A_937 = arith.index_cast %scan3A_752 : i32 to index
        %get3A_938 = arith.constant 1008 : index
        %get3A_939 = tpu.vector_load %arg12[%get3A_937, %get3A_938] {strides = array<i32>} : memref<56x1032xf32, #tpu.memory_space<vmem>>, vector<16xf32>,
        %mul3A_940 = arith.mulf %gather3A, %get3A_939 : vector<16xf32>
        %add3A_941 = arith.addf %scan3A_783, %mul3A_940 : vector<16xf32>
        %get3A_942 = arith.index_cast %scan3A_752 : i32 to index
        %get3A_943 = arith.constant 1016 : index
        %get3A_944 = tpu.vector_load %arg12[%get3A_942, %get3A_943] {strides = array<i32>} : memref<56x1032xf32, #tpu.memory_space<vmem>>, vector<16xf32>,
        %mul3A_945 = arith.mulf %gather3A, %get3A_944 : vector<16xf32>
        %add3A_946 = arith.addf %scan3A_784, %mul3A_945 : vector<16xf32>
        scf.yield %add3A_791, %add3A_796, %add3A_801, %add3A_806, %add3A_811, %add3A_816, %add3A_821, %add3A_826, %add3A_831, %add3A_836, %add3A_841, %add3A_846, %add3A_851, %add3A_856, %add3A_861, %add3A_866, %add3A_871, %add3A_876, %add3A_881, %add3A_886, %add3A_891, %add3A_896, %add3A_901, %add3A_906, %add3A_911, %add3A_916, %add3A_921, %add3A_926, %add3A_931, %add3A_936, %add3A_941, %add3A_946 : vector<16xf32>, vector<16xf32>, vector<16xf32>, vector<16xf32>, vector<16xf32>, vector<16xf32>, vector<16xf32>, vector<16xf32>, vector<16xf32>, vector<16xf32>, vector<16xf32>, vector<16xf32>, vector<16xf32>, vector<16xf32>, vector<16xf32>, vector<16xf32>, vector<16xf32>, vector<16xf32>, vector<16xf32>, vector<16xf32>, vector<16xf32>, vector<16xf32>, vector<16xf32>, vector<16xf32>, vector<16xf32>, vector<16xf32>, vector<16xf32>, vector<16xf32>, vector<16xf32>, vector<16xf32>, vector<16xf32>, vector<16xf32>
      }
      %scan3A_291 = arith.constant 50 : i32
      %swap3A_292 = arith.index_cast %rem3A_50 : i32 to index
      %swap3A_293 = arith.constant 528 : index
      %swap3A_294 = tpu.vector_load %arg15[%swap3A_292, %swap3A_293] {strides = array<i32>} : memref<8x1032xf32, #tpu.memory_space<vmem>>, vector<16xf32>,
      tpu.vector_store %arg15[%swap3A_292, %swap3A_293], %scan3A_290#0 {strides = array<i32>} : memref<8x1032xf32, #tpu.memory_space<vmem>>, vector<16xf32>,
      %swap3A_295 = arith.index_cast %rem3A_50 : i32 to index
      %swap3A_296 = arith.constant 544 : index
      %swap3A_297 = tpu.vector_load %arg15[%swap3A_295, %swap3A_296] {strides = array<i32>} : memref<8x1032xf32, #tpu.memory_space<vmem>>, vector<16xf32>,
      tpu.vector_store %arg15[%swap3A_295, %swap3A_296], %scan3A_290#1 {strides = array<i32>} : memref<8x1032xf32, #tpu.memory_space<vmem>>, vector<16xf32>,
      %swap3A_298 = arith.index_cast %rem3A_50 : i32 to index
      %swap3A_299 = arith.constant 560 : index
      %swap3A_300 = tpu.vector_load %arg15[%swap3A_298, %swap3A_299] {strides = array<i32>} : memref<8x1032xf32, #tpu.memory_space<vmem>>, vector<16xf32>,
      tpu.vector_store %arg15[%swap3A_298, %swap3A_299], %scan3A_290#2 {strides = array<i32>} : memref<8x1032xf32, #tpu.memory_space<vmem>>, vector<16xf32>,
      %swap3A_301 = arith.index_cast %rem3A_50 : i32 to index
      %swap3A_302 = arith.constant 576 : index
      %swap3A_303 = tpu.vector_load %arg15[%swap3A_301, %swap3A_302] {strides = array<i32>} : memref<8x1032xf32, #tpu.memory_space<vmem>>, vector<16xf32>,
      tpu.vector_store %arg15[%swap3A_301, %swap3A_302], %scan3A_290#3 {strides = array<i32>} : memref<8x1032xf32, #tpu.memory_space<vmem>>, vector<16xf32>,
      %swap3A_304 = arith.index_cast %rem3A_50 : i32 to index
      %swap3A_305 = arith.constant 592 : index
      %swap3A_306 = tpu.vector_load %arg15[%swap3A_304, %swap3A_305] {strides = array<i32>} : memref<8x1032xf32, #tpu.memory_space<vmem>>, vector<16xf32>,
      tpu.vector_store %arg15[%swap3A_304, %swap3A_305], %scan3A_290#4 {strides = array<i32>} : memref<8x1032xf32, #tpu.memory_space<vmem>>, vector<16xf32>,
      %swap3A_307 = arith.index_cast %rem3A_50 : i32 to index
      %swap3A_308 = arith.constant 608 : index
      %swap3A_309 = tpu.vector_load %arg15[%swap3A_307, %swap3A_308] {strides = array<i32>} : memref<8x1032xf32, #tpu.memory_space<vmem>>, vector<16xf32>,
      tpu.vector_store %arg15[%swap3A_307, %swap3A_308], %scan3A_290#5 {strides = array<i32>} : memref<8x1032xf32, #tpu.memory_space<vmem>>, vector<16xf32>,
      %swap3A_310 = arith.index_cast %rem3A_50 : i32 to index
      %swap3A_311 = arith.constant 624 : index
      %swap3A_312 = tpu.vector_load %arg15[%swap3A_310, %swap3A_311] {strides = array<i32>} : memref<8x1032xf32, #tpu.memory_space<vmem>>, vector<16xf32>,
      tpu.vector_store %arg15[%swap3A_310, %swap3A_311], %scan3A_290#6 {strides = array<i32>} : memref<8x1032xf32, #tpu.memory_space<vmem>>, vector<16xf32>,
      %swap3A_313 = arith.index_cast %rem3A_50 : i32 to index
      %swap3A_314 = arith.constant 640 : index
      %swap3A_315 = tpu.vector_load %arg15[%swap3A_313, %swap3A_314] {strides = array<i32>} : memref<8x1032xf32, #tpu.memory_space<vmem>>, vector<16xf32>,
      tpu.vector_store %arg15[%swap3A_313, %swap3A_314], %scan3A_290#7 {strides = array<i32>} : memref<8x1032xf32, #tpu.memory_space<vmem>>, vector<16xf32>,
      %swap3A_316 = arith.index_cast %rem3A_50 : i32 to index
      %swap3A_317 = arith.constant 656 : index
      %swap3A_318 = tpu.vector_load %arg15[%swap3A_316, %swap3A_317] {strides = array<i32>} : memref<8x1032xf32, #tpu.memory_space<vmem>>, vector<16xf32>,
      tpu.vector_store %arg15[%swap3A_316, %swap3A_317], %scan3A_290#8 {strides = array<i32>} : memref<8x1032xf32, #tpu.memory_space<vmem>>, vector<16xf32>,
      %swap3A_319 = arith.index_cast %rem3A_50 : i32 to index
      %swap3A_320 = arith.constant 672 : index
      %swap3A_321 = tpu.vector_load %arg15[%swap3A_319, %swap3A_320] {strides = array<i32>} : memref<8x1032xf32, #tpu.memory_space<vmem>>, vector<16xf32>,
      tpu.vector_store %arg15[%swap3A_319, %swap3A_320], %scan3A_290#9 {strides = array<i32>} : memref<8x1032xf32, #tpu.memory_space<vmem>>, vector<16xf32>,
      %swap3A_322 = arith.index_cast %rem3A_50 : i32 to index
      %swap3A_323 = arith.constant 688 : index
      %swap3A_324 = tpu.vector_load %arg15[%swap3A_322, %swap3A_323] {strides = array<i32>} : memref<8x1032xf32, #tpu.memory_space<vmem>>, vector<16xf32>,
      tpu.vector_store %arg15[%swap3A_322, %swap3A_323], %scan3A_290#10 {strides = array<i32>} : memref<8x1032xf32, #tpu.memory_space<vmem>>, vector<16xf32>,
      %swap3A_325 = arith.index_cast %rem3A_50 : i32 to index
      %swap3A_326 = arith.constant 704 : index
      %swap3A_327 = tpu.vector_load %arg15[%swap3A_325, %swap3A_326] {strides = array<i32>} : memref<8x1032xf32, #tpu.memory_space<vmem>>, vector<16xf32>,
      tpu.vector_store %arg15[%swap3A_325, %swap3A_326], %scan3A_290#11 {strides = array<i32>} : memref<8x1032xf32, #tpu.memory_space<vmem>>, vector<16xf32>,
      %swap3A_328 = arith.index_cast %rem3A_50 : i32 to index
      %swap3A_329 = arith.constant 720 : index
      %swap3A_330 = tpu.vector_load %arg15[%swap3A_328, %swap3A_329] {strides = array<i32>} : memref<8x1032xf32, #tpu.memory_space<vmem>>, vector<16xf32>,
      tpu.vector_store %arg15[%swap3A_328, %swap3A_329], %scan3A_290#12 {strides = array<i32>} : memref<8x1032xf32, #tpu.memory_space<vmem>>, vector<16xf32>,
      %swap3A_331 = arith.index_cast %rem3A_50 : i32 to index
      %swap3A_332 = arith.constant 736 : index
      %swap3A_333 = tpu.vector_load %arg15[%swap3A_331, %swap3A_332] {strides = array<i32>} : memref<8x1032xf32, #tpu.memory_space<vmem>>, vector<16xf32>,
      tpu.vector_store %arg15[%swap3A_331, %swap3A_332], %scan3A_290#13 {strides = array<i32>} : memref<8x1032xf32, #tpu.memory_space<vmem>>, vector<16xf32>,
      %swap3A_334 = arith.index_cast %rem3A_50 : i32 to index
      %swap3A_335 = arith.constant 752 : index
      %swap3A_336 = tpu.vector_load %arg15[%swap3A_334, %swap3A_335] {strides = array<i32>} : memref<8x1032xf32, #tpu.memory_space<vmem>>, vector<16xf32>,
      tpu.vector_store %arg15[%swap3A_334, %swap3A_335], %scan3A_290#14 {strides = array<i32>} : memref<8x1032xf32, #tpu.memory_space<vmem>>, vector<16xf32>,
      %swap3A_337 = arith.index_cast %rem3A_50 : i32 to index
      %swap3A_338 = arith.constant 768 : index
      %swap3A_339 = tpu.vector_load %arg15[%swap3A_337, %swap3A_338] {strides = array<i32>} : memref<8x1032xf32, #tpu.memory_space<vmem>>, vector<16xf32>,
      tpu.vector_store %arg15[%swap3A_337, %swap3A_338], %scan3A_290#15 {strides = array<i32>} : memref<8x1032xf32, #tpu.memory_space<vmem>>, vector<16xf32>,
      %swap3A_340 = arith.index_cast %rem3A_50 : i32 to index
      %swap3A_341 = arith.constant 784 : index
      %swap3A_342 = tpu.vector_load %arg15[%swap3A_340, %swap3A_341] {strides = array<i32>} : memref<8x1032xf32, #tpu.memory_space<vmem>>, vector<16xf32>,
      tpu.vector_store %arg15[%swap3A_340, %swap3A_341], %scan3A_290#16 {strides = array<i32>} : memref<8x1032xf32, #tpu.memory_space<vmem>>, vector<16xf32>,
      %swap3A_343 = arith.index_cast %rem3A_50 : i32 to index
      %swap3A_344 = arith.constant 800 : index
      %swap3A_345 = tpu.vector_load %arg15[%swap3A_343, %swap3A_344] {strides = array<i32>} : memref<8x1032xf32, #tpu.memory_space<vmem>>, vector<16xf32>,
      tpu.vector_store %arg15[%swap3A_343, %swap3A_344], %scan3A_290#17 {strides = array<i32>} : memref<8x1032xf32, #tpu.memory_space<vmem>>, vector<16xf32>,
      %swap3A_346 = arith.index_cast %rem3A_50 : i32 to index
      %swap3A_347 = arith.constant 816 : index
      %swap3A_348 = tpu.vector_load %arg15[%swap3A_346, %swap3A_347] {strides = array<i32>} : memref<8x1032xf32, #tpu.memory_space<vmem>>, vector<16xf32>,
      tpu.vector_store %arg15[%swap3A_346, %swap3A_347], %scan3A_290#18 {strides = array<i32>} : memref<8x1032xf32, #tpu.memory_space<vmem>>, vector<16xf32>,
      %swap3A_349 = arith.index_cast %rem3A_50 : i32 to index
      %swap3A_350 = arith.constant 832 : index
      %swap3A_351 = tpu.vector_load %arg15[%swap3A_349, %swap3A_350] {strides = array<i32>} : memref<8x1032xf32, #tpu.memory_space<vmem>>, vector<16xf32>,
      tpu.vector_store %arg15[%swap3A_349, %swap3A_350], %scan3A_290#19 {strides = array<i32>} : memref<8x1032xf32, #tpu.memory_space<vmem>>, vector<16xf32>,
      %swap3A_352 = arith.index_cast %rem3A_50 : i32 to index
      %swap3A_353 = arith.constant 848 : index
      %swap3A_354 = tpu.vector_load %arg15[%swap3A_352, %swap3A_353] {strides = array<i32>} : memref<8x1032xf32, #tpu.memory_space<vmem>>, vector<16xf32>,
      tpu.vector_store %arg15[%swap3A_352, %swap3A_353], %scan3A_290#20 {strides = array<i32>} : memref<8x1032xf32, #tpu.memory_space<vmem>>, vector<16xf32>,
      %swap3A_355 = arith.index_cast %rem3A_50 : i32 to index
      %swap3A_356 = arith.constant 864 : index
      %swap3A_357 = tpu.vector_load %arg15[%swap3A_355, %swap3A_356] {strides = array<i32>} : memref<8x1032xf32, #tpu.memory_space<vmem>>, vector<16xf32>,
      tpu.vector_store %arg15[%swap3A_355, %swap3A_356], %scan3A_290#21 {strides = array<i32>} : memref<8x1032xf32, #tpu.memory_space<vmem>>, vector<16xf32>,
      %swap3A_358 = arith.index_cast %rem3A_50 : i32 to index
      %swap3A_359 = arith.constant 880 : index
      %swap3A_360 = tpu.vector_load %arg15[%swap3A_358, %swap3A_359] {strides = array<i32>} : memref<8x1032xf32, #tpu.memory_space<vmem>>, vector<16xf32>,
      tpu.vector_store %arg15[%swap3A_358, %swap3A_359], %scan3A_290#22 {strides = array<i32>} : memref<8x1032xf32, #tpu.memory_space<vmem>>, vector<16xf32>,
      %swap3A_361 = arith.index_cast %rem3A_50 : i32 to index
      %swap3A_362 = arith.constant 896 : index
      %swap3A_363 = tpu.vector_load %arg15[%swap3A_361, %swap3A_362] {strides = array<i32>} : memref<8x1032xf32, #tpu.memory_space<vmem>>, vector<16xf32>,
      tpu.vector_store %arg15[%swap3A_361, %swap3A_362], %scan3A_290#23 {strides = array<i32>} : memref<8x1032xf32, #tpu.memory_space<vmem>>, vector<16xf32>,
      %swap3A_364 = arith.index_cast %rem3A_50 : i32 to index
      %swap3A_365 = arith.constant 912 : index
      %swap3A_366 = tpu.vector_load %arg15[%swap3A_364, %swap3A_365] {strides = array<i32>} : memref<8x1032xf32, #tpu.memory_space<vmem>>, vector<16xf32>,
      tpu.vector_store %arg15[%swap3A_364, %swap3A_365], %scan3A_290#24 {strides = array<i32>} : memref<8x1032xf32, #tpu.memory_space<vmem>>, vector<16xf32>,
      %swap3A_367 = arith.index_cast %rem3A_50 : i32 to index
      %swap3A_368 = arith.constant 928 : index
      %swap3A_369 = tpu.vector_load %arg15[%swap3A_367, %swap3A_368] {strides = array<i32>} : memref<8x1032xf32, #tpu.memory_space<vmem>>, vector<16xf32>,
      tpu.vector_store %arg15[%swap3A_367, %swap3A_368], %scan3A_290#25 {strides = array<i32>} : memref<8x1032xf32, #tpu.memory_space<vmem>>, vector<16xf32>,
      %swap3A_370 = arith.index_cast %rem3A_50 : i32 to index
      %swap3A_371 = arith.constant 944 : index
      %swap3A_372 = tpu.vector_load %arg15[%swap3A_370, %swap3A_371] {strides = array<i32>} : memref<8x1032xf32, #tpu.memory_space<vmem>>, vector<16xf32>,
      tpu.vector_store %arg15[%swap3A_370, %swap3A_371], %scan3A_290#26 {strides = array<i32>} : memref<8x1032xf32, #tpu.memory_space<vmem>>, vector<16xf32>,
      %swap3A_373 = arith.index_cast %rem3A_50 : i32 to index
      %swap3A_374 = arith.constant 960 : index
      %swap3A_375 = tpu.vector_load %arg15[%swap3A_373, %swap3A_374] {strides = array<i32>} : memref<8x1032xf32, #tpu.memory_space<vmem>>, vector<16xf32>,
      tpu.vector_store %arg15[%swap3A_373, %swap3A_374], %scan3A_290#27 {strides = array<i32>} : memref<8x1032xf32, #tpu.memory_space<vmem>>, vector<16xf32>,
      %swap3A_376 = arith.index_cast %rem3A_50 : i32 to index
      %swap3A_377 = arith.constant 976 : index
      %swap3A_378 = tpu.vector_load %arg15[%swap3A_376, %swap3A_377] {strides = array<i32>} : memref<8x1032xf32, #tpu.memory_space<vmem>>, vector<16xf32>,
      tpu.vector_store %arg15[%swap3A_376, %swap3A_377], %scan3A_290#28 {strides = array<i32>} : memref<8x1032xf32, #tpu.memory_space<vmem>>, vector<16xf32>,
      %swap3A_379 = arith.index_cast %rem3A_50 : i32 to index
      %swap3A_380 = arith.constant 992 : index
      %swap3A_381 = tpu.vector_load %arg15[%swap3A_379, %swap3A_380] {strides = array<i32>} : memref<8x1032xf32, #tpu.memory_space<vmem>>, vector<16xf32>,
      tpu.vector_store %arg15[%swap3A_379, %swap3A_380], %scan3A_290#29 {strides = array<i32>} : memref<8x1032xf32, #tpu.memory_space<vmem>>, vector<16xf32>,
      %swap3A_382 = arith.index_cast %rem3A_50 : i32 to index
      %swap3A_383 = arith.constant 1008 : index
      %swap3A_384 = tpu.vector_load %arg15[%swap3A_382, %swap3A_383] {strides = array<i32>} : memref<8x1032xf32, #tpu.memory_space<vmem>>, vector<16xf32>,
      tpu.vector_store %arg15[%swap3A_382, %swap3A_383], %scan3A_290#30 {strides = array<i32>} : memref<8x1032xf32, #tpu.memory_space<vmem>>, vector<16xf32>,
      %swap3A_385 = arith.index_cast %rem3A_50 : i32 to index
      %swap3A_386 = arith.constant 1016 : index
      %swap3A_387 = tpu.vector_load %arg15[%swap3A_385, %swap3A_386] {strides = array<i32>} : memref<8x1032xf32, #tpu.memory_space<vmem>>, vector<16xf32>,
      tpu.vector_store %arg15[%swap3A_385, %swap3A_386], %scan3A_290#31 {strides = array<i32>} : memref<8x1032xf32, #tpu.memory_space<vmem>>, vector<16xf32>,
      %eq3A = arith.constant 7 : i32
      %eq3A_388 = arith.cmpi eq, %rem3A_50, %eq3A : i32
      %convert_element_type3A = arith.extui %eq3A_388 : i1 to i32
      %cond3A = arith.constant 0 : i32
      %cond3A_389 = arith.cmpi ne, %convert_element_type3A, %cond3A : i32
      scf.if %cond3A_389 {
        %add3A_752 = arith.addi %mul3A_2, %mul3A_36 : i32
        %sub3A = arith.constant 7 : i32
        %sub3A_753 = arith.subi %add3A_752, %sub3A : i32
        %multiple_of3A = tpu.assume_multiple %sub3A_753, 8 : i32
        "tpu.region"() ({
          %run_scoped3A = tpu.sem_alloc : memref<!tpu.dma_semaphore, #tpu.memory_space<semaphore_mem>>
          %dma_start3A_754 = arith.constant 0 : i32
          %dma_start3A_755 = tpu.memref_slice %arg8[%multiple_of3A, %dma_start3A_754] : memref<1024x1032xf32, #tpu.memory_space<hbm>> -> memref<8x1032xf32, #tpu.memory_space<hbm>>
          %dma_start3A_756 = arith.constant 0 : i32
          %dma_start3A_757 = tpu.memref_slice %arg8[%multiple_of3A, %dma_start3A_756] : memref<1024x1032xf32, #tpu.memory_space<hbm>> -> memref<8x1032xf32, #tpu.memory_space<hbm>>
          tpu.enqueue_dma source(%arg15 : memref<8x1032xf32, #tpu.memory_space<vmem>>) target(%dma_start3A_757 : memref<8x1032xf32, #tpu.memory_space<hbm>>) target_semaphore(%run_scoped3A : memref<!tpu.dma_semaphore, #tpu.memory_space<semaphore_mem>>)
          %dma_wait3A_758 = arith.constant 0 : i32
          %dma_wait3A_759 = tpu.memref_slice %arg8[%multiple_of3A, %dma_wait3A_758] : memref<1024x1032xf32, #tpu.memory_space<hbm>> -> memref<8x1032xf32, #tpu.memory_space<hbm>>
          %dma_wait3A_760 = arith.constant 0 : i32
          %dma_wait3A_761 = tpu.memref_slice %arg8[%multiple_of3A, %dma_wait3A_760] : memref<1024x1032xf32, #tpu.memory_space<hbm>> -> memref<8x1032xf32, #tpu.memory_space<hbm>>
          tpu.wait_dma2 semaphore(%run_scoped3A : memref<!tpu.dma_semaphore, #tpu.memory_space<semaphore_mem>>) src(%arg15 : memref<8x1032xf32, #tpu.memory_space<vmem>>) dst(%dma_wait3A_761 : memref<8x1032xf32, #tpu.memory_space<hbm>>)
          tpu.yield
        }) : () -> ()
      } else {
      }
      %lt3A = arith.constant 15 : i32
      %lt3A_390 = arith.cmpi slt, %scan3A_33, %lt3A : i32
      %convert_element_type3A_391 = arith.extui %lt3A_390 : i1 to i32
      %cond3A_392 = arith.constant 0 : i32
      %cond3A_393 = arith.cmpi ne, %convert_element_type3A_391, %cond3A_392 : i32
      scf.if %cond3A_393 {
        %add3A_752 = arith.constant 2 : i32
        %add3A_753 = arith.addi %mul3A_36, %add3A_752 : i32
        %dma_start3A_754 = arith.constant 0 : i32
        %dma_start3A_755 = tpu.memref_slice %arg10[%add3A_753, %dma_start3A_754] : memref<32x56xi32, #tpu.memory_space<vmem>> -> memref<1x56xi32, #tpu.memory_space<vmem>>
        %dma_start3A_756 = tpu.memref_squeeze %dma_start3A_755 : memref<1x56xi32, #tpu.memory_space<vmem>> -> memref<56xi32, #tpu.memory_space<vmem>>
        %dma_start3A_757 = arith.constant 0 : i32
        %dma_start3A_758 = arith.constant 0 : i32
        %dma_start3A_759 = tpu.memref_slice %arg6[%dma_start3A_757, %dma_start3A_758] : memref<100000x1032xf32, #tpu.memory_space<hbm>> -> memref<100000x1032xf32, #tpu.memory_space<hbm>>
        tpu.enqueue_indirect_dma source(%dma_start3A_759 : memref<100000x1032xf32, #tpu.memory_space<hbm>>) target(%arg12 : memref<56x1032xf32, #tpu.memory_space<vmem>>) offsets(%dma_start3A_756 : memref<56xi32, #tpu.memory_space<vmem>>) semaphore(%arg16 : memref<!tpu.dma_semaphore, #tpu.memory_space<semaphore_mem>>)
      } else {
      }
      %add3A_394 = arith.constant 1 : i32
      %add3A_395 = arith.addi %mul3A_36, %add3A_394 : i32
      %dma_wait3A_396 = arith.constant 0 : i32
      %dma_wait3A_397 = tpu.memref_slice %arg10[%add3A_395, %dma_wait3A_396] : memref<32x56xi32, #tpu.memory_space<vmem>> -> memref<1x56xi32, #tpu.memory_space<vmem>>
      %dma_wait3A_398 = tpu.memref_squeeze %dma_wait3A_397 : memref<1x56xi32, #tpu.memory_space<vmem>> -> memref<56xi32, #tpu.memory_space<vmem>>
      %dma_wait3A_399 = arith.constant 0 : i32
      %dma_wait3A_400 = arith.constant 0 : i32
      %dma_wait3A_401 = tpu.memref_slice %arg6[%dma_wait3A_399, %dma_wait3A_400] : memref<100000x1032xf32, #tpu.memory_space<hbm>> -> memref<100000x1032xf32, #tpu.memory_space<hbm>>
      tpu.wait_indirect_dma semaphore(%arg17 : memref<!tpu.dma_semaphore, #tpu.memory_space<semaphore_mem>>) src(%dma_wait3A_401 : memref<100000x1032xf32, #tpu.memory_space<hbm>>) dst(%arg13 : memref<56x1032xf32, #tpu.memory_space<vmem>>)
      %add3A_402 = arith.constant 1 : i32
      %add3A_403 = arith.addi %mul3A_36, %add3A_402 : i32
      %rem3A_404 = arith.constant 8 : i32
      %rem3A_405 = arith.remsi %add3A_403, %rem3A_404 : i32
      %mul3A_406 = arith.constant 56 : i32
      %mul3A_407 = arith.muli %add3A_403, %mul3A_406 : i32
      %broadcast_in_dim3A_408 = vector.broadcast %mul3A_407 : i32 to vector<16xi32>
      %get3A_409 = arith.constant 0 : index
      %get3A_410 = tpu.vector_load %arg14[%get3A_409] {strides = array<i32>} : memref<1032xf32, #tpu.memory_space<vmem>>, vector<16xf32>,
      %get3A_411 = arith.constant 16 : index
      %get3A_412 = tpu.vector_load %arg14[%get3A_411] {strides = array<i32>} : memref<1032xf32, #tpu.memory_space<vmem>>, vector<16xf32>,
      %get3A_413 = arith.constant 32 : index
      %get3A_414 = tpu.vector_load %arg14[%get3A_413] {strides = array<i32>} : memref<1032xf32, #tpu.memory_space<vmem>>, vector<16xf32>,
      %get3A_415 = arith.constant 48 : index
      %get3A_416 = tpu.vector_load %arg14[%get3A_415] {strides = array<i32>} : memref<1032xf32, #tpu.memory_space<vmem>>, vector<16xf32>,
      %get3A_417 = arith.constant 64 : index
      %get3A_418 = tpu.vector_load %arg14[%get3A_417] {strides = array<i32>} : memref<1032xf32, #tpu.memory_space<vmem>>, vector<16xf32>,
      %get3A_419 = arith.constant 80 : index
      %get3A_420 = tpu.vector_load %arg14[%get3A_419] {strides = array<i32>} : memref<1032xf32, #tpu.memory_space<vmem>>, vector<16xf32>,
      %get3A_421 = arith.constant 96 : index
      %get3A_422 = tpu.vector_load %arg14[%get3A_421] {strides = array<i32>} : memref<1032xf32, #tpu.memory_space<vmem>>, vector<16xf32>,
      %get3A_423 = arith.constant 112 : index
      %get3A_424 = tpu.vector_load %arg14[%get3A_423] {strides = array<i32>} : memref<1032xf32, #tpu.memory_space<vmem>>, vector<16xf32>,
      %get3A_425 = arith.constant 128 : index
      %get3A_426 = tpu.vector_load %arg14[%get3A_425] {strides = array<i32>} : memref<1032xf32, #tpu.memory_space<vmem>>, vector<16xf32>,
      %get3A_427 = arith.constant 144 : index
      %get3A_428 = tpu.vector_load %arg14[%get3A_427] {strides = array<i32>} : memref<1032xf32, #tpu.memory_space<vmem>>, vector<16xf32>,
      %get3A_429 = arith.constant 160 : index
      %get3A_430 = tpu.vector_load %arg14[%get3A_429] {strides = array<i32>} : memref<1032xf32, #tpu.memory_space<vmem>>, vector<16xf32>,
      %get3A_431 = arith.constant 176 : index
      %get3A_432 = tpu.vector_load %arg14[%get3A_431] {strides = array<i32>} : memref<1032xf32, #tpu.memory_space<vmem>>, vector<16xf32>,
      %get3A_433 = arith.constant 192 : index
      %get3A_434 = tpu.vector_load %arg14[%get3A_433] {strides = array<i32>} : memref<1032xf32, #tpu.memory_space<vmem>>, vector<16xf32>,
      %get3A_435 = arith.constant 208 : index
      %get3A_436 = tpu.vector_load %arg14[%get3A_435] {strides = array<i32>} : memref<1032xf32, #tpu.memory_space<vmem>>, vector<16xf32>,
      %get3A_437 = arith.constant 224 : index
      %get3A_438 = tpu.vector_load %arg14[%get3A_437] {strides = array<i32>} : memref<1032xf32, #tpu.memory_space<vmem>>, vector<16xf32>,
      %get3A_439 = arith.constant 240 : index
      %get3A_440 = tpu.vector_load %arg14[%get3A_439] {strides = array<i32>} : memref<1032xf32, #tpu.memory_space<vmem>>, vector<16xf32>,
      %get3A_441 = arith.constant 256 : index
      %get3A_442 = tpu.vector_load %arg14[%get3A_441] {strides = array<i32>} : memref<1032xf32, #tpu.memory_space<vmem>>, vector<16xf32>,
      %get3A_443 = arith.constant 272 : index
      %get3A_444 = tpu.vector_load %arg14[%get3A_443] {strides = array<i32>} : memref<1032xf32, #tpu.memory_space<vmem>>, vector<16xf32>,
      %get3A_445 = arith.constant 288 : index
      %get3A_446 = tpu.vector_load %arg14[%get3A_445] {strides = array<i32>} : memref<1032xf32, #tpu.memory_space<vmem>>, vector<16xf32>,
      %get3A_447 = arith.constant 304 : index
      %get3A_448 = tpu.vector_load %arg14[%get3A_447] {strides = array<i32>} : memref<1032xf32, #tpu.memory_space<vmem>>, vector<16xf32>,
      %get3A_449 = arith.constant 320 : index
      %get3A_450 = tpu.vector_load %arg14[%get3A_449] {strides = array<i32>} : memref<1032xf32, #tpu.memory_space<vmem>>, vector<16xf32>,
      %get3A_451 = arith.constant 336 : index
      %get3A_452 = tpu.vector_load %arg14[%get3A_451] {strides = array<i32>} : memref<1032xf32, #tpu.memory_space<vmem>>, vector<16xf32>,
      %get3A_453 = arith.constant 352 : index
      %get3A_454 = tpu.vector_load %arg14[%get3A_453] {strides = array<i32>} : memref<1032xf32, #tpu.memory_space<vmem>>, vector<16xf32>,
      %get3A_455 = arith.constant 368 : index
      %get3A_456 = tpu.vector_load %arg14[%get3A_455] {strides = array<i32>} : memref<1032xf32, #tpu.memory_space<vmem>>, vector<16xf32>,
      %get3A_457 = arith.constant 384 : index
      %get3A_458 = tpu.vector_load %arg14[%get3A_457] {strides = array<i32>} : memref<1032xf32, #tpu.memory_space<vmem>>, vector<16xf32>,
      %get3A_459 = arith.constant 400 : index
      %get3A_460 = tpu.vector_load %arg14[%get3A_459] {strides = array<i32>} : memref<1032xf32, #tpu.memory_space<vmem>>, vector<16xf32>,
      %get3A_461 = arith.constant 416 : index
      %get3A_462 = tpu.vector_load %arg14[%get3A_461] {strides = array<i32>} : memref<1032xf32, #tpu.memory_space<vmem>>, vector<16xf32>,
      %get3A_463 = arith.constant 432 : index
      %get3A_464 = tpu.vector_load %arg14[%get3A_463] {strides = array<i32>} : memref<1032xf32, #tpu.memory_space<vmem>>, vector<16xf32>,
      %get3A_465 = arith.constant 448 : index
      %get3A_466 = tpu.vector_load %arg14[%get3A_465] {strides = array<i32>} : memref<1032xf32, #tpu.memory_space<vmem>>, vector<16xf32>,
      %get3A_467 = arith.constant 464 : index
      %get3A_468 = tpu.vector_load %arg14[%get3A_467] {strides = array<i32>} : memref<1032xf32, #tpu.memory_space<vmem>>, vector<16xf32>,
      %get3A_469 = arith.constant 480 : index
      %get3A_470 = tpu.vector_load %arg14[%get3A_469] {strides = array<i32>} : memref<1032xf32, #tpu.memory_space<vmem>>, vector<16xf32>,
      %get3A_471 = arith.constant 496 : index
      %get3A_472 = tpu.vector_load %arg14[%get3A_471] {strides = array<i32>} : memref<1032xf32, #tpu.memory_space<vmem>>, vector<16xf32>,
      %get3A_473 = arith.constant 512 : index
      %get3A_474 = tpu.vector_load %arg14[%get3A_473] {strides = array<i32>} : memref<1032xf32, #tpu.memory_space<vmem>>, vector<16xf32>,
      %scan3A_475 = arith.constant 0 : i32
      %scan3A_476 = arith.constant 50 : i32
      %scan3A_477 = arith.addi %scan3A_475, %scan3A_476 : i32
      %scan3A_478 = arith.constant 1 : i32
      %scan3A_479:33 = scf.for %scan3A_752 = %scan3A_475 to %scan3A_477 step %scan3A_478 iter_args(%scan3A_753 = %get3A_410, %scan3A_754 = %get3A_412, %scan3A_755 = %get3A_414, %scan3A_756 = %get3A_416, %scan3A_757 = %get3A_418, %scan3A_758 = %get3A_420, %scan3A_759 = %get3A_422, %scan3A_760 = %get3A_424, %scan3A_761 = %get3A_426, %scan3A_762 = %get3A_428, %scan3A_763 = %get3A_430, %scan3A_764 = %get3A_432, %scan3A_765 = %get3A_434, %scan3A_766 = %get3A_436, %scan3A_767 = %get3A_438, %scan3A_768 = %get3A_440, %scan3A_769 = %get3A_442, %scan3A_770 = %get3A_444, %scan3A_771 = %get3A_446, %scan3A_772 = %get3A_448, %scan3A_773 = %get3A_450, %scan3A_774 = %get3A_452, %scan3A_775 = %get3A_454, %scan3A_776 = %get3A_456, %scan3A_777 = %get3A_458, %scan3A_778 = %get3A_460, %scan3A_779 = %get3A_462, %scan3A_780 = %get3A_464, %scan3A_781 = %get3A_466, %scan3A_782 = %get3A_468, %scan3A_783 = %get3A_470, %scan3A_784 = %get3A_472, %scan3A_785 = %get3A_474) -> (vector<16xf32>, vector<16xf32>, vector<16xf32>, vector<16xf32>, vector<16xf32>, vector<16xf32>, vector<16xf32>, vector<16xf32>, vector<16xf32>, vector<16xf32>, vector<16xf32>, vector<16xf32>, vector<16xf32>, vector<16xf32>, vector<16xf32>, vector<16xf32>, vector<16xf32>, vector<16xf32>, vector<16xf32>, vector<16xf32>, vector<16xf32>, vector<16xf32>, vector<16xf32>, vector<16xf32>, vector<16xf32>, vector<16xf32>, vector<16xf32>, vector<16xf32>, vector<16xf32>, vector<16xf32>, vector<16xf32>, vector<16xf32>, vector<16xf32>)  : i32 {
        %add3A_786 = vector.broadcast %scan3A_752 : i32 to vector<16xi32>
        %add3A_787 = arith.addi %broadcast_in_dim3A_408, %add3A_786 : vector<16xi32>
        %gather3A = tpu.vector_load_idx %arg11[%add3A_787] : memref<1792xf32, #tpu.memory_space<vmem>>[vector<16xi32>], vector<16xf32>,
        %get3A_788 = arith.index_cast %scan3A_752 : i32 to index
        %get3A_789 = arith.constant 0 : index
        %get3A_790 = tpu.vector_load %arg13[%get3A_788, %get3A_789] {strides = array<i32>} : memref<56x1032xf32, #tpu.memory_space<vmem>>, vector<16xf32>,
        %mul3A_791 = arith.mulf %gather3A, %get3A_790 : vector<16xf32>
        %add3A_792 = arith.addf %scan3A_753, %mul3A_791 : vector<16xf32>
        %get3A_793 = arith.index_cast %scan3A_752 : i32 to index
        %get3A_794 = arith.constant 16 : index
        %get3A_795 = tpu.vector_load %arg13[%get3A_793, %get3A_794] {strides = array<i32>} : memref<56x1032xf32, #tpu.memory_space<vmem>>, vector<16xf32>,
        %mul3A_796 = arith.mulf %gather3A, %get3A_795 : vector<16xf32>
        %add3A_797 = arith.addf %scan3A_754, %mul3A_796 : vector<16xf32>
        %get3A_798 = arith.index_cast %scan3A_752 : i32 to index
        %get3A_799 = arith.constant 32 : index
        %get3A_800 = tpu.vector_load %arg13[%get3A_798, %get3A_799] {strides = array<i32>} : memref<56x1032xf32, #tpu.memory_space<vmem>>, vector<16xf32>,
        %mul3A_801 = arith.mulf %gather3A, %get3A_800 : vector<16xf32>
        %add3A_802 = arith.addf %scan3A_755, %mul3A_801 : vector<16xf32>
        %get3A_803 = arith.index_cast %scan3A_752 : i32 to index
        %get3A_804 = arith.constant 48 : index
        %get3A_805 = tpu.vector_load %arg13[%get3A_803, %get3A_804] {strides = array<i32>} : memref<56x1032xf32, #tpu.memory_space<vmem>>, vector<16xf32>,
        %mul3A_806 = arith.mulf %gather3A, %get3A_805 : vector<16xf32>
        %add3A_807 = arith.addf %scan3A_756, %mul3A_806 : vector<16xf32>
        %get3A_808 = arith.index_cast %scan3A_752 : i32 to index
        %get3A_809 = arith.constant 64 : index
        %get3A_810 = tpu.vector_load %arg13[%get3A_808, %get3A_809] {strides = array<i32>} : memref<56x1032xf32, #tpu.memory_space<vmem>>, vector<16xf32>,
        %mul3A_811 = arith.mulf %gather3A, %get3A_810 : vector<16xf32>
        %add3A_812 = arith.addf %scan3A_757, %mul3A_811 : vector<16xf32>
        %get3A_813 = arith.index_cast %scan3A_752 : i32 to index
        %get3A_814 = arith.constant 80 : index
        %get3A_815 = tpu.vector_load %arg13[%get3A_813, %get3A_814] {strides = array<i32>} : memref<56x1032xf32, #tpu.memory_space<vmem>>, vector<16xf32>,
        %mul3A_816 = arith.mulf %gather3A, %get3A_815 : vector<16xf32>
        %add3A_817 = arith.addf %scan3A_758, %mul3A_816 : vector<16xf32>
        %get3A_818 = arith.index_cast %scan3A_752 : i32 to index
        %get3A_819 = arith.constant 96 : index
        %get3A_820 = tpu.vector_load %arg13[%get3A_818, %get3A_819] {strides = array<i32>} : memref<56x1032xf32, #tpu.memory_space<vmem>>, vector<16xf32>,
        %mul3A_821 = arith.mulf %gather3A, %get3A_820 : vector<16xf32>
        %add3A_822 = arith.addf %scan3A_759, %mul3A_821 : vector<16xf32>
        %get3A_823 = arith.index_cast %scan3A_752 : i32 to index
        %get3A_824 = arith.constant 112 : index
        %get3A_825 = tpu.vector_load %arg13[%get3A_823, %get3A_824] {strides = array<i32>} : memref<56x1032xf32, #tpu.memory_space<vmem>>, vector<16xf32>,
        %mul3A_826 = arith.mulf %gather3A, %get3A_825 : vector<16xf32>
        %add3A_827 = arith.addf %scan3A_760, %mul3A_826 : vector<16xf32>
        %get3A_828 = arith.index_cast %scan3A_752 : i32 to index
        %get3A_829 = arith.constant 128 : index
        %get3A_830 = tpu.vector_load %arg13[%get3A_828, %get3A_829] {strides = array<i32>} : memref<56x1032xf32, #tpu.memory_space<vmem>>, vector<16xf32>,
        %mul3A_831 = arith.mulf %gather3A, %get3A_830 : vector<16xf32>
        %add3A_832 = arith.addf %scan3A_761, %mul3A_831 : vector<16xf32>
        %get3A_833 = arith.index_cast %scan3A_752 : i32 to index
        %get3A_834 = arith.constant 144 : index
        %get3A_835 = tpu.vector_load %arg13[%get3A_833, %get3A_834] {strides = array<i32>} : memref<56x1032xf32, #tpu.memory_space<vmem>>, vector<16xf32>,
        %mul3A_836 = arith.mulf %gather3A, %get3A_835 : vector<16xf32>
        %add3A_837 = arith.addf %scan3A_762, %mul3A_836 : vector<16xf32>
        %get3A_838 = arith.index_cast %scan3A_752 : i32 to index
        %get3A_839 = arith.constant 160 : index
        %get3A_840 = tpu.vector_load %arg13[%get3A_838, %get3A_839] {strides = array<i32>} : memref<56x1032xf32, #tpu.memory_space<vmem>>, vector<16xf32>,
        %mul3A_841 = arith.mulf %gather3A, %get3A_840 : vector<16xf32>
        %add3A_842 = arith.addf %scan3A_763, %mul3A_841 : vector<16xf32>
        %get3A_843 = arith.index_cast %scan3A_752 : i32 to index
        %get3A_844 = arith.constant 176 : index
        %get3A_845 = tpu.vector_load %arg13[%get3A_843, %get3A_844] {strides = array<i32>} : memref<56x1032xf32, #tpu.memory_space<vmem>>, vector<16xf32>,
        %mul3A_846 = arith.mulf %gather3A, %get3A_845 : vector<16xf32>
        %add3A_847 = arith.addf %scan3A_764, %mul3A_846 : vector<16xf32>
        %get3A_848 = arith.index_cast %scan3A_752 : i32 to index
        %get3A_849 = arith.constant 192 : index
        %get3A_850 = tpu.vector_load %arg13[%get3A_848, %get3A_849] {strides = array<i32>} : memref<56x1032xf32, #tpu.memory_space<vmem>>, vector<16xf32>,
        %mul3A_851 = arith.mulf %gather3A, %get3A_850 : vector<16xf32>
        %add3A_852 = arith.addf %scan3A_765, %mul3A_851 : vector<16xf32>
        %get3A_853 = arith.index_cast %scan3A_752 : i32 to index
        %get3A_854 = arith.constant 208 : index
        %get3A_855 = tpu.vector_load %arg13[%get3A_853, %get3A_854] {strides = array<i32>} : memref<56x1032xf32, #tpu.memory_space<vmem>>, vector<16xf32>,
        %mul3A_856 = arith.mulf %gather3A, %get3A_855 : vector<16xf32>
        %add3A_857 = arith.addf %scan3A_766, %mul3A_856 : vector<16xf32>
        %get3A_858 = arith.index_cast %scan3A_752 : i32 to index
        %get3A_859 = arith.constant 224 : index
        %get3A_860 = tpu.vector_load %arg13[%get3A_858, %get3A_859] {strides = array<i32>} : memref<56x1032xf32, #tpu.memory_space<vmem>>, vector<16xf32>,
        %mul3A_861 = arith.mulf %gather3A, %get3A_860 : vector<16xf32>
        %add3A_862 = arith.addf %scan3A_767, %mul3A_861 : vector<16xf32>
        %get3A_863 = arith.index_cast %scan3A_752 : i32 to index
        %get3A_864 = arith.constant 240 : index
        %get3A_865 = tpu.vector_load %arg13[%get3A_863, %get3A_864] {strides = array<i32>} : memref<56x1032xf32, #tpu.memory_space<vmem>>, vector<16xf32>,
        %mul3A_866 = arith.mulf %gather3A, %get3A_865 : vector<16xf32>
        %add3A_867 = arith.addf %scan3A_768, %mul3A_866 : vector<16xf32>
        %get3A_868 = arith.index_cast %scan3A_752 : i32 to index
        %get3A_869 = arith.constant 256 : index
        %get3A_870 = tpu.vector_load %arg13[%get3A_868, %get3A_869] {strides = array<i32>} : memref<56x1032xf32, #tpu.memory_space<vmem>>, vector<16xf32>,
        %mul3A_871 = arith.mulf %gather3A, %get3A_870 : vector<16xf32>
        %add3A_872 = arith.addf %scan3A_769, %mul3A_871 : vector<16xf32>
        %get3A_873 = arith.index_cast %scan3A_752 : i32 to index
        %get3A_874 = arith.constant 272 : index
        %get3A_875 = tpu.vector_load %arg13[%get3A_873, %get3A_874] {strides = array<i32>} : memref<56x1032xf32, #tpu.memory_space<vmem>>, vector<16xf32>,
        %mul3A_876 = arith.mulf %gather3A, %get3A_875 : vector<16xf32>
        %add3A_877 = arith.addf %scan3A_770, %mul3A_876 : vector<16xf32>
        %get3A_878 = arith.index_cast %scan3A_752 : i32 to index
        %get3A_879 = arith.constant 288 : index
        %get3A_880 = tpu.vector_load %arg13[%get3A_878, %get3A_879] {strides = array<i32>} : memref<56x1032xf32, #tpu.memory_space<vmem>>, vector<16xf32>,
        %mul3A_881 = arith.mulf %gather3A, %get3A_880 : vector<16xf32>
        %add3A_882 = arith.addf %scan3A_771, %mul3A_881 : vector<16xf32>
        %get3A_883 = arith.index_cast %scan3A_752 : i32 to index
        %get3A_884 = arith.constant 304 : index
        %get3A_885 = tpu.vector_load %arg13[%get3A_883, %get3A_884] {strides = array<i32>} : memref<56x1032xf32, #tpu.memory_space<vmem>>, vector<16xf32>,
        %mul3A_886 = arith.mulf %gather3A, %get3A_885 : vector<16xf32>
        %add3A_887 = arith.addf %scan3A_772, %mul3A_886 : vector<16xf32>
        %get3A_888 = arith.index_cast %scan3A_752 : i32 to index
        %get3A_889 = arith.constant 320 : index
        %get3A_890 = tpu.vector_load %arg13[%get3A_888, %get3A_889] {strides = array<i32>} : memref<56x1032xf32, #tpu.memory_space<vmem>>, vector<16xf32>,
        %mul3A_891 = arith.mulf %gather3A, %get3A_890 : vector<16xf32>
        %add3A_892 = arith.addf %scan3A_773, %mul3A_891 : vector<16xf32>
        %get3A_893 = arith.index_cast %scan3A_752 : i32 to index
        %get3A_894 = arith.constant 336 : index
        %get3A_895 = tpu.vector_load %arg13[%get3A_893, %get3A_894] {strides = array<i32>} : memref<56x1032xf32, #tpu.memory_space<vmem>>, vector<16xf32>,
        %mul3A_896 = arith.mulf %gather3A, %get3A_895 : vector<16xf32>
        %add3A_897 = arith.addf %scan3A_774, %mul3A_896 : vector<16xf32>
        %get3A_898 = arith.index_cast %scan3A_752 : i32 to index
        %get3A_899 = arith.constant 352 : index
        %get3A_900 = tpu.vector_load %arg13[%get3A_898, %get3A_899] {strides = array<i32>} : memref<56x1032xf32, #tpu.memory_space<vmem>>, vector<16xf32>,
        %mul3A_901 = arith.mulf %gather3A, %get3A_900 : vector<16xf32>
        %add3A_902 = arith.addf %scan3A_775, %mul3A_901 : vector<16xf32>
        %get3A_903 = arith.index_cast %scan3A_752 : i32 to index
        %get3A_904 = arith.constant 368 : index
        %get3A_905 = tpu.vector_load %arg13[%get3A_903, %get3A_904] {strides = array<i32>} : memref<56x1032xf32, #tpu.memory_space<vmem>>, vector<16xf32>,
        %mul3A_906 = arith.mulf %gather3A, %get3A_905 : vector<16xf32>
        %add3A_907 = arith.addf %scan3A_776, %mul3A_906 : vector<16xf32>
        %get3A_908 = arith.index_cast %scan3A_752 : i32 to index
        %get3A_909 = arith.constant 384 : index
        %get3A_910 = tpu.vector_load %arg13[%get3A_908, %get3A_909] {strides = array<i32>} : memref<56x1032xf32, #tpu.memory_space<vmem>>, vector<16xf32>,
        %mul3A_911 = arith.mulf %gather3A, %get3A_910 : vector<16xf32>
        %add3A_912 = arith.addf %scan3A_777, %mul3A_911 : vector<16xf32>
        %get3A_913 = arith.index_cast %scan3A_752 : i32 to index
        %get3A_914 = arith.constant 400 : index
        %get3A_915 = tpu.vector_load %arg13[%get3A_913, %get3A_914] {strides = array<i32>} : memref<56x1032xf32, #tpu.memory_space<vmem>>, vector<16xf32>,
        %mul3A_916 = arith.mulf %gather3A, %get3A_915 : vector<16xf32>
        %add3A_917 = arith.addf %scan3A_778, %mul3A_916 : vector<16xf32>
        %get3A_918 = arith.index_cast %scan3A_752 : i32 to index
        %get3A_919 = arith.constant 416 : index
        %get3A_920 = tpu.vector_load %arg13[%get3A_918, %get3A_919] {strides = array<i32>} : memref<56x1032xf32, #tpu.memory_space<vmem>>, vector<16xf32>,
        %mul3A_921 = arith.mulf %gather3A, %get3A_920 : vector<16xf32>
        %add3A_922 = arith.addf %scan3A_779, %mul3A_921 : vector<16xf32>
        %get3A_923 = arith.index_cast %scan3A_752 : i32 to index
        %get3A_924 = arith.constant 432 : index
        %get3A_925 = tpu.vector_load %arg13[%get3A_923, %get3A_924] {strides = array<i32>} : memref<56x1032xf32, #tpu.memory_space<vmem>>, vector<16xf32>,
        %mul3A_926 = arith.mulf %gather3A, %get3A_925 : vector<16xf32>
        %add3A_927 = arith.addf %scan3A_780, %mul3A_926 : vector<16xf32>
        %get3A_928 = arith.index_cast %scan3A_752 : i32 to index
        %get3A_929 = arith.constant 448 : index
        %get3A_930 = tpu.vector_load %arg13[%get3A_928, %get3A_929] {strides = array<i32>} : memref<56x1032xf32, #tpu.memory_space<vmem>>, vector<16xf32>,
        %mul3A_931 = arith.mulf %gather3A, %get3A_930 : vector<16xf32>
        %add3A_932 = arith.addf %scan3A_781, %mul3A_931 : vector<16xf32>
        %get3A_933 = arith.index_cast %scan3A_752 : i32 to index
        %get3A_934 = arith.constant 464 : index
        %get3A_935 = tpu.vector_load %arg13[%get3A_933, %get3A_934] {strides = array<i32>} : memref<56x1032xf32, #tpu.memory_space<vmem>>, vector<16xf32>,
        %mul3A_936 = arith.mulf %gather3A, %get3A_935 : vector<16xf32>
        %add3A_937 = arith.addf %scan3A_782, %mul3A_936 : vector<16xf32>
        %get3A_938 = arith.index_cast %scan3A_752 : i32 to index
        %get3A_939 = arith.constant 480 : index
        %get3A_940 = tpu.vector_load %arg13[%get3A_938, %get3A_939] {strides = array<i32>} : memref<56x1032xf32, #tpu.memory_space<vmem>>, vector<16xf32>,
        %mul3A_941 = arith.mulf %gather3A, %get3A_940 : vector<16xf32>
        %add3A_942 = arith.addf %scan3A_783, %mul3A_941 : vector<16xf32>
        %get3A_943 = arith.index_cast %scan3A_752 : i32 to index
        %get3A_944 = arith.constant 496 : index
        %get3A_945 = tpu.vector_load %arg13[%get3A_943, %get3A_944] {strides = array<i32>} : memref<56x1032xf32, #tpu.memory_space<vmem>>, vector<16xf32>,
        %mul3A_946 = arith.mulf %gather3A, %get3A_945 : vector<16xf32>
        %add3A_947 = arith.addf %scan3A_784, %mul3A_946 : vector<16xf32>
        %get3A_948 = arith.index_cast %scan3A_752 : i32 to index
        %get3A_949 = arith.constant 512 : index
        %get3A_950 = tpu.vector_load %arg13[%get3A_948, %get3A_949] {strides = array<i32>} : memref<56x1032xf32, #tpu.memory_space<vmem>>, vector<16xf32>,
        %mul3A_951 = arith.mulf %gather3A, %get3A_950 : vector<16xf32>
        %add3A_952 = arith.addf %scan3A_785, %mul3A_951 : vector<16xf32>
        scf.yield %add3A_792, %add3A_797, %add3A_802, %add3A_807, %add3A_812, %add3A_817, %add3A_822, %add3A_827, %add3A_832, %add3A_837, %add3A_842, %add3A_847, %add3A_852, %add3A_857, %add3A_862, %add3A_867, %add3A_872, %add3A_877, %add3A_882, %add3A_887, %add3A_892, %add3A_897, %add3A_902, %add3A_907, %add3A_912, %add3A_917, %add3A_922, %add3A_927, %add3A_932, %add3A_937, %add3A_942, %add3A_947, %add3A_952 : vector<16xf32>, vector<16xf32>, vector<16xf32>, vector<16xf32>, vector<16xf32>, vector<16xf32>, vector<16xf32>, vector<16xf32>, vector<16xf32>, vector<16xf32>, vector<16xf32>, vector<16xf32>, vector<16xf32>, vector<16xf32>, vector<16xf32>, vector<16xf32>, vector<16xf32>, vector<16xf32>, vector<16xf32>, vector<16xf32>, vector<16xf32>, vector<16xf32>, vector<16xf32>, vector<16xf32>, vector<16xf32>, vector<16xf32>, vector<16xf32>, vector<16xf32>, vector<16xf32>, vector<16xf32>, vector<16xf32>, vector<16xf32>, vector<16xf32>
      }
      %scan3A_480 = arith.constant 50 : i32
      %swap3A_481 = arith.index_cast %rem3A_405 : i32 to index
      %swap3A_482 = arith.constant 0 : index
      %swap3A_483 = tpu.vector_load %arg15[%swap3A_481, %swap3A_482] {strides = array<i32>} : memref<8x1032xf32, #tpu.memory_space<vmem>>, vector<16xf32>,
      tpu.vector_store %arg15[%swap3A_481, %swap3A_482], %scan3A_479#0 {strides = array<i32>} : memref<8x1032xf32, #tpu.memory_space<vmem>>, vector<16xf32>,
      %swap3A_484 = arith.index_cast %rem3A_405 : i32 to index
      %swap3A_485 = arith.constant 16 : index
      %swap3A_486 = tpu.vector_load %arg15[%swap3A_484, %swap3A_485] {strides = array<i32>} : memref<8x1032xf32, #tpu.memory_space<vmem>>, vector<16xf32>,
      tpu.vector_store %arg15[%swap3A_484, %swap3A_485], %scan3A_479#1 {strides = array<i32>} : memref<8x1032xf32, #tpu.memory_space<vmem>>, vector<16xf32>,
      %swap3A_487 = arith.index_cast %rem3A_405 : i32 to index
      %swap3A_488 = arith.constant 32 : index
      %swap3A_489 = tpu.vector_load %arg15[%swap3A_487, %swap3A_488] {strides = array<i32>} : memref<8x1032xf32, #tpu.memory_space<vmem>>, vector<16xf32>,
      tpu.vector_store %arg15[%swap3A_487, %swap3A_488], %scan3A_479#2 {strides = array<i32>} : memref<8x1032xf32, #tpu.memory_space<vmem>>, vector<16xf32>,
      %swap3A_490 = arith.index_cast %rem3A_405 : i32 to index
      %swap3A_491 = arith.constant 48 : index
      %swap3A_492 = tpu.vector_load %arg15[%swap3A_490, %swap3A_491] {strides = array<i32>} : memref<8x1032xf32, #tpu.memory_space<vmem>>, vector<16xf32>,
      tpu.vector_store %arg15[%swap3A_490, %swap3A_491], %scan3A_479#3 {strides = array<i32>} : memref<8x1032xf32, #tpu.memory_space<vmem>>, vector<16xf32>,
      %swap3A_493 = arith.index_cast %rem3A_405 : i32 to index
      %swap3A_494 = arith.constant 64 : index
      %swap3A_495 = tpu.vector_load %arg15[%swap3A_493, %swap3A_494] {strides = array<i32>} : memref<8x1032xf32, #tpu.memory_space<vmem>>, vector<16xf32>,
      tpu.vector_store %arg15[%swap3A_493, %swap3A_494], %scan3A_479#4 {strides = array<i32>} : memref<8x1032xf32, #tpu.memory_space<vmem>>, vector<16xf32>,
      %swap3A_496 = arith.index_cast %rem3A_405 : i32 to index
      %swap3A_497 = arith.constant 80 : index
      %swap3A_498 = tpu.vector_load %arg15[%swap3A_496, %swap3A_497] {strides = array<i32>} : memref<8x1032xf32, #tpu.memory_space<vmem>>, vector<16xf32>,
      tpu.vector_store %arg15[%swap3A_496, %swap3A_497], %scan3A_479#5 {strides = array<i32>} : memref<8x1032xf32, #tpu.memory_space<vmem>>, vector<16xf32>,
      %swap3A_499 = arith.index_cast %rem3A_405 : i32 to index
      %swap3A_500 = arith.constant 96 : index
      %swap3A_501 = tpu.vector_load %arg15[%swap3A_499, %swap3A_500] {strides = array<i32>} : memref<8x1032xf32, #tpu.memory_space<vmem>>, vector<16xf32>,
      tpu.vector_store %arg15[%swap3A_499, %swap3A_500], %scan3A_479#6 {strides = array<i32>} : memref<8x1032xf32, #tpu.memory_space<vmem>>, vector<16xf32>,
      %swap3A_502 = arith.index_cast %rem3A_405 : i32 to index
      %swap3A_503 = arith.constant 112 : index
      %swap3A_504 = tpu.vector_load %arg15[%swap3A_502, %swap3A_503] {strides = array<i32>} : memref<8x1032xf32, #tpu.memory_space<vmem>>, vector<16xf32>,
      tpu.vector_store %arg15[%swap3A_502, %swap3A_503], %scan3A_479#7 {strides = array<i32>} : memref<8x1032xf32, #tpu.memory_space<vmem>>, vector<16xf32>,
      %swap3A_505 = arith.index_cast %rem3A_405 : i32 to index
      %swap3A_506 = arith.constant 128 : index
      %swap3A_507 = tpu.vector_load %arg15[%swap3A_505, %swap3A_506] {strides = array<i32>} : memref<8x1032xf32, #tpu.memory_space<vmem>>, vector<16xf32>,
      tpu.vector_store %arg15[%swap3A_505, %swap3A_506], %scan3A_479#8 {strides = array<i32>} : memref<8x1032xf32, #tpu.memory_space<vmem>>, vector<16xf32>,
      %swap3A_508 = arith.index_cast %rem3A_405 : i32 to index
      %swap3A_509 = arith.constant 144 : index
      %swap3A_510 = tpu.vector_load %arg15[%swap3A_508, %swap3A_509] {strides = array<i32>} : memref<8x1032xf32, #tpu.memory_space<vmem>>, vector<16xf32>,
      tpu.vector_store %arg15[%swap3A_508, %swap3A_509], %scan3A_479#9 {strides = array<i32>} : memref<8x1032xf32, #tpu.memory_space<vmem>>, vector<16xf32>,
      %swap3A_511 = arith.index_cast %rem3A_405 : i32 to index
      %swap3A_512 = arith.constant 160 : index
      %swap3A_513 = tpu.vector_load %arg15[%swap3A_511, %swap3A_512] {strides = array<i32>} : memref<8x1032xf32, #tpu.memory_space<vmem>>, vector<16xf32>,
      tpu.vector_store %arg15[%swap3A_511, %swap3A_512], %scan3A_479#10 {strides = array<i32>} : memref<8x1032xf32, #tpu.memory_space<vmem>>, vector<16xf32>,
      %swap3A_514 = arith.index_cast %rem3A_405 : i32 to index
      %swap3A_515 = arith.constant 176 : index
      %swap3A_516 = tpu.vector_load %arg15[%swap3A_514, %swap3A_515] {strides = array<i32>} : memref<8x1032xf32, #tpu.memory_space<vmem>>, vector<16xf32>,
      tpu.vector_store %arg15[%swap3A_514, %swap3A_515], %scan3A_479#11 {strides = array<i32>} : memref<8x1032xf32, #tpu.memory_space<vmem>>, vector<16xf32>,
      %swap3A_517 = arith.index_cast %rem3A_405 : i32 to index
      %swap3A_518 = arith.constant 192 : index
      %swap3A_519 = tpu.vector_load %arg15[%swap3A_517, %swap3A_518] {strides = array<i32>} : memref<8x1032xf32, #tpu.memory_space<vmem>>, vector<16xf32>,
      tpu.vector_store %arg15[%swap3A_517, %swap3A_518], %scan3A_479#12 {strides = array<i32>} : memref<8x1032xf32, #tpu.memory_space<vmem>>, vector<16xf32>,
      %swap3A_520 = arith.index_cast %rem3A_405 : i32 to index
      %swap3A_521 = arith.constant 208 : index
      %swap3A_522 = tpu.vector_load %arg15[%swap3A_520, %swap3A_521] {strides = array<i32>} : memref<8x1032xf32, #tpu.memory_space<vmem>>, vector<16xf32>,
      tpu.vector_store %arg15[%swap3A_520, %swap3A_521], %scan3A_479#13 {strides = array<i32>} : memref<8x1032xf32, #tpu.memory_space<vmem>>, vector<16xf32>,
      %swap3A_523 = arith.index_cast %rem3A_405 : i32 to index
      %swap3A_524 = arith.constant 224 : index
      %swap3A_525 = tpu.vector_load %arg15[%swap3A_523, %swap3A_524] {strides = array<i32>} : memref<8x1032xf32, #tpu.memory_space<vmem>>, vector<16xf32>,
      tpu.vector_store %arg15[%swap3A_523, %swap3A_524], %scan3A_479#14 {strides = array<i32>} : memref<8x1032xf32, #tpu.memory_space<vmem>>, vector<16xf32>,
      %swap3A_526 = arith.index_cast %rem3A_405 : i32 to index
      %swap3A_527 = arith.constant 240 : index
      %swap3A_528 = tpu.vector_load %arg15[%swap3A_526, %swap3A_527] {strides = array<i32>} : memref<8x1032xf32, #tpu.memory_space<vmem>>, vector<16xf32>,
      tpu.vector_store %arg15[%swap3A_526, %swap3A_527], %scan3A_479#15 {strides = array<i32>} : memref<8x1032xf32, #tpu.memory_space<vmem>>, vector<16xf32>,
      %swap3A_529 = arith.index_cast %rem3A_405 : i32 to index
      %swap3A_530 = arith.constant 256 : index
      %swap3A_531 = tpu.vector_load %arg15[%swap3A_529, %swap3A_530] {strides = array<i32>} : memref<8x1032xf32, #tpu.memory_space<vmem>>, vector<16xf32>,
      tpu.vector_store %arg15[%swap3A_529, %swap3A_530], %scan3A_479#16 {strides = array<i32>} : memref<8x1032xf32, #tpu.memory_space<vmem>>, vector<16xf32>,
      %swap3A_532 = arith.index_cast %rem3A_405 : i32 to index
      %swap3A_533 = arith.constant 272 : index
      %swap3A_534 = tpu.vector_load %arg15[%swap3A_532, %swap3A_533] {strides = array<i32>} : memref<8x1032xf32, #tpu.memory_space<vmem>>, vector<16xf32>,
      tpu.vector_store %arg15[%swap3A_532, %swap3A_533], %scan3A_479#17 {strides = array<i32>} : memref<8x1032xf32, #tpu.memory_space<vmem>>, vector<16xf32>,
      %swap3A_535 = arith.index_cast %rem3A_405 : i32 to index
      %swap3A_536 = arith.constant 288 : index
      %swap3A_537 = tpu.vector_load %arg15[%swap3A_535, %swap3A_536] {strides = array<i32>} : memref<8x1032xf32, #tpu.memory_space<vmem>>, vector<16xf32>,
      tpu.vector_store %arg15[%swap3A_535, %swap3A_536], %scan3A_479#18 {strides = array<i32>} : memref<8x1032xf32, #tpu.memory_space<vmem>>, vector<16xf32>,
      %swap3A_538 = arith.index_cast %rem3A_405 : i32 to index
      %swap3A_539 = arith.constant 304 : index
      %swap3A_540 = tpu.vector_load %arg15[%swap3A_538, %swap3A_539] {strides = array<i32>} : memref<8x1032xf32, #tpu.memory_space<vmem>>, vector<16xf32>,
      tpu.vector_store %arg15[%swap3A_538, %swap3A_539], %scan3A_479#19 {strides = array<i32>} : memref<8x1032xf32, #tpu.memory_space<vmem>>, vector<16xf32>,
      %swap3A_541 = arith.index_cast %rem3A_405 : i32 to index
      %swap3A_542 = arith.constant 320 : index
      %swap3A_543 = tpu.vector_load %arg15[%swap3A_541, %swap3A_542] {strides = array<i32>} : memref<8x1032xf32, #tpu.memory_space<vmem>>, vector<16xf32>,
      tpu.vector_store %arg15[%swap3A_541, %swap3A_542], %scan3A_479#20 {strides = array<i32>} : memref<8x1032xf32, #tpu.memory_space<vmem>>, vector<16xf32>,
      %swap3A_544 = arith.index_cast %rem3A_405 : i32 to index
      %swap3A_545 = arith.constant 336 : index
      %swap3A_546 = tpu.vector_load %arg15[%swap3A_544, %swap3A_545] {strides = array<i32>} : memref<8x1032xf32, #tpu.memory_space<vmem>>, vector<16xf32>,
      tpu.vector_store %arg15[%swap3A_544, %swap3A_545], %scan3A_479#21 {strides = array<i32>} : memref<8x1032xf32, #tpu.memory_space<vmem>>, vector<16xf32>,
      %swap3A_547 = arith.index_cast %rem3A_405 : i32 to index
      %swap3A_548 = arith.constant 352 : index
      %swap3A_549 = tpu.vector_load %arg15[%swap3A_547, %swap3A_548] {strides = array<i32>} : memref<8x1032xf32, #tpu.memory_space<vmem>>, vector<16xf32>,
      tpu.vector_store %arg15[%swap3A_547, %swap3A_548], %scan3A_479#22 {strides = array<i32>} : memref<8x1032xf32, #tpu.memory_space<vmem>>, vector<16xf32>,
      %swap3A_550 = arith.index_cast %rem3A_405 : i32 to index
      %swap3A_551 = arith.constant 368 : index
      %swap3A_552 = tpu.vector_load %arg15[%swap3A_550, %swap3A_551] {strides = array<i32>} : memref<8x1032xf32, #tpu.memory_space<vmem>>, vector<16xf32>,
      tpu.vector_store %arg15[%swap3A_550, %swap3A_551], %scan3A_479#23 {strides = array<i32>} : memref<8x1032xf32, #tpu.memory_space<vmem>>, vector<16xf32>,
      %swap3A_553 = arith.index_cast %rem3A_405 : i32 to index
      %swap3A_554 = arith.constant 384 : index
      %swap3A_555 = tpu.vector_load %arg15[%swap3A_553, %swap3A_554] {strides = array<i32>} : memref<8x1032xf32, #tpu.memory_space<vmem>>, vector<16xf32>,
      tpu.vector_store %arg15[%swap3A_553, %swap3A_554], %scan3A_479#24 {strides = array<i32>} : memref<8x1032xf32, #tpu.memory_space<vmem>>, vector<16xf32>,
      %swap3A_556 = arith.index_cast %rem3A_405 : i32 to index
      %swap3A_557 = arith.constant 400 : index
      %swap3A_558 = tpu.vector_load %arg15[%swap3A_556, %swap3A_557] {strides = array<i32>} : memref<8x1032xf32, #tpu.memory_space<vmem>>, vector<16xf32>,
      tpu.vector_store %arg15[%swap3A_556, %swap3A_557], %scan3A_479#25 {strides = array<i32>} : memref<8x1032xf32, #tpu.memory_space<vmem>>, vector<16xf32>,
      %swap3A_559 = arith.index_cast %rem3A_405 : i32 to index
      %swap3A_560 = arith.constant 416 : index
      %swap3A_561 = tpu.vector_load %arg15[%swap3A_559, %swap3A_560] {strides = array<i32>} : memref<8x1032xf32, #tpu.memory_space<vmem>>, vector<16xf32>,
      tpu.vector_store %arg15[%swap3A_559, %swap3A_560], %scan3A_479#26 {strides = array<i32>} : memref<8x1032xf32, #tpu.memory_space<vmem>>, vector<16xf32>,
      %swap3A_562 = arith.index_cast %rem3A_405 : i32 to index
      %swap3A_563 = arith.constant 432 : index
      %swap3A_564 = tpu.vector_load %arg15[%swap3A_562, %swap3A_563] {strides = array<i32>} : memref<8x1032xf32, #tpu.memory_space<vmem>>, vector<16xf32>,
      tpu.vector_store %arg15[%swap3A_562, %swap3A_563], %scan3A_479#27 {strides = array<i32>} : memref<8x1032xf32, #tpu.memory_space<vmem>>, vector<16xf32>,
      %swap3A_565 = arith.index_cast %rem3A_405 : i32 to index
      %swap3A_566 = arith.constant 448 : index
      %swap3A_567 = tpu.vector_load %arg15[%swap3A_565, %swap3A_566] {strides = array<i32>} : memref<8x1032xf32, #tpu.memory_space<vmem>>, vector<16xf32>,
      tpu.vector_store %arg15[%swap3A_565, %swap3A_566], %scan3A_479#28 {strides = array<i32>} : memref<8x1032xf32, #tpu.memory_space<vmem>>, vector<16xf32>,
      %swap3A_568 = arith.index_cast %rem3A_405 : i32 to index
      %swap3A_569 = arith.constant 464 : index
      %swap3A_570 = tpu.vector_load %arg15[%swap3A_568, %swap3A_569] {strides = array<i32>} : memref<8x1032xf32, #tpu.memory_space<vmem>>, vector<16xf32>,
      tpu.vector_store %arg15[%swap3A_568, %swap3A_569], %scan3A_479#29 {strides = array<i32>} : memref<8x1032xf32, #tpu.memory_space<vmem>>, vector<16xf32>,
      %swap3A_571 = arith.index_cast %rem3A_405 : i32 to index
      %swap3A_572 = arith.constant 480 : index
      %swap3A_573 = tpu.vector_load %arg15[%swap3A_571, %swap3A_572] {strides = array<i32>} : memref<8x1032xf32, #tpu.memory_space<vmem>>, vector<16xf32>,
      tpu.vector_store %arg15[%swap3A_571, %swap3A_572], %scan3A_479#30 {strides = array<i32>} : memref<8x1032xf32, #tpu.memory_space<vmem>>, vector<16xf32>,
      %swap3A_574 = arith.index_cast %rem3A_405 : i32 to index
      %swap3A_575 = arith.constant 496 : index
      %swap3A_576 = tpu.vector_load %arg15[%swap3A_574, %swap3A_575] {strides = array<i32>} : memref<8x1032xf32, #tpu.memory_space<vmem>>, vector<16xf32>,
      tpu.vector_store %arg15[%swap3A_574, %swap3A_575], %scan3A_479#31 {strides = array<i32>} : memref<8x1032xf32, #tpu.memory_space<vmem>>, vector<16xf32>,
      %swap3A_577 = arith.index_cast %rem3A_405 : i32 to index
      %swap3A_578 = arith.constant 512 : index
      %swap3A_579 = tpu.vector_load %arg15[%swap3A_577, %swap3A_578] {strides = array<i32>} : memref<8x1032xf32, #tpu.memory_space<vmem>>, vector<16xf32>,
      tpu.vector_store %arg15[%swap3A_577, %swap3A_578], %scan3A_479#32 {strides = array<i32>} : memref<8x1032xf32, #tpu.memory_space<vmem>>, vector<16xf32>,
      %get3A_580 = arith.constant 528 : index
      %get3A_581 = tpu.vector_load %arg14[%get3A_580] {strides = array<i32>} : memref<1032xf32, #tpu.memory_space<vmem>>, vector<16xf32>,
      %get3A_582 = arith.constant 544 : index
      %get3A_583 = tpu.vector_load %arg14[%get3A_582] {strides = array<i32>} : memref<1032xf32, #tpu.memory_space<vmem>>, vector<16xf32>,
      %get3A_584 = arith.constant 560 : index
      %get3A_585 = tpu.vector_load %arg14[%get3A_584] {strides = array<i32>} : memref<1032xf32, #tpu.memory_space<vmem>>, vector<16xf32>,
      %get3A_586 = arith.constant 576 : index
      %get3A_587 = tpu.vector_load %arg14[%get3A_586] {strides = array<i32>} : memref<1032xf32, #tpu.memory_space<vmem>>, vector<16xf32>,
      %get3A_588 = arith.constant 592 : index
      %get3A_589 = tpu.vector_load %arg14[%get3A_588] {strides = array<i32>} : memref<1032xf32, #tpu.memory_space<vmem>>, vector<16xf32>,
      %get3A_590 = arith.constant 608 : index
      %get3A_591 = tpu.vector_load %arg14[%get3A_590] {strides = array<i32>} : memref<1032xf32, #tpu.memory_space<vmem>>, vector<16xf32>,
      %get3A_592 = arith.constant 624 : index
      %get3A_593 = tpu.vector_load %arg14[%get3A_592] {strides = array<i32>} : memref<1032xf32, #tpu.memory_space<vmem>>, vector<16xf32>,
      %get3A_594 = arith.constant 640 : index
      %get3A_595 = tpu.vector_load %arg14[%get3A_594] {strides = array<i32>} : memref<1032xf32, #tpu.memory_space<vmem>>, vector<16xf32>,
      %get3A_596 = arith.constant 656 : index
      %get3A_597 = tpu.vector_load %arg14[%get3A_596] {strides = array<i32>} : memref<1032xf32, #tpu.memory_space<vmem>>, vector<16xf32>,
      %get3A_598 = arith.constant 672 : index
      %get3A_599 = tpu.vector_load %arg14[%get3A_598] {strides = array<i32>} : memref<1032xf32, #tpu.memory_space<vmem>>, vector<16xf32>,
      %get3A_600 = arith.constant 688 : index
      %get3A_601 = tpu.vector_load %arg14[%get3A_600] {strides = array<i32>} : memref<1032xf32, #tpu.memory_space<vmem>>, vector<16xf32>,
      %get3A_602 = arith.constant 704 : index
      %get3A_603 = tpu.vector_load %arg14[%get3A_602] {strides = array<i32>} : memref<1032xf32, #tpu.memory_space<vmem>>, vector<16xf32>,
      %get3A_604 = arith.constant 720 : index
      %get3A_605 = tpu.vector_load %arg14[%get3A_604] {strides = array<i32>} : memref<1032xf32, #tpu.memory_space<vmem>>, vector<16xf32>,
      %get3A_606 = arith.constant 736 : index
      %get3A_607 = tpu.vector_load %arg14[%get3A_606] {strides = array<i32>} : memref<1032xf32, #tpu.memory_space<vmem>>, vector<16xf32>,
      %get3A_608 = arith.constant 752 : index
      %get3A_609 = tpu.vector_load %arg14[%get3A_608] {strides = array<i32>} : memref<1032xf32, #tpu.memory_space<vmem>>, vector<16xf32>,
      %get3A_610 = arith.constant 768 : index
      %get3A_611 = tpu.vector_load %arg14[%get3A_610] {strides = array<i32>} : memref<1032xf32, #tpu.memory_space<vmem>>, vector<16xf32>,
      %get3A_612 = arith.constant 784 : index
      %get3A_613 = tpu.vector_load %arg14[%get3A_612] {strides = array<i32>} : memref<1032xf32, #tpu.memory_space<vmem>>, vector<16xf32>,
      %get3A_614 = arith.constant 800 : index
      %get3A_615 = tpu.vector_load %arg14[%get3A_614] {strides = array<i32>} : memref<1032xf32, #tpu.memory_space<vmem>>, vector<16xf32>,
      %get3A_616 = arith.constant 816 : index
      %get3A_617 = tpu.vector_load %arg14[%get3A_616] {strides = array<i32>} : memref<1032xf32, #tpu.memory_space<vmem>>, vector<16xf32>,
      %get3A_618 = arith.constant 832 : index
      %get3A_619 = tpu.vector_load %arg14[%get3A_618] {strides = array<i32>} : memref<1032xf32, #tpu.memory_space<vmem>>, vector<16xf32>,
      %get3A_620 = arith.constant 848 : index
      %get3A_621 = tpu.vector_load %arg14[%get3A_620] {strides = array<i32>} : memref<1032xf32, #tpu.memory_space<vmem>>, vector<16xf32>,
      %get3A_622 = arith.constant 864 : index
      %get3A_623 = tpu.vector_load %arg14[%get3A_622] {strides = array<i32>} : memref<1032xf32, #tpu.memory_space<vmem>>, vector<16xf32>,
      %get3A_624 = arith.constant 880 : index
      %get3A_625 = tpu.vector_load %arg14[%get3A_624] {strides = array<i32>} : memref<1032xf32, #tpu.memory_space<vmem>>, vector<16xf32>,
      %get3A_626 = arith.constant 896 : index
      %get3A_627 = tpu.vector_load %arg14[%get3A_626] {strides = array<i32>} : memref<1032xf32, #tpu.memory_space<vmem>>, vector<16xf32>,
      %get3A_628 = arith.constant 912 : index
      %get3A_629 = tpu.vector_load %arg14[%get3A_628] {strides = array<i32>} : memref<1032xf32, #tpu.memory_space<vmem>>, vector<16xf32>,
      %get3A_630 = arith.constant 928 : index
      %get3A_631 = tpu.vector_load %arg14[%get3A_630] {strides = array<i32>} : memref<1032xf32, #tpu.memory_space<vmem>>, vector<16xf32>,
      %get3A_632 = arith.constant 944 : index
      %get3A_633 = tpu.vector_load %arg14[%get3A_632] {strides = array<i32>} : memref<1032xf32, #tpu.memory_space<vmem>>, vector<16xf32>,
      %get3A_634 = arith.constant 960 : index
      %get3A_635 = tpu.vector_load %arg14[%get3A_634] {strides = array<i32>} : memref<1032xf32, #tpu.memory_space<vmem>>, vector<16xf32>,
      %get3A_636 = arith.constant 976 : index
      %get3A_637 = tpu.vector_load %arg14[%get3A_636] {strides = array<i32>} : memref<1032xf32, #tpu.memory_space<vmem>>, vector<16xf32>,
      %get3A_638 = arith.constant 992 : index
      %get3A_639 = tpu.vector_load %arg14[%get3A_638] {strides = array<i32>} : memref<1032xf32, #tpu.memory_space<vmem>>, vector<16xf32>,
      %get3A_640 = arith.constant 1008 : index
      %get3A_641 = tpu.vector_load %arg14[%get3A_640] {strides = array<i32>} : memref<1032xf32, #tpu.memory_space<vmem>>, vector<16xf32>,
      %get3A_642 = arith.constant 1016 : index
      %get3A_643 = tpu.vector_load %arg14[%get3A_642] {strides = array<i32>} : memref<1032xf32, #tpu.memory_space<vmem>>, vector<16xf32>,
      %scan3A_644 = arith.constant 0 : i32
      %scan3A_645 = arith.constant 50 : i32
      %scan3A_646 = arith.addi %scan3A_644, %scan3A_645 : i32
      %scan3A_647 = arith.constant 1 : i32
      %scan3A_648:32 = scf.for %scan3A_752 = %scan3A_644 to %scan3A_646 step %scan3A_647 iter_args(%scan3A_753 = %get3A_581, %scan3A_754 = %get3A_583, %scan3A_755 = %get3A_585, %scan3A_756 = %get3A_587, %scan3A_757 = %get3A_589, %scan3A_758 = %get3A_591, %scan3A_759 = %get3A_593, %scan3A_760 = %get3A_595, %scan3A_761 = %get3A_597, %scan3A_762 = %get3A_599, %scan3A_763 = %get3A_601, %scan3A_764 = %get3A_603, %scan3A_765 = %get3A_605, %scan3A_766 = %get3A_607, %scan3A_767 = %get3A_609, %scan3A_768 = %get3A_611, %scan3A_769 = %get3A_613, %scan3A_770 = %get3A_615, %scan3A_771 = %get3A_617, %scan3A_772 = %get3A_619, %scan3A_773 = %get3A_621, %scan3A_774 = %get3A_623, %scan3A_775 = %get3A_625, %scan3A_776 = %get3A_627, %scan3A_777 = %get3A_629, %scan3A_778 = %get3A_631, %scan3A_779 = %get3A_633, %scan3A_780 = %get3A_635, %scan3A_781 = %get3A_637, %scan3A_782 = %get3A_639, %scan3A_783 = %get3A_641, %scan3A_784 = %get3A_643) -> (vector<16xf32>, vector<16xf32>, vector<16xf32>, vector<16xf32>, vector<16xf32>, vector<16xf32>, vector<16xf32>, vector<16xf32>, vector<16xf32>, vector<16xf32>, vector<16xf32>, vector<16xf32>, vector<16xf32>, vector<16xf32>, vector<16xf32>, vector<16xf32>, vector<16xf32>, vector<16xf32>, vector<16xf32>, vector<16xf32>, vector<16xf32>, vector<16xf32>, vector<16xf32>, vector<16xf32>, vector<16xf32>, vector<16xf32>, vector<16xf32>, vector<16xf32>, vector<16xf32>, vector<16xf32>, vector<16xf32>, vector<16xf32>)  : i32 {
        %add3A_785 = vector.broadcast %scan3A_752 : i32 to vector<16xi32>
        %add3A_786 = arith.addi %broadcast_in_dim3A_408, %add3A_785 : vector<16xi32>
        %gather3A = tpu.vector_load_idx %arg11[%add3A_786] : memref<1792xf32, #tpu.memory_space<vmem>>[vector<16xi32>], vector<16xf32>,
        %get3A_787 = arith.index_cast %scan3A_752 : i32 to index
        %get3A_788 = arith.constant 528 : index
        %get3A_789 = tpu.vector_load %arg13[%get3A_787, %get3A_788] {strides = array<i32>} : memref<56x1032xf32, #tpu.memory_space<vmem>>, vector<16xf32>,
        %mul3A_790 = arith.mulf %gather3A, %get3A_789 : vector<16xf32>
        %add3A_791 = arith.addf %scan3A_753, %mul3A_790 : vector<16xf32>
        %get3A_792 = arith.index_cast %scan3A_752 : i32 to index
        %get3A_793 = arith.constant 544 : index
        %get3A_794 = tpu.vector_load %arg13[%get3A_792, %get3A_793] {strides = array<i32>} : memref<56x1032xf32, #tpu.memory_space<vmem>>, vector<16xf32>,
        %mul3A_795 = arith.mulf %gather3A, %get3A_794 : vector<16xf32>
        %add3A_796 = arith.addf %scan3A_754, %mul3A_795 : vector<16xf32>
        %get3A_797 = arith.index_cast %scan3A_752 : i32 to index
        %get3A_798 = arith.constant 560 : index
        %get3A_799 = tpu.vector_load %arg13[%get3A_797, %get3A_798] {strides = array<i32>} : memref<56x1032xf32, #tpu.memory_space<vmem>>, vector<16xf32>,
        %mul3A_800 = arith.mulf %gather3A, %get3A_799 : vector<16xf32>
        %add3A_801 = arith.addf %scan3A_755, %mul3A_800 : vector<16xf32>
        %get3A_802 = arith.index_cast %scan3A_752 : i32 to index
        %get3A_803 = arith.constant 576 : index
        %get3A_804 = tpu.vector_load %arg13[%get3A_802, %get3A_803] {strides = array<i32>} : memref<56x1032xf32, #tpu.memory_space<vmem>>, vector<16xf32>,
        %mul3A_805 = arith.mulf %gather3A, %get3A_804 : vector<16xf32>
        %add3A_806 = arith.addf %scan3A_756, %mul3A_805 : vector<16xf32>
        %get3A_807 = arith.index_cast %scan3A_752 : i32 to index
        %get3A_808 = arith.constant 592 : index
        %get3A_809 = tpu.vector_load %arg13[%get3A_807, %get3A_808] {strides = array<i32>} : memref<56x1032xf32, #tpu.memory_space<vmem>>, vector<16xf32>,
        %mul3A_810 = arith.mulf %gather3A, %get3A_809 : vector<16xf32>
        %add3A_811 = arith.addf %scan3A_757, %mul3A_810 : vector<16xf32>
        %get3A_812 = arith.index_cast %scan3A_752 : i32 to index
        %get3A_813 = arith.constant 608 : index
        %get3A_814 = tpu.vector_load %arg13[%get3A_812, %get3A_813] {strides = array<i32>} : memref<56x1032xf32, #tpu.memory_space<vmem>>, vector<16xf32>,
        %mul3A_815 = arith.mulf %gather3A, %get3A_814 : vector<16xf32>
        %add3A_816 = arith.addf %scan3A_758, %mul3A_815 : vector<16xf32>
        %get3A_817 = arith.index_cast %scan3A_752 : i32 to index
        %get3A_818 = arith.constant 624 : index
        %get3A_819 = tpu.vector_load %arg13[%get3A_817, %get3A_818] {strides = array<i32>} : memref<56x1032xf32, #tpu.memory_space<vmem>>, vector<16xf32>,
        %mul3A_820 = arith.mulf %gather3A, %get3A_819 : vector<16xf32>
        %add3A_821 = arith.addf %scan3A_759, %mul3A_820 : vector<16xf32>
        %get3A_822 = arith.index_cast %scan3A_752 : i32 to index
        %get3A_823 = arith.constant 640 : index
        %get3A_824 = tpu.vector_load %arg13[%get3A_822, %get3A_823] {strides = array<i32>} : memref<56x1032xf32, #tpu.memory_space<vmem>>, vector<16xf32>,
        %mul3A_825 = arith.mulf %gather3A, %get3A_824 : vector<16xf32>
        %add3A_826 = arith.addf %scan3A_760, %mul3A_825 : vector<16xf32>
        %get3A_827 = arith.index_cast %scan3A_752 : i32 to index
        %get3A_828 = arith.constant 656 : index
        %get3A_829 = tpu.vector_load %arg13[%get3A_827, %get3A_828] {strides = array<i32>} : memref<56x1032xf32, #tpu.memory_space<vmem>>, vector<16xf32>,
        %mul3A_830 = arith.mulf %gather3A, %get3A_829 : vector<16xf32>
        %add3A_831 = arith.addf %scan3A_761, %mul3A_830 : vector<16xf32>
        %get3A_832 = arith.index_cast %scan3A_752 : i32 to index
        %get3A_833 = arith.constant 672 : index
        %get3A_834 = tpu.vector_load %arg13[%get3A_832, %get3A_833] {strides = array<i32>} : memref<56x1032xf32, #tpu.memory_space<vmem>>, vector<16xf32>,
        %mul3A_835 = arith.mulf %gather3A, %get3A_834 : vector<16xf32>
        %add3A_836 = arith.addf %scan3A_762, %mul3A_835 : vector<16xf32>
        %get3A_837 = arith.index_cast %scan3A_752 : i32 to index
        %get3A_838 = arith.constant 688 : index
        %get3A_839 = tpu.vector_load %arg13[%get3A_837, %get3A_838] {strides = array<i32>} : memref<56x1032xf32, #tpu.memory_space<vmem>>, vector<16xf32>,
        %mul3A_840 = arith.mulf %gather3A, %get3A_839 : vector<16xf32>
        %add3A_841 = arith.addf %scan3A_763, %mul3A_840 : vector<16xf32>
        %get3A_842 = arith.index_cast %scan3A_752 : i32 to index
        %get3A_843 = arith.constant 704 : index
        %get3A_844 = tpu.vector_load %arg13[%get3A_842, %get3A_843] {strides = array<i32>} : memref<56x1032xf32, #tpu.memory_space<vmem>>, vector<16xf32>,
        %mul3A_845 = arith.mulf %gather3A, %get3A_844 : vector<16xf32>
        %add3A_846 = arith.addf %scan3A_764, %mul3A_845 : vector<16xf32>
        %get3A_847 = arith.index_cast %scan3A_752 : i32 to index
        %get3A_848 = arith.constant 720 : index
        %get3A_849 = tpu.vector_load %arg13[%get3A_847, %get3A_848] {strides = array<i32>} : memref<56x1032xf32, #tpu.memory_space<vmem>>, vector<16xf32>,
        %mul3A_850 = arith.mulf %gather3A, %get3A_849 : vector<16xf32>
        %add3A_851 = arith.addf %scan3A_765, %mul3A_850 : vector<16xf32>
        %get3A_852 = arith.index_cast %scan3A_752 : i32 to index
        %get3A_853 = arith.constant 736 : index
        %get3A_854 = tpu.vector_load %arg13[%get3A_852, %get3A_853] {strides = array<i32>} : memref<56x1032xf32, #tpu.memory_space<vmem>>, vector<16xf32>,
        %mul3A_855 = arith.mulf %gather3A, %get3A_854 : vector<16xf32>
        %add3A_856 = arith.addf %scan3A_766, %mul3A_855 : vector<16xf32>
        %get3A_857 = arith.index_cast %scan3A_752 : i32 to index
        %get3A_858 = arith.constant 752 : index
        %get3A_859 = tpu.vector_load %arg13[%get3A_857, %get3A_858] {strides = array<i32>} : memref<56x1032xf32, #tpu.memory_space<vmem>>, vector<16xf32>,
        %mul3A_860 = arith.mulf %gather3A, %get3A_859 : vector<16xf32>
        %add3A_861 = arith.addf %scan3A_767, %mul3A_860 : vector<16xf32>
        %get3A_862 = arith.index_cast %scan3A_752 : i32 to index
        %get3A_863 = arith.constant 768 : index
        %get3A_864 = tpu.vector_load %arg13[%get3A_862, %get3A_863] {strides = array<i32>} : memref<56x1032xf32, #tpu.memory_space<vmem>>, vector<16xf32>,
        %mul3A_865 = arith.mulf %gather3A, %get3A_864 : vector<16xf32>
        %add3A_866 = arith.addf %scan3A_768, %mul3A_865 : vector<16xf32>
        %get3A_867 = arith.index_cast %scan3A_752 : i32 to index
        %get3A_868 = arith.constant 784 : index
        %get3A_869 = tpu.vector_load %arg13[%get3A_867, %get3A_868] {strides = array<i32>} : memref<56x1032xf32, #tpu.memory_space<vmem>>, vector<16xf32>,
        %mul3A_870 = arith.mulf %gather3A, %get3A_869 : vector<16xf32>
        %add3A_871 = arith.addf %scan3A_769, %mul3A_870 : vector<16xf32>
        %get3A_872 = arith.index_cast %scan3A_752 : i32 to index
        %get3A_873 = arith.constant 800 : index
        %get3A_874 = tpu.vector_load %arg13[%get3A_872, %get3A_873] {strides = array<i32>} : memref<56x1032xf32, #tpu.memory_space<vmem>>, vector<16xf32>,
        %mul3A_875 = arith.mulf %gather3A, %get3A_874 : vector<16xf32>
        %add3A_876 = arith.addf %scan3A_770, %mul3A_875 : vector<16xf32>
        %get3A_877 = arith.index_cast %scan3A_752 : i32 to index
        %get3A_878 = arith.constant 816 : index
        %get3A_879 = tpu.vector_load %arg13[%get3A_877, %get3A_878] {strides = array<i32>} : memref<56x1032xf32, #tpu.memory_space<vmem>>, vector<16xf32>,
        %mul3A_880 = arith.mulf %gather3A, %get3A_879 : vector<16xf32>
        %add3A_881 = arith.addf %scan3A_771, %mul3A_880 : vector<16xf32>
        %get3A_882 = arith.index_cast %scan3A_752 : i32 to index
        %get3A_883 = arith.constant 832 : index
        %get3A_884 = tpu.vector_load %arg13[%get3A_882, %get3A_883] {strides = array<i32>} : memref<56x1032xf32, #tpu.memory_space<vmem>>, vector<16xf32>,
        %mul3A_885 = arith.mulf %gather3A, %get3A_884 : vector<16xf32>
        %add3A_886 = arith.addf %scan3A_772, %mul3A_885 : vector<16xf32>
        %get3A_887 = arith.index_cast %scan3A_752 : i32 to index
        %get3A_888 = arith.constant 848 : index
        %get3A_889 = tpu.vector_load %arg13[%get3A_887, %get3A_888] {strides = array<i32>} : memref<56x1032xf32, #tpu.memory_space<vmem>>, vector<16xf32>,
        %mul3A_890 = arith.mulf %gather3A, %get3A_889 : vector<16xf32>
        %add3A_891 = arith.addf %scan3A_773, %mul3A_890 : vector<16xf32>
        %get3A_892 = arith.index_cast %scan3A_752 : i32 to index
        %get3A_893 = arith.constant 864 : index
        %get3A_894 = tpu.vector_load %arg13[%get3A_892, %get3A_893] {strides = array<i32>} : memref<56x1032xf32, #tpu.memory_space<vmem>>, vector<16xf32>,
        %mul3A_895 = arith.mulf %gather3A, %get3A_894 : vector<16xf32>
        %add3A_896 = arith.addf %scan3A_774, %mul3A_895 : vector<16xf32>
        %get3A_897 = arith.index_cast %scan3A_752 : i32 to index
        %get3A_898 = arith.constant 880 : index
        %get3A_899 = tpu.vector_load %arg13[%get3A_897, %get3A_898] {strides = array<i32>} : memref<56x1032xf32, #tpu.memory_space<vmem>>, vector<16xf32>,
        %mul3A_900 = arith.mulf %gather3A, %get3A_899 : vector<16xf32>
        %add3A_901 = arith.addf %scan3A_775, %mul3A_900 : vector<16xf32>
        %get3A_902 = arith.index_cast %scan3A_752 : i32 to index
        %get3A_903 = arith.constant 896 : index
        %get3A_904 = tpu.vector_load %arg13[%get3A_902, %get3A_903] {strides = array<i32>} : memref<56x1032xf32, #tpu.memory_space<vmem>>, vector<16xf32>,
        %mul3A_905 = arith.mulf %gather3A, %get3A_904 : vector<16xf32>
        %add3A_906 = arith.addf %scan3A_776, %mul3A_905 : vector<16xf32>
        %get3A_907 = arith.index_cast %scan3A_752 : i32 to index
        %get3A_908 = arith.constant 912 : index
        %get3A_909 = tpu.vector_load %arg13[%get3A_907, %get3A_908] {strides = array<i32>} : memref<56x1032xf32, #tpu.memory_space<vmem>>, vector<16xf32>,
        %mul3A_910 = arith.mulf %gather3A, %get3A_909 : vector<16xf32>
        %add3A_911 = arith.addf %scan3A_777, %mul3A_910 : vector<16xf32>
        %get3A_912 = arith.index_cast %scan3A_752 : i32 to index
        %get3A_913 = arith.constant 928 : index
        %get3A_914 = tpu.vector_load %arg13[%get3A_912, %get3A_913] {strides = array<i32>} : memref<56x1032xf32, #tpu.memory_space<vmem>>, vector<16xf32>,
        %mul3A_915 = arith.mulf %gather3A, %get3A_914 : vector<16xf32>
        %add3A_916 = arith.addf %scan3A_778, %mul3A_915 : vector<16xf32>
        %get3A_917 = arith.index_cast %scan3A_752 : i32 to index
        %get3A_918 = arith.constant 944 : index
        %get3A_919 = tpu.vector_load %arg13[%get3A_917, %get3A_918] {strides = array<i32>} : memref<56x1032xf32, #tpu.memory_space<vmem>>, vector<16xf32>,
        %mul3A_920 = arith.mulf %gather3A, %get3A_919 : vector<16xf32>
        %add3A_921 = arith.addf %scan3A_779, %mul3A_920 : vector<16xf32>
        %get3A_922 = arith.index_cast %scan3A_752 : i32 to index
        %get3A_923 = arith.constant 960 : index
        %get3A_924 = tpu.vector_load %arg13[%get3A_922, %get3A_923] {strides = array<i32>} : memref<56x1032xf32, #tpu.memory_space<vmem>>, vector<16xf32>,
        %mul3A_925 = arith.mulf %gather3A, %get3A_924 : vector<16xf32>
        %add3A_926 = arith.addf %scan3A_780, %mul3A_925 : vector<16xf32>
        %get3A_927 = arith.index_cast %scan3A_752 : i32 to index
        %get3A_928 = arith.constant 976 : index
        %get3A_929 = tpu.vector_load %arg13[%get3A_927, %get3A_928] {strides = array<i32>} : memref<56x1032xf32, #tpu.memory_space<vmem>>, vector<16xf32>,
        %mul3A_930 = arith.mulf %gather3A, %get3A_929 : vector<16xf32>
        %add3A_931 = arith.addf %scan3A_781, %mul3A_930 : vector<16xf32>
        %get3A_932 = arith.index_cast %scan3A_752 : i32 to index
        %get3A_933 = arith.constant 992 : index
        %get3A_934 = tpu.vector_load %arg13[%get3A_932, %get3A_933] {strides = array<i32>} : memref<56x1032xf32, #tpu.memory_space<vmem>>, vector<16xf32>,
        %mul3A_935 = arith.mulf %gather3A, %get3A_934 : vector<16xf32>
        %add3A_936 = arith.addf %scan3A_782, %mul3A_935 : vector<16xf32>
        %get3A_937 = arith.index_cast %scan3A_752 : i32 to index
        %get3A_938 = arith.constant 1008 : index
        %get3A_939 = tpu.vector_load %arg13[%get3A_937, %get3A_938] {strides = array<i32>} : memref<56x1032xf32, #tpu.memory_space<vmem>>, vector<16xf32>,
        %mul3A_940 = arith.mulf %gather3A, %get3A_939 : vector<16xf32>
        %add3A_941 = arith.addf %scan3A_783, %mul3A_940 : vector<16xf32>
        %get3A_942 = arith.index_cast %scan3A_752 : i32 to index
        %get3A_943 = arith.constant 1016 : index
        %get3A_944 = tpu.vector_load %arg13[%get3A_942, %get3A_943] {strides = array<i32>} : memref<56x1032xf32, #tpu.memory_space<vmem>>, vector<16xf32>,
        %mul3A_945 = arith.mulf %gather3A, %get3A_944 : vector<16xf32>
        %add3A_946 = arith.addf %scan3A_784, %mul3A_945 : vector<16xf32>
        scf.yield %add3A_791, %add3A_796, %add3A_801, %add3A_806, %add3A_811, %add3A_816, %add3A_821, %add3A_826, %add3A_831, %add3A_836, %add3A_841, %add3A_846, %add3A_851, %add3A_856, %add3A_861, %add3A_866, %add3A_871, %add3A_876, %add3A_881, %add3A_886, %add3A_891, %add3A_896, %add3A_901, %add3A_906, %add3A_911, %add3A_916, %add3A_921, %add3A_926, %add3A_931, %add3A_936, %add3A_941, %add3A_946 : vector<16xf32>, vector<16xf32>, vector<16xf32>, vector<16xf32>, vector<16xf32>, vector<16xf32>, vector<16xf32>, vector<16xf32>, vector<16xf32>, vector<16xf32>, vector<16xf32>, vector<16xf32>, vector<16xf32>, vector<16xf32>, vector<16xf32>, vector<16xf32>, vector<16xf32>, vector<16xf32>, vector<16xf32>, vector<16xf32>, vector<16xf32>, vector<16xf32>, vector<16xf32>, vector<16xf32>, vector<16xf32>, vector<16xf32>, vector<16xf32>, vector<16xf32>, vector<16xf32>, vector<16xf32>, vector<16xf32>, vector<16xf32>
      }
      %scan3A_649 = arith.constant 50 : i32
      %swap3A_650 = arith.index_cast %rem3A_405 : i32 to index
      %swap3A_651 = arith.constant 528 : index
      %swap3A_652 = tpu.vector_load %arg15[%swap3A_650, %swap3A_651] {strides = array<i32>} : memref<8x1032xf32, #tpu.memory_space<vmem>>, vector<16xf32>,
      tpu.vector_store %arg15[%swap3A_650, %swap3A_651], %scan3A_648#0 {strides = array<i32>} : memref<8x1032xf32, #tpu.memory_space<vmem>>, vector<16xf32>,
      %swap3A_653 = arith.index_cast %rem3A_405 : i32 to index
      %swap3A_654 = arith.constant 544 : index
      %swap3A_655 = tpu.vector_load %arg15[%swap3A_653, %swap3A_654] {strides = array<i32>} : memref<8x1032xf32, #tpu.memory_space<vmem>>, vector<16xf32>,
      tpu.vector_store %arg15[%swap3A_653, %swap3A_654], %scan3A_648#1 {strides = array<i32>} : memref<8x1032xf32, #tpu.memory_space<vmem>>, vector<16xf32>,
      %swap3A_656 = arith.index_cast %rem3A_405 : i32 to index
      %swap3A_657 = arith.constant 560 : index
      %swap3A_658 = tpu.vector_load %arg15[%swap3A_656, %swap3A_657] {strides = array<i32>} : memref<8x1032xf32, #tpu.memory_space<vmem>>, vector<16xf32>,
      tpu.vector_store %arg15[%swap3A_656, %swap3A_657], %scan3A_648#2 {strides = array<i32>} : memref<8x1032xf32, #tpu.memory_space<vmem>>, vector<16xf32>,
      %swap3A_659 = arith.index_cast %rem3A_405 : i32 to index
      %swap3A_660 = arith.constant 576 : index
      %swap3A_661 = tpu.vector_load %arg15[%swap3A_659, %swap3A_660] {strides = array<i32>} : memref<8x1032xf32, #tpu.memory_space<vmem>>, vector<16xf32>,
      tpu.vector_store %arg15[%swap3A_659, %swap3A_660], %scan3A_648#3 {strides = array<i32>} : memref<8x1032xf32, #tpu.memory_space<vmem>>, vector<16xf32>,
      %swap3A_662 = arith.index_cast %rem3A_405 : i32 to index
      %swap3A_663 = arith.constant 592 : index
      %swap3A_664 = tpu.vector_load %arg15[%swap3A_662, %swap3A_663] {strides = array<i32>} : memref<8x1032xf32, #tpu.memory_space<vmem>>, vector<16xf32>,
      tpu.vector_store %arg15[%swap3A_662, %swap3A_663], %scan3A_648#4 {strides = array<i32>} : memref<8x1032xf32, #tpu.memory_space<vmem>>, vector<16xf32>,
      %swap3A_665 = arith.index_cast %rem3A_405 : i32 to index
      %swap3A_666 = arith.constant 608 : index
      %swap3A_667 = tpu.vector_load %arg15[%swap3A_665, %swap3A_666] {strides = array<i32>} : memref<8x1032xf32, #tpu.memory_space<vmem>>, vector<16xf32>,
      tpu.vector_store %arg15[%swap3A_665, %swap3A_666], %scan3A_648#5 {strides = array<i32>} : memref<8x1032xf32, #tpu.memory_space<vmem>>, vector<16xf32>,
      %swap3A_668 = arith.index_cast %rem3A_405 : i32 to index
      %swap3A_669 = arith.constant 624 : index
      %swap3A_670 = tpu.vector_load %arg15[%swap3A_668, %swap3A_669] {strides = array<i32>} : memref<8x1032xf32, #tpu.memory_space<vmem>>, vector<16xf32>,
      tpu.vector_store %arg15[%swap3A_668, %swap3A_669], %scan3A_648#6 {strides = array<i32>} : memref<8x1032xf32, #tpu.memory_space<vmem>>, vector<16xf32>,
      %swap3A_671 = arith.index_cast %rem3A_405 : i32 to index
      %swap3A_672 = arith.constant 640 : index
      %swap3A_673 = tpu.vector_load %arg15[%swap3A_671, %swap3A_672] {strides = array<i32>} : memref<8x1032xf32, #tpu.memory_space<vmem>>, vector<16xf32>,
      tpu.vector_store %arg15[%swap3A_671, %swap3A_672], %scan3A_648#7 {strides = array<i32>} : memref<8x1032xf32, #tpu.memory_space<vmem>>, vector<16xf32>,
      %swap3A_674 = arith.index_cast %rem3A_405 : i32 to index
      %swap3A_675 = arith.constant 656 : index
      %swap3A_676 = tpu.vector_load %arg15[%swap3A_674, %swap3A_675] {strides = array<i32>} : memref<8x1032xf32, #tpu.memory_space<vmem>>, vector<16xf32>,
      tpu.vector_store %arg15[%swap3A_674, %swap3A_675], %scan3A_648#8 {strides = array<i32>} : memref<8x1032xf32, #tpu.memory_space<vmem>>, vector<16xf32>,
      %swap3A_677 = arith.index_cast %rem3A_405 : i32 to index
      %swap3A_678 = arith.constant 672 : index
      %swap3A_679 = tpu.vector_load %arg15[%swap3A_677, %swap3A_678] {strides = array<i32>} : memref<8x1032xf32, #tpu.memory_space<vmem>>, vector<16xf32>,
      tpu.vector_store %arg15[%swap3A_677, %swap3A_678], %scan3A_648#9 {strides = array<i32>} : memref<8x1032xf32, #tpu.memory_space<vmem>>, vector<16xf32>,
      %swap3A_680 = arith.index_cast %rem3A_405 : i32 to index
      %swap3A_681 = arith.constant 688 : index
      %swap3A_682 = tpu.vector_load %arg15[%swap3A_680, %swap3A_681] {strides = array<i32>} : memref<8x1032xf32, #tpu.memory_space<vmem>>, vector<16xf32>,
      tpu.vector_store %arg15[%swap3A_680, %swap3A_681], %scan3A_648#10 {strides = array<i32>} : memref<8x1032xf32, #tpu.memory_space<vmem>>, vector<16xf32>,
      %swap3A_683 = arith.index_cast %rem3A_405 : i32 to index
      %swap3A_684 = arith.constant 704 : index
      %swap3A_685 = tpu.vector_load %arg15[%swap3A_683, %swap3A_684] {strides = array<i32>} : memref<8x1032xf32, #tpu.memory_space<vmem>>, vector<16xf32>,
      tpu.vector_store %arg15[%swap3A_683, %swap3A_684], %scan3A_648#11 {strides = array<i32>} : memref<8x1032xf32, #tpu.memory_space<vmem>>, vector<16xf32>,
      %swap3A_686 = arith.index_cast %rem3A_405 : i32 to index
      %swap3A_687 = arith.constant 720 : index
      %swap3A_688 = tpu.vector_load %arg15[%swap3A_686, %swap3A_687] {strides = array<i32>} : memref<8x1032xf32, #tpu.memory_space<vmem>>, vector<16xf32>,
      tpu.vector_store %arg15[%swap3A_686, %swap3A_687], %scan3A_648#12 {strides = array<i32>} : memref<8x1032xf32, #tpu.memory_space<vmem>>, vector<16xf32>,
      %swap3A_689 = arith.index_cast %rem3A_405 : i32 to index
      %swap3A_690 = arith.constant 736 : index
      %swap3A_691 = tpu.vector_load %arg15[%swap3A_689, %swap3A_690] {strides = array<i32>} : memref<8x1032xf32, #tpu.memory_space<vmem>>, vector<16xf32>,
      tpu.vector_store %arg15[%swap3A_689, %swap3A_690], %scan3A_648#13 {strides = array<i32>} : memref<8x1032xf32, #tpu.memory_space<vmem>>, vector<16xf32>,
      %swap3A_692 = arith.index_cast %rem3A_405 : i32 to index
      %swap3A_693 = arith.constant 752 : index
      %swap3A_694 = tpu.vector_load %arg15[%swap3A_692, %swap3A_693] {strides = array<i32>} : memref<8x1032xf32, #tpu.memory_space<vmem>>, vector<16xf32>,
      tpu.vector_store %arg15[%swap3A_692, %swap3A_693], %scan3A_648#14 {strides = array<i32>} : memref<8x1032xf32, #tpu.memory_space<vmem>>, vector<16xf32>,
      %swap3A_695 = arith.index_cast %rem3A_405 : i32 to index
      %swap3A_696 = arith.constant 768 : index
      %swap3A_697 = tpu.vector_load %arg15[%swap3A_695, %swap3A_696] {strides = array<i32>} : memref<8x1032xf32, #tpu.memory_space<vmem>>, vector<16xf32>,
      tpu.vector_store %arg15[%swap3A_695, %swap3A_696], %scan3A_648#15 {strides = array<i32>} : memref<8x1032xf32, #tpu.memory_space<vmem>>, vector<16xf32>,
      %swap3A_698 = arith.index_cast %rem3A_405 : i32 to index
      %swap3A_699 = arith.constant 784 : index
      %swap3A_700 = tpu.vector_load %arg15[%swap3A_698, %swap3A_699] {strides = array<i32>} : memref<8x1032xf32, #tpu.memory_space<vmem>>, vector<16xf32>,
      tpu.vector_store %arg15[%swap3A_698, %swap3A_699], %scan3A_648#16 {strides = array<i32>} : memref<8x1032xf32, #tpu.memory_space<vmem>>, vector<16xf32>,
      %swap3A_701 = arith.index_cast %rem3A_405 : i32 to index
      %swap3A_702 = arith.constant 800 : index
      %swap3A_703 = tpu.vector_load %arg15[%swap3A_701, %swap3A_702] {strides = array<i32>} : memref<8x1032xf32, #tpu.memory_space<vmem>>, vector<16xf32>,
      tpu.vector_store %arg15[%swap3A_701, %swap3A_702], %scan3A_648#17 {strides = array<i32>} : memref<8x1032xf32, #tpu.memory_space<vmem>>, vector<16xf32>,
      %swap3A_704 = arith.index_cast %rem3A_405 : i32 to index
      %swap3A_705 = arith.constant 816 : index
      %swap3A_706 = tpu.vector_load %arg15[%swap3A_704, %swap3A_705] {strides = array<i32>} : memref<8x1032xf32, #tpu.memory_space<vmem>>, vector<16xf32>,
      tpu.vector_store %arg15[%swap3A_704, %swap3A_705], %scan3A_648#18 {strides = array<i32>} : memref<8x1032xf32, #tpu.memory_space<vmem>>, vector<16xf32>,
      %swap3A_707 = arith.index_cast %rem3A_405 : i32 to index
      %swap3A_708 = arith.constant 832 : index
      %swap3A_709 = tpu.vector_load %arg15[%swap3A_707, %swap3A_708] {strides = array<i32>} : memref<8x1032xf32, #tpu.memory_space<vmem>>, vector<16xf32>,
      tpu.vector_store %arg15[%swap3A_707, %swap3A_708], %scan3A_648#19 {strides = array<i32>} : memref<8x1032xf32, #tpu.memory_space<vmem>>, vector<16xf32>,
      %swap3A_710 = arith.index_cast %rem3A_405 : i32 to index
      %swap3A_711 = arith.constant 848 : index
      %swap3A_712 = tpu.vector_load %arg15[%swap3A_710, %swap3A_711] {strides = array<i32>} : memref<8x1032xf32, #tpu.memory_space<vmem>>, vector<16xf32>,
      tpu.vector_store %arg15[%swap3A_710, %swap3A_711], %scan3A_648#20 {strides = array<i32>} : memref<8x1032xf32, #tpu.memory_space<vmem>>, vector<16xf32>,
      %swap3A_713 = arith.index_cast %rem3A_405 : i32 to index
      %swap3A_714 = arith.constant 864 : index
      %swap3A_715 = tpu.vector_load %arg15[%swap3A_713, %swap3A_714] {strides = array<i32>} : memref<8x1032xf32, #tpu.memory_space<vmem>>, vector<16xf32>,
      tpu.vector_store %arg15[%swap3A_713, %swap3A_714], %scan3A_648#21 {strides = array<i32>} : memref<8x1032xf32, #tpu.memory_space<vmem>>, vector<16xf32>,
      %swap3A_716 = arith.index_cast %rem3A_405 : i32 to index
      %swap3A_717 = arith.constant 880 : index
      %swap3A_718 = tpu.vector_load %arg15[%swap3A_716, %swap3A_717] {strides = array<i32>} : memref<8x1032xf32, #tpu.memory_space<vmem>>, vector<16xf32>,
      tpu.vector_store %arg15[%swap3A_716, %swap3A_717], %scan3A_648#22 {strides = array<i32>} : memref<8x1032xf32, #tpu.memory_space<vmem>>, vector<16xf32>,
      %swap3A_719 = arith.index_cast %rem3A_405 : i32 to index
      %swap3A_720 = arith.constant 896 : index
      %swap3A_721 = tpu.vector_load %arg15[%swap3A_719, %swap3A_720] {strides = array<i32>} : memref<8x1032xf32, #tpu.memory_space<vmem>>, vector<16xf32>,
      tpu.vector_store %arg15[%swap3A_719, %swap3A_720], %scan3A_648#23 {strides = array<i32>} : memref<8x1032xf32, #tpu.memory_space<vmem>>, vector<16xf32>,
      %swap3A_722 = arith.index_cast %rem3A_405 : i32 to index
      %swap3A_723 = arith.constant 912 : index
      %swap3A_724 = tpu.vector_load %arg15[%swap3A_722, %swap3A_723] {strides = array<i32>} : memref<8x1032xf32, #tpu.memory_space<vmem>>, vector<16xf32>,
      tpu.vector_store %arg15[%swap3A_722, %swap3A_723], %scan3A_648#24 {strides = array<i32>} : memref<8x1032xf32, #tpu.memory_space<vmem>>, vector<16xf32>,
      %swap3A_725 = arith.index_cast %rem3A_405 : i32 to index
      %swap3A_726 = arith.constant 928 : index
      %swap3A_727 = tpu.vector_load %arg15[%swap3A_725, %swap3A_726] {strides = array<i32>} : memref<8x1032xf32, #tpu.memory_space<vmem>>, vector<16xf32>,
      tpu.vector_store %arg15[%swap3A_725, %swap3A_726], %scan3A_648#25 {strides = array<i32>} : memref<8x1032xf32, #tpu.memory_space<vmem>>, vector<16xf32>,
      %swap3A_728 = arith.index_cast %rem3A_405 : i32 to index
      %swap3A_729 = arith.constant 944 : index
      %swap3A_730 = tpu.vector_load %arg15[%swap3A_728, %swap3A_729] {strides = array<i32>} : memref<8x1032xf32, #tpu.memory_space<vmem>>, vector<16xf32>,
      tpu.vector_store %arg15[%swap3A_728, %swap3A_729], %scan3A_648#26 {strides = array<i32>} : memref<8x1032xf32, #tpu.memory_space<vmem>>, vector<16xf32>,
      %swap3A_731 = arith.index_cast %rem3A_405 : i32 to index
      %swap3A_732 = arith.constant 960 : index
      %swap3A_733 = tpu.vector_load %arg15[%swap3A_731, %swap3A_732] {strides = array<i32>} : memref<8x1032xf32, #tpu.memory_space<vmem>>, vector<16xf32>,
      tpu.vector_store %arg15[%swap3A_731, %swap3A_732], %scan3A_648#27 {strides = array<i32>} : memref<8x1032xf32, #tpu.memory_space<vmem>>, vector<16xf32>,
      %swap3A_734 = arith.index_cast %rem3A_405 : i32 to index
      %swap3A_735 = arith.constant 976 : index
      %swap3A_736 = tpu.vector_load %arg15[%swap3A_734, %swap3A_735] {strides = array<i32>} : memref<8x1032xf32, #tpu.memory_space<vmem>>, vector<16xf32>,
      tpu.vector_store %arg15[%swap3A_734, %swap3A_735], %scan3A_648#28 {strides = array<i32>} : memref<8x1032xf32, #tpu.memory_space<vmem>>, vector<16xf32>,
      %swap3A_737 = arith.index_cast %rem3A_405 : i32 to index
      %swap3A_738 = arith.constant 992 : index
      %swap3A_739 = tpu.vector_load %arg15[%swap3A_737, %swap3A_738] {strides = array<i32>} : memref<8x1032xf32, #tpu.memory_space<vmem>>, vector<16xf32>,
      tpu.vector_store %arg15[%swap3A_737, %swap3A_738], %scan3A_648#29 {strides = array<i32>} : memref<8x1032xf32, #tpu.memory_space<vmem>>, vector<16xf32>,
      %swap3A_740 = arith.index_cast %rem3A_405 : i32 to index
      %swap3A_741 = arith.constant 1008 : index
      %swap3A_742 = tpu.vector_load %arg15[%swap3A_740, %swap3A_741] {strides = array<i32>} : memref<8x1032xf32, #tpu.memory_space<vmem>>, vector<16xf32>,
      tpu.vector_store %arg15[%swap3A_740, %swap3A_741], %scan3A_648#30 {strides = array<i32>} : memref<8x1032xf32, #tpu.memory_space<vmem>>, vector<16xf32>,
      %swap3A_743 = arith.index_cast %rem3A_405 : i32 to index
      %swap3A_744 = arith.constant 1016 : index
      %swap3A_745 = tpu.vector_load %arg15[%swap3A_743, %swap3A_744] {strides = array<i32>} : memref<8x1032xf32, #tpu.memory_space<vmem>>, vector<16xf32>,
      tpu.vector_store %arg15[%swap3A_743, %swap3A_744], %scan3A_648#31 {strides = array<i32>} : memref<8x1032xf32, #tpu.memory_space<vmem>>, vector<16xf32>,
      %eq3A_746 = arith.constant 7 : i32
      %eq3A_747 = arith.cmpi eq, %rem3A_405, %eq3A_746 : i32
      %convert_element_type3A_748 = arith.extui %eq3A_747 : i1 to i32
      %cond3A_749 = arith.constant 0 : i32
      %cond3A_750 = arith.cmpi ne, %convert_element_type3A_748, %cond3A_749 : i32
      scf.if %cond3A_750 {
        %add3A_752 = arith.addi %mul3A_2, %add3A_403 : i32
        %sub3A = arith.constant 7 : i32
        %sub3A_753 = arith.subi %add3A_752, %sub3A : i32
        %multiple_of3A = tpu.assume_multiple %sub3A_753, 8 : i32
        "tpu.region"() ({
          %run_scoped3A = tpu.sem_alloc : memref<!tpu.dma_semaphore, #tpu.memory_space<semaphore_mem>>
          %dma_start3A_754 = arith.constant 0 : i32
          %dma_start3A_755 = tpu.memref_slice %arg8[%multiple_of3A, %dma_start3A_754] : memref<1024x1032xf32, #tpu.memory_space<hbm>> -> memref<8x1032xf32, #tpu.memory_space<hbm>>
          %dma_start3A_756 = arith.constant 0 : i32
          %dma_start3A_757 = tpu.memref_slice %arg8[%multiple_of3A, %dma_start3A_756] : memref<1024x1032xf32, #tpu.memory_space<hbm>> -> memref<8x1032xf32, #tpu.memory_space<hbm>>
          tpu.enqueue_dma source(%arg15 : memref<8x1032xf32, #tpu.memory_space<vmem>>) target(%dma_start3A_757 : memref<8x1032xf32, #tpu.memory_space<hbm>>) target_semaphore(%run_scoped3A : memref<!tpu.dma_semaphore, #tpu.memory_space<semaphore_mem>>)
          %dma_wait3A_758 = arith.constant 0 : i32
          %dma_wait3A_759 = tpu.memref_slice %arg8[%multiple_of3A, %dma_wait3A_758] : memref<1024x1032xf32, #tpu.memory_space<hbm>> -> memref<8x1032xf32, #tpu.memory_space<hbm>>
          %dma_wait3A_760 = arith.constant 0 : i32
          %dma_wait3A_761 = tpu.memref_slice %arg8[%multiple_of3A, %dma_wait3A_760] : memref<1024x1032xf32, #tpu.memory_space<hbm>> -> memref<8x1032xf32, #tpu.memory_space<hbm>>
          tpu.wait_dma2 semaphore(%run_scoped3A : memref<!tpu.dma_semaphore, #tpu.memory_space<semaphore_mem>>) src(%arg15 : memref<8x1032xf32, #tpu.memory_space<vmem>>) dst(%dma_wait3A_761 : memref<8x1032xf32, #tpu.memory_space<hbm>>)
          tpu.yield
        }) : () -> ()
      } else {
      }
      %scan3A_751 = arith.constant 0 : i32
      scf.yield %scan3A_751 : i32
    }
    %scan3A_16 = arith.constant 16 : i32
    "tpu.region"() ({
      %run_scoped3A = tpu.sem_alloc : memref<!tpu.dma_semaphore, #tpu.memory_space<semaphore_mem>>
      %dma_start3A_33 = arith.constant 0 : i32
      %dma_start3A_34 = tpu.memref_slice %arg4[%mul3A_2, %dma_start3A_33] : memref<1024x56xi32, #tpu.memory_space<hbm>> -> memref<32x56xi32, #tpu.memory_space<hbm>>
      %dma_start3A_35 = arith.constant 0 : i32
      %dma_start3A_36 = tpu.memref_slice %arg4[%mul3A_2, %dma_start3A_35] : memref<1024x56xi32, #tpu.memory_space<hbm>> -> memref<32x56xi32, #tpu.memory_space<hbm>>
      tpu.enqueue_dma source(%dma_start3A_36 : memref<32x56xi32, #tpu.memory_space<hbm>>) target(%arg10 : memref<32x56xi32, #tpu.memory_space<vmem>>) target_semaphore(%run_scoped3A : memref<!tpu.dma_semaphore, #tpu.memory_space<semaphore_mem>>)
      %dma_wait3A = arith.constant 0 : i32
      %dma_wait3A_37 = tpu.memref_slice %arg4[%mul3A_2, %dma_wait3A] : memref<1024x56xi32, #tpu.memory_space<hbm>> -> memref<32x56xi32, #tpu.memory_space<hbm>>
      %dma_wait3A_38 = arith.constant 0 : i32
      %dma_wait3A_39 = tpu.memref_slice %arg4[%mul3A_2, %dma_wait3A_38] : memref<1024x56xi32, #tpu.memory_space<hbm>> -> memref<32x56xi32, #tpu.memory_space<hbm>>
      tpu.wait_dma2 semaphore(%run_scoped3A : memref<!tpu.dma_semaphore, #tpu.memory_space<semaphore_mem>>) src(%dma_wait3A_39 : memref<32x56xi32, #tpu.memory_space<hbm>>) dst(%arg10 : memref<32x56xi32, #tpu.memory_space<vmem>>)
      tpu.yield
    }) : () -> ()
    %mul3A_17 = arith.constant 56 : i32
    %mul3A_18 = arith.muli %mul3A_2, %mul3A_17 : i32
    "tpu.region"() ({
      %run_scoped3A = tpu.sem_alloc : memref<!tpu.dma_semaphore, #tpu.memory_space<semaphore_mem>>
      %dma_start3A_33 = tpu.memref_slice %arg5[%mul3A_18] : memref<57344xf32, #tpu.memory_space<hbm>> -> memref<1792xf32, #tpu.memory_space<hbm>>
      %dma_start3A_34 = tpu.memref_slice %arg5[%mul3A_18] : memref<57344xf32, #tpu.memory_space<hbm>> -> memref<1792xf32, #tpu.memory_space<hbm>>
      tpu.enqueue_dma source(%dma_start3A_34 : memref<1792xf32, #tpu.memory_space<hbm>>) target(%arg11 : memref<1792xf32, #tpu.memory_space<vmem>>) target_semaphore(%run_scoped3A : memref<!tpu.dma_semaphore, #tpu.memory_space<semaphore_mem>>)
      %dma_wait3A = tpu.memref_slice %arg5[%mul3A_18] : memref<57344xf32, #tpu.memory_space<hbm>> -> memref<1792xf32, #tpu.memory_space<hbm>>
      %dma_wait3A_35 = tpu.memref_slice %arg5[%mul3A_18] : memref<57344xf32, #tpu.memory_space<hbm>> -> memref<1792xf32, #tpu.memory_space<hbm>>
      tpu.wait_dma2 semaphore(%run_scoped3A : memref<!tpu.dma_semaphore, #tpu.memory_space<semaphore_mem>>) src(%dma_wait3A_35 : memref<1792xf32, #tpu.memory_space<hbm>>) dst(%arg11 : memref<1792xf32, #tpu.memory_space<vmem>>)
      tpu.yield
    }) : () -> ()
    %dma_start3A_19 = arith.constant 0 : i32
    %dma_start3A_20 = arith.constant 0 : i32
    %dma_start3A_21 = tpu.memref_slice %arg10[%dma_start3A_19, %dma_start3A_20] : memref<32x56xi32, #tpu.memory_space<vmem>> -> memref<1x56xi32, #tpu.memory_space<vmem>>
    %dma_start3A_22 = tpu.memref_squeeze %dma_start3A_21 : memref<1x56xi32, #tpu.memory_space<vmem>> -> memref<56xi32, #tpu.memory_space<vmem>>
    %dma_start3A_23 = arith.constant 0 : i32
    %dma_start3A_24 = arith.constant 0 : i32
    %dma_start3A_25 = tpu.memref_slice %arg6[%dma_start3A_23, %dma_start3A_24] : memref<100000x1032xf32, #tpu.memory_space<hbm>> -> memref<100000x1032xf32, #tpu.memory_space<hbm>>
    tpu.enqueue_indirect_dma source(%dma_start3A_25 : memref<100000x1032xf32, #tpu.memory_space<hbm>>) target(%arg12 : memref<56x1032xf32, #tpu.memory_space<vmem>>) offsets(%dma_start3A_22 : memref<56xi32, #tpu.memory_space<vmem>>) semaphore(%arg16 : memref<!tpu.dma_semaphore, #tpu.memory_space<semaphore_mem>>)
    %scan3A_26 = arith.constant 0 : i32
    %scan3A_27 = arith.constant 0 : i32
    %scan3A_28 = arith.constant 16 : i32
    %scan3A_29 = arith.addi %scan3A_27, %scan3A_28 : i32
    %scan3A_30 = arith.constant 1 : i32
    %scan3A_31 = scf.for %scan3A_33 = %scan3A_27 to %scan3A_29 step %scan3A_30 iter_args(%scan3A_34 = %scan3A_26) -> (i32)  : i32 {
      %mul3A_35 = arith.constant 2 : i32
      %mul3A_36 = arith.muli %mul3A_35, %scan3A_33 : i32
      %add3A_37 = arith.constant 1 : i32
      %add3A_38 = arith.addi %mul3A_36, %add3A_37 : i32
      %dma_start3A_39 = arith.constant 0 : i32
      %dma_start3A_40 = tpu.memref_slice %arg10[%add3A_38, %dma_start3A_39] : memref<32x56xi32, #tpu.memory_space<vmem>> -> memref<1x56xi32, #tpu.memory_space<vmem>>
      %dma_start3A_41 = tpu.memref_squeeze %dma_start3A_40 : memref<1x56xi32, #tpu.memory_space<vmem>> -> memref<56xi32, #tpu.memory_space<vmem>>
      %dma_start3A_42 = arith.constant 0 : i32
      %dma_start3A_43 = arith.constant 0 : i32
      %dma_start3A_44 = tpu.memref_slice %arg6[%dma_start3A_42, %dma_start3A_43] : memref<100000x1032xf32, #tpu.memory_space<hbm>> -> memref<100000x1032xf32, #tpu.memory_space<hbm>>
      tpu.enqueue_indirect_dma source(%dma_start3A_44 : memref<100000x1032xf32, #tpu.memory_space<hbm>>) target(%arg13 : memref<56x1032xf32, #tpu.memory_space<vmem>>) offsets(%dma_start3A_41 : memref<56xi32, #tpu.memory_space<vmem>>) semaphore(%arg17 : memref<!tpu.dma_semaphore, #tpu.memory_space<semaphore_mem>>)
      %dma_wait3A = arith.constant 0 : i32
      %dma_wait3A_45 = tpu.memref_slice %arg10[%mul3A_36, %dma_wait3A] : memref<32x56xi32, #tpu.memory_space<vmem>> -> memref<1x56xi32, #tpu.memory_space<vmem>>
      %dma_wait3A_46 = tpu.memref_squeeze %dma_wait3A_45 : memref<1x56xi32, #tpu.memory_space<vmem>> -> memref<56xi32, #tpu.memory_space<vmem>>
      %dma_wait3A_47 = arith.constant 0 : i32
      %dma_wait3A_48 = arith.constant 0 : i32
      %dma_wait3A_49 = tpu.memref_slice %arg6[%dma_wait3A_47, %dma_wait3A_48] : memref<100000x1032xf32, #tpu.memory_space<hbm>> -> memref<100000x1032xf32, #tpu.memory_space<hbm>>
      tpu.wait_indirect_dma semaphore(%arg16 : memref<!tpu.dma_semaphore, #tpu.memory_space<semaphore_mem>>) src(%dma_wait3A_49 : memref<100000x1032xf32, #tpu.memory_space<hbm>>) dst(%arg12 : memref<56x1032xf32, #tpu.memory_space<vmem>>)
      %rem3A = arith.constant 8 : i32
      %rem3A_50 = arith.remsi %mul3A_36, %rem3A : i32
      %mul3A_51 = arith.constant 56 : i32
      %mul3A_52 = arith.muli %mul3A_36, %mul3A_51 : i32
      %broadcast_in_dim3A = vector.broadcast %mul3A_52 : i32 to vector<16xi32>
      %get3A = arith.constant 0 : index
      %get3A_53 = tpu.vector_load %arg14[%get3A] {strides = array<i32>} : memref<1032xf32, #tpu.memory_space<vmem>>, vector<16xf32>,
      %get3A_54 = arith.constant 16 : index
      %get3A_55 = tpu.vector_load %arg14[%get3A_54] {strides = array<i32>} : memref<1032xf32, #tpu.memory_space<vmem>>, vector<16xf32>,
      %get3A_56 = arith.constant 32 : index
      %get3A_57 = tpu.vector_load %arg14[%get3A_56] {strides = array<i32>} : memref<1032xf32, #tpu.memory_space<vmem>>, vector<16xf32>,
      %get3A_58 = arith.constant 48 : index
      %get3A_59 = tpu.vector_load %arg14[%get3A_58] {strides = array<i32>} : memref<1032xf32, #tpu.memory_space<vmem>>, vector<16xf32>,
      %get3A_60 = arith.constant 64 : index
      %get3A_61 = tpu.vector_load %arg14[%get3A_60] {strides = array<i32>} : memref<1032xf32, #tpu.memory_space<vmem>>, vector<16xf32>,
      %get3A_62 = arith.constant 80 : index
      %get3A_63 = tpu.vector_load %arg14[%get3A_62] {strides = array<i32>} : memref<1032xf32, #tpu.memory_space<vmem>>, vector<16xf32>,
      %get3A_64 = arith.constant 96 : index
      %get3A_65 = tpu.vector_load %arg14[%get3A_64] {strides = array<i32>} : memref<1032xf32, #tpu.memory_space<vmem>>, vector<16xf32>,
      %get3A_66 = arith.constant 112 : index
      %get3A_67 = tpu.vector_load %arg14[%get3A_66] {strides = array<i32>} : memref<1032xf32, #tpu.memory_space<vmem>>, vector<16xf32>,
      %get3A_68 = arith.constant 128 : index
      %get3A_69 = tpu.vector_load %arg14[%get3A_68] {strides = array<i32>} : memref<1032xf32, #tpu.memory_space<vmem>>, vector<16xf32>,
      %get3A_70 = arith.constant 144 : index
      %get3A_71 = tpu.vector_load %arg14[%get3A_70] {strides = array<i32>} : memref<1032xf32, #tpu.memory_space<vmem>>, vector<16xf32>,
      %get3A_72 = arith.constant 160 : index
      %get3A_73 = tpu.vector_load %arg14[%get3A_72] {strides = array<i32>} : memref<1032xf32, #tpu.memory_space<vmem>>, vector<16xf32>,
      %get3A_74 = arith.constant 176 : index
      %get3A_75 = tpu.vector_load %arg14[%get3A_74] {strides = array<i32>} : memref<1032xf32, #tpu.memory_space<vmem>>, vector<16xf32>,
      %get3A_76 = arith.constant 192 : index
      %get3A_77 = tpu.vector_load %arg14[%get3A_76] {strides = array<i32>} : memref<1032xf32, #tpu.memory_space<vmem>>, vector<16xf32>,
      %get3A_78 = arith.constant 208 : index
      %get3A_79 = tpu.vector_load %arg14[%get3A_78] {strides = array<i32>} : memref<1032xf32, #tpu.memory_space<vmem>>, vector<16xf32>,
      %get3A_80 = arith.constant 224 : index
      %get3A_81 = tpu.vector_load %arg14[%get3A_80] {strides = array<i32>} : memref<1032xf32, #tpu.memory_space<vmem>>, vector<16xf32>,
      %get3A_82 = arith.constant 240 : index
      %get3A_83 = tpu.vector_load %arg14[%get3A_82] {strides = array<i32>} : memref<1032xf32, #tpu.memory_space<vmem>>, vector<16xf32>,
      %get3A_84 = arith.constant 256 : index
      %get3A_85 = tpu.vector_load %arg14[%get3A_84] {strides = array<i32>} : memref<1032xf32, #tpu.memory_space<vmem>>, vector<16xf32>,
      %get3A_86 = arith.constant 272 : index
      %get3A_87 = tpu.vector_load %arg14[%get3A_86] {strides = array<i32>} : memref<1032xf32, #tpu.memory_space<vmem>>, vector<16xf32>,
      %get3A_88 = arith.constant 288 : index
      %get3A_89 = tpu.vector_load %arg14[%get3A_88] {strides = array<i32>} : memref<1032xf32, #tpu.memory_space<vmem>>, vector<16xf32>,
      %get3A_90 = arith.constant 304 : index
      %get3A_91 = tpu.vector_load %arg14[%get3A_90] {strides = array<i32>} : memref<1032xf32, #tpu.memory_space<vmem>>, vector<16xf32>,
      %get3A_92 = arith.constant 320 : index
      %get3A_93 = tpu.vector_load %arg14[%get3A_92] {strides = array<i32>} : memref<1032xf32, #tpu.memory_space<vmem>>, vector<16xf32>,
      %get3A_94 = arith.constant 336 : index
      %get3A_95 = tpu.vector_load %arg14[%get3A_94] {strides = array<i32>} : memref<1032xf32, #tpu.memory_space<vmem>>, vector<16xf32>,
      %get3A_96 = arith.constant 352 : index
      %get3A_97 = tpu.vector_load %arg14[%get3A_96] {strides = array<i32>} : memref<1032xf32, #tpu.memory_space<vmem>>, vector<16xf32>,
      %get3A_98 = arith.constant 368 : index
      %get3A_99 = tpu.vector_load %arg14[%get3A_98] {strides = array<i32>} : memref<1032xf32, #tpu.memory_space<vmem>>, vector<16xf32>,
      %get3A_100 = arith.constant 384 : index
      %get3A_101 = tpu.vector_load %arg14[%get3A_100] {strides = array<i32>} : memref<1032xf32, #tpu.memory_space<vmem>>, vector<16xf32>,
      %get3A_102 = arith.constant 400 : index
      %get3A_103 = tpu.vector_load %arg14[%get3A_102] {strides = array<i32>} : memref<1032xf32, #tpu.memory_space<vmem>>, vector<16xf32>,
      %get3A_104 = arith.constant 416 : index
      %get3A_105 = tpu.vector_load %arg14[%get3A_104] {strides = array<i32>} : memref<1032xf32, #tpu.memory_space<vmem>>, vector<16xf32>,
      %get3A_106 = arith.constant 432 : index
      %get3A_107 = tpu.vector_load %arg14[%get3A_106] {strides = array<i32>} : memref<1032xf32, #tpu.memory_space<vmem>>, vector<16xf32>,
      %get3A_108 = arith.constant 448 : index
      %get3A_109 = tpu.vector_load %arg14[%get3A_108] {strides = array<i32>} : memref<1032xf32, #tpu.memory_space<vmem>>, vector<16xf32>,
      %get3A_110 = arith.constant 464 : index
      %get3A_111 = tpu.vector_load %arg14[%get3A_110] {strides = array<i32>} : memref<1032xf32, #tpu.memory_space<vmem>>, vector<16xf32>,
      %get3A_112 = arith.constant 480 : index
      %get3A_113 = tpu.vector_load %arg14[%get3A_112] {strides = array<i32>} : memref<1032xf32, #tpu.memory_space<vmem>>, vector<16xf32>,
      %get3A_114 = arith.constant 496 : index
      %get3A_115 = tpu.vector_load %arg14[%get3A_114] {strides = array<i32>} : memref<1032xf32, #tpu.memory_space<vmem>>, vector<16xf32>,
      %get3A_116 = arith.constant 512 : index
      %get3A_117 = tpu.vector_load %arg14[%get3A_116] {strides = array<i32>} : memref<1032xf32, #tpu.memory_space<vmem>>, vector<16xf32>,
      %scan3A_118 = arith.constant 0 : i32
      %scan3A_119 = arith.constant 50 : i32
      %scan3A_120 = arith.addi %scan3A_118, %scan3A_119 : i32
      %scan3A_121 = arith.constant 1 : i32
      %scan3A_122:33 = scf.for %scan3A_752 = %scan3A_118 to %scan3A_120 step %scan3A_121 iter_args(%scan3A_753 = %get3A_53, %scan3A_754 = %get3A_55, %scan3A_755 = %get3A_57, %scan3A_756 = %get3A_59, %scan3A_757 = %get3A_61, %scan3A_758 = %get3A_63, %scan3A_759 = %get3A_65, %scan3A_760 = %get3A_67, %scan3A_761 = %get3A_69, %scan3A_762 = %get3A_71, %scan3A_763 = %get3A_73, %scan3A_764 = %get3A_75, %scan3A_765 = %get3A_77, %scan3A_766 = %get3A_79, %scan3A_767 = %get3A_81, %scan3A_768 = %get3A_83, %scan3A_769 = %get3A_85, %scan3A_770 = %get3A_87, %scan3A_771 = %get3A_89, %scan3A_772 = %get3A_91, %scan3A_773 = %get3A_93, %scan3A_774 = %get3A_95, %scan3A_775 = %get3A_97, %scan3A_776 = %get3A_99, %scan3A_777 = %get3A_101, %scan3A_778 = %get3A_103, %scan3A_779 = %get3A_105, %scan3A_780 = %get3A_107, %scan3A_781 = %get3A_109, %scan3A_782 = %get3A_111, %scan3A_783 = %get3A_113, %scan3A_784 = %get3A_115, %scan3A_785 = %get3A_117) -> (vector<16xf32>, vector<16xf32>, vector<16xf32>, vector<16xf32>, vector<16xf32>, vector<16xf32>, vector<16xf32>, vector<16xf32>, vector<16xf32>, vector<16xf32>, vector<16xf32>, vector<16xf32>, vector<16xf32>, vector<16xf32>, vector<16xf32>, vector<16xf32>, vector<16xf32>, vector<16xf32>, vector<16xf32>, vector<16xf32>, vector<16xf32>, vector<16xf32>, vector<16xf32>, vector<16xf32>, vector<16xf32>, vector<16xf32>, vector<16xf32>, vector<16xf32>, vector<16xf32>, vector<16xf32>, vector<16xf32>, vector<16xf32>, vector<16xf32>)  : i32 {
        %add3A_786 = vector.broadcast %scan3A_752 : i32 to vector<16xi32>
        %add3A_787 = arith.addi %broadcast_in_dim3A, %add3A_786 : vector<16xi32>
        %gather3A = tpu.vector_load_idx %arg11[%add3A_787] : memref<1792xf32, #tpu.memory_space<vmem>>[vector<16xi32>], vector<16xf32>,
        %get3A_788 = arith.index_cast %scan3A_752 : i32 to index
        %get3A_789 = arith.constant 0 : index
        %get3A_790 = tpu.vector_load %arg12[%get3A_788, %get3A_789] {strides = array<i32>} : memref<56x1032xf32, #tpu.memory_space<vmem>>, vector<16xf32>,
        %mul3A_791 = arith.mulf %gather3A, %get3A_790 : vector<16xf32>
        %add3A_792 = arith.addf %scan3A_753, %mul3A_791 : vector<16xf32>
        %get3A_793 = arith.index_cast %scan3A_752 : i32 to index
        %get3A_794 = arith.constant 16 : index
        %get3A_795 = tpu.vector_load %arg12[%get3A_793, %get3A_794] {strides = array<i32>} : memref<56x1032xf32, #tpu.memory_space<vmem>>, vector<16xf32>,
        %mul3A_796 = arith.mulf %gather3A, %get3A_795 : vector<16xf32>
        %add3A_797 = arith.addf %scan3A_754, %mul3A_796 : vector<16xf32>
        %get3A_798 = arith.index_cast %scan3A_752 : i32 to index
        %get3A_799 = arith.constant 32 : index
        %get3A_800 = tpu.vector_load %arg12[%get3A_798, %get3A_799] {strides = array<i32>} : memref<56x1032xf32, #tpu.memory_space<vmem>>, vector<16xf32>,
        %mul3A_801 = arith.mulf %gather3A, %get3A_800 : vector<16xf32>
        %add3A_802 = arith.addf %scan3A_755, %mul3A_801 : vector<16xf32>
        %get3A_803 = arith.index_cast %scan3A_752 : i32 to index
        %get3A_804 = arith.constant 48 : index
        %get3A_805 = tpu.vector_load %arg12[%get3A_803, %get3A_804] {strides = array<i32>} : memref<56x1032xf32, #tpu.memory_space<vmem>>, vector<16xf32>,
        %mul3A_806 = arith.mulf %gather3A, %get3A_805 : vector<16xf32>
        %add3A_807 = arith.addf %scan3A_756, %mul3A_806 : vector<16xf32>
        %get3A_808 = arith.index_cast %scan3A_752 : i32 to index
        %get3A_809 = arith.constant 64 : index
        %get3A_810 = tpu.vector_load %arg12[%get3A_808, %get3A_809] {strides = array<i32>} : memref<56x1032xf32, #tpu.memory_space<vmem>>, vector<16xf32>,
        %mul3A_811 = arith.mulf %gather3A, %get3A_810 : vector<16xf32>
        %add3A_812 = arith.addf %scan3A_757, %mul3A_811 : vector<16xf32>
        %get3A_813 = arith.index_cast %scan3A_752 : i32 to index
        %get3A_814 = arith.constant 80 : index
        %get3A_815 = tpu.vector_load %arg12[%get3A_813, %get3A_814] {strides = array<i32>} : memref<56x1032xf32, #tpu.memory_space<vmem>>, vector<16xf32>,
        %mul3A_816 = arith.mulf %gather3A, %get3A_815 : vector<16xf32>
        %add3A_817 = arith.addf %scan3A_758, %mul3A_816 : vector<16xf32>
        %get3A_818 = arith.index_cast %scan3A_752 : i32 to index
        %get3A_819 = arith.constant 96 : index
        %get3A_820 = tpu.vector_load %arg12[%get3A_818, %get3A_819] {strides = array<i32>} : memref<56x1032xf32, #tpu.memory_space<vmem>>, vector<16xf32>,
        %mul3A_821 = arith.mulf %gather3A, %get3A_820 : vector<16xf32>
        %add3A_822 = arith.addf %scan3A_759, %mul3A_821 : vector<16xf32>
        %get3A_823 = arith.index_cast %scan3A_752 : i32 to index
        %get3A_824 = arith.constant 112 : index
        %get3A_825 = tpu.vector_load %arg12[%get3A_823, %get3A_824] {strides = array<i32>} : memref<56x1032xf32, #tpu.memory_space<vmem>>, vector<16xf32>,
        %mul3A_826 = arith.mulf %gather3A, %get3A_825 : vector<16xf32>
        %add3A_827 = arith.addf %scan3A_760, %mul3A_826 : vector<16xf32>
        %get3A_828 = arith.index_cast %scan3A_752 : i32 to index
        %get3A_829 = arith.constant 128 : index
        %get3A_830 = tpu.vector_load %arg12[%get3A_828, %get3A_829] {strides = array<i32>} : memref<56x1032xf32, #tpu.memory_space<vmem>>, vector<16xf32>,
        %mul3A_831 = arith.mulf %gather3A, %get3A_830 : vector<16xf32>
        %add3A_832 = arith.addf %scan3A_761, %mul3A_831 : vector<16xf32>
        %get3A_833 = arith.index_cast %scan3A_752 : i32 to index
        %get3A_834 = arith.constant 144 : index
        %get3A_835 = tpu.vector_load %arg12[%get3A_833, %get3A_834] {strides = array<i32>} : memref<56x1032xf32, #tpu.memory_space<vmem>>, vector<16xf32>,
        %mul3A_836 = arith.mulf %gather3A, %get3A_835 : vector<16xf32>
        %add3A_837 = arith.addf %scan3A_762, %mul3A_836 : vector<16xf32>
        %get3A_838 = arith.index_cast %scan3A_752 : i32 to index
        %get3A_839 = arith.constant 160 : index
        %get3A_840 = tpu.vector_load %arg12[%get3A_838, %get3A_839] {strides = array<i32>} : memref<56x1032xf32, #tpu.memory_space<vmem>>, vector<16xf32>,
        %mul3A_841 = arith.mulf %gather3A, %get3A_840 : vector<16xf32>
        %add3A_842 = arith.addf %scan3A_763, %mul3A_841 : vector<16xf32>
        %get3A_843 = arith.index_cast %scan3A_752 : i32 to index
        %get3A_844 = arith.constant 176 : index
        %get3A_845 = tpu.vector_load %arg12[%get3A_843, %get3A_844] {strides = array<i32>} : memref<56x1032xf32, #tpu.memory_space<vmem>>, vector<16xf32>,
        %mul3A_846 = arith.mulf %gather3A, %get3A_845 : vector<16xf32>
        %add3A_847 = arith.addf %scan3A_764, %mul3A_846 : vector<16xf32>
        %get3A_848 = arith.index_cast %scan3A_752 : i32 to index
        %get3A_849 = arith.constant 192 : index
        %get3A_850 = tpu.vector_load %arg12[%get3A_848, %get3A_849] {strides = array<i32>} : memref<56x1032xf32, #tpu.memory_space<vmem>>, vector<16xf32>,
        %mul3A_851 = arith.mulf %gather3A, %get3A_850 : vector<16xf32>
        %add3A_852 = arith.addf %scan3A_765, %mul3A_851 : vector<16xf32>
        %get3A_853 = arith.index_cast %scan3A_752 : i32 to index
        %get3A_854 = arith.constant 208 : index
        %get3A_855 = tpu.vector_load %arg12[%get3A_853, %get3A_854] {strides = array<i32>} : memref<56x1032xf32, #tpu.memory_space<vmem>>, vector<16xf32>,
        %mul3A_856 = arith.mulf %gather3A, %get3A_855 : vector<16xf32>
        %add3A_857 = arith.addf %scan3A_766, %mul3A_856 : vector<16xf32>
        %get3A_858 = arith.index_cast %scan3A_752 : i32 to index
        %get3A_859 = arith.constant 224 : index
        %get3A_860 = tpu.vector_load %arg12[%get3A_858, %get3A_859] {strides = array<i32>} : memref<56x1032xf32, #tpu.memory_space<vmem>>, vector<16xf32>,
        %mul3A_861 = arith.mulf %gather3A, %get3A_860 : vector<16xf32>
        %add3A_862 = arith.addf %scan3A_767, %mul3A_861 : vector<16xf32>
        %get3A_863 = arith.index_cast %scan3A_752 : i32 to index
        %get3A_864 = arith.constant 240 : index
        %get3A_865 = tpu.vector_load %arg12[%get3A_863, %get3A_864] {strides = array<i32>} : memref<56x1032xf32, #tpu.memory_space<vmem>>, vector<16xf32>,
        %mul3A_866 = arith.mulf %gather3A, %get3A_865 : vector<16xf32>
        %add3A_867 = arith.addf %scan3A_768, %mul3A_866 : vector<16xf32>
        %get3A_868 = arith.index_cast %scan3A_752 : i32 to index
        %get3A_869 = arith.constant 256 : index
        %get3A_870 = tpu.vector_load %arg12[%get3A_868, %get3A_869] {strides = array<i32>} : memref<56x1032xf32, #tpu.memory_space<vmem>>, vector<16xf32>,
        %mul3A_871 = arith.mulf %gather3A, %get3A_870 : vector<16xf32>
        %add3A_872 = arith.addf %scan3A_769, %mul3A_871 : vector<16xf32>
        %get3A_873 = arith.index_cast %scan3A_752 : i32 to index
        %get3A_874 = arith.constant 272 : index
        %get3A_875 = tpu.vector_load %arg12[%get3A_873, %get3A_874] {strides = array<i32>} : memref<56x1032xf32, #tpu.memory_space<vmem>>, vector<16xf32>,
        %mul3A_876 = arith.mulf %gather3A, %get3A_875 : vector<16xf32>
        %add3A_877 = arith.addf %scan3A_770, %mul3A_876 : vector<16xf32>
        %get3A_878 = arith.index_cast %scan3A_752 : i32 to index
        %get3A_879 = arith.constant 288 : index
        %get3A_880 = tpu.vector_load %arg12[%get3A_878, %get3A_879] {strides = array<i32>} : memref<56x1032xf32, #tpu.memory_space<vmem>>, vector<16xf32>,
        %mul3A_881 = arith.mulf %gather3A, %get3A_880 : vector<16xf32>
        %add3A_882 = arith.addf %scan3A_771, %mul3A_881 : vector<16xf32>
        %get3A_883 = arith.index_cast %scan3A_752 : i32 to index
        %get3A_884 = arith.constant 304 : index
        %get3A_885 = tpu.vector_load %arg12[%get3A_883, %get3A_884] {strides = array<i32>} : memref<56x1032xf32, #tpu.memory_space<vmem>>, vector<16xf32>,
        %mul3A_886 = arith.mulf %gather3A, %get3A_885 : vector<16xf32>
        %add3A_887 = arith.addf %scan3A_772, %mul3A_886 : vector<16xf32>
        %get3A_888 = arith.index_cast %scan3A_752 : i32 to index
        %get3A_889 = arith.constant 320 : index
        %get3A_890 = tpu.vector_load %arg12[%get3A_888, %get3A_889] {strides = array<i32>} : memref<56x1032xf32, #tpu.memory_space<vmem>>, vector<16xf32>,
        %mul3A_891 = arith.mulf %gather3A, %get3A_890 : vector<16xf32>
        %add3A_892 = arith.addf %scan3A_773, %mul3A_891 : vector<16xf32>
        %get3A_893 = arith.index_cast %scan3A_752 : i32 to index
        %get3A_894 = arith.constant 336 : index
        %get3A_895 = tpu.vector_load %arg12[%get3A_893, %get3A_894] {strides = array<i32>} : memref<56x1032xf32, #tpu.memory_space<vmem>>, vector<16xf32>,
        %mul3A_896 = arith.mulf %gather3A, %get3A_895 : vector<16xf32>
        %add3A_897 = arith.addf %scan3A_774, %mul3A_896 : vector<16xf32>
        %get3A_898 = arith.index_cast %scan3A_752 : i32 to index
        %get3A_899 = arith.constant 352 : index
        %get3A_900 = tpu.vector_load %arg12[%get3A_898, %get3A_899] {strides = array<i32>} : memref<56x1032xf32, #tpu.memory_space<vmem>>, vector<16xf32>,
        %mul3A_901 = arith.mulf %gather3A, %get3A_900 : vector<16xf32>
        %add3A_902 = arith.addf %scan3A_775, %mul3A_901 : vector<16xf32>
        %get3A_903 = arith.index_cast %scan3A_752 : i32 to index
        %get3A_904 = arith.constant 368 : index
        %get3A_905 = tpu.vector_load %arg12[%get3A_903, %get3A_904] {strides = array<i32>} : memref<56x1032xf32, #tpu.memory_space<vmem>>, vector<16xf32>,
        %mul3A_906 = arith.mulf %gather3A, %get3A_905 : vector<16xf32>
        %add3A_907 = arith.addf %scan3A_776, %mul3A_906 : vector<16xf32>
        %get3A_908 = arith.index_cast %scan3A_752 : i32 to index
        %get3A_909 = arith.constant 384 : index
        %get3A_910 = tpu.vector_load %arg12[%get3A_908, %get3A_909] {strides = array<i32>} : memref<56x1032xf32, #tpu.memory_space<vmem>>, vector<16xf32>,
        %mul3A_911 = arith.mulf %gather3A, %get3A_910 : vector<16xf32>
        %add3A_912 = arith.addf %scan3A_777, %mul3A_911 : vector<16xf32>
        %get3A_913 = arith.index_cast %scan3A_752 : i32 to index
        %get3A_914 = arith.constant 400 : index
        %get3A_915 = tpu.vector_load %arg12[%get3A_913, %get3A_914] {strides = array<i32>} : memref<56x1032xf32, #tpu.memory_space<vmem>>, vector<16xf32>,
        %mul3A_916 = arith.mulf %gather3A, %get3A_915 : vector<16xf32>
        %add3A_917 = arith.addf %scan3A_778, %mul3A_916 : vector<16xf32>
        %get3A_918 = arith.index_cast %scan3A_752 : i32 to index
        %get3A_919 = arith.constant 416 : index
        %get3A_920 = tpu.vector_load %arg12[%get3A_918, %get3A_919] {strides = array<i32>} : memref<56x1032xf32, #tpu.memory_space<vmem>>, vector<16xf32>,
        %mul3A_921 = arith.mulf %gather3A, %get3A_920 : vector<16xf32>
        %add3A_922 = arith.addf %scan3A_779, %mul3A_921 : vector<16xf32>
        %get3A_923 = arith.index_cast %scan3A_752 : i32 to index
        %get3A_924 = arith.constant 432 : index
        %get3A_925 = tpu.vector_load %arg12[%get3A_923, %get3A_924] {strides = array<i32>} : memref<56x1032xf32, #tpu.memory_space<vmem>>, vector<16xf32>,
        %mul3A_926 = arith.mulf %gather3A, %get3A_925 : vector<16xf32>
        %add3A_927 = arith.addf %scan3A_780, %mul3A_926 : vector<16xf32>
        %get3A_928 = arith.index_cast %scan3A_752 : i32 to index
        %get3A_929 = arith.constant 448 : index
        %get3A_930 = tpu.vector_load %arg12[%get3A_928, %get3A_929] {strides = array<i32>} : memref<56x1032xf32, #tpu.memory_space<vmem>>, vector<16xf32>,
        %mul3A_931 = arith.mulf %gather3A, %get3A_930 : vector<16xf32>
        %add3A_932 = arith.addf %scan3A_781, %mul3A_931 : vector<16xf32>
        %get3A_933 = arith.index_cast %scan3A_752 : i32 to index
        %get3A_934 = arith.constant 464 : index
        %get3A_935 = tpu.vector_load %arg12[%get3A_933, %get3A_934] {strides = array<i32>} : memref<56x1032xf32, #tpu.memory_space<vmem>>, vector<16xf32>,
        %mul3A_936 = arith.mulf %gather3A, %get3A_935 : vector<16xf32>
        %add3A_937 = arith.addf %scan3A_782, %mul3A_936 : vector<16xf32>
        %get3A_938 = arith.index_cast %scan3A_752 : i32 to index
        %get3A_939 = arith.constant 480 : index
        %get3A_940 = tpu.vector_load %arg12[%get3A_938, %get3A_939] {strides = array<i32>} : memref<56x1032xf32, #tpu.memory_space<vmem>>, vector<16xf32>,
        %mul3A_941 = arith.mulf %gather3A, %get3A_940 : vector<16xf32>
        %add3A_942 = arith.addf %scan3A_783, %mul3A_941 : vector<16xf32>
        %get3A_943 = arith.index_cast %scan3A_752 : i32 to index
        %get3A_944 = arith.constant 496 : index
        %get3A_945 = tpu.vector_load %arg12[%get3A_943, %get3A_944] {strides = array<i32>} : memref<56x1032xf32, #tpu.memory_space<vmem>>, vector<16xf32>,
        %mul3A_946 = arith.mulf %gather3A, %get3A_945 : vector<16xf32>
        %add3A_947 = arith.addf %scan3A_784, %mul3A_946 : vector<16xf32>
        %get3A_948 = arith.index_cast %scan3A_752 : i32 to index
        %get3A_949 = arith.constant 512 : index
        %get3A_950 = tpu.vector_load %arg12[%get3A_948, %get3A_949] {strides = array<i32>} : memref<56x1032xf32, #tpu.memory_space<vmem>>, vector<16xf32>,
        %mul3A_951 = arith.mulf %gather3A, %get3A_950 : vector<16xf32>
        %add3A_952 = arith.addf %scan3A_785, %mul3A_951 : vector<16xf32>
        scf.yield %add3A_792, %add3A_797, %add3A_802, %add3A_807, %add3A_812, %add3A_817, %add3A_822, %add3A_827, %add3A_832, %add3A_837, %add3A_842, %add3A_847, %add3A_852, %add3A_857, %add3A_862, %add3A_867, %add3A_872, %add3A_877, %add3A_882, %add3A_887, %add3A_892, %add3A_897, %add3A_902, %add3A_907, %add3A_912, %add3A_917, %add3A_922, %add3A_927, %add3A_932, %add3A_937, %add3A_942, %add3A_947, %add3A_952 : vector<16xf32>, vector<16xf32>, vector<16xf32>, vector<16xf32>, vector<16xf32>, vector<16xf32>, vector<16xf32>, vector<16xf32>, vector<16xf32>, vector<16xf32>, vector<16xf32>, vector<16xf32>, vector<16xf32>, vector<16xf32>, vector<16xf32>, vector<16xf32>, vector<16xf32>, vector<16xf32>, vector<16xf32>, vector<16xf32>, vector<16xf32>, vector<16xf32>, vector<16xf32>, vector<16xf32>, vector<16xf32>, vector<16xf32>, vector<16xf32>, vector<16xf32>, vector<16xf32>, vector<16xf32>, vector<16xf32>, vector<16xf32>, vector<16xf32>
      }
      %scan3A_123 = arith.constant 50 : i32
      %swap3A = arith.index_cast %rem3A_50 : i32 to index
      %swap3A_124 = arith.constant 0 : index
      %swap3A_125 = tpu.vector_load %arg15[%swap3A, %swap3A_124] {strides = array<i32>} : memref<8x1032xf32, #tpu.memory_space<vmem>>, vector<16xf32>,
      tpu.vector_store %arg15[%swap3A, %swap3A_124], %scan3A_122#0 {strides = array<i32>} : memref<8x1032xf32, #tpu.memory_space<vmem>>, vector<16xf32>,
      %swap3A_126 = arith.index_cast %rem3A_50 : i32 to index
      %swap3A_127 = arith.constant 16 : index
      %swap3A_128 = tpu.vector_load %arg15[%swap3A_126, %swap3A_127] {strides = array<i32>} : memref<8x1032xf32, #tpu.memory_space<vmem>>, vector<16xf32>,
      tpu.vector_store %arg15[%swap3A_126, %swap3A_127], %scan3A_122#1 {strides = array<i32>} : memref<8x1032xf32, #tpu.memory_space<vmem>>, vector<16xf32>,
      %swap3A_129 = arith.index_cast %rem3A_50 : i32 to index
      %swap3A_130 = arith.constant 32 : index
      %swap3A_131 = tpu.vector_load %arg15[%swap3A_129, %swap3A_130] {strides = array<i32>} : memref<8x1032xf32, #tpu.memory_space<vmem>>, vector<16xf32>,
      tpu.vector_store %arg15[%swap3A_129, %swap3A_130], %scan3A_122#2 {strides = array<i32>} : memref<8x1032xf32, #tpu.memory_space<vmem>>, vector<16xf32>,
      %swap3A_132 = arith.index_cast %rem3A_50 : i32 to index
      %swap3A_133 = arith.constant 48 : index
      %swap3A_134 = tpu.vector_load %arg15[%swap3A_132, %swap3A_133] {strides = array<i32>} : memref<8x1032xf32, #tpu.memory_space<vmem>>, vector<16xf32>,
      tpu.vector_store %arg15[%swap3A_132, %swap3A_133], %scan3A_122#3 {strides = array<i32>} : memref<8x1032xf32, #tpu.memory_space<vmem>>, vector<16xf32>,
      %swap3A_135 = arith.index_cast %rem3A_50 : i32 to index
      %swap3A_136 = arith.constant 64 : index
      %swap3A_137 = tpu.vector_load %arg15[%swap3A_135, %swap3A_136] {strides = array<i32>} : memref<8x1032xf32, #tpu.memory_space<vmem>>, vector<16xf32>,
      tpu.vector_store %arg15[%swap3A_135, %swap3A_136], %scan3A_122#4 {strides = array<i32>} : memref<8x1032xf32, #tpu.memory_space<vmem>>, vector<16xf32>,
      %swap3A_138 = arith.index_cast %rem3A_50 : i32 to index
      %swap3A_139 = arith.constant 80 : index
      %swap3A_140 = tpu.vector_load %arg15[%swap3A_138, %swap3A_139] {strides = array<i32>} : memref<8x1032xf32, #tpu.memory_space<vmem>>, vector<16xf32>,
      tpu.vector_store %arg15[%swap3A_138, %swap3A_139], %scan3A_122#5 {strides = array<i32>} : memref<8x1032xf32, #tpu.memory_space<vmem>>, vector<16xf32>,
      %swap3A_141 = arith.index_cast %rem3A_50 : i32 to index
      %swap3A_142 = arith.constant 96 : index
      %swap3A_143 = tpu.vector_load %arg15[%swap3A_141, %swap3A_142] {strides = array<i32>} : memref<8x1032xf32, #tpu.memory_space<vmem>>, vector<16xf32>,
      tpu.vector_store %arg15[%swap3A_141, %swap3A_142], %scan3A_122#6 {strides = array<i32>} : memref<8x1032xf32, #tpu.memory_space<vmem>>, vector<16xf32>,
      %swap3A_144 = arith.index_cast %rem3A_50 : i32 to index
      %swap3A_145 = arith.constant 112 : index
      %swap3A_146 = tpu.vector_load %arg15[%swap3A_144, %swap3A_145] {strides = array<i32>} : memref<8x1032xf32, #tpu.memory_space<vmem>>, vector<16xf32>,
      tpu.vector_store %arg15[%swap3A_144, %swap3A_145], %scan3A_122#7 {strides = array<i32>} : memref<8x1032xf32, #tpu.memory_space<vmem>>, vector<16xf32>,
      %swap3A_147 = arith.index_cast %rem3A_50 : i32 to index
      %swap3A_148 = arith.constant 128 : index
      %swap3A_149 = tpu.vector_load %arg15[%swap3A_147, %swap3A_148] {strides = array<i32>} : memref<8x1032xf32, #tpu.memory_space<vmem>>, vector<16xf32>,
      tpu.vector_store %arg15[%swap3A_147, %swap3A_148], %scan3A_122#8 {strides = array<i32>} : memref<8x1032xf32, #tpu.memory_space<vmem>>, vector<16xf32>,
      %swap3A_150 = arith.index_cast %rem3A_50 : i32 to index
      %swap3A_151 = arith.constant 144 : index
      %swap3A_152 = tpu.vector_load %arg15[%swap3A_150, %swap3A_151] {strides = array<i32>} : memref<8x1032xf32, #tpu.memory_space<vmem>>, vector<16xf32>,
      tpu.vector_store %arg15[%swap3A_150, %swap3A_151], %scan3A_122#9 {strides = array<i32>} : memref<8x1032xf32, #tpu.memory_space<vmem>>, vector<16xf32>,
      %swap3A_153 = arith.index_cast %rem3A_50 : i32 to index
      %swap3A_154 = arith.constant 160 : index
      %swap3A_155 = tpu.vector_load %arg15[%swap3A_153, %swap3A_154] {strides = array<i32>} : memref<8x1032xf32, #tpu.memory_space<vmem>>, vector<16xf32>,
      tpu.vector_store %arg15[%swap3A_153, %swap3A_154], %scan3A_122#10 {strides = array<i32>} : memref<8x1032xf32, #tpu.memory_space<vmem>>, vector<16xf32>,
      %swap3A_156 = arith.index_cast %rem3A_50 : i32 to index
      %swap3A_157 = arith.constant 176 : index
      %swap3A_158 = tpu.vector_load %arg15[%swap3A_156, %swap3A_157] {strides = array<i32>} : memref<8x1032xf32, #tpu.memory_space<vmem>>, vector<16xf32>,
      tpu.vector_store %arg15[%swap3A_156, %swap3A_157], %scan3A_122#11 {strides = array<i32>} : memref<8x1032xf32, #tpu.memory_space<vmem>>, vector<16xf32>,
      %swap3A_159 = arith.index_cast %rem3A_50 : i32 to index
      %swap3A_160 = arith.constant 192 : index
      %swap3A_161 = tpu.vector_load %arg15[%swap3A_159, %swap3A_160] {strides = array<i32>} : memref<8x1032xf32, #tpu.memory_space<vmem>>, vector<16xf32>,
      tpu.vector_store %arg15[%swap3A_159, %swap3A_160], %scan3A_122#12 {strides = array<i32>} : memref<8x1032xf32, #tpu.memory_space<vmem>>, vector<16xf32>,
      %swap3A_162 = arith.index_cast %rem3A_50 : i32 to index
      %swap3A_163 = arith.constant 208 : index
      %swap3A_164 = tpu.vector_load %arg15[%swap3A_162, %swap3A_163] {strides = array<i32>} : memref<8x1032xf32, #tpu.memory_space<vmem>>, vector<16xf32>,
      tpu.vector_store %arg15[%swap3A_162, %swap3A_163], %scan3A_122#13 {strides = array<i32>} : memref<8x1032xf32, #tpu.memory_space<vmem>>, vector<16xf32>,
      %swap3A_165 = arith.index_cast %rem3A_50 : i32 to index
      %swap3A_166 = arith.constant 224 : index
      %swap3A_167 = tpu.vector_load %arg15[%swap3A_165, %swap3A_166] {strides = array<i32>} : memref<8x1032xf32, #tpu.memory_space<vmem>>, vector<16xf32>,
      tpu.vector_store %arg15[%swap3A_165, %swap3A_166], %scan3A_122#14 {strides = array<i32>} : memref<8x1032xf32, #tpu.memory_space<vmem>>, vector<16xf32>,
      %swap3A_168 = arith.index_cast %rem3A_50 : i32 to index
      %swap3A_169 = arith.constant 240 : index
      %swap3A_170 = tpu.vector_load %arg15[%swap3A_168, %swap3A_169] {strides = array<i32>} : memref<8x1032xf32, #tpu.memory_space<vmem>>, vector<16xf32>,
      tpu.vector_store %arg15[%swap3A_168, %swap3A_169], %scan3A_122#15 {strides = array<i32>} : memref<8x1032xf32, #tpu.memory_space<vmem>>, vector<16xf32>,
      %swap3A_171 = arith.index_cast %rem3A_50 : i32 to index
      %swap3A_172 = arith.constant 256 : index
      %swap3A_173 = tpu.vector_load %arg15[%swap3A_171, %swap3A_172] {strides = array<i32>} : memref<8x1032xf32, #tpu.memory_space<vmem>>, vector<16xf32>,
      tpu.vector_store %arg15[%swap3A_171, %swap3A_172], %scan3A_122#16 {strides = array<i32>} : memref<8x1032xf32, #tpu.memory_space<vmem>>, vector<16xf32>,
      %swap3A_174 = arith.index_cast %rem3A_50 : i32 to index
      %swap3A_175 = arith.constant 272 : index
      %swap3A_176 = tpu.vector_load %arg15[%swap3A_174, %swap3A_175] {strides = array<i32>} : memref<8x1032xf32, #tpu.memory_space<vmem>>, vector<16xf32>,
      tpu.vector_store %arg15[%swap3A_174, %swap3A_175], %scan3A_122#17 {strides = array<i32>} : memref<8x1032xf32, #tpu.memory_space<vmem>>, vector<16xf32>,
      %swap3A_177 = arith.index_cast %rem3A_50 : i32 to index
      %swap3A_178 = arith.constant 288 : index
      %swap3A_179 = tpu.vector_load %arg15[%swap3A_177, %swap3A_178] {strides = array<i32>} : memref<8x1032xf32, #tpu.memory_space<vmem>>, vector<16xf32>,
      tpu.vector_store %arg15[%swap3A_177, %swap3A_178], %scan3A_122#18 {strides = array<i32>} : memref<8x1032xf32, #tpu.memory_space<vmem>>, vector<16xf32>,
      %swap3A_180 = arith.index_cast %rem3A_50 : i32 to index
      %swap3A_181 = arith.constant 304 : index
      %swap3A_182 = tpu.vector_load %arg15[%swap3A_180, %swap3A_181] {strides = array<i32>} : memref<8x1032xf32, #tpu.memory_space<vmem>>, vector<16xf32>,
      tpu.vector_store %arg15[%swap3A_180, %swap3A_181], %scan3A_122#19 {strides = array<i32>} : memref<8x1032xf32, #tpu.memory_space<vmem>>, vector<16xf32>,
      %swap3A_183 = arith.index_cast %rem3A_50 : i32 to index
      %swap3A_184 = arith.constant 320 : index
      %swap3A_185 = tpu.vector_load %arg15[%swap3A_183, %swap3A_184] {strides = array<i32>} : memref<8x1032xf32, #tpu.memory_space<vmem>>, vector<16xf32>,
      tpu.vector_store %arg15[%swap3A_183, %swap3A_184], %scan3A_122#20 {strides = array<i32>} : memref<8x1032xf32, #tpu.memory_space<vmem>>, vector<16xf32>,
      %swap3A_186 = arith.index_cast %rem3A_50 : i32 to index
      %swap3A_187 = arith.constant 336 : index
      %swap3A_188 = tpu.vector_load %arg15[%swap3A_186, %swap3A_187] {strides = array<i32>} : memref<8x1032xf32, #tpu.memory_space<vmem>>, vector<16xf32>,
      tpu.vector_store %arg15[%swap3A_186, %swap3A_187], %scan3A_122#21 {strides = array<i32>} : memref<8x1032xf32, #tpu.memory_space<vmem>>, vector<16xf32>,
      %swap3A_189 = arith.index_cast %rem3A_50 : i32 to index
      %swap3A_190 = arith.constant 352 : index
      %swap3A_191 = tpu.vector_load %arg15[%swap3A_189, %swap3A_190] {strides = array<i32>} : memref<8x1032xf32, #tpu.memory_space<vmem>>, vector<16xf32>,
      tpu.vector_store %arg15[%swap3A_189, %swap3A_190], %scan3A_122#22 {strides = array<i32>} : memref<8x1032xf32, #tpu.memory_space<vmem>>, vector<16xf32>,
      %swap3A_192 = arith.index_cast %rem3A_50 : i32 to index
      %swap3A_193 = arith.constant 368 : index
      %swap3A_194 = tpu.vector_load %arg15[%swap3A_192, %swap3A_193] {strides = array<i32>} : memref<8x1032xf32, #tpu.memory_space<vmem>>, vector<16xf32>,
      tpu.vector_store %arg15[%swap3A_192, %swap3A_193], %scan3A_122#23 {strides = array<i32>} : memref<8x1032xf32, #tpu.memory_space<vmem>>, vector<16xf32>,
      %swap3A_195 = arith.index_cast %rem3A_50 : i32 to index
      %swap3A_196 = arith.constant 384 : index
      %swap3A_197 = tpu.vector_load %arg15[%swap3A_195, %swap3A_196] {strides = array<i32>} : memref<8x1032xf32, #tpu.memory_space<vmem>>, vector<16xf32>,
      tpu.vector_store %arg15[%swap3A_195, %swap3A_196], %scan3A_122#24 {strides = array<i32>} : memref<8x1032xf32, #tpu.memory_space<vmem>>, vector<16xf32>,
      %swap3A_198 = arith.index_cast %rem3A_50 : i32 to index
      %swap3A_199 = arith.constant 400 : index
      %swap3A_200 = tpu.vector_load %arg15[%swap3A_198, %swap3A_199] {strides = array<i32>} : memref<8x1032xf32, #tpu.memory_space<vmem>>, vector<16xf32>,
      tpu.vector_store %arg15[%swap3A_198, %swap3A_199], %scan3A_122#25 {strides = array<i32>} : memref<8x1032xf32, #tpu.memory_space<vmem>>, vector<16xf32>,
      %swap3A_201 = arith.index_cast %rem3A_50 : i32 to index
      %swap3A_202 = arith.constant 416 : index
      %swap3A_203 = tpu.vector_load %arg15[%swap3A_201, %swap3A_202] {strides = array<i32>} : memref<8x1032xf32, #tpu.memory_space<vmem>>, vector<16xf32>,
      tpu.vector_store %arg15[%swap3A_201, %swap3A_202], %scan3A_122#26 {strides = array<i32>} : memref<8x1032xf32, #tpu.memory_space<vmem>>, vector<16xf32>,
      %swap3A_204 = arith.index_cast %rem3A_50 : i32 to index
      %swap3A_205 = arith.constant 432 : index
      %swap3A_206 = tpu.vector_load %arg15[%swap3A_204, %swap3A_205] {strides = array<i32>} : memref<8x1032xf32, #tpu.memory_space<vmem>>, vector<16xf32>,
      tpu.vector_store %arg15[%swap3A_204, %swap3A_205], %scan3A_122#27 {strides = array<i32>} : memref<8x1032xf32, #tpu.memory_space<vmem>>, vector<16xf32>,
      %swap3A_207 = arith.index_cast %rem3A_50 : i32 to index
      %swap3A_208 = arith.constant 448 : index
      %swap3A_209 = tpu.vector_load %arg15[%swap3A_207, %swap3A_208] {strides = array<i32>} : memref<8x1032xf32, #tpu.memory_space<vmem>>, vector<16xf32>,
      tpu.vector_store %arg15[%swap3A_207, %swap3A_208], %scan3A_122#28 {strides = array<i32>} : memref<8x1032xf32, #tpu.memory_space<vmem>>, vector<16xf32>,
      %swap3A_210 = arith.index_cast %rem3A_50 : i32 to index
      %swap3A_211 = arith.constant 464 : index
      %swap3A_212 = tpu.vector_load %arg15[%swap3A_210, %swap3A_211] {strides = array<i32>} : memref<8x1032xf32, #tpu.memory_space<vmem>>, vector<16xf32>,
      tpu.vector_store %arg15[%swap3A_210, %swap3A_211], %scan3A_122#29 {strides = array<i32>} : memref<8x1032xf32, #tpu.memory_space<vmem>>, vector<16xf32>,
      %swap3A_213 = arith.index_cast %rem3A_50 : i32 to index
      %swap3A_214 = arith.constant 480 : index
      %swap3A_215 = tpu.vector_load %arg15[%swap3A_213, %swap3A_214] {strides = array<i32>} : memref<8x1032xf32, #tpu.memory_space<vmem>>, vector<16xf32>,
      tpu.vector_store %arg15[%swap3A_213, %swap3A_214], %scan3A_122#30 {strides = array<i32>} : memref<8x1032xf32, #tpu.memory_space<vmem>>, vector<16xf32>,
      %swap3A_216 = arith.index_cast %rem3A_50 : i32 to index
      %swap3A_217 = arith.constant 496 : index
      %swap3A_218 = tpu.vector_load %arg15[%swap3A_216, %swap3A_217] {strides = array<i32>} : memref<8x1032xf32, #tpu.memory_space<vmem>>, vector<16xf32>,
      tpu.vector_store %arg15[%swap3A_216, %swap3A_217], %scan3A_122#31 {strides = array<i32>} : memref<8x1032xf32, #tpu.memory_space<vmem>>, vector<16xf32>,
      %swap3A_219 = arith.index_cast %rem3A_50 : i32 to index
      %swap3A_220 = arith.constant 512 : index
      %swap3A_221 = tpu.vector_load %arg15[%swap3A_219, %swap3A_220] {strides = array<i32>} : memref<8x1032xf32, #tpu.memory_space<vmem>>, vector<16xf32>,
      tpu.vector_store %arg15[%swap3A_219, %swap3A_220], %scan3A_122#32 {strides = array<i32>} : memref<8x1032xf32, #tpu.memory_space<vmem>>, vector<16xf32>,
      %get3A_222 = arith.constant 528 : index
      %get3A_223 = tpu.vector_load %arg14[%get3A_222] {strides = array<i32>} : memref<1032xf32, #tpu.memory_space<vmem>>, vector<16xf32>,
      %get3A_224 = arith.constant 544 : index
      %get3A_225 = tpu.vector_load %arg14[%get3A_224] {strides = array<i32>} : memref<1032xf32, #tpu.memory_space<vmem>>, vector<16xf32>,
      %get3A_226 = arith.constant 560 : index
      %get3A_227 = tpu.vector_load %arg14[%get3A_226] {strides = array<i32>} : memref<1032xf32, #tpu.memory_space<vmem>>, vector<16xf32>,
      %get3A_228 = arith.constant 576 : index
      %get3A_229 = tpu.vector_load %arg14[%get3A_228] {strides = array<i32>} : memref<1032xf32, #tpu.memory_space<vmem>>, vector<16xf32>,
      %get3A_230 = arith.constant 592 : index
      %get3A_231 = tpu.vector_load %arg14[%get3A_230] {strides = array<i32>} : memref<1032xf32, #tpu.memory_space<vmem>>, vector<16xf32>,
      %get3A_232 = arith.constant 608 : index
      %get3A_233 = tpu.vector_load %arg14[%get3A_232] {strides = array<i32>} : memref<1032xf32, #tpu.memory_space<vmem>>, vector<16xf32>,
      %get3A_234 = arith.constant 624 : index
      %get3A_235 = tpu.vector_load %arg14[%get3A_234] {strides = array<i32>} : memref<1032xf32, #tpu.memory_space<vmem>>, vector<16xf32>,
      %get3A_236 = arith.constant 640 : index
      %get3A_237 = tpu.vector_load %arg14[%get3A_236] {strides = array<i32>} : memref<1032xf32, #tpu.memory_space<vmem>>, vector<16xf32>,
      %get3A_238 = arith.constant 656 : index
      %get3A_239 = tpu.vector_load %arg14[%get3A_238] {strides = array<i32>} : memref<1032xf32, #tpu.memory_space<vmem>>, vector<16xf32>,
      %get3A_240 = arith.constant 672 : index
      %get3A_241 = tpu.vector_load %arg14[%get3A_240] {strides = array<i32>} : memref<1032xf32, #tpu.memory_space<vmem>>, vector<16xf32>,
      %get3A_242 = arith.constant 688 : index
      %get3A_243 = tpu.vector_load %arg14[%get3A_242] {strides = array<i32>} : memref<1032xf32, #tpu.memory_space<vmem>>, vector<16xf32>,
      %get3A_244 = arith.constant 704 : index
      %get3A_245 = tpu.vector_load %arg14[%get3A_244] {strides = array<i32>} : memref<1032xf32, #tpu.memory_space<vmem>>, vector<16xf32>,
      %get3A_246 = arith.constant 720 : index
      %get3A_247 = tpu.vector_load %arg14[%get3A_246] {strides = array<i32>} : memref<1032xf32, #tpu.memory_space<vmem>>, vector<16xf32>,
      %get3A_248 = arith.constant 736 : index
      %get3A_249 = tpu.vector_load %arg14[%get3A_248] {strides = array<i32>} : memref<1032xf32, #tpu.memory_space<vmem>>, vector<16xf32>,
      %get3A_250 = arith.constant 752 : index
      %get3A_251 = tpu.vector_load %arg14[%get3A_250] {strides = array<i32>} : memref<1032xf32, #tpu.memory_space<vmem>>, vector<16xf32>,
      %get3A_252 = arith.constant 768 : index
      %get3A_253 = tpu.vector_load %arg14[%get3A_252] {strides = array<i32>} : memref<1032xf32, #tpu.memory_space<vmem>>, vector<16xf32>,
      %get3A_254 = arith.constant 784 : index
      %get3A_255 = tpu.vector_load %arg14[%get3A_254] {strides = array<i32>} : memref<1032xf32, #tpu.memory_space<vmem>>, vector<16xf32>,
      %get3A_256 = arith.constant 800 : index
      %get3A_257 = tpu.vector_load %arg14[%get3A_256] {strides = array<i32>} : memref<1032xf32, #tpu.memory_space<vmem>>, vector<16xf32>,
      %get3A_258 = arith.constant 816 : index
      %get3A_259 = tpu.vector_load %arg14[%get3A_258] {strides = array<i32>} : memref<1032xf32, #tpu.memory_space<vmem>>, vector<16xf32>,
      %get3A_260 = arith.constant 832 : index
      %get3A_261 = tpu.vector_load %arg14[%get3A_260] {strides = array<i32>} : memref<1032xf32, #tpu.memory_space<vmem>>, vector<16xf32>,
      %get3A_262 = arith.constant 848 : index
      %get3A_263 = tpu.vector_load %arg14[%get3A_262] {strides = array<i32>} : memref<1032xf32, #tpu.memory_space<vmem>>, vector<16xf32>,
      %get3A_264 = arith.constant 864 : index
      %get3A_265 = tpu.vector_load %arg14[%get3A_264] {strides = array<i32>} : memref<1032xf32, #tpu.memory_space<vmem>>, vector<16xf32>,
      %get3A_266 = arith.constant 880 : index
      %get3A_267 = tpu.vector_load %arg14[%get3A_266] {strides = array<i32>} : memref<1032xf32, #tpu.memory_space<vmem>>, vector<16xf32>,
      %get3A_268 = arith.constant 896 : index
      %get3A_269 = tpu.vector_load %arg14[%get3A_268] {strides = array<i32>} : memref<1032xf32, #tpu.memory_space<vmem>>, vector<16xf32>,
      %get3A_270 = arith.constant 912 : index
      %get3A_271 = tpu.vector_load %arg14[%get3A_270] {strides = array<i32>} : memref<1032xf32, #tpu.memory_space<vmem>>, vector<16xf32>,
      %get3A_272 = arith.constant 928 : index
      %get3A_273 = tpu.vector_load %arg14[%get3A_272] {strides = array<i32>} : memref<1032xf32, #tpu.memory_space<vmem>>, vector<16xf32>,
      %get3A_274 = arith.constant 944 : index
      %get3A_275 = tpu.vector_load %arg14[%get3A_274] {strides = array<i32>} : memref<1032xf32, #tpu.memory_space<vmem>>, vector<16xf32>,
      %get3A_276 = arith.constant 960 : index
      %get3A_277 = tpu.vector_load %arg14[%get3A_276] {strides = array<i32>} : memref<1032xf32, #tpu.memory_space<vmem>>, vector<16xf32>,
      %get3A_278 = arith.constant 976 : index
      %get3A_279 = tpu.vector_load %arg14[%get3A_278] {strides = array<i32>} : memref<1032xf32, #tpu.memory_space<vmem>>, vector<16xf32>,
      %get3A_280 = arith.constant 992 : index
      %get3A_281 = tpu.vector_load %arg14[%get3A_280] {strides = array<i32>} : memref<1032xf32, #tpu.memory_space<vmem>>, vector<16xf32>,
      %get3A_282 = arith.constant 1008 : index
      %get3A_283 = tpu.vector_load %arg14[%get3A_282] {strides = array<i32>} : memref<1032xf32, #tpu.memory_space<vmem>>, vector<16xf32>,
      %get3A_284 = arith.constant 1016 : index
      %get3A_285 = tpu.vector_load %arg14[%get3A_284] {strides = array<i32>} : memref<1032xf32, #tpu.memory_space<vmem>>, vector<16xf32>,
      %scan3A_286 = arith.constant 0 : i32
      %scan3A_287 = arith.constant 50 : i32
      %scan3A_288 = arith.addi %scan3A_286, %scan3A_287 : i32
      %scan3A_289 = arith.constant 1 : i32
      %scan3A_290:32 = scf.for %scan3A_752 = %scan3A_286 to %scan3A_288 step %scan3A_289 iter_args(%scan3A_753 = %get3A_223, %scan3A_754 = %get3A_225, %scan3A_755 = %get3A_227, %scan3A_756 = %get3A_229, %scan3A_757 = %get3A_231, %scan3A_758 = %get3A_233, %scan3A_759 = %get3A_235, %scan3A_760 = %get3A_237, %scan3A_761 = %get3A_239, %scan3A_762 = %get3A_241, %scan3A_763 = %get3A_243, %scan3A_764 = %get3A_245, %scan3A_765 = %get3A_247, %scan3A_766 = %get3A_249, %scan3A_767 = %get3A_251, %scan3A_768 = %get3A_253, %scan3A_769 = %get3A_255, %scan3A_770 = %get3A_257, %scan3A_771 = %get3A_259, %scan3A_772 = %get3A_261, %scan3A_773 = %get3A_263, %scan3A_774 = %get3A_265, %scan3A_775 = %get3A_267, %scan3A_776 = %get3A_269, %scan3A_777 = %get3A_271, %scan3A_778 = %get3A_273, %scan3A_779 = %get3A_275, %scan3A_780 = %get3A_277, %scan3A_781 = %get3A_279, %scan3A_782 = %get3A_281, %scan3A_783 = %get3A_283, %scan3A_784 = %get3A_285) -> (vector<16xf32>, vector<16xf32>, vector<16xf32>, vector<16xf32>, vector<16xf32>, vector<16xf32>, vector<16xf32>, vector<16xf32>, vector<16xf32>, vector<16xf32>, vector<16xf32>, vector<16xf32>, vector<16xf32>, vector<16xf32>, vector<16xf32>, vector<16xf32>, vector<16xf32>, vector<16xf32>, vector<16xf32>, vector<16xf32>, vector<16xf32>, vector<16xf32>, vector<16xf32>, vector<16xf32>, vector<16xf32>, vector<16xf32>, vector<16xf32>, vector<16xf32>, vector<16xf32>, vector<16xf32>, vector<16xf32>, vector<16xf32>)  : i32 {
        %add3A_785 = vector.broadcast %scan3A_752 : i32 to vector<16xi32>
        %add3A_786 = arith.addi %broadcast_in_dim3A, %add3A_785 : vector<16xi32>
        %gather3A = tpu.vector_load_idx %arg11[%add3A_786] : memref<1792xf32, #tpu.memory_space<vmem>>[vector<16xi32>], vector<16xf32>,
        %get3A_787 = arith.index_cast %scan3A_752 : i32 to index
        %get3A_788 = arith.constant 528 : index
        %get3A_789 = tpu.vector_load %arg12[%get3A_787, %get3A_788] {strides = array<i32>} : memref<56x1032xf32, #tpu.memory_space<vmem>>, vector<16xf32>,
        %mul3A_790 = arith.mulf %gather3A, %get3A_789 : vector<16xf32>
        %add3A_791 = arith.addf %scan3A_753, %mul3A_790 : vector<16xf32>
        %get3A_792 = arith.index_cast %scan3A_752 : i32 to index
        %get3A_793 = arith.constant 544 : index
        %get3A_794 = tpu.vector_load %arg12[%get3A_792, %get3A_793] {strides = array<i32>} : memref<56x1032xf32, #tpu.memory_space<vmem>>, vector<16xf32>,
        %mul3A_795 = arith.mulf %gather3A, %get3A_794 : vector<16xf32>
        %add3A_796 = arith.addf %scan3A_754, %mul3A_795 : vector<16xf32>
        %get3A_797 = arith.index_cast %scan3A_752 : i32 to index
        %get3A_798 = arith.constant 560 : index
        %get3A_799 = tpu.vector_load %arg12[%get3A_797, %get3A_798] {strides = array<i32>} : memref<56x1032xf32, #tpu.memory_space<vmem>>, vector<16xf32>,
        %mul3A_800 = arith.mulf %gather3A, %get3A_799 : vector<16xf32>
        %add3A_801 = arith.addf %scan3A_755, %mul3A_800 : vector<16xf32>
        %get3A_802 = arith.index_cast %scan3A_752 : i32 to index
        %get3A_803 = arith.constant 576 : index
        %get3A_804 = tpu.vector_load %arg12[%get3A_802, %get3A_803] {strides = array<i32>} : memref<56x1032xf32, #tpu.memory_space<vmem>>, vector<16xf32>,
        %mul3A_805 = arith.mulf %gather3A, %get3A_804 : vector<16xf32>
        %add3A_806 = arith.addf %scan3A_756, %mul3A_805 : vector<16xf32>
        %get3A_807 = arith.index_cast %scan3A_752 : i32 to index
        %get3A_808 = arith.constant 592 : index
        %get3A_809 = tpu.vector_load %arg12[%get3A_807, %get3A_808] {strides = array<i32>} : memref<56x1032xf32, #tpu.memory_space<vmem>>, vector<16xf32>,
        %mul3A_810 = arith.mulf %gather3A, %get3A_809 : vector<16xf32>
        %add3A_811 = arith.addf %scan3A_757, %mul3A_810 : vector<16xf32>
        %get3A_812 = arith.index_cast %scan3A_752 : i32 to index
        %get3A_813 = arith.constant 608 : index
        %get3A_814 = tpu.vector_load %arg12[%get3A_812, %get3A_813] {strides = array<i32>} : memref<56x1032xf32, #tpu.memory_space<vmem>>, vector<16xf32>,
        %mul3A_815 = arith.mulf %gather3A, %get3A_814 : vector<16xf32>
        %add3A_816 = arith.addf %scan3A_758, %mul3A_815 : vector<16xf32>
        %get3A_817 = arith.index_cast %scan3A_752 : i32 to index
        %get3A_818 = arith.constant 624 : index
        %get3A_819 = tpu.vector_load %arg12[%get3A_817, %get3A_818] {strides = array<i32>} : memref<56x1032xf32, #tpu.memory_space<vmem>>, vector<16xf32>,
        %mul3A_820 = arith.mulf %gather3A, %get3A_819 : vector<16xf32>
        %add3A_821 = arith.addf %scan3A_759, %mul3A_820 : vector<16xf32>
        %get3A_822 = arith.index_cast %scan3A_752 : i32 to index
        %get3A_823 = arith.constant 640 : index
        %get3A_824 = tpu.vector_load %arg12[%get3A_822, %get3A_823] {strides = array<i32>} : memref<56x1032xf32, #tpu.memory_space<vmem>>, vector<16xf32>,
        %mul3A_825 = arith.mulf %gather3A, %get3A_824 : vector<16xf32>
        %add3A_826 = arith.addf %scan3A_760, %mul3A_825 : vector<16xf32>
        %get3A_827 = arith.index_cast %scan3A_752 : i32 to index
        %get3A_828 = arith.constant 656 : index
        %get3A_829 = tpu.vector_load %arg12[%get3A_827, %get3A_828] {strides = array<i32>} : memref<56x1032xf32, #tpu.memory_space<vmem>>, vector<16xf32>,
        %mul3A_830 = arith.mulf %gather3A, %get3A_829 : vector<16xf32>
        %add3A_831 = arith.addf %scan3A_761, %mul3A_830 : vector<16xf32>
        %get3A_832 = arith.index_cast %scan3A_752 : i32 to index
        %get3A_833 = arith.constant 672 : index
        %get3A_834 = tpu.vector_load %arg12[%get3A_832, %get3A_833] {strides = array<i32>} : memref<56x1032xf32, #tpu.memory_space<vmem>>, vector<16xf32>,
        %mul3A_835 = arith.mulf %gather3A, %get3A_834 : vector<16xf32>
        %add3A_836 = arith.addf %scan3A_762, %mul3A_835 : vector<16xf32>
        %get3A_837 = arith.index_cast %scan3A_752 : i32 to index
        %get3A_838 = arith.constant 688 : index
        %get3A_839 = tpu.vector_load %arg12[%get3A_837, %get3A_838] {strides = array<i32>} : memref<56x1032xf32, #tpu.memory_space<vmem>>, vector<16xf32>,
        %mul3A_840 = arith.mulf %gather3A, %get3A_839 : vector<16xf32>
        %add3A_841 = arith.addf %scan3A_763, %mul3A_840 : vector<16xf32>
        %get3A_842 = arith.index_cast %scan3A_752 : i32 to index
        %get3A_843 = arith.constant 704 : index
        %get3A_844 = tpu.vector_load %arg12[%get3A_842, %get3A_843] {strides = array<i32>} : memref<56x1032xf32, #tpu.memory_space<vmem>>, vector<16xf32>,
        %mul3A_845 = arith.mulf %gather3A, %get3A_844 : vector<16xf32>
        %add3A_846 = arith.addf %scan3A_764, %mul3A_845 : vector<16xf32>
        %get3A_847 = arith.index_cast %scan3A_752 : i32 to index
        %get3A_848 = arith.constant 720 : index
        %get3A_849 = tpu.vector_load %arg12[%get3A_847, %get3A_848] {strides = array<i32>} : memref<56x1032xf32, #tpu.memory_space<vmem>>, vector<16xf32>,
        %mul3A_850 = arith.mulf %gather3A, %get3A_849 : vector<16xf32>
        %add3A_851 = arith.addf %scan3A_765, %mul3A_850 : vector<16xf32>
        %get3A_852 = arith.index_cast %scan3A_752 : i32 to index
        %get3A_853 = arith.constant 736 : index
        %get3A_854 = tpu.vector_load %arg12[%get3A_852, %get3A_853] {strides = array<i32>} : memref<56x1032xf32, #tpu.memory_space<vmem>>, vector<16xf32>,
        %mul3A_855 = arith.mulf %gather3A, %get3A_854 : vector<16xf32>
        %add3A_856 = arith.addf %scan3A_766, %mul3A_855 : vector<16xf32>
        %get3A_857 = arith.index_cast %scan3A_752 : i32 to index
        %get3A_858 = arith.constant 752 : index
        %get3A_859 = tpu.vector_load %arg12[%get3A_857, %get3A_858] {strides = array<i32>} : memref<56x1032xf32, #tpu.memory_space<vmem>>, vector<16xf32>,
        %mul3A_860 = arith.mulf %gather3A, %get3A_859 : vector<16xf32>
        %add3A_861 = arith.addf %scan3A_767, %mul3A_860 : vector<16xf32>
        %get3A_862 = arith.index_cast %scan3A_752 : i32 to index
        %get3A_863 = arith.constant 768 : index
        %get3A_864 = tpu.vector_load %arg12[%get3A_862, %get3A_863] {strides = array<i32>} : memref<56x1032xf32, #tpu.memory_space<vmem>>, vector<16xf32>,
        %mul3A_865 = arith.mulf %gather3A, %get3A_864 : vector<16xf32>
        %add3A_866 = arith.addf %scan3A_768, %mul3A_865 : vector<16xf32>
        %get3A_867 = arith.index_cast %scan3A_752 : i32 to index
        %get3A_868 = arith.constant 784 : index
        %get3A_869 = tpu.vector_load %arg12[%get3A_867, %get3A_868] {strides = array<i32>} : memref<56x1032xf32, #tpu.memory_space<vmem>>, vector<16xf32>,
        %mul3A_870 = arith.mulf %gather3A, %get3A_869 : vector<16xf32>
        %add3A_871 = arith.addf %scan3A_769, %mul3A_870 : vector<16xf32>
        %get3A_872 = arith.index_cast %scan3A_752 : i32 to index
        %get3A_873 = arith.constant 800 : index
        %get3A_874 = tpu.vector_load %arg12[%get3A_872, %get3A_873] {strides = array<i32>} : memref<56x1032xf32, #tpu.memory_space<vmem>>, vector<16xf32>,
        %mul3A_875 = arith.mulf %gather3A, %get3A_874 : vector<16xf32>
        %add3A_876 = arith.addf %scan3A_770, %mul3A_875 : vector<16xf32>
        %get3A_877 = arith.index_cast %scan3A_752 : i32 to index
        %get3A_878 = arith.constant 816 : index
        %get3A_879 = tpu.vector_load %arg12[%get3A_877, %get3A_878] {strides = array<i32>} : memref<56x1032xf32, #tpu.memory_space<vmem>>, vector<16xf32>,
        %mul3A_880 = arith.mulf %gather3A, %get3A_879 : vector<16xf32>
        %add3A_881 = arith.addf %scan3A_771, %mul3A_880 : vector<16xf32>
        %get3A_882 = arith.index_cast %scan3A_752 : i32 to index
        %get3A_883 = arith.constant 832 : index
        %get3A_884 = tpu.vector_load %arg12[%get3A_882, %get3A_883] {strides = array<i32>} : memref<56x1032xf32, #tpu.memory_space<vmem>>, vector<16xf32>,
        %mul3A_885 = arith.mulf %gather3A, %get3A_884 : vector<16xf32>
        %add3A_886 = arith.addf %scan3A_772, %mul3A_885 : vector<16xf32>
        %get3A_887 = arith.index_cast %scan3A_752 : i32 to index
        %get3A_888 = arith.constant 848 : index
        %get3A_889 = tpu.vector_load %arg12[%get3A_887, %get3A_888] {strides = array<i32>} : memref<56x1032xf32, #tpu.memory_space<vmem>>, vector<16xf32>,
        %mul3A_890 = arith.mulf %gather3A, %get3A_889 : vector<16xf32>
        %add3A_891 = arith.addf %scan3A_773, %mul3A_890 : vector<16xf32>
        %get3A_892 = arith.index_cast %scan3A_752 : i32 to index
        %get3A_893 = arith.constant 864 : index
        %get3A_894 = tpu.vector_load %arg12[%get3A_892, %get3A_893] {strides = array<i32>} : memref<56x1032xf32, #tpu.memory_space<vmem>>, vector<16xf32>,
        %mul3A_895 = arith.mulf %gather3A, %get3A_894 : vector<16xf32>
        %add3A_896 = arith.addf %scan3A_774, %mul3A_895 : vector<16xf32>
        %get3A_897 = arith.index_cast %scan3A_752 : i32 to index
        %get3A_898 = arith.constant 880 : index
        %get3A_899 = tpu.vector_load %arg12[%get3A_897, %get3A_898] {strides = array<i32>} : memref<56x1032xf32, #tpu.memory_space<vmem>>, vector<16xf32>,
        %mul3A_900 = arith.mulf %gather3A, %get3A_899 : vector<16xf32>
        %add3A_901 = arith.addf %scan3A_775, %mul3A_900 : vector<16xf32>
        %get3A_902 = arith.index_cast %scan3A_752 : i32 to index
        %get3A_903 = arith.constant 896 : index
        %get3A_904 = tpu.vector_load %arg12[%get3A_902, %get3A_903] {strides = array<i32>} : memref<56x1032xf32, #tpu.memory_space<vmem>>, vector<16xf32>,
        %mul3A_905 = arith.mulf %gather3A, %get3A_904 : vector<16xf32>
        %add3A_906 = arith.addf %scan3A_776, %mul3A_905 : vector<16xf32>
        %get3A_907 = arith.index_cast %scan3A_752 : i32 to index
        %get3A_908 = arith.constant 912 : index
        %get3A_909 = tpu.vector_load %arg12[%get3A_907, %get3A_908] {strides = array<i32>} : memref<56x1032xf32, #tpu.memory_space<vmem>>, vector<16xf32>,
        %mul3A_910 = arith.mulf %gather3A, %get3A_909 : vector<16xf32>
        %add3A_911 = arith.addf %scan3A_777, %mul3A_910 : vector<16xf32>
        %get3A_912 = arith.index_cast %scan3A_752 : i32 to index
        %get3A_913 = arith.constant 928 : index
        %get3A_914 = tpu.vector_load %arg12[%get3A_912, %get3A_913] {strides = array<i32>} : memref<56x1032xf32, #tpu.memory_space<vmem>>, vector<16xf32>,
        %mul3A_915 = arith.mulf %gather3A, %get3A_914 : vector<16xf32>
        %add3A_916 = arith.addf %scan3A_778, %mul3A_915 : vector<16xf32>
        %get3A_917 = arith.index_cast %scan3A_752 : i32 to index
        %get3A_918 = arith.constant 944 : index
        %get3A_919 = tpu.vector_load %arg12[%get3A_917, %get3A_918] {strides = array<i32>} : memref<56x1032xf32, #tpu.memory_space<vmem>>, vector<16xf32>,
        %mul3A_920 = arith.mulf %gather3A, %get3A_919 : vector<16xf32>
        %add3A_921 = arith.addf %scan3A_779, %mul3A_920 : vector<16xf32>
        %get3A_922 = arith.index_cast %scan3A_752 : i32 to index
        %get3A_923 = arith.constant 960 : index
        %get3A_924 = tpu.vector_load %arg12[%get3A_922, %get3A_923] {strides = array<i32>} : memref<56x1032xf32, #tpu.memory_space<vmem>>, vector<16xf32>,
        %mul3A_925 = arith.mulf %gather3A, %get3A_924 : vector<16xf32>
        %add3A_926 = arith.addf %scan3A_780, %mul3A_925 : vector<16xf32>
        %get3A_927 = arith.index_cast %scan3A_752 : i32 to index
        %get3A_928 = arith.constant 976 : index
        %get3A_929 = tpu.vector_load %arg12[%get3A_927, %get3A_928] {strides = array<i32>} : memref<56x1032xf32, #tpu.memory_space<vmem>>, vector<16xf32>,
        %mul3A_930 = arith.mulf %gather3A, %get3A_929 : vector<16xf32>
        %add3A_931 = arith.addf %scan3A_781, %mul3A_930 : vector<16xf32>
        %get3A_932 = arith.index_cast %scan3A_752 : i32 to index
        %get3A_933 = arith.constant 992 : index
        %get3A_934 = tpu.vector_load %arg12[%get3A_932, %get3A_933] {strides = array<i32>} : memref<56x1032xf32, #tpu.memory_space<vmem>>, vector<16xf32>,
        %mul3A_935 = arith.mulf %gather3A, %get3A_934 : vector<16xf32>
        %add3A_936 = arith.addf %scan3A_782, %mul3A_935 : vector<16xf32>
        %get3A_937 = arith.index_cast %scan3A_752 : i32 to index
        %get3A_938 = arith.constant 1008 : index
        %get3A_939 = tpu.vector_load %arg12[%get3A_937, %get3A_938] {strides = array<i32>} : memref<56x1032xf32, #tpu.memory_space<vmem>>, vector<16xf32>,
        %mul3A_940 = arith.mulf %gather3A, %get3A_939 : vector<16xf32>
        %add3A_941 = arith.addf %scan3A_783, %mul3A_940 : vector<16xf32>
        %get3A_942 = arith.index_cast %scan3A_752 : i32 to index
        %get3A_943 = arith.constant 1016 : index
        %get3A_944 = tpu.vector_load %arg12[%get3A_942, %get3A_943] {strides = array<i32>} : memref<56x1032xf32, #tpu.memory_space<vmem>>, vector<16xf32>,
        %mul3A_945 = arith.mulf %gather3A, %get3A_944 : vector<16xf32>
        %add3A_946 = arith.addf %scan3A_784, %mul3A_945 : vector<16xf32>
        scf.yield %add3A_791, %add3A_796, %add3A_801, %add3A_806, %add3A_811, %add3A_816, %add3A_821, %add3A_826, %add3A_831, %add3A_836, %add3A_841, %add3A_846, %add3A_851, %add3A_856, %add3A_861, %add3A_866, %add3A_871, %add3A_876, %add3A_881, %add3A_886, %add3A_891, %add3A_896, %add3A_901, %add3A_906, %add3A_911, %add3A_916, %add3A_921, %add3A_926, %add3A_931, %add3A_936, %add3A_941, %add3A_946 : vector<16xf32>, vector<16xf32>, vector<16xf32>, vector<16xf32>, vector<16xf32>, vector<16xf32>, vector<16xf32>, vector<16xf32>, vector<16xf32>, vector<16xf32>, vector<16xf32>, vector<16xf32>, vector<16xf32>, vector<16xf32>, vector<16xf32>, vector<16xf32>, vector<16xf32>, vector<16xf32>, vector<16xf32>, vector<16xf32>, vector<16xf32>, vector<16xf32>, vector<16xf32>, vector<16xf32>, vector<16xf32>, vector<16xf32>, vector<16xf32>, vector<16xf32>, vector<16xf32>, vector<16xf32>, vector<16xf32>, vector<16xf32>
      }
      %scan3A_291 = arith.constant 50 : i32
      %swap3A_292 = arith.index_cast %rem3A_50 : i32 to index
      %swap3A_293 = arith.constant 528 : index
      %swap3A_294 = tpu.vector_load %arg15[%swap3A_292, %swap3A_293] {strides = array<i32>} : memref<8x1032xf32, #tpu.memory_space<vmem>>, vector<16xf32>,
      tpu.vector_store %arg15[%swap3A_292, %swap3A_293], %scan3A_290#0 {strides = array<i32>} : memref<8x1032xf32, #tpu.memory_space<vmem>>, vector<16xf32>,
      %swap3A_295 = arith.index_cast %rem3A_50 : i32 to index
      %swap3A_296 = arith.constant 544 : index
      %swap3A_297 = tpu.vector_load %arg15[%swap3A_295, %swap3A_296] {strides = array<i32>} : memref<8x1032xf32, #tpu.memory_space<vmem>>, vector<16xf32>,
      tpu.vector_store %arg15[%swap3A_295, %swap3A_296], %scan3A_290#1 {strides = array<i32>} : memref<8x1032xf32, #tpu.memory_space<vmem>>, vector<16xf32>,
      %swap3A_298 = arith.index_cast %rem3A_50 : i32 to index
      %swap3A_299 = arith.constant 560 : index
      %swap3A_300 = tpu.vector_load %arg15[%swap3A_298, %swap3A_299] {strides = array<i32>} : memref<8x1032xf32, #tpu.memory_space<vmem>>, vector<16xf32>,
      tpu.vector_store %arg15[%swap3A_298, %swap3A_299], %scan3A_290#2 {strides = array<i32>} : memref<8x1032xf32, #tpu.memory_space<vmem>>, vector<16xf32>,
      %swap3A_301 = arith.index_cast %rem3A_50 : i32 to index
      %swap3A_302 = arith.constant 576 : index
      %swap3A_303 = tpu.vector_load %arg15[%swap3A_301, %swap3A_302] {strides = array<i32>} : memref<8x1032xf32, #tpu.memory_space<vmem>>, vector<16xf32>,
      tpu.vector_store %arg15[%swap3A_301, %swap3A_302], %scan3A_290#3 {strides = array<i32>} : memref<8x1032xf32, #tpu.memory_space<vmem>>, vector<16xf32>,
      %swap3A_304 = arith.index_cast %rem3A_50 : i32 to index
      %swap3A_305 = arith.constant 592 : index
      %swap3A_306 = tpu.vector_load %arg15[%swap3A_304, %swap3A_305] {strides = array<i32>} : memref<8x1032xf32, #tpu.memory_space<vmem>>, vector<16xf32>,
      tpu.vector_store %arg15[%swap3A_304, %swap3A_305], %scan3A_290#4 {strides = array<i32>} : memref<8x1032xf32, #tpu.memory_space<vmem>>, vector<16xf32>,
      %swap3A_307 = arith.index_cast %rem3A_50 : i32 to index
      %swap3A_308 = arith.constant 608 : index
      %swap3A_309 = tpu.vector_load %arg15[%swap3A_307, %swap3A_308] {strides = array<i32>} : memref<8x1032xf32, #tpu.memory_space<vmem>>, vector<16xf32>,
      tpu.vector_store %arg15[%swap3A_307, %swap3A_308], %scan3A_290#5 {strides = array<i32>} : memref<8x1032xf32, #tpu.memory_space<vmem>>, vector<16xf32>,
      %swap3A_310 = arith.index_cast %rem3A_50 : i32 to index
      %swap3A_311 = arith.constant 624 : index
      %swap3A_312 = tpu.vector_load %arg15[%swap3A_310, %swap3A_311] {strides = array<i32>} : memref<8x1032xf32, #tpu.memory_space<vmem>>, vector<16xf32>,
      tpu.vector_store %arg15[%swap3A_310, %swap3A_311], %scan3A_290#6 {strides = array<i32>} : memref<8x1032xf32, #tpu.memory_space<vmem>>, vector<16xf32>,
      %swap3A_313 = arith.index_cast %rem3A_50 : i32 to index
      %swap3A_314 = arith.constant 640 : index
      %swap3A_315 = tpu.vector_load %arg15[%swap3A_313, %swap3A_314] {strides = array<i32>} : memref<8x1032xf32, #tpu.memory_space<vmem>>, vector<16xf32>,
      tpu.vector_store %arg15[%swap3A_313, %swap3A_314], %scan3A_290#7 {strides = array<i32>} : memref<8x1032xf32, #tpu.memory_space<vmem>>, vector<16xf32>,
      %swap3A_316 = arith.index_cast %rem3A_50 : i32 to index
      %swap3A_317 = arith.constant 656 : index
      %swap3A_318 = tpu.vector_load %arg15[%swap3A_316, %swap3A_317] {strides = array<i32>} : memref<8x1032xf32, #tpu.memory_space<vmem>>, vector<16xf32>,
      tpu.vector_store %arg15[%swap3A_316, %swap3A_317], %scan3A_290#8 {strides = array<i32>} : memref<8x1032xf32, #tpu.memory_space<vmem>>, vector<16xf32>,
      %swap3A_319 = arith.index_cast %rem3A_50 : i32 to index
      %swap3A_320 = arith.constant 672 : index
      %swap3A_321 = tpu.vector_load %arg15[%swap3A_319, %swap3A_320] {strides = array<i32>} : memref<8x1032xf32, #tpu.memory_space<vmem>>, vector<16xf32>,
      tpu.vector_store %arg15[%swap3A_319, %swap3A_320], %scan3A_290#9 {strides = array<i32>} : memref<8x1032xf32, #tpu.memory_space<vmem>>, vector<16xf32>,
      %swap3A_322 = arith.index_cast %rem3A_50 : i32 to index
      %swap3A_323 = arith.constant 688 : index
      %swap3A_324 = tpu.vector_load %arg15[%swap3A_322, %swap3A_323] {strides = array<i32>} : memref<8x1032xf32, #tpu.memory_space<vmem>>, vector<16xf32>,
      tpu.vector_store %arg15[%swap3A_322, %swap3A_323], %scan3A_290#10 {strides = array<i32>} : memref<8x1032xf32, #tpu.memory_space<vmem>>, vector<16xf32>,
      %swap3A_325 = arith.index_cast %rem3A_50 : i32 to index
      %swap3A_326 = arith.constant 704 : index
      %swap3A_327 = tpu.vector_load %arg15[%swap3A_325, %swap3A_326] {strides = array<i32>} : memref<8x1032xf32, #tpu.memory_space<vmem>>, vector<16xf32>,
      tpu.vector_store %arg15[%swap3A_325, %swap3A_326], %scan3A_290#11 {strides = array<i32>} : memref<8x1032xf32, #tpu.memory_space<vmem>>, vector<16xf32>,
      %swap3A_328 = arith.index_cast %rem3A_50 : i32 to index
      %swap3A_329 = arith.constant 720 : index
      %swap3A_330 = tpu.vector_load %arg15[%swap3A_328, %swap3A_329] {strides = array<i32>} : memref<8x1032xf32, #tpu.memory_space<vmem>>, vector<16xf32>,
      tpu.vector_store %arg15[%swap3A_328, %swap3A_329], %scan3A_290#12 {strides = array<i32>} : memref<8x1032xf32, #tpu.memory_space<vmem>>, vector<16xf32>,
      %swap3A_331 = arith.index_cast %rem3A_50 : i32 to index
      %swap3A_332 = arith.constant 736 : index
      %swap3A_333 = tpu.vector_load %arg15[%swap3A_331, %swap3A_332] {strides = array<i32>} : memref<8x1032xf32, #tpu.memory_space<vmem>>, vector<16xf32>,
      tpu.vector_store %arg15[%swap3A_331, %swap3A_332], %scan3A_290#13 {strides = array<i32>} : memref<8x1032xf32, #tpu.memory_space<vmem>>, vector<16xf32>,
      %swap3A_334 = arith.index_cast %rem3A_50 : i32 to index
      %swap3A_335 = arith.constant 752 : index
      %swap3A_336 = tpu.vector_load %arg15[%swap3A_334, %swap3A_335] {strides = array<i32>} : memref<8x1032xf32, #tpu.memory_space<vmem>>, vector<16xf32>,
      tpu.vector_store %arg15[%swap3A_334, %swap3A_335], %scan3A_290#14 {strides = array<i32>} : memref<8x1032xf32, #tpu.memory_space<vmem>>, vector<16xf32>,
      %swap3A_337 = arith.index_cast %rem3A_50 : i32 to index
      %swap3A_338 = arith.constant 768 : index
      %swap3A_339 = tpu.vector_load %arg15[%swap3A_337, %swap3A_338] {strides = array<i32>} : memref<8x1032xf32, #tpu.memory_space<vmem>>, vector<16xf32>,
      tpu.vector_store %arg15[%swap3A_337, %swap3A_338], %scan3A_290#15 {strides = array<i32>} : memref<8x1032xf32, #tpu.memory_space<vmem>>, vector<16xf32>,
      %swap3A_340 = arith.index_cast %rem3A_50 : i32 to index
      %swap3A_341 = arith.constant 784 : index
      %swap3A_342 = tpu.vector_load %arg15[%swap3A_340, %swap3A_341] {strides = array<i32>} : memref<8x1032xf32, #tpu.memory_space<vmem>>, vector<16xf32>,
      tpu.vector_store %arg15[%swap3A_340, %swap3A_341], %scan3A_290#16 {strides = array<i32>} : memref<8x1032xf32, #tpu.memory_space<vmem>>, vector<16xf32>,
      %swap3A_343 = arith.index_cast %rem3A_50 : i32 to index
      %swap3A_344 = arith.constant 800 : index
      %swap3A_345 = tpu.vector_load %arg15[%swap3A_343, %swap3A_344] {strides = array<i32>} : memref<8x1032xf32, #tpu.memory_space<vmem>>, vector<16xf32>,
      tpu.vector_store %arg15[%swap3A_343, %swap3A_344], %scan3A_290#17 {strides = array<i32>} : memref<8x1032xf32, #tpu.memory_space<vmem>>, vector<16xf32>,
      %swap3A_346 = arith.index_cast %rem3A_50 : i32 to index
      %swap3A_347 = arith.constant 816 : index
      %swap3A_348 = tpu.vector_load %arg15[%swap3A_346, %swap3A_347] {strides = array<i32>} : memref<8x1032xf32, #tpu.memory_space<vmem>>, vector<16xf32>,
      tpu.vector_store %arg15[%swap3A_346, %swap3A_347], %scan3A_290#18 {strides = array<i32>} : memref<8x1032xf32, #tpu.memory_space<vmem>>, vector<16xf32>,
      %swap3A_349 = arith.index_cast %rem3A_50 : i32 to index
      %swap3A_350 = arith.constant 832 : index
      %swap3A_351 = tpu.vector_load %arg15[%swap3A_349, %swap3A_350] {strides = array<i32>} : memref<8x1032xf32, #tpu.memory_space<vmem>>, vector<16xf32>,
      tpu.vector_store %arg15[%swap3A_349, %swap3A_350], %scan3A_290#19 {strides = array<i32>} : memref<8x1032xf32, #tpu.memory_space<vmem>>, vector<16xf32>,
      %swap3A_352 = arith.index_cast %rem3A_50 : i32 to index
      %swap3A_353 = arith.constant 848 : index
      %swap3A_354 = tpu.vector_load %arg15[%swap3A_352, %swap3A_353] {strides = array<i32>} : memref<8x1032xf32, #tpu.memory_space<vmem>>, vector<16xf32>,
      tpu.vector_store %arg15[%swap3A_352, %swap3A_353], %scan3A_290#20 {strides = array<i32>} : memref<8x1032xf32, #tpu.memory_space<vmem>>, vector<16xf32>,
      %swap3A_355 = arith.index_cast %rem3A_50 : i32 to index
      %swap3A_356 = arith.constant 864 : index
      %swap3A_357 = tpu.vector_load %arg15[%swap3A_355, %swap3A_356] {strides = array<i32>} : memref<8x1032xf32, #tpu.memory_space<vmem>>, vector<16xf32>,
      tpu.vector_store %arg15[%swap3A_355, %swap3A_356], %scan3A_290#21 {strides = array<i32>} : memref<8x1032xf32, #tpu.memory_space<vmem>>, vector<16xf32>,
      %swap3A_358 = arith.index_cast %rem3A_50 : i32 to index
      %swap3A_359 = arith.constant 880 : index
      %swap3A_360 = tpu.vector_load %arg15[%swap3A_358, %swap3A_359] {strides = array<i32>} : memref<8x1032xf32, #tpu.memory_space<vmem>>, vector<16xf32>,
      tpu.vector_store %arg15[%swap3A_358, %swap3A_359], %scan3A_290#22 {strides = array<i32>} : memref<8x1032xf32, #tpu.memory_space<vmem>>, vector<16xf32>,
      %swap3A_361 = arith.index_cast %rem3A_50 : i32 to index
      %swap3A_362 = arith.constant 896 : index
      %swap3A_363 = tpu.vector_load %arg15[%swap3A_361, %swap3A_362] {strides = array<i32>} : memref<8x1032xf32, #tpu.memory_space<vmem>>, vector<16xf32>,
      tpu.vector_store %arg15[%swap3A_361, %swap3A_362], %scan3A_290#23 {strides = array<i32>} : memref<8x1032xf32, #tpu.memory_space<vmem>>, vector<16xf32>,
      %swap3A_364 = arith.index_cast %rem3A_50 : i32 to index
      %swap3A_365 = arith.constant 912 : index
      %swap3A_366 = tpu.vector_load %arg15[%swap3A_364, %swap3A_365] {strides = array<i32>} : memref<8x1032xf32, #tpu.memory_space<vmem>>, vector<16xf32>,
      tpu.vector_store %arg15[%swap3A_364, %swap3A_365], %scan3A_290#24 {strides = array<i32>} : memref<8x1032xf32, #tpu.memory_space<vmem>>, vector<16xf32>,
      %swap3A_367 = arith.index_cast %rem3A_50 : i32 to index
      %swap3A_368 = arith.constant 928 : index
      %swap3A_369 = tpu.vector_load %arg15[%swap3A_367, %swap3A_368] {strides = array<i32>} : memref<8x1032xf32, #tpu.memory_space<vmem>>, vector<16xf32>,
      tpu.vector_store %arg15[%swap3A_367, %swap3A_368], %scan3A_290#25 {strides = array<i32>} : memref<8x1032xf32, #tpu.memory_space<vmem>>, vector<16xf32>,
      %swap3A_370 = arith.index_cast %rem3A_50 : i32 to index
      %swap3A_371 = arith.constant 944 : index
      %swap3A_372 = tpu.vector_load %arg15[%swap3A_370, %swap3A_371] {strides = array<i32>} : memref<8x1032xf32, #tpu.memory_space<vmem>>, vector<16xf32>,
      tpu.vector_store %arg15[%swap3A_370, %swap3A_371], %scan3A_290#26 {strides = array<i32>} : memref<8x1032xf32, #tpu.memory_space<vmem>>, vector<16xf32>,
      %swap3A_373 = arith.index_cast %rem3A_50 : i32 to index
      %swap3A_374 = arith.constant 960 : index
      %swap3A_375 = tpu.vector_load %arg15[%swap3A_373, %swap3A_374] {strides = array<i32>} : memref<8x1032xf32, #tpu.memory_space<vmem>>, vector<16xf32>,
      tpu.vector_store %arg15[%swap3A_373, %swap3A_374], %scan3A_290#27 {strides = array<i32>} : memref<8x1032xf32, #tpu.memory_space<vmem>>, vector<16xf32>,
      %swap3A_376 = arith.index_cast %rem3A_50 : i32 to index
      %swap3A_377 = arith.constant 976 : index
      %swap3A_378 = tpu.vector_load %arg15[%swap3A_376, %swap3A_377] {strides = array<i32>} : memref<8x1032xf32, #tpu.memory_space<vmem>>, vector<16xf32>,
      tpu.vector_store %arg15[%swap3A_376, %swap3A_377], %scan3A_290#28 {strides = array<i32>} : memref<8x1032xf32, #tpu.memory_space<vmem>>, vector<16xf32>,
      %swap3A_379 = arith.index_cast %rem3A_50 : i32 to index
      %swap3A_380 = arith.constant 992 : index
      %swap3A_381 = tpu.vector_load %arg15[%swap3A_379, %swap3A_380] {strides = array<i32>} : memref<8x1032xf32, #tpu.memory_space<vmem>>, vector<16xf32>,
      tpu.vector_store %arg15[%swap3A_379, %swap3A_380], %scan3A_290#29 {strides = array<i32>} : memref<8x1032xf32, #tpu.memory_space<vmem>>, vector<16xf32>,
      %swap3A_382 = arith.index_cast %rem3A_50 : i32 to index
      %swap3A_383 = arith.constant 1008 : index
      %swap3A_384 = tpu.vector_load %arg15[%swap3A_382, %swap3A_383] {strides = array<i32>} : memref<8x1032xf32, #tpu.memory_space<vmem>>, vector<16xf32>,
      tpu.vector_store %arg15[%swap3A_382, %swap3A_383], %scan3A_290#30 {strides = array<i32>} : memref<8x1032xf32, #tpu.memory_space<vmem>>, vector<16xf32>,
      %swap3A_385 = arith.index_cast %rem3A_50 : i32 to index
      %swap3A_386 = arith.constant 1016 : index
      %swap3A_387 = tpu.vector_load %arg15[%swap3A_385, %swap3A_386] {strides = array<i32>} : memref<8x1032xf32, #tpu.memory_space<vmem>>, vector<16xf32>,
      tpu.vector_store %arg15[%swap3A_385, %swap3A_386], %scan3A_290#31 {strides = array<i32>} : memref<8x1032xf32, #tpu.memory_space<vmem>>, vector<16xf32>,
      %eq3A = arith.constant 7 : i32
      %eq3A_388 = arith.cmpi eq, %rem3A_50, %eq3A : i32
      %convert_element_type3A = arith.extui %eq3A_388 : i1 to i32
      %cond3A = arith.constant 0 : i32
      %cond3A_389 = arith.cmpi ne, %convert_element_type3A, %cond3A : i32
      scf.if %cond3A_389 {
        %add3A_752 = arith.addi %mul3A_2, %mul3A_36 : i32
        %sub3A = arith.constant 7 : i32
        %sub3A_753 = arith.subi %add3A_752, %sub3A : i32
        %multiple_of3A = tpu.assume_multiple %sub3A_753, 8 : i32
        "tpu.region"() ({
          %run_scoped3A = tpu.sem_alloc : memref<!tpu.dma_semaphore, #tpu.memory_space<semaphore_mem>>
          %dma_start3A_754 = arith.constant 0 : i32
          %dma_start3A_755 = tpu.memref_slice %arg9[%multiple_of3A, %dma_start3A_754] : memref<1024x1032xf32, #tpu.memory_space<hbm>> -> memref<8x1032xf32, #tpu.memory_space<hbm>>
          %dma_start3A_756 = arith.constant 0 : i32
          %dma_start3A_757 = tpu.memref_slice %arg9[%multiple_of3A, %dma_start3A_756] : memref<1024x1032xf32, #tpu.memory_space<hbm>> -> memref<8x1032xf32, #tpu.memory_space<hbm>>
          tpu.enqueue_dma source(%arg15 : memref<8x1032xf32, #tpu.memory_space<vmem>>) target(%dma_start3A_757 : memref<8x1032xf32, #tpu.memory_space<hbm>>) target_semaphore(%run_scoped3A : memref<!tpu.dma_semaphore, #tpu.memory_space<semaphore_mem>>)
          %dma_wait3A_758 = arith.constant 0 : i32
          %dma_wait3A_759 = tpu.memref_slice %arg9[%multiple_of3A, %dma_wait3A_758] : memref<1024x1032xf32, #tpu.memory_space<hbm>> -> memref<8x1032xf32, #tpu.memory_space<hbm>>
          %dma_wait3A_760 = arith.constant 0 : i32
          %dma_wait3A_761 = tpu.memref_slice %arg9[%multiple_of3A, %dma_wait3A_760] : memref<1024x1032xf32, #tpu.memory_space<hbm>> -> memref<8x1032xf32, #tpu.memory_space<hbm>>
          tpu.wait_dma2 semaphore(%run_scoped3A : memref<!tpu.dma_semaphore, #tpu.memory_space<semaphore_mem>>) src(%arg15 : memref<8x1032xf32, #tpu.memory_space<vmem>>) dst(%dma_wait3A_761 : memref<8x1032xf32, #tpu.memory_space<hbm>>)
          tpu.yield
        }) : () -> ()
      } else {
      }
      %lt3A = arith.constant 15 : i32
      %lt3A_390 = arith.cmpi slt, %scan3A_33, %lt3A : i32
      %convert_element_type3A_391 = arith.extui %lt3A_390 : i1 to i32
      %cond3A_392 = arith.constant 0 : i32
      %cond3A_393 = arith.cmpi ne, %convert_element_type3A_391, %cond3A_392 : i32
      scf.if %cond3A_393 {
        %add3A_752 = arith.constant 2 : i32
        %add3A_753 = arith.addi %mul3A_36, %add3A_752 : i32
        %dma_start3A_754 = arith.constant 0 : i32
        %dma_start3A_755 = tpu.memref_slice %arg10[%add3A_753, %dma_start3A_754] : memref<32x56xi32, #tpu.memory_space<vmem>> -> memref<1x56xi32, #tpu.memory_space<vmem>>
        %dma_start3A_756 = tpu.memref_squeeze %dma_start3A_755 : memref<1x56xi32, #tpu.memory_space<vmem>> -> memref<56xi32, #tpu.memory_space<vmem>>
        %dma_start3A_757 = arith.constant 0 : i32
        %dma_start3A_758 = arith.constant 0 : i32
        %dma_start3A_759 = tpu.memref_slice %arg6[%dma_start3A_757, %dma_start3A_758] : memref<100000x1032xf32, #tpu.memory_space<hbm>> -> memref<100000x1032xf32, #tpu.memory_space<hbm>>
        tpu.enqueue_indirect_dma source(%dma_start3A_759 : memref<100000x1032xf32, #tpu.memory_space<hbm>>) target(%arg12 : memref<56x1032xf32, #tpu.memory_space<vmem>>) offsets(%dma_start3A_756 : memref<56xi32, #tpu.memory_space<vmem>>) semaphore(%arg16 : memref<!tpu.dma_semaphore, #tpu.memory_space<semaphore_mem>>)
      } else {
      }
      %add3A_394 = arith.constant 1 : i32
      %add3A_395 = arith.addi %mul3A_36, %add3A_394 : i32
      %dma_wait3A_396 = arith.constant 0 : i32
      %dma_wait3A_397 = tpu.memref_slice %arg10[%add3A_395, %dma_wait3A_396] : memref<32x56xi32, #tpu.memory_space<vmem>> -> memref<1x56xi32, #tpu.memory_space<vmem>>
      %dma_wait3A_398 = tpu.memref_squeeze %dma_wait3A_397 : memref<1x56xi32, #tpu.memory_space<vmem>> -> memref<56xi32, #tpu.memory_space<vmem>>
      %dma_wait3A_399 = arith.constant 0 : i32
      %dma_wait3A_400 = arith.constant 0 : i32
      %dma_wait3A_401 = tpu.memref_slice %arg6[%dma_wait3A_399, %dma_wait3A_400] : memref<100000x1032xf32, #tpu.memory_space<hbm>> -> memref<100000x1032xf32, #tpu.memory_space<hbm>>
      tpu.wait_indirect_dma semaphore(%arg17 : memref<!tpu.dma_semaphore, #tpu.memory_space<semaphore_mem>>) src(%dma_wait3A_401 : memref<100000x1032xf32, #tpu.memory_space<hbm>>) dst(%arg13 : memref<56x1032xf32, #tpu.memory_space<vmem>>)
      %add3A_402 = arith.constant 1 : i32
      %add3A_403 = arith.addi %mul3A_36, %add3A_402 : i32
      %rem3A_404 = arith.constant 8 : i32
      %rem3A_405 = arith.remsi %add3A_403, %rem3A_404 : i32
      %mul3A_406 = arith.constant 56 : i32
      %mul3A_407 = arith.muli %add3A_403, %mul3A_406 : i32
      %broadcast_in_dim3A_408 = vector.broadcast %mul3A_407 : i32 to vector<16xi32>
      %get3A_409 = arith.constant 0 : index
      %get3A_410 = tpu.vector_load %arg14[%get3A_409] {strides = array<i32>} : memref<1032xf32, #tpu.memory_space<vmem>>, vector<16xf32>,
      %get3A_411 = arith.constant 16 : index
      %get3A_412 = tpu.vector_load %arg14[%get3A_411] {strides = array<i32>} : memref<1032xf32, #tpu.memory_space<vmem>>, vector<16xf32>,
      %get3A_413 = arith.constant 32 : index
      %get3A_414 = tpu.vector_load %arg14[%get3A_413] {strides = array<i32>} : memref<1032xf32, #tpu.memory_space<vmem>>, vector<16xf32>,
      %get3A_415 = arith.constant 48 : index
      %get3A_416 = tpu.vector_load %arg14[%get3A_415] {strides = array<i32>} : memref<1032xf32, #tpu.memory_space<vmem>>, vector<16xf32>,
      %get3A_417 = arith.constant 64 : index
      %get3A_418 = tpu.vector_load %arg14[%get3A_417] {strides = array<i32>} : memref<1032xf32, #tpu.memory_space<vmem>>, vector<16xf32>,
      %get3A_419 = arith.constant 80 : index
      %get3A_420 = tpu.vector_load %arg14[%get3A_419] {strides = array<i32>} : memref<1032xf32, #tpu.memory_space<vmem>>, vector<16xf32>,
      %get3A_421 = arith.constant 96 : index
      %get3A_422 = tpu.vector_load %arg14[%get3A_421] {strides = array<i32>} : memref<1032xf32, #tpu.memory_space<vmem>>, vector<16xf32>,
      %get3A_423 = arith.constant 112 : index
      %get3A_424 = tpu.vector_load %arg14[%get3A_423] {strides = array<i32>} : memref<1032xf32, #tpu.memory_space<vmem>>, vector<16xf32>,
      %get3A_425 = arith.constant 128 : index
      %get3A_426 = tpu.vector_load %arg14[%get3A_425] {strides = array<i32>} : memref<1032xf32, #tpu.memory_space<vmem>>, vector<16xf32>,
      %get3A_427 = arith.constant 144 : index
      %get3A_428 = tpu.vector_load %arg14[%get3A_427] {strides = array<i32>} : memref<1032xf32, #tpu.memory_space<vmem>>, vector<16xf32>,
      %get3A_429 = arith.constant 160 : index
      %get3A_430 = tpu.vector_load %arg14[%get3A_429] {strides = array<i32>} : memref<1032xf32, #tpu.memory_space<vmem>>, vector<16xf32>,
      %get3A_431 = arith.constant 176 : index
      %get3A_432 = tpu.vector_load %arg14[%get3A_431] {strides = array<i32>} : memref<1032xf32, #tpu.memory_space<vmem>>, vector<16xf32>,
      %get3A_433 = arith.constant 192 : index
      %get3A_434 = tpu.vector_load %arg14[%get3A_433] {strides = array<i32>} : memref<1032xf32, #tpu.memory_space<vmem>>, vector<16xf32>,
      %get3A_435 = arith.constant 208 : index
      %get3A_436 = tpu.vector_load %arg14[%get3A_435] {strides = array<i32>} : memref<1032xf32, #tpu.memory_space<vmem>>, vector<16xf32>,
      %get3A_437 = arith.constant 224 : index
      %get3A_438 = tpu.vector_load %arg14[%get3A_437] {strides = array<i32>} : memref<1032xf32, #tpu.memory_space<vmem>>, vector<16xf32>,
      %get3A_439 = arith.constant 240 : index
      %get3A_440 = tpu.vector_load %arg14[%get3A_439] {strides = array<i32>} : memref<1032xf32, #tpu.memory_space<vmem>>, vector<16xf32>,
      %get3A_441 = arith.constant 256 : index
      %get3A_442 = tpu.vector_load %arg14[%get3A_441] {strides = array<i32>} : memref<1032xf32, #tpu.memory_space<vmem>>, vector<16xf32>,
      %get3A_443 = arith.constant 272 : index
      %get3A_444 = tpu.vector_load %arg14[%get3A_443] {strides = array<i32>} : memref<1032xf32, #tpu.memory_space<vmem>>, vector<16xf32>,
      %get3A_445 = arith.constant 288 : index
      %get3A_446 = tpu.vector_load %arg14[%get3A_445] {strides = array<i32>} : memref<1032xf32, #tpu.memory_space<vmem>>, vector<16xf32>,
      %get3A_447 = arith.constant 304 : index
      %get3A_448 = tpu.vector_load %arg14[%get3A_447] {strides = array<i32>} : memref<1032xf32, #tpu.memory_space<vmem>>, vector<16xf32>,
      %get3A_449 = arith.constant 320 : index
      %get3A_450 = tpu.vector_load %arg14[%get3A_449] {strides = array<i32>} : memref<1032xf32, #tpu.memory_space<vmem>>, vector<16xf32>,
      %get3A_451 = arith.constant 336 : index
      %get3A_452 = tpu.vector_load %arg14[%get3A_451] {strides = array<i32>} : memref<1032xf32, #tpu.memory_space<vmem>>, vector<16xf32>,
      %get3A_453 = arith.constant 352 : index
      %get3A_454 = tpu.vector_load %arg14[%get3A_453] {strides = array<i32>} : memref<1032xf32, #tpu.memory_space<vmem>>, vector<16xf32>,
      %get3A_455 = arith.constant 368 : index
      %get3A_456 = tpu.vector_load %arg14[%get3A_455] {strides = array<i32>} : memref<1032xf32, #tpu.memory_space<vmem>>, vector<16xf32>,
      %get3A_457 = arith.constant 384 : index
      %get3A_458 = tpu.vector_load %arg14[%get3A_457] {strides = array<i32>} : memref<1032xf32, #tpu.memory_space<vmem>>, vector<16xf32>,
      %get3A_459 = arith.constant 400 : index
      %get3A_460 = tpu.vector_load %arg14[%get3A_459] {strides = array<i32>} : memref<1032xf32, #tpu.memory_space<vmem>>, vector<16xf32>,
      %get3A_461 = arith.constant 416 : index
      %get3A_462 = tpu.vector_load %arg14[%get3A_461] {strides = array<i32>} : memref<1032xf32, #tpu.memory_space<vmem>>, vector<16xf32>,
      %get3A_463 = arith.constant 432 : index
      %get3A_464 = tpu.vector_load %arg14[%get3A_463] {strides = array<i32>} : memref<1032xf32, #tpu.memory_space<vmem>>, vector<16xf32>,
      %get3A_465 = arith.constant 448 : index
      %get3A_466 = tpu.vector_load %arg14[%get3A_465] {strides = array<i32>} : memref<1032xf32, #tpu.memory_space<vmem>>, vector<16xf32>,
      %get3A_467 = arith.constant 464 : index
      %get3A_468 = tpu.vector_load %arg14[%get3A_467] {strides = array<i32>} : memref<1032xf32, #tpu.memory_space<vmem>>, vector<16xf32>,
      %get3A_469 = arith.constant 480 : index
      %get3A_470 = tpu.vector_load %arg14[%get3A_469] {strides = array<i32>} : memref<1032xf32, #tpu.memory_space<vmem>>, vector<16xf32>,
      %get3A_471 = arith.constant 496 : index
      %get3A_472 = tpu.vector_load %arg14[%get3A_471] {strides = array<i32>} : memref<1032xf32, #tpu.memory_space<vmem>>, vector<16xf32>,
      %get3A_473 = arith.constant 512 : index
      %get3A_474 = tpu.vector_load %arg14[%get3A_473] {strides = array<i32>} : memref<1032xf32, #tpu.memory_space<vmem>>, vector<16xf32>,
      %scan3A_475 = arith.constant 0 : i32
      %scan3A_476 = arith.constant 50 : i32
      %scan3A_477 = arith.addi %scan3A_475, %scan3A_476 : i32
      %scan3A_478 = arith.constant 1 : i32
      %scan3A_479:33 = scf.for %scan3A_752 = %scan3A_475 to %scan3A_477 step %scan3A_478 iter_args(%scan3A_753 = %get3A_410, %scan3A_754 = %get3A_412, %scan3A_755 = %get3A_414, %scan3A_756 = %get3A_416, %scan3A_757 = %get3A_418, %scan3A_758 = %get3A_420, %scan3A_759 = %get3A_422, %scan3A_760 = %get3A_424, %scan3A_761 = %get3A_426, %scan3A_762 = %get3A_428, %scan3A_763 = %get3A_430, %scan3A_764 = %get3A_432, %scan3A_765 = %get3A_434, %scan3A_766 = %get3A_436, %scan3A_767 = %get3A_438, %scan3A_768 = %get3A_440, %scan3A_769 = %get3A_442, %scan3A_770 = %get3A_444, %scan3A_771 = %get3A_446, %scan3A_772 = %get3A_448, %scan3A_773 = %get3A_450, %scan3A_774 = %get3A_452, %scan3A_775 = %get3A_454, %scan3A_776 = %get3A_456, %scan3A_777 = %get3A_458, %scan3A_778 = %get3A_460, %scan3A_779 = %get3A_462, %scan3A_780 = %get3A_464, %scan3A_781 = %get3A_466, %scan3A_782 = %get3A_468, %scan3A_783 = %get3A_470, %scan3A_784 = %get3A_472, %scan3A_785 = %get3A_474) -> (vector<16xf32>, vector<16xf32>, vector<16xf32>, vector<16xf32>, vector<16xf32>, vector<16xf32>, vector<16xf32>, vector<16xf32>, vector<16xf32>, vector<16xf32>, vector<16xf32>, vector<16xf32>, vector<16xf32>, vector<16xf32>, vector<16xf32>, vector<16xf32>, vector<16xf32>, vector<16xf32>, vector<16xf32>, vector<16xf32>, vector<16xf32>, vector<16xf32>, vector<16xf32>, vector<16xf32>, vector<16xf32>, vector<16xf32>, vector<16xf32>, vector<16xf32>, vector<16xf32>, vector<16xf32>, vector<16xf32>, vector<16xf32>, vector<16xf32>)  : i32 {
        %add3A_786 = vector.broadcast %scan3A_752 : i32 to vector<16xi32>
        %add3A_787 = arith.addi %broadcast_in_dim3A_408, %add3A_786 : vector<16xi32>
        %gather3A = tpu.vector_load_idx %arg11[%add3A_787] : memref<1792xf32, #tpu.memory_space<vmem>>[vector<16xi32>], vector<16xf32>,
        %get3A_788 = arith.index_cast %scan3A_752 : i32 to index
        %get3A_789 = arith.constant 0 : index
        %get3A_790 = tpu.vector_load %arg13[%get3A_788, %get3A_789] {strides = array<i32>} : memref<56x1032xf32, #tpu.memory_space<vmem>>, vector<16xf32>,
        %mul3A_791 = arith.mulf %gather3A, %get3A_790 : vector<16xf32>
        %add3A_792 = arith.addf %scan3A_753, %mul3A_791 : vector<16xf32>
        %get3A_793 = arith.index_cast %scan3A_752 : i32 to index
        %get3A_794 = arith.constant 16 : index
        %get3A_795 = tpu.vector_load %arg13[%get3A_793, %get3A_794] {strides = array<i32>} : memref<56x1032xf32, #tpu.memory_space<vmem>>, vector<16xf32>,
        %mul3A_796 = arith.mulf %gather3A, %get3A_795 : vector<16xf32>
        %add3A_797 = arith.addf %scan3A_754, %mul3A_796 : vector<16xf32>
        %get3A_798 = arith.index_cast %scan3A_752 : i32 to index
        %get3A_799 = arith.constant 32 : index
        %get3A_800 = tpu.vector_load %arg13[%get3A_798, %get3A_799] {strides = array<i32>} : memref<56x1032xf32, #tpu.memory_space<vmem>>, vector<16xf32>,
        %mul3A_801 = arith.mulf %gather3A, %get3A_800 : vector<16xf32>
        %add3A_802 = arith.addf %scan3A_755, %mul3A_801 : vector<16xf32>
        %get3A_803 = arith.index_cast %scan3A_752 : i32 to index
        %get3A_804 = arith.constant 48 : index
        %get3A_805 = tpu.vector_load %arg13[%get3A_803, %get3A_804] {strides = array<i32>} : memref<56x1032xf32, #tpu.memory_space<vmem>>, vector<16xf32>,
        %mul3A_806 = arith.mulf %gather3A, %get3A_805 : vector<16xf32>
        %add3A_807 = arith.addf %scan3A_756, %mul3A_806 : vector<16xf32>
        %get3A_808 = arith.index_cast %scan3A_752 : i32 to index
        %get3A_809 = arith.constant 64 : index
        %get3A_810 = tpu.vector_load %arg13[%get3A_808, %get3A_809] {strides = array<i32>} : memref<56x1032xf32, #tpu.memory_space<vmem>>, vector<16xf32>,
        %mul3A_811 = arith.mulf %gather3A, %get3A_810 : vector<16xf32>
        %add3A_812 = arith.addf %scan3A_757, %mul3A_811 : vector<16xf32>
        %get3A_813 = arith.index_cast %scan3A_752 : i32 to index
        %get3A_814 = arith.constant 80 : index
        %get3A_815 = tpu.vector_load %arg13[%get3A_813, %get3A_814] {strides = array<i32>} : memref<56x1032xf32, #tpu.memory_space<vmem>>, vector<16xf32>,
        %mul3A_816 = arith.mulf %gather3A, %get3A_815 : vector<16xf32>
        %add3A_817 = arith.addf %scan3A_758, %mul3A_816 : vector<16xf32>
        %get3A_818 = arith.index_cast %scan3A_752 : i32 to index
        %get3A_819 = arith.constant 96 : index
        %get3A_820 = tpu.vector_load %arg13[%get3A_818, %get3A_819] {strides = array<i32>} : memref<56x1032xf32, #tpu.memory_space<vmem>>, vector<16xf32>,
        %mul3A_821 = arith.mulf %gather3A, %get3A_820 : vector<16xf32>
        %add3A_822 = arith.addf %scan3A_759, %mul3A_821 : vector<16xf32>
        %get3A_823 = arith.index_cast %scan3A_752 : i32 to index
        %get3A_824 = arith.constant 112 : index
        %get3A_825 = tpu.vector_load %arg13[%get3A_823, %get3A_824] {strides = array<i32>} : memref<56x1032xf32, #tpu.memory_space<vmem>>, vector<16xf32>,
        %mul3A_826 = arith.mulf %gather3A, %get3A_825 : vector<16xf32>
        %add3A_827 = arith.addf %scan3A_760, %mul3A_826 : vector<16xf32>
        %get3A_828 = arith.index_cast %scan3A_752 : i32 to index
        %get3A_829 = arith.constant 128 : index
        %get3A_830 = tpu.vector_load %arg13[%get3A_828, %get3A_829] {strides = array<i32>} : memref<56x1032xf32, #tpu.memory_space<vmem>>, vector<16xf32>,
        %mul3A_831 = arith.mulf %gather3A, %get3A_830 : vector<16xf32>
        %add3A_832 = arith.addf %scan3A_761, %mul3A_831 : vector<16xf32>
        %get3A_833 = arith.index_cast %scan3A_752 : i32 to index
        %get3A_834 = arith.constant 144 : index
        %get3A_835 = tpu.vector_load %arg13[%get3A_833, %get3A_834] {strides = array<i32>} : memref<56x1032xf32, #tpu.memory_space<vmem>>, vector<16xf32>,
        %mul3A_836 = arith.mulf %gather3A, %get3A_835 : vector<16xf32>
        %add3A_837 = arith.addf %scan3A_762, %mul3A_836 : vector<16xf32>
        %get3A_838 = arith.index_cast %scan3A_752 : i32 to index
        %get3A_839 = arith.constant 160 : index
        %get3A_840 = tpu.vector_load %arg13[%get3A_838, %get3A_839] {strides = array<i32>} : memref<56x1032xf32, #tpu.memory_space<vmem>>, vector<16xf32>,
        %mul3A_841 = arith.mulf %gather3A, %get3A_840 : vector<16xf32>
        %add3A_842 = arith.addf %scan3A_763, %mul3A_841 : vector<16xf32>
        %get3A_843 = arith.index_cast %scan3A_752 : i32 to index
        %get3A_844 = arith.constant 176 : index
        %get3A_845 = tpu.vector_load %arg13[%get3A_843, %get3A_844] {strides = array<i32>} : memref<56x1032xf32, #tpu.memory_space<vmem>>, vector<16xf32>,
        %mul3A_846 = arith.mulf %gather3A, %get3A_845 : vector<16xf32>
        %add3A_847 = arith.addf %scan3A_764, %mul3A_846 : vector<16xf32>
        %get3A_848 = arith.index_cast %scan3A_752 : i32 to index
        %get3A_849 = arith.constant 192 : index
        %get3A_850 = tpu.vector_load %arg13[%get3A_848, %get3A_849] {strides = array<i32>} : memref<56x1032xf32, #tpu.memory_space<vmem>>, vector<16xf32>,
        %mul3A_851 = arith.mulf %gather3A, %get3A_850 : vector<16xf32>
        %add3A_852 = arith.addf %scan3A_765, %mul3A_851 : vector<16xf32>
        %get3A_853 = arith.index_cast %scan3A_752 : i32 to index
        %get3A_854 = arith.constant 208 : index
        %get3A_855 = tpu.vector_load %arg13[%get3A_853, %get3A_854] {strides = array<i32>} : memref<56x1032xf32, #tpu.memory_space<vmem>>, vector<16xf32>,
        %mul3A_856 = arith.mulf %gather3A, %get3A_855 : vector<16xf32>
        %add3A_857 = arith.addf %scan3A_766, %mul3A_856 : vector<16xf32>
        %get3A_858 = arith.index_cast %scan3A_752 : i32 to index
        %get3A_859 = arith.constant 224 : index
        %get3A_860 = tpu.vector_load %arg13[%get3A_858, %get3A_859] {strides = array<i32>} : memref<56x1032xf32, #tpu.memory_space<vmem>>, vector<16xf32>,
        %mul3A_861 = arith.mulf %gather3A, %get3A_860 : vector<16xf32>
        %add3A_862 = arith.addf %scan3A_767, %mul3A_861 : vector<16xf32>
        %get3A_863 = arith.index_cast %scan3A_752 : i32 to index
        %get3A_864 = arith.constant 240 : index
        %get3A_865 = tpu.vector_load %arg13[%get3A_863, %get3A_864] {strides = array<i32>} : memref<56x1032xf32, #tpu.memory_space<vmem>>, vector<16xf32>,
        %mul3A_866 = arith.mulf %gather3A, %get3A_865 : vector<16xf32>
        %add3A_867 = arith.addf %scan3A_768, %mul3A_866 : vector<16xf32>
        %get3A_868 = arith.index_cast %scan3A_752 : i32 to index
        %get3A_869 = arith.constant 256 : index
        %get3A_870 = tpu.vector_load %arg13[%get3A_868, %get3A_869] {strides = array<i32>} : memref<56x1032xf32, #tpu.memory_space<vmem>>, vector<16xf32>,
        %mul3A_871 = arith.mulf %gather3A, %get3A_870 : vector<16xf32>
        %add3A_872 = arith.addf %scan3A_769, %mul3A_871 : vector<16xf32>
        %get3A_873 = arith.index_cast %scan3A_752 : i32 to index
        %get3A_874 = arith.constant 272 : index
        %get3A_875 = tpu.vector_load %arg13[%get3A_873, %get3A_874] {strides = array<i32>} : memref<56x1032xf32, #tpu.memory_space<vmem>>, vector<16xf32>,
        %mul3A_876 = arith.mulf %gather3A, %get3A_875 : vector<16xf32>
        %add3A_877 = arith.addf %scan3A_770, %mul3A_876 : vector<16xf32>
        %get3A_878 = arith.index_cast %scan3A_752 : i32 to index
        %get3A_879 = arith.constant 288 : index
        %get3A_880 = tpu.vector_load %arg13[%get3A_878, %get3A_879] {strides = array<i32>} : memref<56x1032xf32, #tpu.memory_space<vmem>>, vector<16xf32>,
        %mul3A_881 = arith.mulf %gather3A, %get3A_880 : vector<16xf32>
        %add3A_882 = arith.addf %scan3A_771, %mul3A_881 : vector<16xf32>
        %get3A_883 = arith.index_cast %scan3A_752 : i32 to index
        %get3A_884 = arith.constant 304 : index
        %get3A_885 = tpu.vector_load %arg13[%get3A_883, %get3A_884] {strides = array<i32>} : memref<56x1032xf32, #tpu.memory_space<vmem>>, vector<16xf32>,
        %mul3A_886 = arith.mulf %gather3A, %get3A_885 : vector<16xf32>
        %add3A_887 = arith.addf %scan3A_772, %mul3A_886 : vector<16xf32>
        %get3A_888 = arith.index_cast %scan3A_752 : i32 to index
        %get3A_889 = arith.constant 320 : index
        %get3A_890 = tpu.vector_load %arg13[%get3A_888, %get3A_889] {strides = array<i32>} : memref<56x1032xf32, #tpu.memory_space<vmem>>, vector<16xf32>,
        %mul3A_891 = arith.mulf %gather3A, %get3A_890 : vector<16xf32>
        %add3A_892 = arith.addf %scan3A_773, %mul3A_891 : vector<16xf32>
        %get3A_893 = arith.index_cast %scan3A_752 : i32 to index
        %get3A_894 = arith.constant 336 : index
        %get3A_895 = tpu.vector_load %arg13[%get3A_893, %get3A_894] {strides = array<i32>} : memref<56x1032xf32, #tpu.memory_space<vmem>>, vector<16xf32>,
        %mul3A_896 = arith.mulf %gather3A, %get3A_895 : vector<16xf32>
        %add3A_897 = arith.addf %scan3A_774, %mul3A_896 : vector<16xf32>
        %get3A_898 = arith.index_cast %scan3A_752 : i32 to index
        %get3A_899 = arith.constant 352 : index
        %get3A_900 = tpu.vector_load %arg13[%get3A_898, %get3A_899] {strides = array<i32>} : memref<56x1032xf32, #tpu.memory_space<vmem>>, vector<16xf32>,
        %mul3A_901 = arith.mulf %gather3A, %get3A_900 : vector<16xf32>
        %add3A_902 = arith.addf %scan3A_775, %mul3A_901 : vector<16xf32>
        %get3A_903 = arith.index_cast %scan3A_752 : i32 to index
        %get3A_904 = arith.constant 368 : index
        %get3A_905 = tpu.vector_load %arg13[%get3A_903, %get3A_904] {strides = array<i32>} : memref<56x1032xf32, #tpu.memory_space<vmem>>, vector<16xf32>,
        %mul3A_906 = arith.mulf %gather3A, %get3A_905 : vector<16xf32>
        %add3A_907 = arith.addf %scan3A_776, %mul3A_906 : vector<16xf32>
        %get3A_908 = arith.index_cast %scan3A_752 : i32 to index
        %get3A_909 = arith.constant 384 : index
        %get3A_910 = tpu.vector_load %arg13[%get3A_908, %get3A_909] {strides = array<i32>} : memref<56x1032xf32, #tpu.memory_space<vmem>>, vector<16xf32>,
        %mul3A_911 = arith.mulf %gather3A, %get3A_910 : vector<16xf32>
        %add3A_912 = arith.addf %scan3A_777, %mul3A_911 : vector<16xf32>
        %get3A_913 = arith.index_cast %scan3A_752 : i32 to index
        %get3A_914 = arith.constant 400 : index
        %get3A_915 = tpu.vector_load %arg13[%get3A_913, %get3A_914] {strides = array<i32>} : memref<56x1032xf32, #tpu.memory_space<vmem>>, vector<16xf32>,
        %mul3A_916 = arith.mulf %gather3A, %get3A_915 : vector<16xf32>
        %add3A_917 = arith.addf %scan3A_778, %mul3A_916 : vector<16xf32>
        %get3A_918 = arith.index_cast %scan3A_752 : i32 to index
        %get3A_919 = arith.constant 416 : index
        %get3A_920 = tpu.vector_load %arg13[%get3A_918, %get3A_919] {strides = array<i32>} : memref<56x1032xf32, #tpu.memory_space<vmem>>, vector<16xf32>,
        %mul3A_921 = arith.mulf %gather3A, %get3A_920 : vector<16xf32>
        %add3A_922 = arith.addf %scan3A_779, %mul3A_921 : vector<16xf32>
        %get3A_923 = arith.index_cast %scan3A_752 : i32 to index
        %get3A_924 = arith.constant 432 : index
        %get3A_925 = tpu.vector_load %arg13[%get3A_923, %get3A_924] {strides = array<i32>} : memref<56x1032xf32, #tpu.memory_space<vmem>>, vector<16xf32>,
        %mul3A_926 = arith.mulf %gather3A, %get3A_925 : vector<16xf32>
        %add3A_927 = arith.addf %scan3A_780, %mul3A_926 : vector<16xf32>
        %get3A_928 = arith.index_cast %scan3A_752 : i32 to index
        %get3A_929 = arith.constant 448 : index
        %get3A_930 = tpu.vector_load %arg13[%get3A_928, %get3A_929] {strides = array<i32>} : memref<56x1032xf32, #tpu.memory_space<vmem>>, vector<16xf32>,
        %mul3A_931 = arith.mulf %gather3A, %get3A_930 : vector<16xf32>
        %add3A_932 = arith.addf %scan3A_781, %mul3A_931 : vector<16xf32>
        %get3A_933 = arith.index_cast %scan3A_752 : i32 to index
        %get3A_934 = arith.constant 464 : index
        %get3A_935 = tpu.vector_load %arg13[%get3A_933, %get3A_934] {strides = array<i32>} : memref<56x1032xf32, #tpu.memory_space<vmem>>, vector<16xf32>,
        %mul3A_936 = arith.mulf %gather3A, %get3A_935 : vector<16xf32>
        %add3A_937 = arith.addf %scan3A_782, %mul3A_936 : vector<16xf32>
        %get3A_938 = arith.index_cast %scan3A_752 : i32 to index
        %get3A_939 = arith.constant 480 : index
        %get3A_940 = tpu.vector_load %arg13[%get3A_938, %get3A_939] {strides = array<i32>} : memref<56x1032xf32, #tpu.memory_space<vmem>>, vector<16xf32>,
        %mul3A_941 = arith.mulf %gather3A, %get3A_940 : vector<16xf32>
        %add3A_942 = arith.addf %scan3A_783, %mul3A_941 : vector<16xf32>
        %get3A_943 = arith.index_cast %scan3A_752 : i32 to index
        %get3A_944 = arith.constant 496 : index
        %get3A_945 = tpu.vector_load %arg13[%get3A_943, %get3A_944] {strides = array<i32>} : memref<56x1032xf32, #tpu.memory_space<vmem>>, vector<16xf32>,
        %mul3A_946 = arith.mulf %gather3A, %get3A_945 : vector<16xf32>
        %add3A_947 = arith.addf %scan3A_784, %mul3A_946 : vector<16xf32>
        %get3A_948 = arith.index_cast %scan3A_752 : i32 to index
        %get3A_949 = arith.constant 512 : index
        %get3A_950 = tpu.vector_load %arg13[%get3A_948, %get3A_949] {strides = array<i32>} : memref<56x1032xf32, #tpu.memory_space<vmem>>, vector<16xf32>,
        %mul3A_951 = arith.mulf %gather3A, %get3A_950 : vector<16xf32>
        %add3A_952 = arith.addf %scan3A_785, %mul3A_951 : vector<16xf32>
        scf.yield %add3A_792, %add3A_797, %add3A_802, %add3A_807, %add3A_812, %add3A_817, %add3A_822, %add3A_827, %add3A_832, %add3A_837, %add3A_842, %add3A_847, %add3A_852, %add3A_857, %add3A_862, %add3A_867, %add3A_872, %add3A_877, %add3A_882, %add3A_887, %add3A_892, %add3A_897, %add3A_902, %add3A_907, %add3A_912, %add3A_917, %add3A_922, %add3A_927, %add3A_932, %add3A_937, %add3A_942, %add3A_947, %add3A_952 : vector<16xf32>, vector<16xf32>, vector<16xf32>, vector<16xf32>, vector<16xf32>, vector<16xf32>, vector<16xf32>, vector<16xf32>, vector<16xf32>, vector<16xf32>, vector<16xf32>, vector<16xf32>, vector<16xf32>, vector<16xf32>, vector<16xf32>, vector<16xf32>, vector<16xf32>, vector<16xf32>, vector<16xf32>, vector<16xf32>, vector<16xf32>, vector<16xf32>, vector<16xf32>, vector<16xf32>, vector<16xf32>, vector<16xf32>, vector<16xf32>, vector<16xf32>, vector<16xf32>, vector<16xf32>, vector<16xf32>, vector<16xf32>, vector<16xf32>
      }
      %scan3A_480 = arith.constant 50 : i32
      %swap3A_481 = arith.index_cast %rem3A_405 : i32 to index
      %swap3A_482 = arith.constant 0 : index
      %swap3A_483 = tpu.vector_load %arg15[%swap3A_481, %swap3A_482] {strides = array<i32>} : memref<8x1032xf32, #tpu.memory_space<vmem>>, vector<16xf32>,
      tpu.vector_store %arg15[%swap3A_481, %swap3A_482], %scan3A_479#0 {strides = array<i32>} : memref<8x1032xf32, #tpu.memory_space<vmem>>, vector<16xf32>,
      %swap3A_484 = arith.index_cast %rem3A_405 : i32 to index
      %swap3A_485 = arith.constant 16 : index
      %swap3A_486 = tpu.vector_load %arg15[%swap3A_484, %swap3A_485] {strides = array<i32>} : memref<8x1032xf32, #tpu.memory_space<vmem>>, vector<16xf32>,
      tpu.vector_store %arg15[%swap3A_484, %swap3A_485], %scan3A_479#1 {strides = array<i32>} : memref<8x1032xf32, #tpu.memory_space<vmem>>, vector<16xf32>,
      %swap3A_487 = arith.index_cast %rem3A_405 : i32 to index
      %swap3A_488 = arith.constant 32 : index
      %swap3A_489 = tpu.vector_load %arg15[%swap3A_487, %swap3A_488] {strides = array<i32>} : memref<8x1032xf32, #tpu.memory_space<vmem>>, vector<16xf32>,
      tpu.vector_store %arg15[%swap3A_487, %swap3A_488], %scan3A_479#2 {strides = array<i32>} : memref<8x1032xf32, #tpu.memory_space<vmem>>, vector<16xf32>,
      %swap3A_490 = arith.index_cast %rem3A_405 : i32 to index
      %swap3A_491 = arith.constant 48 : index
      %swap3A_492 = tpu.vector_load %arg15[%swap3A_490, %swap3A_491] {strides = array<i32>} : memref<8x1032xf32, #tpu.memory_space<vmem>>, vector<16xf32>,
      tpu.vector_store %arg15[%swap3A_490, %swap3A_491], %scan3A_479#3 {strides = array<i32>} : memref<8x1032xf32, #tpu.memory_space<vmem>>, vector<16xf32>,
      %swap3A_493 = arith.index_cast %rem3A_405 : i32 to index
      %swap3A_494 = arith.constant 64 : index
      %swap3A_495 = tpu.vector_load %arg15[%swap3A_493, %swap3A_494] {strides = array<i32>} : memref<8x1032xf32, #tpu.memory_space<vmem>>, vector<16xf32>,
      tpu.vector_store %arg15[%swap3A_493, %swap3A_494], %scan3A_479#4 {strides = array<i32>} : memref<8x1032xf32, #tpu.memory_space<vmem>>, vector<16xf32>,
      %swap3A_496 = arith.index_cast %rem3A_405 : i32 to index
      %swap3A_497 = arith.constant 80 : index
      %swap3A_498 = tpu.vector_load %arg15[%swap3A_496, %swap3A_497] {strides = array<i32>} : memref<8x1032xf32, #tpu.memory_space<vmem>>, vector<16xf32>,
      tpu.vector_store %arg15[%swap3A_496, %swap3A_497], %scan3A_479#5 {strides = array<i32>} : memref<8x1032xf32, #tpu.memory_space<vmem>>, vector<16xf32>,
      %swap3A_499 = arith.index_cast %rem3A_405 : i32 to index
      %swap3A_500 = arith.constant 96 : index
      %swap3A_501 = tpu.vector_load %arg15[%swap3A_499, %swap3A_500] {strides = array<i32>} : memref<8x1032xf32, #tpu.memory_space<vmem>>, vector<16xf32>,
      tpu.vector_store %arg15[%swap3A_499, %swap3A_500], %scan3A_479#6 {strides = array<i32>} : memref<8x1032xf32, #tpu.memory_space<vmem>>, vector<16xf32>,
      %swap3A_502 = arith.index_cast %rem3A_405 : i32 to index
      %swap3A_503 = arith.constant 112 : index
      %swap3A_504 = tpu.vector_load %arg15[%swap3A_502, %swap3A_503] {strides = array<i32>} : memref<8x1032xf32, #tpu.memory_space<vmem>>, vector<16xf32>,
      tpu.vector_store %arg15[%swap3A_502, %swap3A_503], %scan3A_479#7 {strides = array<i32>} : memref<8x1032xf32, #tpu.memory_space<vmem>>, vector<16xf32>,
      %swap3A_505 = arith.index_cast %rem3A_405 : i32 to index
      %swap3A_506 = arith.constant 128 : index
      %swap3A_507 = tpu.vector_load %arg15[%swap3A_505, %swap3A_506] {strides = array<i32>} : memref<8x1032xf32, #tpu.memory_space<vmem>>, vector<16xf32>,
      tpu.vector_store %arg15[%swap3A_505, %swap3A_506], %scan3A_479#8 {strides = array<i32>} : memref<8x1032xf32, #tpu.memory_space<vmem>>, vector<16xf32>,
      %swap3A_508 = arith.index_cast %rem3A_405 : i32 to index
      %swap3A_509 = arith.constant 144 : index
      %swap3A_510 = tpu.vector_load %arg15[%swap3A_508, %swap3A_509] {strides = array<i32>} : memref<8x1032xf32, #tpu.memory_space<vmem>>, vector<16xf32>,
      tpu.vector_store %arg15[%swap3A_508, %swap3A_509], %scan3A_479#9 {strides = array<i32>} : memref<8x1032xf32, #tpu.memory_space<vmem>>, vector<16xf32>,
      %swap3A_511 = arith.index_cast %rem3A_405 : i32 to index
      %swap3A_512 = arith.constant 160 : index
      %swap3A_513 = tpu.vector_load %arg15[%swap3A_511, %swap3A_512] {strides = array<i32>} : memref<8x1032xf32, #tpu.memory_space<vmem>>, vector<16xf32>,
      tpu.vector_store %arg15[%swap3A_511, %swap3A_512], %scan3A_479#10 {strides = array<i32>} : memref<8x1032xf32, #tpu.memory_space<vmem>>, vector<16xf32>,
      %swap3A_514 = arith.index_cast %rem3A_405 : i32 to index
      %swap3A_515 = arith.constant 176 : index
      %swap3A_516 = tpu.vector_load %arg15[%swap3A_514, %swap3A_515] {strides = array<i32>} : memref<8x1032xf32, #tpu.memory_space<vmem>>, vector<16xf32>,
      tpu.vector_store %arg15[%swap3A_514, %swap3A_515], %scan3A_479#11 {strides = array<i32>} : memref<8x1032xf32, #tpu.memory_space<vmem>>, vector<16xf32>,
      %swap3A_517 = arith.index_cast %rem3A_405 : i32 to index
      %swap3A_518 = arith.constant 192 : index
      %swap3A_519 = tpu.vector_load %arg15[%swap3A_517, %swap3A_518] {strides = array<i32>} : memref<8x1032xf32, #tpu.memory_space<vmem>>, vector<16xf32>,
      tpu.vector_store %arg15[%swap3A_517, %swap3A_518], %scan3A_479#12 {strides = array<i32>} : memref<8x1032xf32, #tpu.memory_space<vmem>>, vector<16xf32>,
      %swap3A_520 = arith.index_cast %rem3A_405 : i32 to index
      %swap3A_521 = arith.constant 208 : index
      %swap3A_522 = tpu.vector_load %arg15[%swap3A_520, %swap3A_521] {strides = array<i32>} : memref<8x1032xf32, #tpu.memory_space<vmem>>, vector<16xf32>,
      tpu.vector_store %arg15[%swap3A_520, %swap3A_521], %scan3A_479#13 {strides = array<i32>} : memref<8x1032xf32, #tpu.memory_space<vmem>>, vector<16xf32>,
      %swap3A_523 = arith.index_cast %rem3A_405 : i32 to index
      %swap3A_524 = arith.constant 224 : index
      %swap3A_525 = tpu.vector_load %arg15[%swap3A_523, %swap3A_524] {strides = array<i32>} : memref<8x1032xf32, #tpu.memory_space<vmem>>, vector<16xf32>,
      tpu.vector_store %arg15[%swap3A_523, %swap3A_524], %scan3A_479#14 {strides = array<i32>} : memref<8x1032xf32, #tpu.memory_space<vmem>>, vector<16xf32>,
      %swap3A_526 = arith.index_cast %rem3A_405 : i32 to index
      %swap3A_527 = arith.constant 240 : index
      %swap3A_528 = tpu.vector_load %arg15[%swap3A_526, %swap3A_527] {strides = array<i32>} : memref<8x1032xf32, #tpu.memory_space<vmem>>, vector<16xf32>,
      tpu.vector_store %arg15[%swap3A_526, %swap3A_527], %scan3A_479#15 {strides = array<i32>} : memref<8x1032xf32, #tpu.memory_space<vmem>>, vector<16xf32>,
      %swap3A_529 = arith.index_cast %rem3A_405 : i32 to index
      %swap3A_530 = arith.constant 256 : index
      %swap3A_531 = tpu.vector_load %arg15[%swap3A_529, %swap3A_530] {strides = array<i32>} : memref<8x1032xf32, #tpu.memory_space<vmem>>, vector<16xf32>,
      tpu.vector_store %arg15[%swap3A_529, %swap3A_530], %scan3A_479#16 {strides = array<i32>} : memref<8x1032xf32, #tpu.memory_space<vmem>>, vector<16xf32>,
      %swap3A_532 = arith.index_cast %rem3A_405 : i32 to index
      %swap3A_533 = arith.constant 272 : index
      %swap3A_534 = tpu.vector_load %arg15[%swap3A_532, %swap3A_533] {strides = array<i32>} : memref<8x1032xf32, #tpu.memory_space<vmem>>, vector<16xf32>,
      tpu.vector_store %arg15[%swap3A_532, %swap3A_533], %scan3A_479#17 {strides = array<i32>} : memref<8x1032xf32, #tpu.memory_space<vmem>>, vector<16xf32>,
      %swap3A_535 = arith.index_cast %rem3A_405 : i32 to index
      %swap3A_536 = arith.constant 288 : index
      %swap3A_537 = tpu.vector_load %arg15[%swap3A_535, %swap3A_536] {strides = array<i32>} : memref<8x1032xf32, #tpu.memory_space<vmem>>, vector<16xf32>,
      tpu.vector_store %arg15[%swap3A_535, %swap3A_536], %scan3A_479#18 {strides = array<i32>} : memref<8x1032xf32, #tpu.memory_space<vmem>>, vector<16xf32>,
      %swap3A_538 = arith.index_cast %rem3A_405 : i32 to index
      %swap3A_539 = arith.constant 304 : index
      %swap3A_540 = tpu.vector_load %arg15[%swap3A_538, %swap3A_539] {strides = array<i32>} : memref<8x1032xf32, #tpu.memory_space<vmem>>, vector<16xf32>,
      tpu.vector_store %arg15[%swap3A_538, %swap3A_539], %scan3A_479#19 {strides = array<i32>} : memref<8x1032xf32, #tpu.memory_space<vmem>>, vector<16xf32>,
      %swap3A_541 = arith.index_cast %rem3A_405 : i32 to index
      %swap3A_542 = arith.constant 320 : index
      %swap3A_543 = tpu.vector_load %arg15[%swap3A_541, %swap3A_542] {strides = array<i32>} : memref<8x1032xf32, #tpu.memory_space<vmem>>, vector<16xf32>,
      tpu.vector_store %arg15[%swap3A_541, %swap3A_542], %scan3A_479#20 {strides = array<i32>} : memref<8x1032xf32, #tpu.memory_space<vmem>>, vector<16xf32>,
      %swap3A_544 = arith.index_cast %rem3A_405 : i32 to index
      %swap3A_545 = arith.constant 336 : index
      %swap3A_546 = tpu.vector_load %arg15[%swap3A_544, %swap3A_545] {strides = array<i32>} : memref<8x1032xf32, #tpu.memory_space<vmem>>, vector<16xf32>,
      tpu.vector_store %arg15[%swap3A_544, %swap3A_545], %scan3A_479#21 {strides = array<i32>} : memref<8x1032xf32, #tpu.memory_space<vmem>>, vector<16xf32>,
      %swap3A_547 = arith.index_cast %rem3A_405 : i32 to index
      %swap3A_548 = arith.constant 352 : index
      %swap3A_549 = tpu.vector_load %arg15[%swap3A_547, %swap3A_548] {strides = array<i32>} : memref<8x1032xf32, #tpu.memory_space<vmem>>, vector<16xf32>,
      tpu.vector_store %arg15[%swap3A_547, %swap3A_548], %scan3A_479#22 {strides = array<i32>} : memref<8x1032xf32, #tpu.memory_space<vmem>>, vector<16xf32>,
      %swap3A_550 = arith.index_cast %rem3A_405 : i32 to index
      %swap3A_551 = arith.constant 368 : index
      %swap3A_552 = tpu.vector_load %arg15[%swap3A_550, %swap3A_551] {strides = array<i32>} : memref<8x1032xf32, #tpu.memory_space<vmem>>, vector<16xf32>,
      tpu.vector_store %arg15[%swap3A_550, %swap3A_551], %scan3A_479#23 {strides = array<i32>} : memref<8x1032xf32, #tpu.memory_space<vmem>>, vector<16xf32>,
      %swap3A_553 = arith.index_cast %rem3A_405 : i32 to index
      %swap3A_554 = arith.constant 384 : index
      %swap3A_555 = tpu.vector_load %arg15[%swap3A_553, %swap3A_554] {strides = array<i32>} : memref<8x1032xf32, #tpu.memory_space<vmem>>, vector<16xf32>,
      tpu.vector_store %arg15[%swap3A_553, %swap3A_554], %scan3A_479#24 {strides = array<i32>} : memref<8x1032xf32, #tpu.memory_space<vmem>>, vector<16xf32>,
      %swap3A_556 = arith.index_cast %rem3A_405 : i32 to index
      %swap3A_557 = arith.constant 400 : index
      %swap3A_558 = tpu.vector_load %arg15[%swap3A_556, %swap3A_557] {strides = array<i32>} : memref<8x1032xf32, #tpu.memory_space<vmem>>, vector<16xf32>,
      tpu.vector_store %arg15[%swap3A_556, %swap3A_557], %scan3A_479#25 {strides = array<i32>} : memref<8x1032xf32, #tpu.memory_space<vmem>>, vector<16xf32>,
      %swap3A_559 = arith.index_cast %rem3A_405 : i32 to index
      %swap3A_560 = arith.constant 416 : index
      %swap3A_561 = tpu.vector_load %arg15[%swap3A_559, %swap3A_560] {strides = array<i32>} : memref<8x1032xf32, #tpu.memory_space<vmem>>, vector<16xf32>,
      tpu.vector_store %arg15[%swap3A_559, %swap3A_560], %scan3A_479#26 {strides = array<i32>} : memref<8x1032xf32, #tpu.memory_space<vmem>>, vector<16xf32>,
      %swap3A_562 = arith.index_cast %rem3A_405 : i32 to index
      %swap3A_563 = arith.constant 432 : index
      %swap3A_564 = tpu.vector_load %arg15[%swap3A_562, %swap3A_563] {strides = array<i32>} : memref<8x1032xf32, #tpu.memory_space<vmem>>, vector<16xf32>,
      tpu.vector_store %arg15[%swap3A_562, %swap3A_563], %scan3A_479#27 {strides = array<i32>} : memref<8x1032xf32, #tpu.memory_space<vmem>>, vector<16xf32>,
      %swap3A_565 = arith.index_cast %rem3A_405 : i32 to index
      %swap3A_566 = arith.constant 448 : index
      %swap3A_567 = tpu.vector_load %arg15[%swap3A_565, %swap3A_566] {strides = array<i32>} : memref<8x1032xf32, #tpu.memory_space<vmem>>, vector<16xf32>,
      tpu.vector_store %arg15[%swap3A_565, %swap3A_566], %scan3A_479#28 {strides = array<i32>} : memref<8x1032xf32, #tpu.memory_space<vmem>>, vector<16xf32>,
      %swap3A_568 = arith.index_cast %rem3A_405 : i32 to index
      %swap3A_569 = arith.constant 464 : index
      %swap3A_570 = tpu.vector_load %arg15[%swap3A_568, %swap3A_569] {strides = array<i32>} : memref<8x1032xf32, #tpu.memory_space<vmem>>, vector<16xf32>,
      tpu.vector_store %arg15[%swap3A_568, %swap3A_569], %scan3A_479#29 {strides = array<i32>} : memref<8x1032xf32, #tpu.memory_space<vmem>>, vector<16xf32>,
      %swap3A_571 = arith.index_cast %rem3A_405 : i32 to index
      %swap3A_572 = arith.constant 480 : index
      %swap3A_573 = tpu.vector_load %arg15[%swap3A_571, %swap3A_572] {strides = array<i32>} : memref<8x1032xf32, #tpu.memory_space<vmem>>, vector<16xf32>,
      tpu.vector_store %arg15[%swap3A_571, %swap3A_572], %scan3A_479#30 {strides = array<i32>} : memref<8x1032xf32, #tpu.memory_space<vmem>>, vector<16xf32>,
      %swap3A_574 = arith.index_cast %rem3A_405 : i32 to index
      %swap3A_575 = arith.constant 496 : index
      %swap3A_576 = tpu.vector_load %arg15[%swap3A_574, %swap3A_575] {strides = array<i32>} : memref<8x1032xf32, #tpu.memory_space<vmem>>, vector<16xf32>,
      tpu.vector_store %arg15[%swap3A_574, %swap3A_575], %scan3A_479#31 {strides = array<i32>} : memref<8x1032xf32, #tpu.memory_space<vmem>>, vector<16xf32>,
      %swap3A_577 = arith.index_cast %rem3A_405 : i32 to index
      %swap3A_578 = arith.constant 512 : index
      %swap3A_579 = tpu.vector_load %arg15[%swap3A_577, %swap3A_578] {strides = array<i32>} : memref<8x1032xf32, #tpu.memory_space<vmem>>, vector<16xf32>,
      tpu.vector_store %arg15[%swap3A_577, %swap3A_578], %scan3A_479#32 {strides = array<i32>} : memref<8x1032xf32, #tpu.memory_space<vmem>>, vector<16xf32>,
      %get3A_580 = arith.constant 528 : index
      %get3A_581 = tpu.vector_load %arg14[%get3A_580] {strides = array<i32>} : memref<1032xf32, #tpu.memory_space<vmem>>, vector<16xf32>,
      %get3A_582 = arith.constant 544 : index
      %get3A_583 = tpu.vector_load %arg14[%get3A_582] {strides = array<i32>} : memref<1032xf32, #tpu.memory_space<vmem>>, vector<16xf32>,
      %get3A_584 = arith.constant 560 : index
      %get3A_585 = tpu.vector_load %arg14[%get3A_584] {strides = array<i32>} : memref<1032xf32, #tpu.memory_space<vmem>>, vector<16xf32>,
      %get3A_586 = arith.constant 576 : index
      %get3A_587 = tpu.vector_load %arg14[%get3A_586] {strides = array<i32>} : memref<1032xf32, #tpu.memory_space<vmem>>, vector<16xf32>,
      %get3A_588 = arith.constant 592 : index
      %get3A_589 = tpu.vector_load %arg14[%get3A_588] {strides = array<i32>} : memref<1032xf32, #tpu.memory_space<vmem>>, vector<16xf32>,
      %get3A_590 = arith.constant 608 : index
      %get3A_591 = tpu.vector_load %arg14[%get3A_590] {strides = array<i32>} : memref<1032xf32, #tpu.memory_space<vmem>>, vector<16xf32>,
      %get3A_592 = arith.constant 624 : index
      %get3A_593 = tpu.vector_load %arg14[%get3A_592] {strides = array<i32>} : memref<1032xf32, #tpu.memory_space<vmem>>, vector<16xf32>,
      %get3A_594 = arith.constant 640 : index
      %get3A_595 = tpu.vector_load %arg14[%get3A_594] {strides = array<i32>} : memref<1032xf32, #tpu.memory_space<vmem>>, vector<16xf32>,
      %get3A_596 = arith.constant 656 : index
      %get3A_597 = tpu.vector_load %arg14[%get3A_596] {strides = array<i32>} : memref<1032xf32, #tpu.memory_space<vmem>>, vector<16xf32>,
      %get3A_598 = arith.constant 672 : index
      %get3A_599 = tpu.vector_load %arg14[%get3A_598] {strides = array<i32>} : memref<1032xf32, #tpu.memory_space<vmem>>, vector<16xf32>,
      %get3A_600 = arith.constant 688 : index
      %get3A_601 = tpu.vector_load %arg14[%get3A_600] {strides = array<i32>} : memref<1032xf32, #tpu.memory_space<vmem>>, vector<16xf32>,
      %get3A_602 = arith.constant 704 : index
      %get3A_603 = tpu.vector_load %arg14[%get3A_602] {strides = array<i32>} : memref<1032xf32, #tpu.memory_space<vmem>>, vector<16xf32>,
      %get3A_604 = arith.constant 720 : index
      %get3A_605 = tpu.vector_load %arg14[%get3A_604] {strides = array<i32>} : memref<1032xf32, #tpu.memory_space<vmem>>, vector<16xf32>,
      %get3A_606 = arith.constant 736 : index
      %get3A_607 = tpu.vector_load %arg14[%get3A_606] {strides = array<i32>} : memref<1032xf32, #tpu.memory_space<vmem>>, vector<16xf32>,
      %get3A_608 = arith.constant 752 : index
      %get3A_609 = tpu.vector_load %arg14[%get3A_608] {strides = array<i32>} : memref<1032xf32, #tpu.memory_space<vmem>>, vector<16xf32>,
      %get3A_610 = arith.constant 768 : index
      %get3A_611 = tpu.vector_load %arg14[%get3A_610] {strides = array<i32>} : memref<1032xf32, #tpu.memory_space<vmem>>, vector<16xf32>,
      %get3A_612 = arith.constant 784 : index
      %get3A_613 = tpu.vector_load %arg14[%get3A_612] {strides = array<i32>} : memref<1032xf32, #tpu.memory_space<vmem>>, vector<16xf32>,
      %get3A_614 = arith.constant 800 : index
      %get3A_615 = tpu.vector_load %arg14[%get3A_614] {strides = array<i32>} : memref<1032xf32, #tpu.memory_space<vmem>>, vector<16xf32>,
      %get3A_616 = arith.constant 816 : index
      %get3A_617 = tpu.vector_load %arg14[%get3A_616] {strides = array<i32>} : memref<1032xf32, #tpu.memory_space<vmem>>, vector<16xf32>,
      %get3A_618 = arith.constant 832 : index
      %get3A_619 = tpu.vector_load %arg14[%get3A_618] {strides = array<i32>} : memref<1032xf32, #tpu.memory_space<vmem>>, vector<16xf32>,
      %get3A_620 = arith.constant 848 : index
      %get3A_621 = tpu.vector_load %arg14[%get3A_620] {strides = array<i32>} : memref<1032xf32, #tpu.memory_space<vmem>>, vector<16xf32>,
      %get3A_622 = arith.constant 864 : index
      %get3A_623 = tpu.vector_load %arg14[%get3A_622] {strides = array<i32>} : memref<1032xf32, #tpu.memory_space<vmem>>, vector<16xf32>,
      %get3A_624 = arith.constant 880 : index
      %get3A_625 = tpu.vector_load %arg14[%get3A_624] {strides = array<i32>} : memref<1032xf32, #tpu.memory_space<vmem>>, vector<16xf32>,
      %get3A_626 = arith.constant 896 : index
      %get3A_627 = tpu.vector_load %arg14[%get3A_626] {strides = array<i32>} : memref<1032xf32, #tpu.memory_space<vmem>>, vector<16xf32>,
      %get3A_628 = arith.constant 912 : index
      %get3A_629 = tpu.vector_load %arg14[%get3A_628] {strides = array<i32>} : memref<1032xf32, #tpu.memory_space<vmem>>, vector<16xf32>,
      %get3A_630 = arith.constant 928 : index
      %get3A_631 = tpu.vector_load %arg14[%get3A_630] {strides = array<i32>} : memref<1032xf32, #tpu.memory_space<vmem>>, vector<16xf32>,
      %get3A_632 = arith.constant 944 : index
      %get3A_633 = tpu.vector_load %arg14[%get3A_632] {strides = array<i32>} : memref<1032xf32, #tpu.memory_space<vmem>>, vector<16xf32>,
      %get3A_634 = arith.constant 960 : index
      %get3A_635 = tpu.vector_load %arg14[%get3A_634] {strides = array<i32>} : memref<1032xf32, #tpu.memory_space<vmem>>, vector<16xf32>,
      %get3A_636 = arith.constant 976 : index
      %get3A_637 = tpu.vector_load %arg14[%get3A_636] {strides = array<i32>} : memref<1032xf32, #tpu.memory_space<vmem>>, vector<16xf32>,
      %get3A_638 = arith.constant 992 : index
      %get3A_639 = tpu.vector_load %arg14[%get3A_638] {strides = array<i32>} : memref<1032xf32, #tpu.memory_space<vmem>>, vector<16xf32>,
      %get3A_640 = arith.constant 1008 : index
      %get3A_641 = tpu.vector_load %arg14[%get3A_640] {strides = array<i32>} : memref<1032xf32, #tpu.memory_space<vmem>>, vector<16xf32>,
      %get3A_642 = arith.constant 1016 : index
      %get3A_643 = tpu.vector_load %arg14[%get3A_642] {strides = array<i32>} : memref<1032xf32, #tpu.memory_space<vmem>>, vector<16xf32>,
      %scan3A_644 = arith.constant 0 : i32
      %scan3A_645 = arith.constant 50 : i32
      %scan3A_646 = arith.addi %scan3A_644, %scan3A_645 : i32
      %scan3A_647 = arith.constant 1 : i32
      %scan3A_648:32 = scf.for %scan3A_752 = %scan3A_644 to %scan3A_646 step %scan3A_647 iter_args(%scan3A_753 = %get3A_581, %scan3A_754 = %get3A_583, %scan3A_755 = %get3A_585, %scan3A_756 = %get3A_587, %scan3A_757 = %get3A_589, %scan3A_758 = %get3A_591, %scan3A_759 = %get3A_593, %scan3A_760 = %get3A_595, %scan3A_761 = %get3A_597, %scan3A_762 = %get3A_599, %scan3A_763 = %get3A_601, %scan3A_764 = %get3A_603, %scan3A_765 = %get3A_605, %scan3A_766 = %get3A_607, %scan3A_767 = %get3A_609, %scan3A_768 = %get3A_611, %scan3A_769 = %get3A_613, %scan3A_770 = %get3A_615, %scan3A_771 = %get3A_617, %scan3A_772 = %get3A_619, %scan3A_773 = %get3A_621, %scan3A_774 = %get3A_623, %scan3A_775 = %get3A_625, %scan3A_776 = %get3A_627, %scan3A_777 = %get3A_629, %scan3A_778 = %get3A_631, %scan3A_779 = %get3A_633, %scan3A_780 = %get3A_635, %scan3A_781 = %get3A_637, %scan3A_782 = %get3A_639, %scan3A_783 = %get3A_641, %scan3A_784 = %get3A_643) -> (vector<16xf32>, vector<16xf32>, vector<16xf32>, vector<16xf32>, vector<16xf32>, vector<16xf32>, vector<16xf32>, vector<16xf32>, vector<16xf32>, vector<16xf32>, vector<16xf32>, vector<16xf32>, vector<16xf32>, vector<16xf32>, vector<16xf32>, vector<16xf32>, vector<16xf32>, vector<16xf32>, vector<16xf32>, vector<16xf32>, vector<16xf32>, vector<16xf32>, vector<16xf32>, vector<16xf32>, vector<16xf32>, vector<16xf32>, vector<16xf32>, vector<16xf32>, vector<16xf32>, vector<16xf32>, vector<16xf32>, vector<16xf32>)  : i32 {
        %add3A_785 = vector.broadcast %scan3A_752 : i32 to vector<16xi32>
        %add3A_786 = arith.addi %broadcast_in_dim3A_408, %add3A_785 : vector<16xi32>
        %gather3A = tpu.vector_load_idx %arg11[%add3A_786] : memref<1792xf32, #tpu.memory_space<vmem>>[vector<16xi32>], vector<16xf32>,
        %get3A_787 = arith.index_cast %scan3A_752 : i32 to index
        %get3A_788 = arith.constant 528 : index
        %get3A_789 = tpu.vector_load %arg13[%get3A_787, %get3A_788] {strides = array<i32>} : memref<56x1032xf32, #tpu.memory_space<vmem>>, vector<16xf32>,
        %mul3A_790 = arith.mulf %gather3A, %get3A_789 : vector<16xf32>
        %add3A_791 = arith.addf %scan3A_753, %mul3A_790 : vector<16xf32>
        %get3A_792 = arith.index_cast %scan3A_752 : i32 to index
        %get3A_793 = arith.constant 544 : index
        %get3A_794 = tpu.vector_load %arg13[%get3A_792, %get3A_793] {strides = array<i32>} : memref<56x1032xf32, #tpu.memory_space<vmem>>, vector<16xf32>,
        %mul3A_795 = arith.mulf %gather3A, %get3A_794 : vector<16xf32>
        %add3A_796 = arith.addf %scan3A_754, %mul3A_795 : vector<16xf32>
        %get3A_797 = arith.index_cast %scan3A_752 : i32 to index
        %get3A_798 = arith.constant 560 : index
        %get3A_799 = tpu.vector_load %arg13[%get3A_797, %get3A_798] {strides = array<i32>} : memref<56x1032xf32, #tpu.memory_space<vmem>>, vector<16xf32>,
        %mul3A_800 = arith.mulf %gather3A, %get3A_799 : vector<16xf32>
        %add3A_801 = arith.addf %scan3A_755, %mul3A_800 : vector<16xf32>
        %get3A_802 = arith.index_cast %scan3A_752 : i32 to index
        %get3A_803 = arith.constant 576 : index
        %get3A_804 = tpu.vector_load %arg13[%get3A_802, %get3A_803] {strides = array<i32>} : memref<56x1032xf32, #tpu.memory_space<vmem>>, vector<16xf32>,
        %mul3A_805 = arith.mulf %gather3A, %get3A_804 : vector<16xf32>
        %add3A_806 = arith.addf %scan3A_756, %mul3A_805 : vector<16xf32>
        %get3A_807 = arith.index_cast %scan3A_752 : i32 to index
        %get3A_808 = arith.constant 592 : index
        %get3A_809 = tpu.vector_load %arg13[%get3A_807, %get3A_808] {strides = array<i32>} : memref<56x1032xf32, #tpu.memory_space<vmem>>, vector<16xf32>,
        %mul3A_810 = arith.mulf %gather3A, %get3A_809 : vector<16xf32>
        %add3A_811 = arith.addf %scan3A_757, %mul3A_810 : vector<16xf32>
        %get3A_812 = arith.index_cast %scan3A_752 : i32 to index
        %get3A_813 = arith.constant 608 : index
        %get3A_814 = tpu.vector_load %arg13[%get3A_812, %get3A_813] {strides = array<i32>} : memref<56x1032xf32, #tpu.memory_space<vmem>>, vector<16xf32>,
        %mul3A_815 = arith.mulf %gather3A, %get3A_814 : vector<16xf32>
        %add3A_816 = arith.addf %scan3A_758, %mul3A_815 : vector<16xf32>
        %get3A_817 = arith.index_cast %scan3A_752 : i32 to index
        %get3A_818 = arith.constant 624 : index
        %get3A_819 = tpu.vector_load %arg13[%get3A_817, %get3A_818] {strides = array<i32>} : memref<56x1032xf32, #tpu.memory_space<vmem>>, vector<16xf32>,
        %mul3A_820 = arith.mulf %gather3A, %get3A_819 : vector<16xf32>
        %add3A_821 = arith.addf %scan3A_759, %mul3A_820 : vector<16xf32>
        %get3A_822 = arith.index_cast %scan3A_752 : i32 to index
        %get3A_823 = arith.constant 640 : index
        %get3A_824 = tpu.vector_load %arg13[%get3A_822, %get3A_823] {strides = array<i32>} : memref<56x1032xf32, #tpu.memory_space<vmem>>, vector<16xf32>,
        %mul3A_825 = arith.mulf %gather3A, %get3A_824 : vector<16xf32>
        %add3A_826 = arith.addf %scan3A_760, %mul3A_825 : vector<16xf32>
        %get3A_827 = arith.index_cast %scan3A_752 : i32 to index
        %get3A_828 = arith.constant 656 : index
        %get3A_829 = tpu.vector_load %arg13[%get3A_827, %get3A_828] {strides = array<i32>} : memref<56x1032xf32, #tpu.memory_space<vmem>>, vector<16xf32>,
        %mul3A_830 = arith.mulf %gather3A, %get3A_829 : vector<16xf32>
        %add3A_831 = arith.addf %scan3A_761, %mul3A_830 : vector<16xf32>
        %get3A_832 = arith.index_cast %scan3A_752 : i32 to index
        %get3A_833 = arith.constant 672 : index
        %get3A_834 = tpu.vector_load %arg13[%get3A_832, %get3A_833] {strides = array<i32>} : memref<56x1032xf32, #tpu.memory_space<vmem>>, vector<16xf32>,
        %mul3A_835 = arith.mulf %gather3A, %get3A_834 : vector<16xf32>
        %add3A_836 = arith.addf %scan3A_762, %mul3A_835 : vector<16xf32>
        %get3A_837 = arith.index_cast %scan3A_752 : i32 to index
        %get3A_838 = arith.constant 688 : index
        %get3A_839 = tpu.vector_load %arg13[%get3A_837, %get3A_838] {strides = array<i32>} : memref<56x1032xf32, #tpu.memory_space<vmem>>, vector<16xf32>,
        %mul3A_840 = arith.mulf %gather3A, %get3A_839 : vector<16xf32>
        %add3A_841 = arith.addf %scan3A_763, %mul3A_840 : vector<16xf32>
        %get3A_842 = arith.index_cast %scan3A_752 : i32 to index
        %get3A_843 = arith.constant 704 : index
        %get3A_844 = tpu.vector_load %arg13[%get3A_842, %get3A_843] {strides = array<i32>} : memref<56x1032xf32, #tpu.memory_space<vmem>>, vector<16xf32>,
        %mul3A_845 = arith.mulf %gather3A, %get3A_844 : vector<16xf32>
        %add3A_846 = arith.addf %scan3A_764, %mul3A_845 : vector<16xf32>
        %get3A_847 = arith.index_cast %scan3A_752 : i32 to index
        %get3A_848 = arith.constant 720 : index
        %get3A_849 = tpu.vector_load %arg13[%get3A_847, %get3A_848] {strides = array<i32>} : memref<56x1032xf32, #tpu.memory_space<vmem>>, vector<16xf32>,
        %mul3A_850 = arith.mulf %gather3A, %get3A_849 : vector<16xf32>
        %add3A_851 = arith.addf %scan3A_765, %mul3A_850 : vector<16xf32>
        %get3A_852 = arith.index_cast %scan3A_752 : i32 to index
        %get3A_853 = arith.constant 736 : index
        %get3A_854 = tpu.vector_load %arg13[%get3A_852, %get3A_853] {strides = array<i32>} : memref<56x1032xf32, #tpu.memory_space<vmem>>, vector<16xf32>,
        %mul3A_855 = arith.mulf %gather3A, %get3A_854 : vector<16xf32>
        %add3A_856 = arith.addf %scan3A_766, %mul3A_855 : vector<16xf32>
        %get3A_857 = arith.index_cast %scan3A_752 : i32 to index
        %get3A_858 = arith.constant 752 : index
        %get3A_859 = tpu.vector_load %arg13[%get3A_857, %get3A_858] {strides = array<i32>} : memref<56x1032xf32, #tpu.memory_space<vmem>>, vector<16xf32>,
        %mul3A_860 = arith.mulf %gather3A, %get3A_859 : vector<16xf32>
        %add3A_861 = arith.addf %scan3A_767, %mul3A_860 : vector<16xf32>
        %get3A_862 = arith.index_cast %scan3A_752 : i32 to index
        %get3A_863 = arith.constant 768 : index
        %get3A_864 = tpu.vector_load %arg13[%get3A_862, %get3A_863] {strides = array<i32>} : memref<56x1032xf32, #tpu.memory_space<vmem>>, vector<16xf32>,
        %mul3A_865 = arith.mulf %gather3A, %get3A_864 : vector<16xf32>
        %add3A_866 = arith.addf %scan3A_768, %mul3A_865 : vector<16xf32>
        %get3A_867 = arith.index_cast %scan3A_752 : i32 to index
        %get3A_868 = arith.constant 784 : index
        %get3A_869 = tpu.vector_load %arg13[%get3A_867, %get3A_868] {strides = array<i32>} : memref<56x1032xf32, #tpu.memory_space<vmem>>, vector<16xf32>,
        %mul3A_870 = arith.mulf %gather3A, %get3A_869 : vector<16xf32>
        %add3A_871 = arith.addf %scan3A_769, %mul3A_870 : vector<16xf32>
        %get3A_872 = arith.index_cast %scan3A_752 : i32 to index
        %get3A_873 = arith.constant 800 : index
        %get3A_874 = tpu.vector_load %arg13[%get3A_872, %get3A_873] {strides = array<i32>} : memref<56x1032xf32, #tpu.memory_space<vmem>>, vector<16xf32>,
        %mul3A_875 = arith.mulf %gather3A, %get3A_874 : vector<16xf32>
        %add3A_876 = arith.addf %scan3A_770, %mul3A_875 : vector<16xf32>
        %get3A_877 = arith.index_cast %scan3A_752 : i32 to index
        %get3A_878 = arith.constant 816 : index
        %get3A_879 = tpu.vector_load %arg13[%get3A_877, %get3A_878] {strides = array<i32>} : memref<56x1032xf32, #tpu.memory_space<vmem>>, vector<16xf32>,
        %mul3A_880 = arith.mulf %gather3A, %get3A_879 : vector<16xf32>
        %add3A_881 = arith.addf %scan3A_771, %mul3A_880 : vector<16xf32>
        %get3A_882 = arith.index_cast %scan3A_752 : i32 to index
        %get3A_883 = arith.constant 832 : index
        %get3A_884 = tpu.vector_load %arg13[%get3A_882, %get3A_883] {strides = array<i32>} : memref<56x1032xf32, #tpu.memory_space<vmem>>, vector<16xf32>,
        %mul3A_885 = arith.mulf %gather3A, %get3A_884 : vector<16xf32>
        %add3A_886 = arith.addf %scan3A_772, %mul3A_885 : vector<16xf32>
        %get3A_887 = arith.index_cast %scan3A_752 : i32 to index
        %get3A_888 = arith.constant 848 : index
        %get3A_889 = tpu.vector_load %arg13[%get3A_887, %get3A_888] {strides = array<i32>} : memref<56x1032xf32, #tpu.memory_space<vmem>>, vector<16xf32>,
        %mul3A_890 = arith.mulf %gather3A, %get3A_889 : vector<16xf32>
        %add3A_891 = arith.addf %scan3A_773, %mul3A_890 : vector<16xf32>
        %get3A_892 = arith.index_cast %scan3A_752 : i32 to index
        %get3A_893 = arith.constant 864 : index
        %get3A_894 = tpu.vector_load %arg13[%get3A_892, %get3A_893] {strides = array<i32>} : memref<56x1032xf32, #tpu.memory_space<vmem>>, vector<16xf32>,
        %mul3A_895 = arith.mulf %gather3A, %get3A_894 : vector<16xf32>
        %add3A_896 = arith.addf %scan3A_774, %mul3A_895 : vector<16xf32>
        %get3A_897 = arith.index_cast %scan3A_752 : i32 to index
        %get3A_898 = arith.constant 880 : index
        %get3A_899 = tpu.vector_load %arg13[%get3A_897, %get3A_898] {strides = array<i32>} : memref<56x1032xf32, #tpu.memory_space<vmem>>, vector<16xf32>,
        %mul3A_900 = arith.mulf %gather3A, %get3A_899 : vector<16xf32>
        %add3A_901 = arith.addf %scan3A_775, %mul3A_900 : vector<16xf32>
        %get3A_902 = arith.index_cast %scan3A_752 : i32 to index
        %get3A_903 = arith.constant 896 : index
        %get3A_904 = tpu.vector_load %arg13[%get3A_902, %get3A_903] {strides = array<i32>} : memref<56x1032xf32, #tpu.memory_space<vmem>>, vector<16xf32>,
        %mul3A_905 = arith.mulf %gather3A, %get3A_904 : vector<16xf32>
        %add3A_906 = arith.addf %scan3A_776, %mul3A_905 : vector<16xf32>
        %get3A_907 = arith.index_cast %scan3A_752 : i32 to index
        %get3A_908 = arith.constant 912 : index
        %get3A_909 = tpu.vector_load %arg13[%get3A_907, %get3A_908] {strides = array<i32>} : memref<56x1032xf32, #tpu.memory_space<vmem>>, vector<16xf32>,
        %mul3A_910 = arith.mulf %gather3A, %get3A_909 : vector<16xf32>
        %add3A_911 = arith.addf %scan3A_777, %mul3A_910 : vector<16xf32>
        %get3A_912 = arith.index_cast %scan3A_752 : i32 to index
        %get3A_913 = arith.constant 928 : index
        %get3A_914 = tpu.vector_load %arg13[%get3A_912, %get3A_913] {strides = array<i32>} : memref<56x1032xf32, #tpu.memory_space<vmem>>, vector<16xf32>,
        %mul3A_915 = arith.mulf %gather3A, %get3A_914 : vector<16xf32>
        %add3A_916 = arith.addf %scan3A_778, %mul3A_915 : vector<16xf32>
        %get3A_917 = arith.index_cast %scan3A_752 : i32 to index
        %get3A_918 = arith.constant 944 : index
        %get3A_919 = tpu.vector_load %arg13[%get3A_917, %get3A_918] {strides = array<i32>} : memref<56x1032xf32, #tpu.memory_space<vmem>>, vector<16xf32>,
        %mul3A_920 = arith.mulf %gather3A, %get3A_919 : vector<16xf32>
        %add3A_921 = arith.addf %scan3A_779, %mul3A_920 : vector<16xf32>
        %get3A_922 = arith.index_cast %scan3A_752 : i32 to index
        %get3A_923 = arith.constant 960 : index
        %get3A_924 = tpu.vector_load %arg13[%get3A_922, %get3A_923] {strides = array<i32>} : memref<56x1032xf32, #tpu.memory_space<vmem>>, vector<16xf32>,
        %mul3A_925 = arith.mulf %gather3A, %get3A_924 : vector<16xf32>
        %add3A_926 = arith.addf %scan3A_780, %mul3A_925 : vector<16xf32>
        %get3A_927 = arith.index_cast %scan3A_752 : i32 to index
        %get3A_928 = arith.constant 976 : index
        %get3A_929 = tpu.vector_load %arg13[%get3A_927, %get3A_928] {strides = array<i32>} : memref<56x1032xf32, #tpu.memory_space<vmem>>, vector<16xf32>,
        %mul3A_930 = arith.mulf %gather3A, %get3A_929 : vector<16xf32>
        %add3A_931 = arith.addf %scan3A_781, %mul3A_930 : vector<16xf32>
        %get3A_932 = arith.index_cast %scan3A_752 : i32 to index
        %get3A_933 = arith.constant 992 : index
        %get3A_934 = tpu.vector_load %arg13[%get3A_932, %get3A_933] {strides = array<i32>} : memref<56x1032xf32, #tpu.memory_space<vmem>>, vector<16xf32>,
        %mul3A_935 = arith.mulf %gather3A, %get3A_934 : vector<16xf32>
        %add3A_936 = arith.addf %scan3A_782, %mul3A_935 : vector<16xf32>
        %get3A_937 = arith.index_cast %scan3A_752 : i32 to index
        %get3A_938 = arith.constant 1008 : index
        %get3A_939 = tpu.vector_load %arg13[%get3A_937, %get3A_938] {strides = array<i32>} : memref<56x1032xf32, #tpu.memory_space<vmem>>, vector<16xf32>,
        %mul3A_940 = arith.mulf %gather3A, %get3A_939 : vector<16xf32>
        %add3A_941 = arith.addf %scan3A_783, %mul3A_940 : vector<16xf32>
        %get3A_942 = arith.index_cast %scan3A_752 : i32 to index
        %get3A_943 = arith.constant 1016 : index
        %get3A_944 = tpu.vector_load %arg13[%get3A_942, %get3A_943] {strides = array<i32>} : memref<56x1032xf32, #tpu.memory_space<vmem>>, vector<16xf32>,
        %mul3A_945 = arith.mulf %gather3A, %get3A_944 : vector<16xf32>
        %add3A_946 = arith.addf %scan3A_784, %mul3A_945 : vector<16xf32>
        scf.yield %add3A_791, %add3A_796, %add3A_801, %add3A_806, %add3A_811, %add3A_816, %add3A_821, %add3A_826, %add3A_831, %add3A_836, %add3A_841, %add3A_846, %add3A_851, %add3A_856, %add3A_861, %add3A_866, %add3A_871, %add3A_876, %add3A_881, %add3A_886, %add3A_891, %add3A_896, %add3A_901, %add3A_906, %add3A_911, %add3A_916, %add3A_921, %add3A_926, %add3A_931, %add3A_936, %add3A_941, %add3A_946 : vector<16xf32>, vector<16xf32>, vector<16xf32>, vector<16xf32>, vector<16xf32>, vector<16xf32>, vector<16xf32>, vector<16xf32>, vector<16xf32>, vector<16xf32>, vector<16xf32>, vector<16xf32>, vector<16xf32>, vector<16xf32>, vector<16xf32>, vector<16xf32>, vector<16xf32>, vector<16xf32>, vector<16xf32>, vector<16xf32>, vector<16xf32>, vector<16xf32>, vector<16xf32>, vector<16xf32>, vector<16xf32>, vector<16xf32>, vector<16xf32>, vector<16xf32>, vector<16xf32>, vector<16xf32>, vector<16xf32>, vector<16xf32>
      }
      %scan3A_649 = arith.constant 50 : i32
      %swap3A_650 = arith.index_cast %rem3A_405 : i32 to index
      %swap3A_651 = arith.constant 528 : index
      %swap3A_652 = tpu.vector_load %arg15[%swap3A_650, %swap3A_651] {strides = array<i32>} : memref<8x1032xf32, #tpu.memory_space<vmem>>, vector<16xf32>,
      tpu.vector_store %arg15[%swap3A_650, %swap3A_651], %scan3A_648#0 {strides = array<i32>} : memref<8x1032xf32, #tpu.memory_space<vmem>>, vector<16xf32>,
      %swap3A_653 = arith.index_cast %rem3A_405 : i32 to index
      %swap3A_654 = arith.constant 544 : index
      %swap3A_655 = tpu.vector_load %arg15[%swap3A_653, %swap3A_654] {strides = array<i32>} : memref<8x1032xf32, #tpu.memory_space<vmem>>, vector<16xf32>,
      tpu.vector_store %arg15[%swap3A_653, %swap3A_654], %scan3A_648#1 {strides = array<i32>} : memref<8x1032xf32, #tpu.memory_space<vmem>>, vector<16xf32>,
      %swap3A_656 = arith.index_cast %rem3A_405 : i32 to index
      %swap3A_657 = arith.constant 560 : index
      %swap3A_658 = tpu.vector_load %arg15[%swap3A_656, %swap3A_657] {strides = array<i32>} : memref<8x1032xf32, #tpu.memory_space<vmem>>, vector<16xf32>,
      tpu.vector_store %arg15[%swap3A_656, %swap3A_657], %scan3A_648#2 {strides = array<i32>} : memref<8x1032xf32, #tpu.memory_space<vmem>>, vector<16xf32>,
      %swap3A_659 = arith.index_cast %rem3A_405 : i32 to index
      %swap3A_660 = arith.constant 576 : index
      %swap3A_661 = tpu.vector_load %arg15[%swap3A_659, %swap3A_660] {strides = array<i32>} : memref<8x1032xf32, #tpu.memory_space<vmem>>, vector<16xf32>,
      tpu.vector_store %arg15[%swap3A_659, %swap3A_660], %scan3A_648#3 {strides = array<i32>} : memref<8x1032xf32, #tpu.memory_space<vmem>>, vector<16xf32>,
      %swap3A_662 = arith.index_cast %rem3A_405 : i32 to index
      %swap3A_663 = arith.constant 592 : index
      %swap3A_664 = tpu.vector_load %arg15[%swap3A_662, %swap3A_663] {strides = array<i32>} : memref<8x1032xf32, #tpu.memory_space<vmem>>, vector<16xf32>,
      tpu.vector_store %arg15[%swap3A_662, %swap3A_663], %scan3A_648#4 {strides = array<i32>} : memref<8x1032xf32, #tpu.memory_space<vmem>>, vector<16xf32>,
      %swap3A_665 = arith.index_cast %rem3A_405 : i32 to index
      %swap3A_666 = arith.constant 608 : index
      %swap3A_667 = tpu.vector_load %arg15[%swap3A_665, %swap3A_666] {strides = array<i32>} : memref<8x1032xf32, #tpu.memory_space<vmem>>, vector<16xf32>,
      tpu.vector_store %arg15[%swap3A_665, %swap3A_666], %scan3A_648#5 {strides = array<i32>} : memref<8x1032xf32, #tpu.memory_space<vmem>>, vector<16xf32>,
      %swap3A_668 = arith.index_cast %rem3A_405 : i32 to index
      %swap3A_669 = arith.constant 624 : index
      %swap3A_670 = tpu.vector_load %arg15[%swap3A_668, %swap3A_669] {strides = array<i32>} : memref<8x1032xf32, #tpu.memory_space<vmem>>, vector<16xf32>,
      tpu.vector_store %arg15[%swap3A_668, %swap3A_669], %scan3A_648#6 {strides = array<i32>} : memref<8x1032xf32, #tpu.memory_space<vmem>>, vector<16xf32>,
      %swap3A_671 = arith.index_cast %rem3A_405 : i32 to index
      %swap3A_672 = arith.constant 640 : index
      %swap3A_673 = tpu.vector_load %arg15[%swap3A_671, %swap3A_672] {strides = array<i32>} : memref<8x1032xf32, #tpu.memory_space<vmem>>, vector<16xf32>,
      tpu.vector_store %arg15[%swap3A_671, %swap3A_672], %scan3A_648#7 {strides = array<i32>} : memref<8x1032xf32, #tpu.memory_space<vmem>>, vector<16xf32>,
      %swap3A_674 = arith.index_cast %rem3A_405 : i32 to index
      %swap3A_675 = arith.constant 656 : index
      %swap3A_676 = tpu.vector_load %arg15[%swap3A_674, %swap3A_675] {strides = array<i32>} : memref<8x1032xf32, #tpu.memory_space<vmem>>, vector<16xf32>,
      tpu.vector_store %arg15[%swap3A_674, %swap3A_675], %scan3A_648#8 {strides = array<i32>} : memref<8x1032xf32, #tpu.memory_space<vmem>>, vector<16xf32>,
      %swap3A_677 = arith.index_cast %rem3A_405 : i32 to index
      %swap3A_678 = arith.constant 672 : index
      %swap3A_679 = tpu.vector_load %arg15[%swap3A_677, %swap3A_678] {strides = array<i32>} : memref<8x1032xf32, #tpu.memory_space<vmem>>, vector<16xf32>,
      tpu.vector_store %arg15[%swap3A_677, %swap3A_678], %scan3A_648#9 {strides = array<i32>} : memref<8x1032xf32, #tpu.memory_space<vmem>>, vector<16xf32>,
      %swap3A_680 = arith.index_cast %rem3A_405 : i32 to index
      %swap3A_681 = arith.constant 688 : index
      %swap3A_682 = tpu.vector_load %arg15[%swap3A_680, %swap3A_681] {strides = array<i32>} : memref<8x1032xf32, #tpu.memory_space<vmem>>, vector<16xf32>,
      tpu.vector_store %arg15[%swap3A_680, %swap3A_681], %scan3A_648#10 {strides = array<i32>} : memref<8x1032xf32, #tpu.memory_space<vmem>>, vector<16xf32>,
      %swap3A_683 = arith.index_cast %rem3A_405 : i32 to index
      %swap3A_684 = arith.constant 704 : index
      %swap3A_685 = tpu.vector_load %arg15[%swap3A_683, %swap3A_684] {strides = array<i32>} : memref<8x1032xf32, #tpu.memory_space<vmem>>, vector<16xf32>,
      tpu.vector_store %arg15[%swap3A_683, %swap3A_684], %scan3A_648#11 {strides = array<i32>} : memref<8x1032xf32, #tpu.memory_space<vmem>>, vector<16xf32>,
      %swap3A_686 = arith.index_cast %rem3A_405 : i32 to index
      %swap3A_687 = arith.constant 720 : index
      %swap3A_688 = tpu.vector_load %arg15[%swap3A_686, %swap3A_687] {strides = array<i32>} : memref<8x1032xf32, #tpu.memory_space<vmem>>, vector<16xf32>,
      tpu.vector_store %arg15[%swap3A_686, %swap3A_687], %scan3A_648#12 {strides = array<i32>} : memref<8x1032xf32, #tpu.memory_space<vmem>>, vector<16xf32>,
      %swap3A_689 = arith.index_cast %rem3A_405 : i32 to index
      %swap3A_690 = arith.constant 736 : index
      %swap3A_691 = tpu.vector_load %arg15[%swap3A_689, %swap3A_690] {strides = array<i32>} : memref<8x1032xf32, #tpu.memory_space<vmem>>, vector<16xf32>,
      tpu.vector_store %arg15[%swap3A_689, %swap3A_690], %scan3A_648#13 {strides = array<i32>} : memref<8x1032xf32, #tpu.memory_space<vmem>>, vector<16xf32>,
      %swap3A_692 = arith.index_cast %rem3A_405 : i32 to index
      %swap3A_693 = arith.constant 752 : index
      %swap3A_694 = tpu.vector_load %arg15[%swap3A_692, %swap3A_693] {strides = array<i32>} : memref<8x1032xf32, #tpu.memory_space<vmem>>, vector<16xf32>,
      tpu.vector_store %arg15[%swap3A_692, %swap3A_693], %scan3A_648#14 {strides = array<i32>} : memref<8x1032xf32, #tpu.memory_space<vmem>>, vector<16xf32>,
      %swap3A_695 = arith.index_cast %rem3A_405 : i32 to index
      %swap3A_696 = arith.constant 768 : index
      %swap3A_697 = tpu.vector_load %arg15[%swap3A_695, %swap3A_696] {strides = array<i32>} : memref<8x1032xf32, #tpu.memory_space<vmem>>, vector<16xf32>,
      tpu.vector_store %arg15[%swap3A_695, %swap3A_696], %scan3A_648#15 {strides = array<i32>} : memref<8x1032xf32, #tpu.memory_space<vmem>>, vector<16xf32>,
      %swap3A_698 = arith.index_cast %rem3A_405 : i32 to index
      %swap3A_699 = arith.constant 784 : index
      %swap3A_700 = tpu.vector_load %arg15[%swap3A_698, %swap3A_699] {strides = array<i32>} : memref<8x1032xf32, #tpu.memory_space<vmem>>, vector<16xf32>,
      tpu.vector_store %arg15[%swap3A_698, %swap3A_699], %scan3A_648#16 {strides = array<i32>} : memref<8x1032xf32, #tpu.memory_space<vmem>>, vector<16xf32>,
      %swap3A_701 = arith.index_cast %rem3A_405 : i32 to index
      %swap3A_702 = arith.constant 800 : index
      %swap3A_703 = tpu.vector_load %arg15[%swap3A_701, %swap3A_702] {strides = array<i32>} : memref<8x1032xf32, #tpu.memory_space<vmem>>, vector<16xf32>,
      tpu.vector_store %arg15[%swap3A_701, %swap3A_702], %scan3A_648#17 {strides = array<i32>} : memref<8x1032xf32, #tpu.memory_space<vmem>>, vector<16xf32>,
      %swap3A_704 = arith.index_cast %rem3A_405 : i32 to index
      %swap3A_705 = arith.constant 816 : index
      %swap3A_706 = tpu.vector_load %arg15[%swap3A_704, %swap3A_705] {strides = array<i32>} : memref<8x1032xf32, #tpu.memory_space<vmem>>, vector<16xf32>,
      tpu.vector_store %arg15[%swap3A_704, %swap3A_705], %scan3A_648#18 {strides = array<i32>} : memref<8x1032xf32, #tpu.memory_space<vmem>>, vector<16xf32>,
      %swap3A_707 = arith.index_cast %rem3A_405 : i32 to index
      %swap3A_708 = arith.constant 832 : index
      %swap3A_709 = tpu.vector_load %arg15[%swap3A_707, %swap3A_708] {strides = array<i32>} : memref<8x1032xf32, #tpu.memory_space<vmem>>, vector<16xf32>,
      tpu.vector_store %arg15[%swap3A_707, %swap3A_708], %scan3A_648#19 {strides = array<i32>} : memref<8x1032xf32, #tpu.memory_space<vmem>>, vector<16xf32>,
      %swap3A_710 = arith.index_cast %rem3A_405 : i32 to index
      %swap3A_711 = arith.constant 848 : index
      %swap3A_712 = tpu.vector_load %arg15[%swap3A_710, %swap3A_711] {strides = array<i32>} : memref<8x1032xf32, #tpu.memory_space<vmem>>, vector<16xf32>,
      tpu.vector_store %arg15[%swap3A_710, %swap3A_711], %scan3A_648#20 {strides = array<i32>} : memref<8x1032xf32, #tpu.memory_space<vmem>>, vector<16xf32>,
      %swap3A_713 = arith.index_cast %rem3A_405 : i32 to index
      %swap3A_714 = arith.constant 864 : index
      %swap3A_715 = tpu.vector_load %arg15[%swap3A_713, %swap3A_714] {strides = array<i32>} : memref<8x1032xf32, #tpu.memory_space<vmem>>, vector<16xf32>,
      tpu.vector_store %arg15[%swap3A_713, %swap3A_714], %scan3A_648#21 {strides = array<i32>} : memref<8x1032xf32, #tpu.memory_space<vmem>>, vector<16xf32>,
      %swap3A_716 = arith.index_cast %rem3A_405 : i32 to index
      %swap3A_717 = arith.constant 880 : index
      %swap3A_718 = tpu.vector_load %arg15[%swap3A_716, %swap3A_717] {strides = array<i32>} : memref<8x1032xf32, #tpu.memory_space<vmem>>, vector<16xf32>,
      tpu.vector_store %arg15[%swap3A_716, %swap3A_717], %scan3A_648#22 {strides = array<i32>} : memref<8x1032xf32, #tpu.memory_space<vmem>>, vector<16xf32>,
      %swap3A_719 = arith.index_cast %rem3A_405 : i32 to index
      %swap3A_720 = arith.constant 896 : index
      %swap3A_721 = tpu.vector_load %arg15[%swap3A_719, %swap3A_720] {strides = array<i32>} : memref<8x1032xf32, #tpu.memory_space<vmem>>, vector<16xf32>,
      tpu.vector_store %arg15[%swap3A_719, %swap3A_720], %scan3A_648#23 {strides = array<i32>} : memref<8x1032xf32, #tpu.memory_space<vmem>>, vector<16xf32>,
      %swap3A_722 = arith.index_cast %rem3A_405 : i32 to index
      %swap3A_723 = arith.constant 912 : index
      %swap3A_724 = tpu.vector_load %arg15[%swap3A_722, %swap3A_723] {strides = array<i32>} : memref<8x1032xf32, #tpu.memory_space<vmem>>, vector<16xf32>,
      tpu.vector_store %arg15[%swap3A_722, %swap3A_723], %scan3A_648#24 {strides = array<i32>} : memref<8x1032xf32, #tpu.memory_space<vmem>>, vector<16xf32>,
      %swap3A_725 = arith.index_cast %rem3A_405 : i32 to index
      %swap3A_726 = arith.constant 928 : index
      %swap3A_727 = tpu.vector_load %arg15[%swap3A_725, %swap3A_726] {strides = array<i32>} : memref<8x1032xf32, #tpu.memory_space<vmem>>, vector<16xf32>,
      tpu.vector_store %arg15[%swap3A_725, %swap3A_726], %scan3A_648#25 {strides = array<i32>} : memref<8x1032xf32, #tpu.memory_space<vmem>>, vector<16xf32>,
      %swap3A_728 = arith.index_cast %rem3A_405 : i32 to index
      %swap3A_729 = arith.constant 944 : index
      %swap3A_730 = tpu.vector_load %arg15[%swap3A_728, %swap3A_729] {strides = array<i32>} : memref<8x1032xf32, #tpu.memory_space<vmem>>, vector<16xf32>,
      tpu.vector_store %arg15[%swap3A_728, %swap3A_729], %scan3A_648#26 {strides = array<i32>} : memref<8x1032xf32, #tpu.memory_space<vmem>>, vector<16xf32>,
      %swap3A_731 = arith.index_cast %rem3A_405 : i32 to index
      %swap3A_732 = arith.constant 960 : index
      %swap3A_733 = tpu.vector_load %arg15[%swap3A_731, %swap3A_732] {strides = array<i32>} : memref<8x1032xf32, #tpu.memory_space<vmem>>, vector<16xf32>,
      tpu.vector_store %arg15[%swap3A_731, %swap3A_732], %scan3A_648#27 {strides = array<i32>} : memref<8x1032xf32, #tpu.memory_space<vmem>>, vector<16xf32>,
      %swap3A_734 = arith.index_cast %rem3A_405 : i32 to index
      %swap3A_735 = arith.constant 976 : index
      %swap3A_736 = tpu.vector_load %arg15[%swap3A_734, %swap3A_735] {strides = array<i32>} : memref<8x1032xf32, #tpu.memory_space<vmem>>, vector<16xf32>,
      tpu.vector_store %arg15[%swap3A_734, %swap3A_735], %scan3A_648#28 {strides = array<i32>} : memref<8x1032xf32, #tpu.memory_space<vmem>>, vector<16xf32>,
      %swap3A_737 = arith.index_cast %rem3A_405 : i32 to index
      %swap3A_738 = arith.constant 992 : index
      %swap3A_739 = tpu.vector_load %arg15[%swap3A_737, %swap3A_738] {strides = array<i32>} : memref<8x1032xf32, #tpu.memory_space<vmem>>, vector<16xf32>,
      tpu.vector_store %arg15[%swap3A_737, %swap3A_738], %scan3A_648#29 {strides = array<i32>} : memref<8x1032xf32, #tpu.memory_space<vmem>>, vector<16xf32>,
      %swap3A_740 = arith.index_cast %rem3A_405 : i32 to index
      %swap3A_741 = arith.constant 1008 : index
      %swap3A_742 = tpu.vector_load %arg15[%swap3A_740, %swap3A_741] {strides = array<i32>} : memref<8x1032xf32, #tpu.memory_space<vmem>>, vector<16xf32>,
      tpu.vector_store %arg15[%swap3A_740, %swap3A_741], %scan3A_648#30 {strides = array<i32>} : memref<8x1032xf32, #tpu.memory_space<vmem>>, vector<16xf32>,
      %swap3A_743 = arith.index_cast %rem3A_405 : i32 to index
      %swap3A_744 = arith.constant 1016 : index
      %swap3A_745 = tpu.vector_load %arg15[%swap3A_743, %swap3A_744] {strides = array<i32>} : memref<8x1032xf32, #tpu.memory_space<vmem>>, vector<16xf32>,
      tpu.vector_store %arg15[%swap3A_743, %swap3A_744], %scan3A_648#31 {strides = array<i32>} : memref<8x1032xf32, #tpu.memory_space<vmem>>, vector<16xf32>,
      %eq3A_746 = arith.constant 7 : i32
      %eq3A_747 = arith.cmpi eq, %rem3A_405, %eq3A_746 : i32
      %convert_element_type3A_748 = arith.extui %eq3A_747 : i1 to i32
      %cond3A_749 = arith.constant 0 : i32
      %cond3A_750 = arith.cmpi ne, %convert_element_type3A_748, %cond3A_749 : i32
      scf.if %cond3A_750 {
        %add3A_752 = arith.addi %mul3A_2, %add3A_403 : i32
        %sub3A = arith.constant 7 : i32
        %sub3A_753 = arith.subi %add3A_752, %sub3A : i32
        %multiple_of3A = tpu.assume_multiple %sub3A_753, 8 : i32
        "tpu.region"() ({
          %run_scoped3A = tpu.sem_alloc : memref<!tpu.dma_semaphore, #tpu.memory_space<semaphore_mem>>
          %dma_start3A_754 = arith.constant 0 : i32
          %dma_start3A_755 = tpu.memref_slice %arg9[%multiple_of3A, %dma_start3A_754] : memref<1024x1032xf32, #tpu.memory_space<hbm>> -> memref<8x1032xf32, #tpu.memory_space<hbm>>
          %dma_start3A_756 = arith.constant 0 : i32
          %dma_start3A_757 = tpu.memref_slice %arg9[%multiple_of3A, %dma_start3A_756] : memref<1024x1032xf32, #tpu.memory_space<hbm>> -> memref<8x1032xf32, #tpu.memory_space<hbm>>
          tpu.enqueue_dma source(%arg15 : memref<8x1032xf32, #tpu.memory_space<vmem>>) target(%dma_start3A_757 : memref<8x1032xf32, #tpu.memory_space<hbm>>) target_semaphore(%run_scoped3A : memref<!tpu.dma_semaphore, #tpu.memory_space<semaphore_mem>>)
          %dma_wait3A_758 = arith.constant 0 : i32
          %dma_wait3A_759 = tpu.memref_slice %arg9[%multiple_of3A, %dma_wait3A_758] : memref<1024x1032xf32, #tpu.memory_space<hbm>> -> memref<8x1032xf32, #tpu.memory_space<hbm>>
          %dma_wait3A_760 = arith.constant 0 : i32
          %dma_wait3A_761 = tpu.memref_slice %arg9[%multiple_of3A, %dma_wait3A_760] : memref<1024x1032xf32, #tpu.memory_space<hbm>> -> memref<8x1032xf32, #tpu.memory_space<hbm>>
          tpu.wait_dma2 semaphore(%run_scoped3A : memref<!tpu.dma_semaphore, #tpu.memory_space<semaphore_mem>>) src(%arg15 : memref<8x1032xf32, #tpu.memory_space<vmem>>) dst(%dma_wait3A_761 : memref<8x1032xf32, #tpu.memory_space<hbm>>)
          tpu.yield
        }) : () -> ()
      } else {
      }
      %scan3A_751 = arith.constant 0 : i32
      scf.yield %scan3A_751 : i32
    }
    %scan3A_32 = arith.constant 16 : i32
    return
  }
}

</mosaic_0001>

<sc_bundles>
// kernel: _transform.3.cloned.1.call-start
scs
__scs_entry_jumppad:
0x0: {  	(pc) =	sbr.rel $0x88, $3  }
0x1: {  	(tag) =	ssettag $0x0;
	lr =	simm.s32 $0x1  }
0x2: {  	[smem:$0x3F9B] =	sst lr;
	_ =	strace $0xD0000000  }
0x3: {  	_ = 	snop  }
0x4: {  	_ = 	snop  }
0x5: {  	_ = 	snop  }
0x6: {  	_ = 	snop  }
0x7: {  	_ = 	snop  }
__scs_overlays_trampoline_lowered:
0x8: {  	[smem:$0x3FAA] =	sst s0  }
0x9: {  	[smem:$0x3FAB] =	sst s1  }
0xa: {  	[smem:$0x3FAC] =	sst s2  }
0xb: {  	[smem:$0x3FAD] =	sst s3  }
0xc: {  	[smem:$0x3FAE] =	sst s4  }
0xd: {  	[smem:$0x3FAF] =	sst s5  }
0xe: {  	[smem:$0x3FB0] =	sst s6  }
0xf: {  	[smem:$0x3FB1] =	sst s7  }
0x10: {  	[smem:$0x3FB2] =	sst s8  }
0x11: {  	[smem:$0x3FB3] =	sst s9;
	s0 =	simm.s32 @!p0 $0x0  }
0x12: {  	s1 =	sld [smem:$0x3F99];
	s0 =	simm.s32 @p0 $0x1  }
0x13: {  	[smem:$0x3FB4] =	sst s0;
	s0 =	simm.s32 @!p1 $0x0  }
0x14: {  	s2 =	sld [smem:$0x3F98];
	s0 =	simm.s32 @p1 $0x1  }
0x15: {  	[smem:$0x3FB5] =	sst s0;
	s0 =	simm.s32 @!p2 $0x0  }
0x16: {  	s3 =	sld [smem:$0x3FDB];
	s0 =	simm.s32 @p2 $0x1  }
0x17: {  	s4 =	simm.s32 $0x1BF5;
	[smem:$0x3FB7] =	sst s0  }
0x18: {  	s0 =	sld [smem:$0x3F9A];
	_ =	swait.ge [sflag:s4], $0x0  }
0x19: {  	s7 =	sld [smem:$0x3F9B]  }
0x1a: {  	s8 =	sadd.s32 $0xFFFFE003, lr  }
0x1b: {  	s9 =	sadd.s32 $0xFFFFFEF7, lr;
	s5 =	simm.s32 $0xFFFFFFFF;
	p2 =	slt.u32 s8, $0xFFFFF086  }
0x1c: {  	p1 =	slt.u32 s9, $0xF7A;
	s5 =	simm.s32 @!p2 $0x0  }
0x1d: {  	s5 =	simm.s32 @p1 $0x1;
	p0 =	seq.s32 s7, s2  }
0x1e: {  	s7 =	smul.u32 @!p0 $0xF7A, s2;
	p2 =	seq.s32 @!p0 s5, $0x0  }
0x1f: {  	s9 =	smul.u32 $0xF7A, s1;
	s8 =	simm.s32 @!p0 $0x1BF5;
	p2 =	por !p2, p0  }
0x20: {  	[sflag:s8] =	ssyncset.s32 @!p0 $0xFFFFF086;
	s6 =	sadd.s32 @!p0 s3, s7;
	s7 =	simm.s32 @!p0 $0x108  }
0x21: {  	s3 =	sadd.s32 s3, s9;
	s6 =	sadd.s32 @!p0 $0x88, s6;
	s7 =	simm.s32 @p2 $0x1082  }
0x22: {  	[simem:s7], [sflag:s8] =	dma.local @!p0 [hbm:s6], $0xF7A  }
0x23: {  	s9 =	sor.u32 $0xD0000000, s2;
	s6 =	simm.s32 $0x108;
	_ =	swait.ge @!p0 [sflag:s8], $0x0  }
0x24: {  	s3 =	sadd.s32 $0x88, s3;
	s6 =	simm.s32 @!p1 $0x1082;
	[sflag:s4] =	ssyncset.s32 $0xFFFFF086  }
0x25: {  	[simem:s6], [sflag:s4] =	dma.local [hbm:s3], $0xF7A  }
0x26: {  	[smem:$0x3F9B] =	sst s1;
	(tag) =	ssettag s2;
	_ =	strace s9  }
0x27: {  	s1 =	sld [smem:$0x3FAB]  }
0x28: {  	s2 =	sld [smem:$0x3FAC]  }
0x29: {  	s4 =	sld [smem:$0x3FAE]  }
0x2a: {  	p0 =	seq.s32 s5, $0x0;
	s5 =	sld [smem:$0x3FAF]  }
0x2b: {  	s6 =	sld [smem:$0x3FB0]  }
0x2c: {  	s7 =	sld [smem:$0x3FB1]  }
0x2d: {  	s3 =	simm.s32 $0x108;
	s8 =	sld [smem:$0x3FB2]  }
0x2e: {  	s3 =	simm.s32 @!p0 $0x1082;
	s9 =	sld [smem:$0x3FB3]  }
0x2f: {  	lr =	sadd.s32 s0, s3;
	s0 =	sld [smem:$0x3FAA]  }
0x30: {  	s3 =	sld [smem:$0x3FAD]  }
0x31: {  	[smem:$0x3FB6] =	sst s10  }
0x32: {  	s10 =	sld [smem:$0x3FB4];
	_ =	sdelay $0x3  }
0x33: {  	p0 =	seq.s32 s10, $0x1;
	s10 =	sld [smem:$0x3FB6];
	_ =	sdelay $0x3  }
0x34: {  	[smem:$0x3FB6] =	sst s10  }
0x35: {  	s10 =	sld [smem:$0x3FB5];
	_ =	sdelay $0x3  }
0x36: {  	p1 =	seq.s32 s10, $0x1;
	s10 =	sld [smem:$0x3FB6];
	_ =	sdelay $0x3  }
0x37: {  	[smem:$0x3FB6] =	sst s10  }
0x38: {  	s10 =	sld [smem:$0x3FB7]  }
0x39: {  	_ = 	snop;
	(pc) =	sbr.ind lr, $3  }
0x3a: {  	_ = 	snop  }
0x3b: {  	_ = 	snop  }
0x3c: {  	p2 =	seq.s32 s10, $0x1;
	s10 =	sld [smem:$0x3FB6]  }
0x3d: {  	_ =	shalt  }
0x3e: {  	_ =	shalt  }
0x3f: {  	_ =	shalt  }
0x40: {  	_ =	shalt  }
0x41: {  	_ =	shalt  }
0x42: {  	_ =	shalt  }
0x43: {  	_ =	shalt  }
0x44: {  	_ =	shalt  }
0x45: {  	_ =	shalt  }
0x46: {  	_ =	shalt  }
0x47: {  	_ =	shalt  }
0x48: {  	_ =	shalt  }
0x49: {  	_ =	shalt  }
0x4a: {  	_ =	shalt  }
0x4b: {  	_ =	shalt  }
0x4c: {  	_ =	shalt  }
0x4d: {  	_ =	shalt  }
0x4e: {  	_ =	shalt  }
0x4f: {  	_ =	shalt  }
0x50: {  	_ =	shalt  }
0x51: {  	_ =	shalt  }
0x52: {  	_ =	shalt  }
0x53: {  	_ =	shalt  }
0x54: {  	_ =	shalt  }
0x55: {  	_ =	shalt  }
0x56: {  	_ =	shalt  }
0x57: {  	_ =	shalt  }
0x58: {  	_ =	shalt  }
0x59: {  	_ =	shalt  }
0x5a: {  	_ =	shalt  }
0x5b: {  	_ =	shalt  }
0x5c: {  	_ =	shalt  }
0x5d: {  	_ =	shalt  }
0x5e: {  	_ =	shalt  }
0x5f: {  	_ =	shalt  }
0x60: {  	_ =	shalt  }
0x61: {  	_ =	shalt  }
0x62: {  	_ =	shalt  }
0x63: {  	_ =	shalt  }
0x64: {  	_ =	shalt  }
0x65: {  	_ =	shalt  }
0x66: {  	_ =	shalt  }
0x67: {  	_ =	shalt  }
0x68: {  	_ =	shalt  }
0x69: {  	_ =	shalt  }
0x6a: {  	_ =	shalt  }
0x6b: {  	_ =	shalt  }
0x6c: {  	_ =	shalt  }
0x6d: {  	_ =	shalt  }
0x6e: {  	_ =	shalt  }
0x6f: {  	_ =	shalt  }
0x70: {  	_ =	shalt  }
0x71: {  	_ =	shalt  }
0x72: {  	_ =	shalt  }
0x73: {  	_ =	shalt  }
0x74: {  	_ =	shalt  }
0x75: {  	_ =	shalt  }
0x76: {  	_ =	shalt  }
0x77: {  	_ =	shalt  }
0x78: {  	_ =	shalt  }
0x79: {  	_ =	shalt  }
0x7a: {  	_ =	shalt  }
0x7b: {  	_ =	shalt  }
0x7c: {  	_ =	shalt  }
0x7d: {  	_ =	shalt  }
0x7e: {  	_ =	shalt  }
0x7f: {  	_ =	shalt  }
0x80: {  	_ =	shalt  }
0x81: {  	_ =	shalt  }
0x82: {  	_ =	shalt  }
0x83: {  	_ =	shalt  }
0x84: {  	_ =	shalt  }
0x85: {  	_ =	shalt  }
0x86: {  	_ =	shalt  }
0x87: {  	_ =	shalt  }
.Lfunc_end0:
.L_simem_size_0:
called_computation_lowered:
.L_overlay_start_0:
0x88: {  	s2 =	sld [smem:$0x3FD9]  }
0x89: {  	s3 =	sld [smem:$0x3FFE];
	_ =	sdelay $0x1  }
0x8a: {  	s1 =	srdreg.scid  }
0x8b: {  	s0 =	sand.u32 $0x1, s1  }
0x8c: {  	s14 =	sshll.u32 s0, $0xA;
	s2 =	sadd.s32 s3, s2  }
0x8d: {  	s2 =	sadd.s32 s2, s14  }
0x8e: {  	[smem:$0x3FC2] =	sst s2  }
0x8f: {  	_ = 	snop  }
0x90: {  	s2 =	sld [smem:$0x3FD0]  }
0x91: {  	s15 =	sld [smem:$0x3FC8]  }
0x92: {  	s4 =	sld [smem:$0x3FC6]  }
0x93: {  	s6 =	simm.s32 $0xA;
	s7 =	simm.s32 $0x10;
	s5 =	sld [smem:$0x3FC4]  }
0x94: {  	[smem:s7], [sflag:s6] =	dma.local [hbm:s2], $0x1  }
0x95: {  	_ =	swait.eq [sflag:s6], $0x1  }
0x96: {  	[sflag:s6] =	ssyncset.done $0x0  }
0x97: {  	s16 =	sld [smem:$0x10];
	[sflag:s6] =	ssyncadd.s32 $0xFFFFFFFF  }
0x98: {  	s17 =	sld [smem:$0x11];
	(tm) =	ssettm $0x1  }
0x99: {  	s18 =	sld [smem:$0x3FFB];
	_ =	sdelay $0x3  }
0x9a: {  	_ =	strace s18  }
0x9b: {  	s7 =	sld [smem:$0x3FFC];
	_ =	sdelay $0x3  }
0x9c: {  	_ =	strace s7  }
0x9d: {  	s7 =	sld [smem:$0x3FFD];
	_ =	sdelay $0x3  }
0x9e: {  	_ =	strace s7  }
0x9f: {  	_ =	strace $0x8FFFFFFF  }
0xa0: {  	s19 =	sld [smem:$0x3FDB];
	_ =	sdelay $0x1  }
0xa1: {  	s8 =	simm.s32 $_scs_section_size  }
0xa2: {  	s9 =	simm.s32 $_size__tile_overlayer_lowered;
	s10 =	simm.s32 $_tile_overlayer_lowered  }
0xa3: {  	s22 =	simm.s32 $0x1BFF;
	s21 =	sshll.u32 s10, $0x1;
	s7 =	sadd.s32 s8, s19  }
0xa4: {  	s11 =	simm.s32 $0x0;
	s20 =	sshll.u32 s9, $0x1;
	s9 =	sadd.s32 s21, s7  }
0xa5: {  	[timem:s11], [sflag:s22] =	dma.local [hbm:s9], s20  }
0xa6: {  	_ =	swait.ge [sflag:s22], s20  }
0xa7: {  	s8 =	ssub.s32 $0x0, s20;
	[sflag:s22] =	ssyncset.done $0x0  }
0xa8: {  	[sflag:s22] =	ssyncadd.s32 s8;
	_ =	sdelay $0x1  }
0xa9: {  	s23 =	simm.s32 $0x1B8B  }
0xaa: {  	_ =	swait.ge [sflag:s23], $0x1  }
0xab: {  	[sflag:s23] =	ssyncset.done $0x0  }
0xac: {  	s25 =	simm.s32 $0x1B8E;
	s24 =	sld [smem:$0x3FFE];
	[sflag:s23] =	ssyncadd.s32 $0xFFFFFFFF  }
0xad: {  	s26 =	simm.s32 $execute0_lowered;
	[smem:$0x3FD2] =	sst s25  }
0xae: {  	s9 =	sshll.u32 s26, $0x1;
	_ =	strace $0x80000046;
	[dreg:$0x1] =	wrdreg $0xFFFFFFFF  }
0xaf: {  	s28 =	simm.s32 $_size_execute0_lowered;
	s7 =	sadd.s32 s7, s9;
	[dreg:$0x0] =	wrdreg $0x0  }
0xb0: {  	s9 =	sshll.u32 s28, $0x1;
	[dreg:$0x2] =	wrdreg s7  }
0xb1: {  	[dreg:$0x3] =	wrdreg s9  }
0xb2: {  	[dreg:$0x4] =	wrdreg $0xC0  }
0xb3: {  	_ =	task [dreg:s11], $0x5FFFF  }
0xb4: {  	[dreg:$0x1] =	wrdreg $0xFFFFFFFF  }
0xb5: {  	[dreg:$0x0] =	wrdreg $0x60  }
0xb6: {  	[dreg:$0x2] =	wrdreg s16  }
0xb7: {  	[dreg:$0x3] =	wrdreg s15  }
0xb8: {  	[dreg:$0x4] =	wrdreg s24  }
0xb9: {  	[dreg:$0x5] =	wrdreg s4  }
0xba: {  	[dreg:$0x6] =	wrdreg s5  }
0xbb: {  	[dreg:$0x7] =	wrdreg s17  }
0xbc: {  	[dreg:$0x8] =	wrdreg $0x9  }
0xbd: {  	_ =	task.clear_ibuf [dreg:s11], $0x9FFFF;
	_ =	strace $0x90000046  }
0xbe: {  	s29 =	simm.s32 $0x9;
	_ =	strace $0x80000048  }
0xbf: {  	_ =	swait.ge [sflag:s29], $0x1  }
0xc0: {  	[sflag:s29] =	ssyncadd.s32 $0xFFFFFFFF  }
0xc1: {  	_ =	strace $0x90000048  }
0xc2: {  	_ =	sfence  }
0xc3: {  	s30 =	sld [smem:$0x0];
	_ =	sdelay $0x2  }
0xc4: {  	s31 =	sshll.u32 s1, $0xD;
	s1 =	sshrl.u32 s1, $0x2  }
0xc5: {  	s3 =	sand.u32 $0x4000, s31;
	s1 =	sadd.s32 s1, s30  }
0xc6: {  	s0 =	sor.u32 s3, s0;
	s1 =	sshll.u32 s1, $0x11  }
0xc7: {  	s0 =	sor.u32 s1, s0  }
0xc8: {  	s0 =	sadd.s32 $0x8F2B, s0  }
0xc9: {  	[sflag:s0] =	ssyncadd.remote.s32 $0x1  }
0xca: {  	_ =	sfence.sel $0xFFFF  }
0xcb: {  	[dreg:$0x0] =	wrdreg $0xFFFFFFFF;
	(pc) =	sbr.abs _section_cstart, $3  }
0xcc: {  	[dreg:$0x1] =	wrdreg $0xFFFFFFFF  }
0xcd: {  	_ =	task.clear_ibuf [dreg:s11], $0x2FFFF;
	_ =	strace $0x9FFFFFFF  }
0xce: {  	(tm) =	ssettm $0x7FFFFFFF  }
0xcf: {  	_ =	shalt  }
tec
execute0_lowered:
.L_overlay_start_1:
0x0: {  	(tag) =	ssettag $0x1  }
0x1: {  	s8 =	rddreg [dreg:$0x0]  }
0x2: {  	s9 =	rddreg [dreg:$0x1]  }
0x3: {  	s6 =	rddreg [dreg:$0x2]  }
0x4: {  	s11 =	rddreg [dreg:$0x3];
	s1 =	srdreg.scid  }
0x5: {  	s0 =	stileid.u32;
	s2 =	rddreg [dreg:$0x4]  }
0x6: {  	s3 =	rddreg [dreg:$0x5];
	s4 =	simm.s32 $0x0;
	s15 =	simm.s32 $0x700  }
0x7: {  	s16 =	simm.s32 $0x38;
	s17 =	simm.s32 $0xE00;
	s18 =	simm.s32 $0xEFC0  }
0x8: {  	s19 =	simm.s32 $0x1;
	s20 =	simm.s32 $0x2;
	s21 =	simm.s32 $0x0  }
0x9: {  	s5 =	sand.u32 $0x1, s1;
	s31 =	sshll.u32 s0, $0x1;
	s1 =	rddreg [dreg:$0x6]  }
0xa: {  	[smem:$0x7FF] =	sst s4;
	s7 =	sor.u32 s5, s31;
	s10 =	ssub.s32 $0x2, s5  }
0xb: {  	_ =	strace $0x80000047;
	s12 =	smul.u32 $0xE0, s7;
	s14 =	sshrl.u32 s10, $0x1  }
0xc: {  	s5 =	sadd.s32 $0xDBC800, s6;
	s7 =	sshll.u32 s7, $0x5;
	s14 =	ssub.s32 s10, s14  }
0xd: {  	s13 =	sadd.s32 s12, s6;
	s6 =	sadd.s32 $0x2A00, s6;
	s8 =	sadd.s32 s8, s12  }
0xe: {  	s9 =	sadd.s32 s9, s12;
	s11 =	sadd.s32 s11, s12;
	s12 =	smax.u32 s14, $0x1  }
0xf: {  	s14 =	simm.s32 $0x3;
	s10 =	sadd.s32 $0xE00, s13;
	s13 =	simm.s32 $0x1D180  }
.LBB2_1:
0x10: {  	[tilespmem:s13], [sflag:$0x3] =	stream.linear.gather [hbm4b:s2+s4], $0x408, $0x38;
	[tilespmem:$0x1F5C8] =	vst v63  }
0x11: {  	_ =	swait.ge [sflag:s14], $0x408  }
0x12: {  	[sflag:s14] =	ssyncset.done $0x0  }
0x13: {  	[sflag:s14] =	ssyncadd.s32 $0xFFFFFBF8  }
0x14: {  	[tilespmem:s4], [sflag:$0x3] =	stream.linear.gather [hbm4b:s8+s4], $0x700, $0x38;
	[tilespmem:$0x1F5C8] =	vst v63  }
0x15: {  	_ =	swait.ge [sflag:s14], $0x700  }
0x16: {  	[sflag:s14] =	ssyncset.done $0x0  }
0x17: {  	[sflag:s14] =	ssyncadd.s32 $0xFFFFF900  }
0x18: {  	[tilespmem:s15], [sflag:$0x3] =	stream.linear.gather [hbm4b:s9+s4], $0x700, $0x38;
	[tilespmem:$0x1F5C8] =	vst v63  }
0x19: {  	_ =	swait.ge [sflag:s14], $0x700  }
0x1a: {  	[sflag:s14] =	ssyncset.done $0x0  }
0x1b: {  	s22 =	simm.s32 $0x0;
	[sflag:s14] =	ssyncadd.s32 $0xFFFFF900  }
0x1c: {  	[tilespmem:s17], [sflag:$0x1] =	stream.indirect.gather [hbm4b:s5+s16], $0x408, s4, s16, $0xb8;
	[tilespmem:$0x1F5C8] =	vst v63  }
.LBB2_2:
0x1d: {  	s23 =	sshllo.u32 s22, $0x1  }
0x1e: {  	s24 =	smul.u32 $0x38, s23;
	_ =	sdelay $0x1  }
0x1f: {  	[tilespmem:s18], [sflag:$0x2] =	stream.indirect.gather [hbm4b:s5+s16], $0x408, s24, s16, $0xb8;
	[tilespmem:$0x1F5C8] =	vst v63  }
0x20: {  	_ =	swait.ge [sflag:s19], $0xE1C0  }
0x21: {  	[sflag:s19] =	ssyncset.done $0x0  }
0x22: {  	[sflag:s19] =	ssyncadd.s32 $0xFFFF1E40  }
0x23: {  	v14 =	vld [tilespmem:$0x1D180]  }
0x24: {  	v15 =	vld [tilespmem:$0x1D190]  }
0x25: {  	v16 =	vld [tilespmem:$0x1D1A0]  }
0x26: {  	v17 =	vld [tilespmem:$0x1D1B0]  }
0x27: {  	v18 =	vld [tilespmem:$0x1D1C0]  }
0x28: {  	v19 =	vld [tilespmem:$0x1D1D0]  }
0x29: {  	v20 =	vld [tilespmem:$0x1D1E0]  }
0x2a: {  	v21 =	vld [tilespmem:$0x1D1F0]  }
0x2b: {  	v22 =	vld [tilespmem:$0x1D200]  }
0x2c: {  	v23 =	vld [tilespmem:$0x1D210]  }
0x2d: {  	v34 =	vld [tilespmem:$0x1D220]  }
0x2e: {  	v35 =	vld [tilespmem:$0x1D230]  }
0x2f: {  	v36 =	vld [tilespmem:$0x1D240]  }
0x30: {  	v37 =	vld [tilespmem:$0x1D250]  }
0x31: {  	v38 =	vld [tilespmem:$0x1D260]  }
0x32: {  	v39 =	vld [tilespmem:$0x1D270]  }
0x33: {  	v40 =	vld [tilespmem:$0x1D280]  }
0x34: {  	v43 =	vld [tilespmem:$0x1D290]  }
0x35: {  	v44 =	vld [tilespmem:$0x1D2A0]  }
0x36: {  	v45 =	vld [tilespmem:$0x1D2B0]  }
0x37: {  	v13 =	vld [tilespmem:$0x1D2C0]  }
0x38: {  	v12 =	vld [tilespmem:$0x1D2D0]  }
0x39: {  	v11 =	vld [tilespmem:$0x1D2E0]  }
0x3a: {  	v10 =	vld [tilespmem:$0x1D2F0]  }
0x3b: {  	v9 =	vld [tilespmem:$0x1D300]  }
0x3c: {  	v8 =	vld [tilespmem:$0x1D310]  }
0x3d: {  	v7 =	vld [tilespmem:$0x1D320]  }
0x3e: {  	v6 =	vld [tilespmem:$0x1D330]  }
0x3f: {  	v4 =	vld [tilespmem:$0x1D340]  }
0x40: {  	s25 =	smul.u32 $0x70, s22;
	v2 =	vld [tilespmem:$0x1D350]  }
0x41: {  	v1 =	vld [tilespmem:$0x1D360]  }
0x42: {  	s26 =	sadd.s32 $0x0, s25;
	v0 =	vld [tilespmem:$0x1D370]  }
0x43: {  	v3 =	vmov s26;
	s26 =	simm.s32 $0xF00;
	v24 =	vld [tilespmem:$0x1D380]  }
0x44: {  	v25 =	vld [tilespmem:s26+$0xFFFFFF00]  }
0x45: {  	v26 =	vld [tilespmem:s26+$0xFFFFFF10]  }
0x46: {  	v27 =	vld [tilespmem:s26+$0xFFFFFF20]  }
0x47: {  	v28 =	vld [tilespmem:s26+$0xFFFFFF30]  }
0x48: {  	v29 =	vld [tilespmem:s26+$0xFFFFFF40]  }
0x49: {  	v33 =	vld [tilespmem:s26+$0xFFFFFF50]  }
0x4a: {  	v41 =	vld [tilespmem:s26+$0xFFFFFF60]  }
0x4b: {  	v42 =	vld [tilespmem:s26+$0xFFFFFF70]  }
0x4c: {  	v5 =	vld.idx.msk [tilespmem:v3+s15+$0x0], $0xffff  }
0x4d: {  	v3 =	vld [tilespmem:s26+$0x100]  }
0x4e: {  	v46 =	vld [tilespmem:s26+$0xFFFFFF80]  }
0x4f: {  	v47 =	vld [tilespmem:s26+$0xFFFFFF90]  }
0x50: {  	v48 =	vld [tilespmem:s26+$0xFFFFFFA0]  }
0x51: {  	v49 =	vld [tilespmem:s26+$0xFFFFFFB0];
	v25 =	vmul.f32 v25, v5  }
0x52: {  	v50 =	vld [tilespmem:s26+$0xFFFFFFC0];
	v3 =	vmul.f32 v3, v5;
	v26 =	vmul.f32 v26, v5  }
0x53: {  	v51 =	vld [tilespmem:s26+$0xFFFFFFD0];
	v30 =	vadd.f32 v25, v14;
	v14 =	vmul.f32 v27, v5  }
0x54: {  	v52 =	vld [tilespmem:s26+$0xFFFFFFE0];
	v3 =	vadd.f32 v3, v24;
	v31 =	vadd.f32 v26, v15;
	v15 =	vmul.f32 v28, v5  }
0x55: {  	v59 =	vld [tilespmem:s26+$0xFFFFFFF0];
	v24 =	vmul.f32 v29, v5;
	v32 =	vadd.f32 v14, v16;
	v14 =	vmul.f32 v33, v5  }
0x56: {  	v60 =	vld [tilespmem:s26+$0x30];
	v16 =	vmul.f32 v41, v5;
	v33 =	vadd.f32 v15, v17;
	v15 =	vmul.f32 v42, v5  }
0x57: {  	v28 =	vadd.f32 v24, v18;
	v17 =	vld [tilespmem:s26+$0x0];
	v29 =	vadd.f32 v14, v19;
	v14 =	vmul.f32 v46, v5  }
0x58: {  	v24 =	vadd.f32 v16, v20;
	v16 =	vld [tilespmem:s26+$0x10];
	v25 =	vadd.f32 v15, v21;
	v15 =	vmul.f32 v47, v5  }
0x59: {  	v18 =	vmul.f32 v48, v5;
	v21 =	vld [tilespmem:s26+$0x20];
	v26 =	vadd.f32 v14, v22;
	v14 =	vmul.f32 v49, v5  }
0x5a: {  	v61 =	vld [tilespmem:s26+$0x40];
	v19 =	vmul.f32 v50, v5;
	v27 =	vadd.f32 v15, v23;
	v15 =	vmul.f32 v51, v5  }
0x5b: {  	v62 =	vld [tilespmem:s26+$0x50];
	v23 =	vadd.f32 v18, v34;
	v22 =	vadd.f32 v14, v35;
	v14 =	vmul.f32 v52, v5  }
0x5c: {  	v41 =	vld [tilespmem:s26+$0x60];
	v19 =	vadd.f32 v19, v36;
	v18 =	vadd.f32 v15, v37;
	v15 =	vmul.f32 v59, v5  }
0x5d: {  	v42 =	vld [tilespmem:s26+$0x70];
	v17 =	vmul.f32 v17, v5;
	v20 =	vadd.f32 v14, v38;
	v14 =	vmul.f32 v16, v5  }
0x5e: {  	v63 =	vmul.f32 v21, v5;
	v21 =	vadd.f32 v15, v39;
	v15 =	vmul.f32 v60, v5;
	v39 =	vld [tilespmem:s26+$0x80]  }
0x5f: {  	v37 =	vld [tilespmem:s26+$0x90];
	v17 =	vadd.f32 v17, v40;
	v16 =	vadd.f32 v14, v43;
	v43 =	vmul.f32 v61, v5  }
0x60: {  	s28 =	sshll.u32 s22, $0x1;
	s29 =	simm.s32 $0x2;
	s30 =	sadd.s32 $0x1, s25;
	v40 =	vld [tilespmem:s26+$0xA0];
	v14 =	vadd.f32 v63, v44;
	v15 =	vadd.f32 v15, v45;
	v44 =	vmul.f32 v62, v5  }
.LBB2_3:
0x61: {  	p0 =	sne.s32 s29, $0x31;
	v34 =	vmov s30;
	v13 =	vadd.f32 v43, v13;
	v35 =	vmul.f32 v41, v5;
	v36 =	vld [tilespmem:s26+$0xB0]  }
0x62: {  	v12 =	vadd.f32 v44, v12;
	v38 =	vmul.f32 v42, v5;
	v41 =	vld [tilespmem:s26+$0xC0]  }
0x63: {  	v11 =	vadd.f32 v35, v11;
	v35 =	vmul.f32 v39, v5;
	v39 =	vld [tilespmem:s26+$0xD0]  }
0x64: {  	v10 =	vadd.f32 v38, v10;
	v37 =	vmul.f32 v37, v5;
	v38 =	vld [tilespmem:s26+$0xE0]  }
0x65: {  	v9 =	vadd.f32 v35, v9;
	v35 =	vmul.f32 v40, v5;
	v40 =	vld [tilespmem:s26+$0xF0]  }
0x66: {  	s26 =	sadd.s32 $0x408, s26;
	v34 =	vld.idx.msk [tilespmem:v34+s15+$0x0], $0xffff;
	v8 =	vadd.f32 v37, v8;
	v36 =	vmul.f32 v36, v5  }
0x67: {  	v37 =	vld [tilespmem:s26+$0x100];
	v7 =	vadd.f32 v35, v7;
	v35 =	vmul.f32 v41, v5  }
0x68: {  	v41 =	vld [tilespmem:s26+$0xFFFFFF00];
	v6 =	vadd.f32 v36, v6;
	v36 =	vmul.f32 v39, v5  }
0x69: {  	v39 =	vld [tilespmem:s26+$0xFFFFFF10];
	v4 =	vadd.f32 v35, v4;
	v35 =	vmul.f32 v38, v5  }
0x6a: {  	v38 =	vld [tilespmem:s26+$0xFFFFFF20];
	v2 =	vadd.f32 v36, v2;
	v40 =	vmul.f32 v40, v5  }
0x6b: {  	v36 =	vld [tilespmem:s26+$0xFFFFFF30];
	v1 =	vadd.f32 v35, v1  }
0x6c: {  	v5 =	vmov v34;
	v35 =	vld [tilespmem:s26+$0xFFFFFF40];
	v37 =	vmul.f32 v37, v34;
	v0 =	vadd.f32 v40, v0  }
0x6d: {  	v34 =	vmul.f32 v41, v5;
	v40 =	vld [tilespmem:s26+$0xFFFFFF50]  }
0x6e: {  	v39 =	vmul.f32 v39, v5;
	v41 =	vld [tilespmem:s26+$0xFFFFFF60];
	v3 =	vadd.f32 v37, v3  }
0x6f: {  	v30 =	vadd.f32 v34, v30;
	v34 =	vmul.f32 v38, v5;
	v37 =	vld [tilespmem:s26+$0xFFFFFF70]  }
0x70: {  	v31 =	vadd.f32 v39, v31;
	v36 =	vmul.f32 v36, v5;
	v38 =	vld [tilespmem:s26+$0xFFFFFF80]  }
0x71: {  	v32 =	vadd.f32 v34, v32;
	v34 =	vmul.f32 v35, v5;
	v35 =	vld [tilespmem:s26+$0xFFFFFF90]  }
0x72: {  	v33 =	vadd.f32 v36, v33;
	v36 =	vmul.f32 v40, v5;
	v39 =	vld [tilespmem:s26+$0xFFFFFFA0]  }
0x73: {  	v28 =	vadd.f32 v34, v28;
	v34 =	vmul.f32 v41, v5;
	v40 =	vld [tilespmem:s26+$0xFFFFFFB0]  }
0x74: {  	v29 =	vadd.f32 v36, v29;
	v36 =	vmul.f32 v37, v5;
	v37 =	vld [tilespmem:s26+$0xFFFFFFC0]  }
0x75: {  	v24 =	vadd.f32 v34, v24;
	v34 =	vmul.f32 v38, v5;
	v38 =	vld [tilespmem:s26+$0xFFFFFFD0]  }
0x76: {  	v25 =	vadd.f32 v36, v25;
	v35 =	vmul.f32 v35, v5;
	v36 =	vld [tilespmem:s26+$0xFFFFFFE0]  }
0x77: {  	v26 =	vadd.f32 v34, v26;
	v34 =	vmul.f32 v39, v5;
	v39 =	vld [tilespmem:s26+$0xFFFFFFF0]  }
0x78: {  	v27 =	vadd.f32 v35, v27;
	v35 =	vmul.f32 v40, v5;
	v40 =	vld [tilespmem:s26+$0x0]  }
0x79: {  	v23 =	vadd.f32 v34, v23;
	v34 =	vmul.f32 v37, v5;
	v37 =	vld [tilespmem:s26+$0x10]  }
0x7a: {  	v22 =	vadd.f32 v35, v22;
	v35 =	vmul.f32 v38, v5;
	v38 =	vld [tilespmem:s26+$0x20]  }
0x7b: {  	v19 =	vadd.f32 v34, v19;
	v34 =	vmul.f32 v36, v5;
	v36 =	vld [tilespmem:s26+$0x30]  }
0x7c: {  	v18 =	vadd.f32 v35, v18;
	v35 =	vmul.f32 v39, v5;
	v43 =	vld [tilespmem:s26+$0x40]  }
0x7d: {  	v20 =	vadd.f32 v34, v20;
	v34 =	vmul.f32 v40, v5;
	v40 =	vld [tilespmem:s26+$0x50]  }
.Ltmp0:
0x7e: {  	v21 =	vadd.f32 v35, v21;
	v35 =	vmul.f32 v37, v5;
	v41 =	vld [tilespmem:s26+$0x60];
	(pc) =	sbr.rel @p0 .LBB2_3-.Ltmp0, $4  }
0x7f: {  	v17 =	vadd.f32 v34, v17;
	v34 =	vmul.f32 v38, v5;
	v42 =	vld [tilespmem:s26+$0x70]  }
0x80: {  	v16 =	vadd.f32 v35, v16;
	v35 =	vmul.f32 v36, v5;
	v39 =	vld [tilespmem:s26+$0x80]  }
0x81: {  	v14 =	vadd.f32 v34, v14;
	v43 =	vmul.f32 v43, v5;
	v37 =	vld [tilespmem:s26+$0x90]  }
0x82: {  	s30 =	sadd.s32 s25, s29;
	s29 =	sadd.s32 $0x1, s29;
	v15 =	vadd.f32 v35, v15;
	v44 =	vmul.f32 v40, v5;
	v40 =	vld [tilespmem:s26+$0xA0]  }
0x83: {  	s29 =	sadd.s32 $0x408, s26  }
0x84: {  	v47 =	vld [tilespmem:s29+$0x50];
	_ =	sdelay $0x4  }
0x85: {  	[tilespmem:$0x1FF20] =	vst v47;
	v47 =	vld [tilespmem:s29+$0x60];
	_ =	sdelay $0x4  }
0x86: {  	[tilespmem:$0x1FF30] =	vst v47;
	v47 =	vld [tilespmem:s29+$0x70]  }
0x87: {  	v35 =	vld [tilespmem:s26+$0xB0]  }
0x88: {  	v63 =	vld [tilespmem:s26+$0xC0]  }
0x89: {  	v36 =	vld [tilespmem:s26+$0xD0]  }
0x8a: {  	v38 =	vld [tilespmem:s26+$0xE0]  }
0x8b: {  	[tilespmem:$0x1FF50] =	vst v47;
	v47 =	vld [tilespmem:s29+$0x80]  }
0x8c: {  	v45 =	vld [tilespmem:s26+$0xF0]  }
0x8d: {  	v46 =	vld [tilespmem:s29+$0x100]  }
0x8e: {  	v48 =	vld [tilespmem:s29+$0xFFFFFF00]  }
0x8f: {  	v49 =	vld [tilespmem:s29+$0xFFFFFF10]  }
0x90: {  	[tilespmem:$0x1FF60] =	vst v47;
	v47 =	vld [tilespmem:s29+$0x90]  }
0x91: {  	v50 =	vld [tilespmem:s29+$0xFFFFFF20]  }
0x92: {  	v51 =	vld [tilespmem:s29+$0xFFFFFF30]  }
0x93: {  	v52 =	vld [tilespmem:s29+$0xFFFFFF40]  }
0x94: {  	v53 =	vld [tilespmem:s29+$0xFFFFFF50]  }
0x95: {  	[tilespmem:$0x1FF80] =	vst v47;
	v47 =	vld [tilespmem:s29+$0xA0]  }
0x96: {  	v54 =	vld [tilespmem:s29+$0xFFFFFF60]  }
0x97: {  	v55 =	vld [tilespmem:s29+$0xFFFFFF70]  }
0x98: {  	v56 =	vld [tilespmem:s29+$0xFFFFFF80]  }
0x99: {  	v57 =	vld [tilespmem:s29+$0xFFFFFF90]  }
0x9a: {  	[tilespmem:$0x1FF90] =	vst v47;
	v47 =	vld [tilespmem:s29+$0xB0]  }
0x9b: {  	v58 =	vld [tilespmem:s29+$0xFFFFFFA0]  }
0x9c: {  	v34 =	vmov s30;
	v59 =	vld [tilespmem:s29+$0xFFFFFFB0]  }
0x9d: {  	v60 =	vld [tilespmem:s29+$0xFFFFFFC0]  }
0x9e: {  	v61 =	vld [tilespmem:s29+$0xFFFFFFD0]  }
0x9f: {  	[tilespmem:$0x1FFB0] =	vst v47;
	v47 =	vld [tilespmem:s29+$0xC0]  }
0xa0: {  	v62 =	vld [tilespmem:s29+$0xFFFFFFE0]  }
0xa1: {  	v34 =	vld.idx.msk [tilespmem:v34+s15+$0x0], $0xffff  }
0xa2: {  	[tilespmem:$0x1FF40] =	vst v63;
	v63 =	vld [tilespmem:s29+$0xFFFFFFF0]  }
0xa3: {  	[tilespmem:$0x1FF10] =	vst v35;
	v35 =	vld [tilespmem:s29+$0x0]  }
0xa4: {  	[tilespmem:$0x1FFC0] =	vst v47;
	v47 =	vld [tilespmem:s29+$0xD0]  }
0xa5: {  	[tilespmem:$0x1FF70] =	vst v36;
	v36 =	vld [tilespmem:s29+$0x10]  }
0xa6: {  	s31 =	sand.u32 $0x6, s28;
	[tilespmem:$0x1FFA0] =	vst v38;
	v38 =	vld [tilespmem:s29+$0x20];
	v48 =	vmul.f32 v48, v34  }
0xa7: {  	s26 =	smul.u32 $0x1020, s31;
	[tilespmem:$0x1FFD0] =	vst v45;
	v45 =	vld [tilespmem:s29+$0x30];
	v49 =	vmul.f32 v49, v34  }
0xa8: {  	[tilespmem:$0x1FFF0] =	vst v46;
	v46 =	vld [tilespmem:s29+$0x40];
	v30 =	vadd.f32 v48, v30  }
0xa9: {  	s26 =	sshrl.u32 s26, $0x2;
	v48 =	vmul.f32 v50, v34;
	v50 =	vld [tilespmem:s29+$0xE0];
	v31 =	vadd.f32 v49, v31;
	[tilespmem:$0x1FFE0] =	vst v47  }
0xaa: {  	v47 =	vld [tilespmem:s29+$0xF0];
	[tilespmem:s26+$0x1D588] =	vst v30;
	v30 =	vmul.f32 v52, v34  }
0xab: {  	[tilespmem:s26+$0x1D598] =	vst v31;
	v31 =	vmul.f32 v53, v34  }
0xac: {  	v28 =	vadd.f32 v30, v28  }
0xad: {  	v29 =	vadd.f32 v31, v29;
	v31 =	vmul.f32 v55, v34  }
0xae: {  	[tilespmem:s26+$0x1D5C8] =	vst v28;
	v28 =	vmul.f32 v56, v34  }
0xaf: {  	v30 =	vmul.f32 v54, v34;
	v25 =	vadd.f32 v31, v25  }
0xb0: {  	[tilespmem:s26+$0x1D5D8] =	vst v29;
	v29 =	vmul.f32 v57, v34;
	v26 =	vadd.f32 v28, v26  }
0xb1: {  	v24 =	vadd.f32 v30, v24;
	[tilespmem:s26+$0x1D5F8] =	vst v25;
	v25 =	vmul.f32 v59, v34  }
0xb2: {  	v27 =	vadd.f32 v29, v27;
	[tilespmem:s26+$0x1D608] =	vst v26;
	v26 =	vmul.f32 v60, v34  }
0xb3: {  	[tilespmem:s26+$0x1D5E8] =	vst v24;
	v22 =	vadd.f32 v25, v22  }
0xb4: {  	[tilespmem:s26+$0x1D618] =	vst v27;
	v19 =	vadd.f32 v26, v19  }
0xb5: {  	v24 =	vmul.f32 v58, v34;
	[tilespmem:s26+$0x1D638] =	vst v22;
	v22 =	vmul.f32 v63, v34  }
0xb6: {  	v27 =	vmul.f32 v61, v34;
	[tilespmem:s26+$0x1D648] =	vst v19;
	v19 =	vmul.f32 v39, v5  }
0xb7: {  	v23 =	vadd.f32 v24, v23;
	v21 =	vadd.f32 v22, v21;
	v22 =	vmul.f32 v36, v34  }
0xb8: {  	v18 =	vadd.f32 v27, v18;
	v9 =	vadd.f32 v19, v9;
	v19 =	vmul.f32 v38, v34  }
0xb9: {  	[tilespmem:s26+$0x1D628] =	vst v23;
	v16 =	vadd.f32 v22, v16;
	v22 =	vmul.f32 v45, v34  }
0xba: {  	[tilespmem:s26+$0x1D658] =	vst v18;
	v14 =	vadd.f32 v19, v14  }
0xbb: {  	v23 =	vmul.f32 v62, v34;
	v15 =	vadd.f32 v22, v15;
	[tilespmem:s26+$0x1D698] =	vst v16;
	v16 =	vld [tilespmem:$0x1FF30]  }
0xbc: {  	v18 =	vmul.f32 v37, v5;
	[tilespmem:s26+$0x1D6A8] =	vst v14;
	v14 =	vld [tilespmem:$0x1FF40]  }
0xbd: {  	v20 =	vadd.f32 v23, v20;
	v23 =	vmul.f32 v35, v34;
	[tilespmem:s26+$0x1D6B8] =	vst v15;
	v15 =	vld [tilespmem:$0x1FF60]  }
0xbe: {  	v13 =	vadd.f32 v43, v13;
	v8 =	vadd.f32 v18, v8;
	v18 =	vmul.f32 v46, v34  }
0xbf: {  	v24 =	vmul.f32 v41, v5;
	v17 =	vadd.f32 v23, v17;
	v19 =	vld [tilespmem:$0x1FF20]  }
0xc0: {  	v13 =	vadd.f32 v18, v13;
	v18 =	vld [tilespmem:$0x1FF50]  }
0xc1: {  	v11 =	vadd.f32 v24, v11;
	[tilespmem:s26+$0x1D688] =	vst v17;
	v17 =	vld [tilespmem:$0x1FF10];
	v16 =	vmul.f32 v16, v34  }
0xc2: {  	[tilespmem:s26+$0x1D6C8] =	vst v13;
	v13 =	vld [tilespmem:$0x1FF70];
	v14 =	vmul.f32 v14, v5;
	v15 =	vmul.f32 v15, v34  }
0xc3: {  	v12 =	vadd.f32 v44, v12;
	v25 =	vmul.f32 v42, v5;
	v11 =	vadd.f32 v16, v11;
	v16 =	vld [tilespmem:$0x1FF80]  }
0xc4: {  	v19 =	vmul.f32 v19, v34;
	v4 =	vadd.f32 v14, v4;
	v9 =	vadd.f32 v15, v9;
	v14 =	vld [tilespmem:$0x1FFB0]  }
0xc5: {  	v10 =	vadd.f32 v25, v10;
	v18 =	vmul.f32 v18, v34;
	[tilespmem:s26+$0x1D6E8] =	vst v11;
	v11 =	vld [tilespmem:$0x1FFA0]  }
0xc6: {  	v12 =	vadd.f32 v19, v12;
	[tilespmem:s26+$0x1D708] =	vst v9;
	v9 =	vld [tilespmem:$0x1FFD0]  }
0xc7: {  	[tilespmem:s26+$0x1D668] =	vst v20;
	v17 =	vmul.f32 v17, v5;
	v10 =	vadd.f32 v18, v10  }
0xc8: {  	v49 =	vmul.f32 v51, v34;
	[tilespmem:s26+$0x1D6D8] =	vst v12;
	v12 =	vld [tilespmem:$0x1FF90]  }
0xc9: {  	v20 =	vmul.f32 v40, v5;
	v6 =	vadd.f32 v17, v6;
	[tilespmem:s26+$0x1D6F8] =	vst v10;
	v10 =	vld [tilespmem:$0x1FFC0];
	v14 =	vmul.f32 v14, v34  }
0xca: {  	v32 =	vadd.f32 v48, v32;
	v13 =	vmul.f32 v13, v5;
	v16 =	vmul.f32 v16, v34  }
0xcb: {  	v11 =	vmul.f32 v11, v5;
	v5 =	vmul.f32 v9, v5;
	v6 =	vadd.f32 v14, v6;
	v9 =	vld [tilespmem:$0x1FFE0]  }
0xcc: {  	v33 =	vadd.f32 v49, v33;
	[tilespmem:s26+$0x1D5A8] =	vst v32  }
0xcd: {  	v7 =	vadd.f32 v20, v7;
	v12 =	vmul.f32 v12, v34;
	v8 =	vadd.f32 v16, v8;
	[tilespmem:s26+$0x1D738] =	vst v6;
	v6 =	vld [tilespmem:$0x1FFF0]  }
0xce: {  	[tilespmem:s26+$0x1D5B8] =	vst v33;
	v10 =	vmul.f32 v10, v34  }
0xcf: {  	v7 =	vadd.f32 v12, v7;
	[tilespmem:s26+$0x1D718] =	vst v8;
	v1 =	vadd.f32 v11, v1;
	v8 =	vmul.f32 v50, v34  }
0xd0: {  	[tilespmem:s26+$0x1D678] =	vst v21;
	v2 =	vadd.f32 v13, v2;
	v4 =	vadd.f32 v10, v4;
	v9 =	vmul.f32 v9, v34  }
0xd1: {  	[tilespmem:s26+$0x1D728] =	vst v7;
	v0 =	vadd.f32 v5, v0;
	v5 =	vmul.f32 v47, v34;
	v1 =	vadd.f32 v8, v1  }
0xd2: {  	[tilespmem:s26+$0x1D748] =	vst v4;
	v2 =	vadd.f32 v9, v2;
	v6 =	vmul.f32 v6, v34  }
0xd3: {  	v0 =	vadd.f32 v5, v0;
	[tilespmem:s26+$0x1D768] =	vst v1  }
0xd4: {  	[tilespmem:s26+$0x1D758] =	vst v2;
	v2 =	vadd.f32 v6, v3  }
0xd5: {  	[tilespmem:s26+$0x1D778] =	vst v0  }
0xd6: {  	[tilespmem:s26+$0x1D788] =	vst v2  }
0xd7: {  	v14 =	vld [tilespmem:$0x1D390]  }
0xd8: {  	v15 =	vld [tilespmem:$0x1D3A0]  }
0xd9: {  	v16 =	vld [tilespmem:$0x1D3B0]  }
0xda: {  	v17 =	vld [tilespmem:$0x1D3C0]  }
0xdb: {  	v18 =	vld [tilespmem:$0x1D3D0]  }
0xdc: {  	v19 =	vld [tilespmem:$0x1D3E0]  }
0xdd: {  	v20 =	vld [tilespmem:$0x1D3F0]  }
0xde: {  	v21 =	vld [tilespmem:$0x1D400]  }
0xdf: {  	v22 =	vld [tilespmem:$0x1D410]  }
0xe0: {  	v23 =	vld [tilespmem:$0x1D420]  }
0xe1: {  	v33 =	vld [tilespmem:$0x1D430]  }
0xe2: {  	v61 =	vld [tilespmem:$0x1D440]  }
0xe3: {  	v35 =	vld [tilespmem:$0x1D450]  }
0xe4: {  	v36 =	vld [tilespmem:$0x1D460]  }
0xe5: {  	v37 =	vld [tilespmem:$0x1D470]  }
0xe6: {  	v38 =	vld [tilespmem:$0x1D480]  }
0xe7: {  	v41 =	vld [tilespmem:$0x1D490]  }
0xe8: {  	v42 =	vld [tilespmem:$0x1D4A0]  }
0xe9: {  	v43 =	vld [tilespmem:$0x1D4B0]  }
0xea: {  	v13 =	vld [tilespmem:$0x1D4C0]  }
0xeb: {  	v12 =	vld [tilespmem:$0x1D4D0]  }
0xec: {  	v11 =	vld [tilespmem:$0x1D4E0]  }
0xed: {  	v10 =	vld [tilespmem:$0x1D4F0]  }
0xee: {  	v9 =	vld [tilespmem:$0x1D500]  }
0xef: {  	v8 =	vld [tilespmem:$0x1D510]  }
0xf0: {  	v7 =	vld [tilespmem:$0x1D520]  }
0xf1: {  	v6 =	vld [tilespmem:$0x1D530]  }
0xf2: {  	v4 =	vld [tilespmem:$0x1D540]  }
0xf3: {  	v3 =	vld [tilespmem:$0x1D550]  }
0xf4: {  	v1 =	vld [tilespmem:$0x1D560]  }
0xf5: {  	s28 =	sadd.s32 $0x0, s25;
	v0 =	vld [tilespmem:$0x1D570]  }
0xf6: {  	v2 =	vmov s28;
	s28 =	simm.s32 $0x11F8;
	v24 =	vld [tilespmem:$0x1D578]  }
0xf7: {  	v25 =	vld [tilespmem:s28+$0xFFFFFE18]  }
0xf8: {  	v26 =	vld [tilespmem:s28+$0xFFFFFE28]  }
0xf9: {  	v27 =	vld [tilespmem:s28+$0xFFFFFE38]  }
0xfa: {  	v29 =	vld [tilespmem:s28+$0xFFFFFE48]  }
0xfb: {  	v30 =	vld [tilespmem:s28+$0xFFFFFE58]  }
0xfc: {  	v32 =	vld [tilespmem:s28+$0xFFFFFE68]  }
0xfd: {  	v62 =	vld [tilespmem:s28+$0xFFFFFE78]  }
0xfe: {  	v5 =	vld.idx.msk [tilespmem:v2+s15+$0x0], $0xffff  }
0xff: {  	v2 =	vld [tilespmem:s28+$0x0]  }
0x100: {  	v63 =	vld [tilespmem:s28+$0xFFFFFE88]  }
0x101: {  	v52 =	vld [tilespmem:s28+$0xFFFFFE98]  }
0x102: {  	v53 =	vld [tilespmem:s28+$0xFFFFFEA8]  }
0x103: {  	v54 =	vld [tilespmem:s28+$0xFFFFFEB8]  }
0x104: {  	v55 =	vld [tilespmem:s28+$0xFFFFFEC8];
	v2 =	vmul.f32 v2, v5;
	v25 =	vmul.f32 v25, v5  }
0x105: {  	v56 =	vld [tilespmem:s28+$0xFFFFFED8];
	v26 =	vmul.f32 v26, v5  }
0x106: {  	v57 =	vld [tilespmem:s28+$0xFFFFFEE8];
	v2 =	vadd.f32 v2, v24;
	v28 =	vadd.f32 v25, v14;
	v14 =	vmul.f32 v27, v5  }
0x107: {  	v58 =	vld [tilespmem:s28+$0xFFFFFEF8];
	v24 =	vmul.f32 v29, v5;
	v31 =	vadd.f32 v26, v15;
	v15 =	vmul.f32 v30, v5  }
0x108: {  	v59 =	vld [tilespmem:s28+$0xFFFFFF38];
	v25 =	vmul.f32 v32, v5;
	v32 =	vadd.f32 v14, v16;
	v14 =	vmul.f32 v62, v5  }
0x109: {  	v29 =	vadd.f32 v24, v17;
	v16 =	vld [tilespmem:s28+$0xFFFFFF08];
	v30 =	vadd.f32 v15, v18;
	v15 =	vmul.f32 v63, v5  }
0x10a: {  	v24 =	vadd.f32 v25, v19;
	v17 =	vld [tilespmem:s28+$0xFFFFFF18];
	v25 =	vadd.f32 v14, v20;
	v14 =	vmul.f32 v52, v5  }
0x10b: {  	v19 =	vld [tilespmem:s28+$0xFFFFFF28];
	v26 =	vadd.f32 v15, v21;
	v15 =	vmul.f32 v54, v5;
	v20 =	vmul.f32 v55, v5  }
0x10c: {  	v60 =	vld [tilespmem:s28+$0xFFFFFF48];
	v18 =	vmul.f32 v53, v5;
	v27 =	vadd.f32 v14, v22;
	v14 =	vmul.f32 v56, v5  }
0x10d: {  	v22 =	vadd.f32 v15, v33;
	v20 =	vadd.f32 v20, v61;
	v15 =	vmul.f32 v57, v5;
	v61 =	vld [tilespmem:s28+$0xFFFFFF58]  }
0x10e: {  	v39 =	vld [tilespmem:s28+$0xFFFFFF68];
	v23 =	vadd.f32 v18, v23;
	v16 =	vmul.f32 v16, v5;
	v18 =	vadd.f32 v14, v35  }
0x10f: {  	v40 =	vld [tilespmem:s28+$0xFFFFFF78];
	v14 =	vmul.f32 v58, v5;
	v21 =	vadd.f32 v15, v36;
	v15 =	vmul.f32 v17, v5  }
0x110: {  	v63 =	vmul.f32 v59, v5;
	v62 =	vmul.f32 v19, v5;
	v36 =	vld [tilespmem:s28+$0xFFFFFF88];
	v17 =	vadd.f32 v16, v38  }
0x111: {  	v19 =	vadd.f32 v14, v37;
	v16 =	vadd.f32 v15, v41;
	v37 =	vld [tilespmem:s28+$0xFFFFFF98];
	v41 =	vmul.f32 v60, v5  }
0x112: {  	s30 =	sadd.s32 $0x1, s25;
	s29 =	simm.s32 $0x2;
	v38 =	vld [tilespmem:s28+$0xFFFFFFA8];
	v14 =	vadd.f32 v62, v42;
	v15 =	vadd.f32 v63, v43;
	v42 =	vmul.f32 v61, v5  }
.LBB2_5:
0x113: {  	p0 =	sne.s32 s29, $0x31;
	v33 =	vmov s30;
	v13 =	vadd.f32 v41, v13;
	v34 =	vmul.f32 v39, v5;
	v35 =	vld [tilespmem:s28+$0xFFFFFFB8]  }
0x114: {  	v12 =	vadd.f32 v42, v12;
	v39 =	vmul.f32 v40, v5;
	v40 =	vld [tilespmem:s28+$0xFFFFFFC8]  }
0x115: {  	v11 =	vadd.f32 v34, v11;
	v34 =	vmul.f32 v36, v5;
	v36 =	vld [tilespmem:s28+$0xFFFFFFD8]  }
0x116: {  	v10 =	vadd.f32 v39, v10;
	v37 =	vmul.f32 v37, v5;
	v39 =	vld [tilespmem:s28+$0xFFFFFFE8]  }
0x117: {  	v9 =	vadd.f32 v34, v9;
	v34 =	vmul.f32 v38, v5;
	v38 =	vld [tilespmem:s28+$0xFFFFFFF8]  }
0x118: {  	s28 =	sadd.s32 $0x408, s28;
	v33 =	vld.idx.msk [tilespmem:v33+s15+$0x0], $0xffff;
	v8 =	vadd.f32 v37, v8;
	v35 =	vmul.f32 v35, v5  }
0x119: {  	v37 =	vld [tilespmem:s28+$0x0];
	v7 =	vadd.f32 v34, v7;
	v34 =	vmul.f32 v40, v5  }
0x11a: {  	v40 =	vld [tilespmem:s28+$0xFFFFFE18];
	v6 =	vadd.f32 v35, v6;
	v35 =	vmul.f32 v36, v5  }
0x11b: {  	v36 =	vld [tilespmem:s28+$0xFFFFFE28];
	v4 =	vadd.f32 v34, v4;
	v34 =	vmul.f32 v39, v5  }
0x11c: {  	v39 =	vld [tilespmem:s28+$0xFFFFFE38];
	v3 =	vadd.f32 v35, v3;
	v38 =	vmul.f32 v38, v5  }
0x11d: {  	v35 =	vld [tilespmem:s28+$0xFFFFFE48];
	v1 =	vadd.f32 v34, v1  }
0x11e: {  	v5 =	vmov v33;
	v34 =	vld [tilespmem:s28+$0xFFFFFE58];
	v37 =	vmul.f32 v37, v33;
	v0 =	vadd.f32 v38, v0  }
0x11f: {  	v33 =	vmul.f32 v40, v5;
	v38 =	vld [tilespmem:s28+$0xFFFFFE68]  }
0x120: {  	v36 =	vmul.f32 v36, v5;
	v40 =	vld [tilespmem:s28+$0xFFFFFE78];
	v2 =	vadd.f32 v37, v2  }
0x121: {  	v28 =	vadd.f32 v33, v28;
	v33 =	vmul.f32 v39, v5;
	v37 =	vld [tilespmem:s28+$0xFFFFFE88]  }
0x122: {  	v31 =	vadd.f32 v36, v31;
	v35 =	vmul.f32 v35, v5;
	v36 =	vld [tilespmem:s28+$0xFFFFFE98]  }
0x123: {  	v32 =	vadd.f32 v33, v32;
	v33 =	vmul.f32 v34, v5;
	v34 =	vld [tilespmem:s28+$0xFFFFFEA8]  }
0x124: {  	v29 =	vadd.f32 v35, v29;
	v35 =	vmul.f32 v38, v5;
	v38 =	vld [tilespmem:s28+$0xFFFFFEB8]  }
0x125: {  	v30 =	vadd.f32 v33, v30;
	v33 =	vmul.f32 v40, v5;
	v39 =	vld [tilespmem:s28+$0xFFFFFEC8]  }
0x126: {  	v24 =	vadd.f32 v35, v24;
	v35 =	vmul.f32 v37, v5;
	v37 =	vld [tilespmem:s28+$0xFFFFFED8]  }
0x127: {  	v25 =	vadd.f32 v33, v25;
	v33 =	vmul.f32 v36, v5;
	v36 =	vld [tilespmem:s28+$0xFFFFFEE8]  }
0x128: {  	v26 =	vadd.f32 v35, v26;
	v34 =	vmul.f32 v34, v5;
	v35 =	vld [tilespmem:s28+$0xFFFFFEF8]  }
0x129: {  	v27 =	vadd.f32 v33, v27;
	v33 =	vmul.f32 v38, v5;
	v38 =	vld [tilespmem:s28+$0xFFFFFF08]  }
0x12a: {  	v23 =	vadd.f32 v34, v23;
	v34 =	vmul.f32 v39, v5;
	v39 =	vld [tilespmem:s28+$0xFFFFFF18]  }
0x12b: {  	v22 =	vadd.f32 v33, v22;
	v33 =	vmul.f32 v37, v5;
	v37 =	vld [tilespmem:s28+$0xFFFFFF28]  }
0x12c: {  	v20 =	vadd.f32 v34, v20;
	v34 =	vmul.f32 v36, v5;
	v36 =	vld [tilespmem:s28+$0xFFFFFF38]  }
0x12d: {  	v18 =	vadd.f32 v33, v18;
	v33 =	vmul.f32 v35, v5;
	v35 =	vld [tilespmem:s28+$0xFFFFFF48]  }
0x12e: {  	v21 =	vadd.f32 v34, v21;
	v34 =	vmul.f32 v38, v5;
	v38 =	vld [tilespmem:s28+$0xFFFFFF58]  }
.Ltmp1:
0x12f: {  	v19 =	vadd.f32 v33, v19;
	v33 =	vmul.f32 v39, v5;
	v39 =	vld [tilespmem:s28+$0xFFFFFF68];
	(pc) =	sbr.rel @p0 .LBB2_5-.Ltmp1, $4  }
0x130: {  	v17 =	vadd.f32 v34, v17;
	v34 =	vmul.f32 v37, v5;
	v40 =	vld [tilespmem:s28+$0xFFFFFF78]  }
0x131: {  	v16 =	vadd.f32 v33, v16;
	v33 =	vmul.f32 v36, v5;
	v36 =	vld [tilespmem:s28+$0xFFFFFF88]  }
0x132: {  	v14 =	vadd.f32 v34, v14;
	v41 =	vmul.f32 v35, v5;
	v37 =	vld [tilespmem:s28+$0xFFFFFF98]  }
0x133: {  	s30 =	sadd.s32 s25, s29;
	s29 =	sadd.s32 $0x1, s29;
	v15 =	vadd.f32 v33, v15;
	v42 =	vmul.f32 v38, v5;
	v38 =	vld [tilespmem:s28+$0xFFFFFFA8]  }
0x134: {  	v34 =	vld [tilespmem:s28+$0xFFFFFFB8];
	s25 =	sadd.s32 $0x408, s28  }
0x135: {  	v46 =	vld [tilespmem:s25+$0xFFFFFF78]  }
0x136: {  	v62 =	vld [tilespmem:s28+$0xFFFFFFC8]  }
0x137: {  	v63 =	vld [tilespmem:s28+$0xFFFFFFD8]  }
0x138: {  	v43 =	vld [tilespmem:s28+$0xFFFFFFE8]  }
0x139: {  	v44 =	vld [tilespmem:s28+$0xFFFFFFF8]  }
0x13a: {  	[tilespmem:$0x1FE60] =	vst v46;
	v46 =	vld [tilespmem:s25+$0xFFFFFF88]  }
0x13b: {  	v45 =	vld [tilespmem:s25+$0x0]  }
0x13c: {  	v47 =	vld [tilespmem:s25+$0xFFFFFE18]  }
0x13d: {  	v48 =	vld [tilespmem:s25+$0xFFFFFE28]  }
0x13e: {  	v49 =	vld [tilespmem:s25+$0xFFFFFE38]  }
0x13f: {  	[tilespmem:$0x1FE70] =	vst v46;
	v46 =	vld [tilespmem:s25+$0xFFFFFF98]  }
0x140: {  	v50 =	vld [tilespmem:s25+$0xFFFFFE48]  }
0x141: {  	v51 =	vld [tilespmem:s25+$0xFFFFFE58]  }
0x142: {  	v52 =	vld [tilespmem:s25+$0xFFFFFE68]  }
0x143: {  	v53 =	vld [tilespmem:s25+$0xFFFFFE78]  }
0x144: {  	[tilespmem:$0x1FE90] =	vst v46;
	v46 =	vld [tilespmem:s25+$0xFFFFFFA8]  }
0x145: {  	v54 =	vld [tilespmem:s25+$0xFFFFFE88]  }
0x146: {  	v55 =	vld [tilespmem:s25+$0xFFFFFE98]  }
0x147: {  	v56 =	vld [tilespmem:s25+$0xFFFFFEA8]  }
0x148: {  	v57 =	vld [tilespmem:s25+$0xFFFFFEB8]  }
0x149: {  	[tilespmem:$0x1FEA0] =	vst v46;
	v46 =	vld [tilespmem:s25+$0xFFFFFFB8]  }
0x14a: {  	v58 =	vld [tilespmem:s25+$0xFFFFFEC8]  }
0x14b: {  	v33 =	vmov s30;
	v59 =	vld [tilespmem:s25+$0xFFFFFED8]  }
0x14c: {  	v60 =	vld [tilespmem:s25+$0xFFFFFEE8]  }
0x14d: {  	v61 =	vld [tilespmem:s25+$0xFFFFFEF8]  }
0x14e: {  	[tilespmem:$0x1FEC0] =	vst v46;
	v46 =	vld [tilespmem:s25+$0xFFFFFFC8]  }
0x14f: {  	v35 =	vld [tilespmem:s25+$0xFFFFFF38]  }
0x150: {  	v33 =	vld.idx.msk [tilespmem:v33+s15+$0x0], $0xffff  }
0x151: {  	[tilespmem:$0x1FE50] =	vst v62;
	v62 =	vld [tilespmem:s25+$0xFFFFFF08]  }
0x152: {  	[tilespmem:$0x1FE80] =	vst v63;
	v63 =	vld [tilespmem:s25+$0xFFFFFF18]  }
0x153: {  	[tilespmem:$0x1FED0] =	vst v46;
	v46 =	vld [tilespmem:s25+$0xFFFFFFD8]  }
0x154: {  	[tilespmem:$0x1FE40] =	vst v34;
	v34 =	vld [tilespmem:s25+$0xFFFFFF28]  }
0x155: {  	[tilespmem:$0x1FEB0] =	vst v43;
	v43 =	vld [tilespmem:s25+$0xFFFFFF48];
	v47 =	vmul.f32 v47, v33  }
0x156: {  	[tilespmem:$0x1FEE0] =	vst v44;
	v44 =	vld [tilespmem:s25+$0xFFFFFF58];
	v48 =	vmul.f32 v48, v33  }
0x157: {  	[tilespmem:$0x1FF00] =	vst v45;
	v45 =	vld [tilespmem:s25+$0xFFFFFF68];
	v28 =	vadd.f32 v47, v28  }
0x158: {  	v47 =	vmul.f32 v49, v33;
	v49 =	vld [tilespmem:s25+$0xFFFFFFE8];
	v31 =	vadd.f32 v48, v31;
	[tilespmem:$0x1FEF0] =	vst v46  }
0x159: {  	v46 =	vld [tilespmem:s25+$0xFFFFFFF8];
	[tilespmem:s26+$0x1D798] =	vst v28;
	v28 =	vmul.f32 v51, v33  }
0x15a: {  	[tilespmem:s26+$0x1D7A8] =	vst v31;
	v31 =	vmul.f32 v52, v33  }
0x15b: {  	v28 =	vadd.f32 v28, v30  }
0x15c: {  	v24 =	vadd.f32 v31, v24  }
0x15d: {  	[tilespmem:s26+$0x1D7D8] =	vst v28;
	v28 =	vmul.f32 v55, v33  }
0x15e: {  	[tilespmem:s26+$0x1D7E8] =	vst v24;
	v24 =	vmul.f32 v56, v33  }
0x15f: {  	v48 =	vmul.f32 v50, v33;
	v27 =	vadd.f32 v28, v27  }
0x160: {  	v30 =	vmul.f32 v53, v33;
	v23 =	vadd.f32 v24, v23  }
0x161: {  	v29 =	vadd.f32 v48, v29;
	[tilespmem:s26+$0x1D818] =	vst v27;
	v27 =	vmul.f32 v59, v33  }
0x162: {  	v25 =	vadd.f32 v30, v25;
	[tilespmem:s26+$0x1D828] =	vst v23;
	v23 =	vmul.f32 v60, v33  }
0x163: {  	[tilespmem:s26+$0x1D7C8] =	vst v29;
	v29 =	vmul.f32 v54, v33;
	v18 =	vadd.f32 v27, v18  }
0x164: {  	[tilespmem:s26+$0x1D7F8] =	vst v25;
	v25 =	vmul.f32 v57, v33;
	v21 =	vadd.f32 v23, v21  }
0x165: {  	v26 =	vadd.f32 v29, v26;
	[tilespmem:s26+$0x1D858] =	vst v18;
	v18 =	vmul.f32 v34, v33  }
0x166: {  	v22 =	vadd.f32 v25, v22;
	[tilespmem:s26+$0x1D868] =	vst v21;
	v21 =	vmul.f32 v35, v33  }
0x167: {  	[tilespmem:s26+$0x1D808] =	vst v26;
	v14 =	vadd.f32 v18, v14  }
0x168: {  	v26 =	vmul.f32 v58, v33;
	[tilespmem:s26+$0x1D838] =	vst v22;
	v22 =	vmul.f32 v61, v33;
	v15 =	vadd.f32 v21, v15  }
0x169: {  	v23 =	vmul.f32 v62, v33;
	[tilespmem:s26+$0x1D8A8] =	vst v14;
	v14 =	vld [tilespmem:$0x1FE50]  }
0x16a: {  	v20 =	vadd.f32 v26, v20;
	v19 =	vadd.f32 v22, v19;
	v22 =	vmul.f32 v63, v33;
	[tilespmem:s26+$0x1D8B8] =	vst v15;
	v15 =	vld [tilespmem:$0x1FE70]  }
0x16b: {  	v13 =	vadd.f32 v41, v13;
	v17 =	vadd.f32 v23, v17;
	v18 =	vmul.f32 v43, v33  }
0x16c: {  	v24 =	vmul.f32 v39, v5;
	[tilespmem:s26+$0x1D848] =	vst v20;
	v16 =	vadd.f32 v22, v16  }
0x16d: {  	v12 =	vadd.f32 v42, v12;
	v20 =	vmul.f32 v36, v5;
	[tilespmem:s26+$0x1D888] =	vst v17;
	v13 =	vadd.f32 v18, v13;
	v18 =	vld [tilespmem:$0x1FE60]  }
0x16e: {  	v11 =	vadd.f32 v24, v11;
	v17 =	vld [tilespmem:$0x1FE40];
	[tilespmem:s26+$0x1D898] =	vst v16;
	v16 =	vmul.f32 v45, v33;
	v14 =	vmul.f32 v14, v5  }
0x16f: {  	v25 =	vmul.f32 v40, v5;
	v9 =	vadd.f32 v20, v9;
	[tilespmem:s26+$0x1D8C8] =	vst v13;
	v13 =	vld [tilespmem:$0x1FE80];
	v15 =	vmul.f32 v15, v33  }
0x170: {  	[tilespmem:s26+$0x1D878] =	vst v19;
	v19 =	vmul.f32 v44, v33;
	v11 =	vadd.f32 v16, v11;
	v4 =	vadd.f32 v14, v4;
	v14 =	vld [tilespmem:$0x1FEC0]  }
0x171: {  	v16 =	vld [tilespmem:$0x1FE90];
	v9 =	vadd.f32 v15, v9  }
0x172: {  	v10 =	vadd.f32 v25, v10;
	v12 =	vadd.f32 v19, v12;
	[tilespmem:s26+$0x1D8E8] =	vst v11;
	v11 =	vld [tilespmem:$0x1FEB0];
	v18 =	vmul.f32 v18, v33  }
0x173: {  	v17 =	vmul.f32 v17, v5;
	[tilespmem:s26+$0x1D908] =	vst v9;
	v9 =	vld [tilespmem:$0x1FEE0]  }
0x174: {  	v24 =	vmul.f32 v37, v5;
	[tilespmem:s26+$0x1D8D8] =	vst v12;
	v12 =	vld [tilespmem:$0x1FEA0];
	v10 =	vadd.f32 v18, v10  }
0x175: {  	v6 =	vadd.f32 v17, v6;
	v14 =	vmul.f32 v14, v33  }
0x176: {  	v8 =	vadd.f32 v24, v8;
	v16 =	vmul.f32 v16, v33;
	[tilespmem:s26+$0x1D8F8] =	vst v10;
	v10 =	vld [tilespmem:$0x1FED0]  }
0x177: {  	v20 =	vmul.f32 v38, v5;
	v13 =	vmul.f32 v13, v5;
	v6 =	vadd.f32 v14, v6  }
0x178: {  	v11 =	vmul.f32 v11, v5;
	v8 =	vadd.f32 v16, v8;
	v5 =	vmul.f32 v9, v5;
	v9 =	vld [tilespmem:$0x1FEF0]  }
0x179: {  	v7 =	vadd.f32 v20, v7;
	v12 =	vmul.f32 v12, v33;
	[tilespmem:s26+$0x1D938] =	vst v6;
	v6 =	vld [tilespmem:$0x1FF00]  }
0x17a: {  	v32 =	vadd.f32 v47, v32;
	[tilespmem:s26+$0x1D918] =	vst v8;
	v1 =	vadd.f32 v11, v1;
	v8 =	vmul.f32 v49, v33  }
0x17b: {  	v7 =	vadd.f32 v12, v7;
	v10 =	vmul.f32 v10, v33  }
0x17c: {  	[tilespmem:s26+$0x1D7B8] =	vst v32;
	v1 =	vadd.f32 v8, v1;
	v0 =	vadd.f32 v5, v0;
	v5 =	vmul.f32 v46, v33  }
0x17d: {  	v3 =	vadd.f32 v13, v3;
	[tilespmem:s26+$0x1D928] =	vst v7;
	v4 =	vadd.f32 v10, v4;
	v9 =	vmul.f32 v9, v33  }
0x17e: {  	p0 =	seq.s32 s22, $0xF;
	[tilespmem:s26+$0x1D968] =	vst v1;
	v0 =	vadd.f32 v5, v0;
	v6 =	vmul.f32 v6, v33  }
0x17f: {  	s25 =	smul.u32 @!p0 $0x1C0, s22;
	[tilespmem:s26+$0x1D948] =	vst v4;
	v3 =	vadd.f32 v9, v3  }
0x180: {  	[tilespmem:s26+$0x1D978] =	vst v0;
	v2 =	vadd.f32 v6, v2  }
0x181: {  	s25 =	sshra.s32 @!p0 s25, $0x2;
	[tilespmem:s26+$0x1D958] =	vst v3  }
0x182: {  	s28 =	simm.s32 @!p0 $0xE00;
	s25 =	sadd.s32 @!p0 $0x70, s25;
	[tilespmem:s26+$0x1D980] =	vst v2;
	s26 =	simm.s32 @!p0 $0x38  }
0x183: {  	[tilespmem:s28], [sflag:$0x1] =	stream.indirect.gather @!p0 [hbm4b:s5+s26], $0x408, s25, s26, $0xb8;
	[tilespmem:$0x1F5C8] =	vst v63  }
0x184: {  	_ =	swait.ge [sflag:s20], $0xE1C0  }
0x185: {  	[sflag:s20] =	ssyncset.done $0x0  }
0x186: {  	[sflag:s20] =	ssyncadd.s32 $0xFFFF1E40  }
0x187: {  	v14 =	vld [tilespmem:$0x1D180]  }
0x188: {  	v15 =	vld [tilespmem:$0x1D190]  }
0x189: {  	v16 =	vld [tilespmem:$0x1D1A0]  }
0x18a: {  	v17 =	vld [tilespmem:$0x1D1B0]  }
0x18b: {  	v18 =	vld [tilespmem:$0x1D1C0]  }
0x18c: {  	v19 =	vld [tilespmem:$0x1D1D0]  }
0x18d: {  	v20 =	vld [tilespmem:$0x1D1E0]  }
0x18e: {  	v21 =	vld [tilespmem:$0x1D1F0]  }
0x18f: {  	v22 =	vld [tilespmem:$0x1D200]  }
0x190: {  	v23 =	vld [tilespmem:$0x1D210]  }
0x191: {  	v34 =	vld [tilespmem:$0x1D220]  }
0x192: {  	v35 =	vld [tilespmem:$0x1D230]  }
0x193: {  	v36 =	vld [tilespmem:$0x1D240]  }
0x194: {  	v37 =	vld [tilespmem:$0x1D250]  }
0x195: {  	v38 =	vld [tilespmem:$0x1D260]  }
0x196: {  	v39 =	vld [tilespmem:$0x1D270]  }
0x197: {  	v40 =	vld [tilespmem:$0x1D280]  }
0x198: {  	v43 =	vld [tilespmem:$0x1D290]  }
0x199: {  	v44 =	vld [tilespmem:$0x1D2A0]  }
0x19a: {  	v45 =	vld [tilespmem:$0x1D2B0]  }
0x19b: {  	v13 =	vld [tilespmem:$0x1D2C0]  }
0x19c: {  	v12 =	vld [tilespmem:$0x1D2D0]  }
0x19d: {  	v11 =	vld [tilespmem:$0x1D2E0]  }
0x19e: {  	v10 =	vld [tilespmem:$0x1D2F0]  }
0x19f: {  	v9 =	vld [tilespmem:$0x1D300]  }
0x1a0: {  	v8 =	vld [tilespmem:$0x1D310]  }
0x1a1: {  	v7 =	vld [tilespmem:$0x1D320]  }
0x1a2: {  	s31 =	sadd.s32 $0x0, s24;
	v6 =	vld [tilespmem:$0x1D330]  }
0x1a3: {  	v3 =	vmov s31;
	v4 =	vld [tilespmem:$0x1D340]  }
0x1a4: {  	v2 =	vld [tilespmem:$0x1D350]  }
0x1a5: {  	v1 =	vld [tilespmem:$0x1D360]  }
0x1a6: {  	v0 =	vld [tilespmem:$0x1D370]  }
0x1a7: {  	v24 =	vld [tilespmem:$0x1D380]  }
0x1a8: {  	s25 =	simm.s32 $0xF0C0;
	v5 =	vld.idx.msk [tilespmem:v3+s15+$0x0], $0xffff  }
0x1a9: {  	v3 =	vld [tilespmem:s25+$0x100]  }
0x1aa: {  	v25 =	vld [tilespmem:s25+$0xFFFFFF00]  }
0x1ab: {  	v26 =	vld [tilespmem:s25+$0xFFFFFF10]  }
0x1ac: {  	v27 =	vld [tilespmem:s25+$0xFFFFFF20]  }
0x1ad: {  	v28 =	vld [tilespmem:s25+$0xFFFFFF30]  }
0x1ae: {  	v29 =	vld [tilespmem:s25+$0xFFFFFF40]  }
0x1af: {  	v33 =	vld [tilespmem:s25+$0xFFFFFF50]  }
0x1b0: {  	v59 =	vld [tilespmem:s25+$0xFFFFFF60]  }
0x1b1: {  	v42 =	vld [tilespmem:s25+$0xFFFFFF70]  }
0x1b2: {  	v60 =	vld [tilespmem:s25+$0xFFFFFF80]  }
0x1b3: {  	v61 =	vld [tilespmem:s25+$0xFFFFFF90]  }
0x1b4: {  	v62 =	vld [tilespmem:s25+$0xFFFFFFA0]  }
0x1b5: {  	v63 =	vld [tilespmem:s25+$0xFFFFFFB0];
	v3 =	vmul.f32 v3, v5;
	v25 =	vmul.f32 v25, v5  }
0x1b6: {  	v56 =	vld [tilespmem:s25+$0xFFFFFFC0];
	v26 =	vmul.f32 v26, v5  }
0x1b7: {  	v57 =	vld [tilespmem:s25+$0xFFFFFFD0];
	v3 =	vadd.f32 v3, v24;
	v30 =	vadd.f32 v25, v14;
	v14 =	vmul.f32 v27, v5  }
0x1b8: {  	v58 =	vld [tilespmem:s25+$0xFFFFFFE0];
	v31 =	vadd.f32 v26, v15;
	v15 =	vmul.f32 v28, v5;
	v24 =	vmul.f32 v29, v5  }
0x1b9: {  	v32 =	vadd.f32 v14, v16;
	v14 =	vmul.f32 v33, v5;
	v16 =	vmul.f32 v59, v5;
	v59 =	vld [tilespmem:s25+$0xFFFFFFF0]  }
0x1ba: {  	v33 =	vadd.f32 v15, v17;
	v28 =	vadd.f32 v24, v18;
	v15 =	vmul.f32 v42, v5;
	v17 =	vld [tilespmem:s25+$0x0]  }
0x1bb: {  	v29 =	vadd.f32 v14, v19;
	v24 =	vadd.f32 v16, v20;
	v14 =	vmul.f32 v60, v5;
	v16 =	vld [tilespmem:s25+$0x10]  }
0x1bc: {  	v25 =	vadd.f32 v15, v21;
	v15 =	vmul.f32 v61, v5;
	v21 =	vld [tilespmem:s25+$0x20]  }
0x1bd: {  	v18 =	vmul.f32 v62, v5;
	v60 =	vld [tilespmem:s25+$0x30];
	v26 =	vadd.f32 v14, v22;
	v14 =	vmul.f32 v63, v5  }
0x1be: {  	v19 =	vmul.f32 v56, v5;
	v61 =	vld [tilespmem:s25+$0x40];
	v27 =	vadd.f32 v15, v23;
	v15 =	vmul.f32 v57, v5  }
0x1bf: {  	v62 =	vld [tilespmem:s25+$0x50];
	v23 =	vadd.f32 v18, v34;
	v22 =	vadd.f32 v14, v35;
	v14 =	vmul.f32 v58, v5  }
0x1c0: {  	v41 =	vld [tilespmem:s25+$0x60];
	v19 =	vadd.f32 v19, v36;
	v18 =	vadd.f32 v15, v37;
	v15 =	vmul.f32 v59, v5  }
0x1c1: {  	v42 =	vld [tilespmem:s25+$0x70];
	v17 =	vmul.f32 v17, v5;
	v20 =	vadd.f32 v14, v38;
	v14 =	vmul.f32 v16, v5  }
0x1c2: {  	v63 =	vmul.f32 v21, v5;
	v21 =	vadd.f32 v15, v39;
	v15 =	vmul.f32 v60, v5;
	v39 =	vld [tilespmem:s25+$0x80]  }
0x1c3: {  	v17 =	vadd.f32 v17, v40;
	v38 =	vld [tilespmem:s25+$0x90];
	v16 =	vadd.f32 v14, v43;
	v43 =	vmul.f32 v61, v5  }
0x1c4: {  	s28 =	sadd.s32 $0x1, s24;
	s26 =	simm.s32 $0x2;
	v40 =	vld [tilespmem:s25+$0xA0];
	v14 =	vadd.f32 v63, v44;
	v15 =	vadd.f32 v15, v45;
	v44 =	vmul.f32 v62, v5  }
.LBB2_7:
0x1c5: {  	p0 =	sne.s32 s26, $0x31;
	v34 =	vmov s28;
	v13 =	vadd.f32 v43, v13;
	v35 =	vmul.f32 v41, v5;
	v36 =	vld [tilespmem:s25+$0xB0]  }
0x1c6: {  	v12 =	vadd.f32 v44, v12;
	v37 =	vmul.f32 v42, v5;
	v41 =	vld [tilespmem:s25+$0xC0]  }
0x1c7: {  	v11 =	vadd.f32 v35, v11;
	v35 =	vmul.f32 v39, v5;
	v39 =	vld [tilespmem:s25+$0xD0]  }
0x1c8: {  	v10 =	vadd.f32 v37, v10;
	v37 =	vmul.f32 v38, v5;
	v38 =	vld [tilespmem:s25+$0xE0]  }
0x1c9: {  	v9 =	vadd.f32 v35, v9;
	v35 =	vmul.f32 v40, v5;
	v40 =	vld [tilespmem:s25+$0xF0]  }
0x1ca: {  	s25 =	sadd.s32 $0x408, s25;
	v34 =	vld.idx.msk [tilespmem:v34+s15+$0x0], $0xffff;
	v8 =	vadd.f32 v37, v8;
	v36 =	vmul.f32 v36, v5  }
0x1cb: {  	v37 =	vld [tilespmem:s25+$0x100];
	v7 =	vadd.f32 v35, v7;
	v35 =	vmul.f32 v41, v5  }
0x1cc: {  	v41 =	vld [tilespmem:s25+$0xFFFFFF00];
	v6 =	vadd.f32 v36, v6;
	v36 =	vmul.f32 v39, v5  }
0x1cd: {  	v39 =	vld [tilespmem:s25+$0xFFFFFF10];
	v4 =	vadd.f32 v35, v4;
	v35 =	vmul.f32 v38, v5  }
0x1ce: {  	v38 =	vld [tilespmem:s25+$0xFFFFFF20];
	v2 =	vadd.f32 v36, v2;
	v40 =	vmul.f32 v40, v5  }
0x1cf: {  	v36 =	vld [tilespmem:s25+$0xFFFFFF30];
	v1 =	vadd.f32 v35, v1  }
0x1d0: {  	v5 =	vmov v34;
	v35 =	vld [tilespmem:s25+$0xFFFFFF40];
	v37 =	vmul.f32 v37, v34;
	v0 =	vadd.f32 v40, v0  }
0x1d1: {  	v34 =	vmul.f32 v41, v5;
	v40 =	vld [tilespmem:s25+$0xFFFFFF50]  }
0x1d2: {  	v39 =	vmul.f32 v39, v5;
	v41 =	vld [tilespmem:s25+$0xFFFFFF60];
	v3 =	vadd.f32 v37, v3  }
0x1d3: {  	v30 =	vadd.f32 v34, v30;
	v34 =	vmul.f32 v38, v5;
	v37 =	vld [tilespmem:s25+$0xFFFFFF70]  }
0x1d4: {  	v31 =	vadd.f32 v39, v31;
	v36 =	vmul.f32 v36, v5;
	v38 =	vld [tilespmem:s25+$0xFFFFFF80]  }
0x1d5: {  	v32 =	vadd.f32 v34, v32;
	v34 =	vmul.f32 v35, v5;
	v35 =	vld [tilespmem:s25+$0xFFFFFF90]  }
0x1d6: {  	v33 =	vadd.f32 v36, v33;
	v36 =	vmul.f32 v40, v5;
	v39 =	vld [tilespmem:s25+$0xFFFFFFA0]  }
0x1d7: {  	v28 =	vadd.f32 v34, v28;
	v34 =	vmul.f32 v41, v5;
	v40 =	vld [tilespmem:s25+$0xFFFFFFB0]  }
0x1d8: {  	v29 =	vadd.f32 v36, v29;
	v36 =	vmul.f32 v37, v5;
	v37 =	vld [tilespmem:s25+$0xFFFFFFC0]  }
0x1d9: {  	v24 =	vadd.f32 v34, v24;
	v34 =	vmul.f32 v38, v5;
	v38 =	vld [tilespmem:s25+$0xFFFFFFD0]  }
0x1da: {  	v25 =	vadd.f32 v36, v25;
	v35 =	vmul.f32 v35, v5;
	v36 =	vld [tilespmem:s25+$0xFFFFFFE0]  }
0x1db: {  	v26 =	vadd.f32 v34, v26;
	v34 =	vmul.f32 v39, v5;
	v39 =	vld [tilespmem:s25+$0xFFFFFFF0]  }
0x1dc: {  	v27 =	vadd.f32 v35, v27;
	v35 =	vmul.f32 v40, v5;
	v40 =	vld [tilespmem:s25+$0x0]  }
0x1dd: {  	v23 =	vadd.f32 v34, v23;
	v34 =	vmul.f32 v37, v5;
	v37 =	vld [tilespmem:s25+$0x10]  }
0x1de: {  	v22 =	vadd.f32 v35, v22;
	v35 =	vmul.f32 v38, v5;
	v38 =	vld [tilespmem:s25+$0x20]  }
0x1df: {  	v19 =	vadd.f32 v34, v19;
	v34 =	vmul.f32 v36, v5;
	v36 =	vld [tilespmem:s25+$0x30]  }
0x1e0: {  	v18 =	vadd.f32 v35, v18;
	v35 =	vmul.f32 v39, v5;
	v43 =	vld [tilespmem:s25+$0x40]  }
0x1e1: {  	v20 =	vadd.f32 v34, v20;
	v34 =	vmul.f32 v40, v5;
	v40 =	vld [tilespmem:s25+$0x50]  }
.Ltmp2:
0x1e2: {  	v21 =	vadd.f32 v35, v21;
	v35 =	vmul.f32 v37, v5;
	v41 =	vld [tilespmem:s25+$0x60];
	(pc) =	sbr.rel @p0 .LBB2_7-.Ltmp2, $4  }
0x1e3: {  	v17 =	vadd.f32 v34, v17;
	v34 =	vmul.f32 v38, v5;
	v42 =	vld [tilespmem:s25+$0x70]  }
0x1e4: {  	v16 =	vadd.f32 v35, v16;
	v35 =	vmul.f32 v36, v5;
	v39 =	vld [tilespmem:s25+$0x80]  }
0x1e5: {  	v14 =	vadd.f32 v34, v14;
	v43 =	vmul.f32 v43, v5;
	v38 =	vld [tilespmem:s25+$0x90]  }
0x1e6: {  	s28 =	sadd.s32 s24, s26;
	s26 =	sadd.s32 $0x1, s26;
	v15 =	vadd.f32 v35, v15;
	v44 =	vmul.f32 v40, v5;
	v40 =	vld [tilespmem:s25+$0xA0]  }
0x1e7: {  	v34 =	vmov s28;
	s28 =	sadd.s32 $0x408, s25  }
0x1e8: {  	v47 =	vld [tilespmem:s28+$0x50];
	_ =	sdelay $0x4  }
0x1e9: {  	[tilespmem:$0x1FD60] =	vst v47;
	v47 =	vld [tilespmem:s28+$0x60];
	_ =	sdelay $0x4  }
0x1ea: {  	[tilespmem:$0x1FD70] =	vst v47;
	v47 =	vld [tilespmem:s28+$0x70]  }
0x1eb: {  	v35 =	vld [tilespmem:s25+$0xB0]  }
0x1ec: {  	v63 =	vld [tilespmem:s25+$0xC0]  }
0x1ed: {  	v36 =	vld [tilespmem:s25+$0xD0]  }
0x1ee: {  	v37 =	vld [tilespmem:s25+$0xE0]  }
0x1ef: {  	[tilespmem:$0x1FD90] =	vst v47;
	v47 =	vld [tilespmem:s28+$0x80]  }
0x1f0: {  	v45 =	vld [tilespmem:s25+$0xF0]  }
0x1f1: {  	v46 =	vld [tilespmem:s28+$0x100]  }
0x1f2: {  	v48 =	vld [tilespmem:s28+$0xFFFFFF00]  }
0x1f3: {  	v49 =	vld [tilespmem:s28+$0xFFFFFF10]  }
0x1f4: {  	[tilespmem:$0x1FDA0] =	vst v47;
	v47 =	vld [tilespmem:s28+$0x90]  }
0x1f5: {  	v50 =	vld [tilespmem:s28+$0xFFFFFF20]  }
0x1f6: {  	v51 =	vld [tilespmem:s28+$0xFFFFFF30]  }
0x1f7: {  	v52 =	vld [tilespmem:s28+$0xFFFFFF40]  }
0x1f8: {  	v53 =	vld [tilespmem:s28+$0xFFFFFF50]  }
0x1f9: {  	[tilespmem:$0x1FDC0] =	vst v47;
	v47 =	vld [tilespmem:s28+$0xA0]  }
0x1fa: {  	v54 =	vld [tilespmem:s28+$0xFFFFFF60]  }
0x1fb: {  	v55 =	vld [tilespmem:s28+$0xFFFFFF70]  }
0x1fc: {  	v56 =	vld [tilespmem:s28+$0xFFFFFF80]  }
0x1fd: {  	v57 =	vld [tilespmem:s28+$0xFFFFFF90]  }
0x1fe: {  	[tilespmem:$0x1FDD0] =	vst v47;
	v47 =	vld [tilespmem:s28+$0xB0]  }
0x1ff: {  	v58 =	vld [tilespmem:s28+$0xFFFFFFA0]  }
0x200: {  	v59 =	vld [tilespmem:s28+$0xFFFFFFB0]  }
0x201: {  	v60 =	vld [tilespmem:s28+$0xFFFFFFC0]  }
0x202: {  	v61 =	vld [tilespmem:s28+$0xFFFFFFD0]  }
0x203: {  	[tilespmem:$0x1FDF0] =	vst v47;
	v47 =	vld [tilespmem:s28+$0xC0]  }
0x204: {  	v62 =	vld [tilespmem:s28+$0xFFFFFFE0]  }
0x205: {  	v34 =	vld.idx.msk [tilespmem:v34+s15+$0x0], $0xffff  }
0x206: {  	[tilespmem:$0x1FD80] =	vst v63;
	v63 =	vld [tilespmem:s28+$0xFFFFFFF0]  }
0x207: {  	[tilespmem:$0x1FD50] =	vst v35;
	v35 =	vld [tilespmem:s28+$0x0]  }
0x208: {  	[tilespmem:$0x1FE00] =	vst v47;
	v47 =	vld [tilespmem:s28+$0xD0]  }
0x209: {  	[tilespmem:$0x1FDB0] =	vst v36;
	v36 =	vld [tilespmem:s28+$0x10]  }
0x20a: {  	s26 =	sand.u32 $0x7, s23;
	[tilespmem:$0x1FDE0] =	vst v37;
	v37 =	vld [tilespmem:s28+$0x20];
	v48 =	vmul.f32 v48, v34  }
0x20b: {  	s31 =	smul.u32 $0x1020, s26;
	[tilespmem:$0x1FE10] =	vst v45;
	v45 =	vld [tilespmem:s28+$0x30];
	v49 =	vmul.f32 v49, v34  }
0x20c: {  	[tilespmem:$0x1FE30] =	vst v46;
	v46 =	vld [tilespmem:s28+$0x40];
	v30 =	vadd.f32 v48, v30  }
0x20d: {  	s25 =	sshrl.u32 s31, $0x2;
	v48 =	vmul.f32 v50, v34;
	v50 =	vld [tilespmem:s28+$0xE0];
	v31 =	vadd.f32 v49, v31;
	[tilespmem:$0x1FE20] =	vst v47  }
0x20e: {  	v47 =	vld [tilespmem:s28+$0xF0];
	[tilespmem:s25+$0x1D588] =	vst v30;
	v30 =	vmul.f32 v52, v34  }
0x20f: {  	[tilespmem:s25+$0x1D598] =	vst v31;
	v31 =	vmul.f32 v53, v34  }
0x210: {  	v28 =	vadd.f32 v30, v28  }
0x211: {  	v29 =	vadd.f32 v31, v29;
	v31 =	vmul.f32 v55, v34  }
0x212: {  	[tilespmem:s25+$0x1D5C8] =	vst v28;
	v28 =	vmul.f32 v56, v34  }
0x213: {  	v30 =	vmul.f32 v54, v34;
	v25 =	vadd.f32 v31, v25  }
0x214: {  	[tilespmem:s25+$0x1D5D8] =	vst v29;
	v29 =	vmul.f32 v57, v34;
	v26 =	vadd.f32 v28, v26  }
0x215: {  	v24 =	vadd.f32 v30, v24;
	[tilespmem:s25+$0x1D5F8] =	vst v25;
	v25 =	vmul.f32 v59, v34  }
0x216: {  	v27 =	vadd.f32 v29, v27;
	[tilespmem:s25+$0x1D608] =	vst v26;
	v26 =	vmul.f32 v60, v34  }
0x217: {  	[tilespmem:s25+$0x1D5E8] =	vst v24;
	v22 =	vadd.f32 v25, v22  }
0x218: {  	[tilespmem:s25+$0x1D618] =	vst v27;
	v19 =	vadd.f32 v26, v19  }
0x219: {  	v24 =	vmul.f32 v58, v34;
	[tilespmem:s25+$0x1D638] =	vst v22;
	v22 =	vmul.f32 v63, v34  }
0x21a: {  	v27 =	vmul.f32 v61, v34;
	[tilespmem:s25+$0x1D648] =	vst v19;
	v19 =	vmul.f32 v39, v5  }
0x21b: {  	v23 =	vadd.f32 v24, v23;
	v21 =	vadd.f32 v22, v21;
	v22 =	vmul.f32 v36, v34  }
0x21c: {  	v18 =	vadd.f32 v27, v18;
	v9 =	vadd.f32 v19, v9;
	v19 =	vmul.f32 v37, v34  }
0x21d: {  	[tilespmem:s25+$0x1D628] =	vst v23;
	v16 =	vadd.f32 v22, v16;
	v22 =	vmul.f32 v45, v34  }
0x21e: {  	[tilespmem:s25+$0x1D658] =	vst v18;
	v14 =	vadd.f32 v19, v14  }
0x21f: {  	v23 =	vmul.f32 v62, v34;
	v15 =	vadd.f32 v22, v15;
	[tilespmem:s25+$0x1D698] =	vst v16;
	v16 =	vld [tilespmem:$0x1FD70]  }
0x220: {  	v18 =	vmul.f32 v38, v5;
	[tilespmem:s25+$0x1D6A8] =	vst v14;
	v14 =	vld [tilespmem:$0x1FD80]  }
0x221: {  	v20 =	vadd.f32 v23, v20;
	v23 =	vmul.f32 v35, v34;
	[tilespmem:s25+$0x1D6B8] =	vst v15;
	v15 =	vld [tilespmem:$0x1FDA0]  }
0x222: {  	v13 =	vadd.f32 v43, v13;
	v8 =	vadd.f32 v18, v8;
	v18 =	vmul.f32 v46, v34  }
0x223: {  	v24 =	vmul.f32 v41, v5;
	v17 =	vadd.f32 v23, v17;
	v19 =	vld [tilespmem:$0x1FD60]  }
0x224: {  	v13 =	vadd.f32 v18, v13;
	v18 =	vld [tilespmem:$0x1FD90]  }
0x225: {  	v11 =	vadd.f32 v24, v11;
	[tilespmem:s25+$0x1D688] =	vst v17;
	v17 =	vld [tilespmem:$0x1FD50];
	v16 =	vmul.f32 v16, v34  }
0x226: {  	[tilespmem:s25+$0x1D6C8] =	vst v13;
	v13 =	vld [tilespmem:$0x1FDB0];
	v14 =	vmul.f32 v14, v5;
	v15 =	vmul.f32 v15, v34  }
0x227: {  	v12 =	vadd.f32 v44, v12;
	v25 =	vmul.f32 v42, v5;
	v11 =	vadd.f32 v16, v11;
	v16 =	vld [tilespmem:$0x1FDC0]  }
0x228: {  	v19 =	vmul.f32 v19, v34;
	v4 =	vadd.f32 v14, v4;
	v9 =	vadd.f32 v15, v9;
	v14 =	vld [tilespmem:$0x1FDF0]  }
0x229: {  	v10 =	vadd.f32 v25, v10;
	v18 =	vmul.f32 v18, v34;
	[tilespmem:s25+$0x1D6E8] =	vst v11;
	v11 =	vld [tilespmem:$0x1FDE0]  }
0x22a: {  	v12 =	vadd.f32 v19, v12;
	[tilespmem:s25+$0x1D708] =	vst v9;
	v9 =	vld [tilespmem:$0x1FE10]  }
0x22b: {  	[tilespmem:s25+$0x1D668] =	vst v20;
	v17 =	vmul.f32 v17, v5;
	v10 =	vadd.f32 v18, v10  }
0x22c: {  	v49 =	vmul.f32 v51, v34;
	[tilespmem:s25+$0x1D6D8] =	vst v12;
	v12 =	vld [tilespmem:$0x1FDD0]  }
0x22d: {  	v20 =	vmul.f32 v40, v5;
	v6 =	vadd.f32 v17, v6;
	[tilespmem:s25+$0x1D6F8] =	vst v10;
	v10 =	vld [tilespmem:$0x1FE00];
	v14 =	vmul.f32 v14, v34  }
0x22e: {  	v32 =	vadd.f32 v48, v32;
	v13 =	vmul.f32 v13, v5;
	v16 =	vmul.f32 v16, v34  }
0x22f: {  	v11 =	vmul.f32 v11, v5;
	v5 =	vmul.f32 v9, v5;
	v6 =	vadd.f32 v14, v6;
	v9 =	vld [tilespmem:$0x1FE20]  }
0x230: {  	v33 =	vadd.f32 v49, v33;
	[tilespmem:s25+$0x1D5A8] =	vst v32  }
0x231: {  	v7 =	vadd.f32 v20, v7;
	v12 =	vmul.f32 v12, v34;
	v8 =	vadd.f32 v16, v8;
	[tilespmem:s25+$0x1D738] =	vst v6;
	v6 =	vld [tilespmem:$0x1FE30]  }
0x232: {  	[tilespmem:s25+$0x1D5B8] =	vst v33;
	v10 =	vmul.f32 v10, v34  }
0x233: {  	v7 =	vadd.f32 v12, v7;
	[tilespmem:s25+$0x1D718] =	vst v8;
	v1 =	vadd.f32 v11, v1;
	v8 =	vmul.f32 v50, v34  }
0x234: {  	[tilespmem:s25+$0x1D678] =	vst v21;
	v2 =	vadd.f32 v13, v2;
	v4 =	vadd.f32 v10, v4;
	v9 =	vmul.f32 v9, v34  }
0x235: {  	[tilespmem:s25+$0x1D728] =	vst v7;
	v0 =	vadd.f32 v5, v0;
	v5 =	vmul.f32 v47, v34;
	v1 =	vadd.f32 v8, v1  }
0x236: {  	[tilespmem:s25+$0x1D748] =	vst v4;
	v2 =	vadd.f32 v9, v2;
	v6 =	vmul.f32 v6, v34  }
0x237: {  	v0 =	vadd.f32 v5, v0;
	[tilespmem:s25+$0x1D768] =	vst v1  }
0x238: {  	[tilespmem:s25+$0x1D758] =	vst v2;
	v2 =	vadd.f32 v6, v3  }
0x239: {  	[tilespmem:s25+$0x1D778] =	vst v0  }
0x23a: {  	[tilespmem:s25+$0x1D788] =	vst v2  }
0x23b: {  	v14 =	vld [tilespmem:$0x1D390]  }
0x23c: {  	v15 =	vld [tilespmem:$0x1D3A0]  }
0x23d: {  	v16 =	vld [tilespmem:$0x1D3B0]  }
0x23e: {  	v17 =	vld [tilespmem:$0x1D3C0]  }
0x23f: {  	v18 =	vld [tilespmem:$0x1D3D0]  }
0x240: {  	v19 =	vld [tilespmem:$0x1D3E0]  }
0x241: {  	v20 =	vld [tilespmem:$0x1D3F0]  }
0x242: {  	v21 =	vld [tilespmem:$0x1D400]  }
0x243: {  	v22 =	vld [tilespmem:$0x1D410]  }
0x244: {  	v23 =	vld [tilespmem:$0x1D420]  }
0x245: {  	v33 =	vld [tilespmem:$0x1D430]  }
0x246: {  	v61 =	vld [tilespmem:$0x1D440]  }
0x247: {  	v35 =	vld [tilespmem:$0x1D450]  }
0x248: {  	v36 =	vld [tilespmem:$0x1D460]  }
0x249: {  	v37 =	vld [tilespmem:$0x1D470]  }
0x24a: {  	v39 =	vld [tilespmem:$0x1D480]  }
0x24b: {  	v41 =	vld [tilespmem:$0x1D490]  }
0x24c: {  	v42 =	vld [tilespmem:$0x1D4A0]  }
0x24d: {  	v43 =	vld [tilespmem:$0x1D4B0]  }
0x24e: {  	v13 =	vld [tilespmem:$0x1D4C0]  }
0x24f: {  	v12 =	vld [tilespmem:$0x1D4D0]  }
0x250: {  	v11 =	vld [tilespmem:$0x1D4E0]  }
0x251: {  	v10 =	vld [tilespmem:$0x1D4F0]  }
0x252: {  	v9 =	vld [tilespmem:$0x1D500]  }
0x253: {  	v8 =	vld [tilespmem:$0x1D510]  }
0x254: {  	v7 =	vld [tilespmem:$0x1D520]  }
0x255: {  	v6 =	vld [tilespmem:$0x1D530]  }
0x256: {  	v4 =	vld [tilespmem:$0x1D540]  }
0x257: {  	v3 =	vld [tilespmem:$0x1D550]  }
0x258: {  	v1 =	vld [tilespmem:$0x1D560]  }
0x259: {  	s28 =	sadd.s32 $0x0, s24;
	v0 =	vld [tilespmem:$0x1D570]  }
0x25a: {  	v2 =	vmov s28;
	s28 =	simm.s32 $0xF3B8;
	v24 =	vld [tilespmem:$0x1D578]  }
0x25b: {  	v25 =	vld [tilespmem:s28+$0xFFFFFE18]  }
0x25c: {  	v26 =	vld [tilespmem:s28+$0xFFFFFE28]  }
0x25d: {  	v27 =	vld [tilespmem:s28+$0xFFFFFE38]  }
0x25e: {  	v29 =	vld [tilespmem:s28+$0xFFFFFE48]  }
0x25f: {  	v30 =	vld [tilespmem:s28+$0xFFFFFE58]  }
0x260: {  	v32 =	vld [tilespmem:s28+$0xFFFFFE68]  }
0x261: {  	v5 =	vld.idx.msk [tilespmem:v2+s15+$0x0], $0xffff  }
0x262: {  	v2 =	vld [tilespmem:s28+$0x0]  }
0x263: {  	v62 =	vld [tilespmem:s28+$0xFFFFFE78]  }
0x264: {  	v63 =	vld [tilespmem:s28+$0xFFFFFE88]  }
0x265: {  	v52 =	vld [tilespmem:s28+$0xFFFFFE98]  }
0x266: {  	v53 =	vld [tilespmem:s28+$0xFFFFFEA8]  }
0x267: {  	v54 =	vld [tilespmem:s28+$0xFFFFFEB8];
	v2 =	vmul.f32 v2, v5  }
0x268: {  	v55 =	vld [tilespmem:s28+$0xFFFFFEC8];
	v25 =	vmul.f32 v25, v5  }
0x269: {  	v59 =	vld [tilespmem:s28+$0xFFFFFF38];
	v26 =	vmul.f32 v26, v5;
	v2 =	vadd.f32 v2, v24  }
0x26a: {  	v56 =	vld [tilespmem:s28+$0xFFFFFED8];
	v28 =	vadd.f32 v25, v14;
	v14 =	vmul.f32 v27, v5;
	v24 =	vmul.f32 v29, v5  }
0x26b: {  	v57 =	vld [tilespmem:s28+$0xFFFFFEE8];
	v31 =	vadd.f32 v26, v15;
	v15 =	vmul.f32 v30, v5  }
0x26c: {  	v58 =	vld [tilespmem:s28+$0xFFFFFEF8];
	v25 =	vmul.f32 v32, v5;
	v32 =	vadd.f32 v14, v16;
	v29 =	vadd.f32 v24, v17  }
0x26d: {  	v14 =	vmul.f32 v62, v5;
	v16 =	vld [tilespmem:s28+$0xFFFFFF08];
	v30 =	vadd.f32 v15, v18;
	v15 =	vmul.f32 v63, v5  }
0x26e: {  	v24 =	vadd.f32 v25, v19;
	v18 =	vmul.f32 v53, v5;
	v19 =	vld [tilespmem:s28+$0xFFFFFF28];
	v63 =	vmul.f32 v59, v5  }
0x26f: {  	v17 =	vld [tilespmem:s28+$0xFFFFFF18];
	v25 =	vadd.f32 v14, v20;
	v14 =	vmul.f32 v52, v5;
	v20 =	vmul.f32 v55, v5  }
0x270: {  	v60 =	vld [tilespmem:s28+$0xFFFFFF48];
	v26 =	vadd.f32 v15, v21;
	v15 =	vmul.f32 v54, v5;
	v23 =	vadd.f32 v18, v23  }
0x271: {  	v27 =	vadd.f32 v14, v22;
	v14 =	vmul.f32 v56, v5;
	v21 =	vadd.f32 v20, v61;
	v61 =	vld [tilespmem:s28+$0xFFFFFF58]  }
0x272: {  	v40 =	vld [tilespmem:s28+$0xFFFFFF68];
	v22 =	vadd.f32 v15, v33;
	v15 =	vmul.f32 v57, v5;
	v16 =	vmul.f32 v16, v5  }
0x273: {  	v38 =	vld [tilespmem:s28+$0xFFFFFF78];
	v62 =	vmul.f32 v19, v5;
	v20 =	vadd.f32 v14, v35;
	v14 =	vmul.f32 v58, v5  }
0x274: {  	v18 =	vadd.f32 v15, v36;
	v15 =	vmul.f32 v17, v5;
	v17 =	vadd.f32 v16, v39;
	v39 =	vld [tilespmem:s28+$0xFFFFFF88]  }
0x275: {  	v36 =	vld [tilespmem:s28+$0xFFFFFF98];
	v19 =	vadd.f32 v14, v37;
	v14 =	vadd.f32 v62, v42;
	v42 =	vmul.f32 v60, v5  }
0x276: {  	s30 =	sadd.s32 $0x1, s24;
	s29 =	simm.s32 $0x2;
	v16 =	vadd.f32 v15, v41;
	v15 =	vadd.f32 v63, v43;
	v37 =	vld [tilespmem:s28+$0xFFFFFFA8];
	v41 =	vmul.f32 v61, v5  }
.LBB2_9:
0x277: {  	p0 =	sne.s32 s29, $0x31;
	v33 =	vmov s30;
	v13 =	vadd.f32 v42, v13;
	v34 =	vmul.f32 v40, v5;
	v35 =	vld [tilespmem:s28+$0xFFFFFFB8]  }
0x278: {  	v12 =	vadd.f32 v41, v12;
	v38 =	vmul.f32 v38, v5;
	v40 =	vld [tilespmem:s28+$0xFFFFFFC8]  }
0x279: {  	v11 =	vadd.f32 v34, v11;
	v34 =	vmul.f32 v39, v5;
	v39 =	vld [tilespmem:s28+$0xFFFFFFD8]  }
0x27a: {  	v10 =	vadd.f32 v38, v10;
	v36 =	vmul.f32 v36, v5;
	v38 =	vld [tilespmem:s28+$0xFFFFFFE8]  }
0x27b: {  	v9 =	vadd.f32 v34, v9;
	v34 =	vmul.f32 v37, v5;
	v37 =	vld [tilespmem:s28+$0xFFFFFFF8]  }
0x27c: {  	s28 =	sadd.s32 $0x408, s28;
	v33 =	vld.idx.msk [tilespmem:v33+s15+$0x0], $0xffff;
	v8 =	vadd.f32 v36, v8;
	v35 =	vmul.f32 v35, v5  }
0x27d: {  	v36 =	vld [tilespmem:s28+$0x0];
	v7 =	vadd.f32 v34, v7;
	v34 =	vmul.f32 v40, v5  }
0x27e: {  	v40 =	vld [tilespmem:s28+$0xFFFFFE18];
	v6 =	vadd.f32 v35, v6;
	v35 =	vmul.f32 v39, v5  }
0x27f: {  	v39 =	vld [tilespmem:s28+$0xFFFFFE28];
	v4 =	vadd.f32 v34, v4;
	v34 =	vmul.f32 v38, v5  }
0x280: {  	v38 =	vld [tilespmem:s28+$0xFFFFFE38];
	v3 =	vadd.f32 v35, v3;
	v37 =	vmul.f32 v37, v5  }
0x281: {  	v35 =	vld [tilespmem:s28+$0xFFFFFE48];
	v1 =	vadd.f32 v34, v1  }
0x282: {  	v5 =	vmov v33;
	v34 =	vld [tilespmem:s28+$0xFFFFFE58];
	v36 =	vmul.f32 v36, v33;
	v0 =	vadd.f32 v37, v0  }
0x283: {  	v33 =	vmul.f32 v40, v5;
	v37 =	vld [tilespmem:s28+$0xFFFFFE68]  }
0x284: {  	v39 =	vmul.f32 v39, v5;
	v40 =	vld [tilespmem:s28+$0xFFFFFE78];
	v2 =	vadd.f32 v36, v2  }
0x285: {  	v28 =	vadd.f32 v33, v28;
	v33 =	vmul.f32 v38, v5;
	v36 =	vld [tilespmem:s28+$0xFFFFFE88]  }
0x286: {  	v31 =	vadd.f32 v39, v31;
	v35 =	vmul.f32 v35, v5;
	v38 =	vld [tilespmem:s28+$0xFFFFFE98]  }
0x287: {  	v32 =	vadd.f32 v33, v32;
	v33 =	vmul.f32 v34, v5;
	v34 =	vld [tilespmem:s28+$0xFFFFFEA8]  }
0x288: {  	v29 =	vadd.f32 v35, v29;
	v35 =	vmul.f32 v37, v5;
	v37 =	vld [tilespmem:s28+$0xFFFFFEB8]  }
0x289: {  	v30 =	vadd.f32 v33, v30;
	v33 =	vmul.f32 v40, v5;
	v39 =	vld [tilespmem:s28+$0xFFFFFEC8]  }
0x28a: {  	v24 =	vadd.f32 v35, v24;
	v35 =	vmul.f32 v36, v5;
	v36 =	vld [tilespmem:s28+$0xFFFFFED8]  }
0x28b: {  	v25 =	vadd.f32 v33, v25;
	v33 =	vmul.f32 v38, v5;
	v38 =	vld [tilespmem:s28+$0xFFFFFEE8]  }
0x28c: {  	v26 =	vadd.f32 v35, v26;
	v34 =	vmul.f32 v34, v5;
	v35 =	vld [tilespmem:s28+$0xFFFFFEF8]  }
0x28d: {  	v27 =	vadd.f32 v33, v27;
	v33 =	vmul.f32 v37, v5;
	v37 =	vld [tilespmem:s28+$0xFFFFFF08]  }
0x28e: {  	v23 =	vadd.f32 v34, v23;
	v34 =	vmul.f32 v39, v5;
	v39 =	vld [tilespmem:s28+$0xFFFFFF18]  }
0x28f: {  	v22 =	vadd.f32 v33, v22;
	v33 =	vmul.f32 v36, v5;
	v36 =	vld [tilespmem:s28+$0xFFFFFF28]  }
0x290: {  	v21 =	vadd.f32 v34, v21;
	v34 =	vmul.f32 v38, v5;
	v41 =	vld [tilespmem:s28+$0xFFFFFF38]  }
0x291: {  	v20 =	vadd.f32 v33, v20;
	v33 =	vmul.f32 v35, v5;
	v35 =	vld [tilespmem:s28+$0xFFFFFF48]  }
0x292: {  	v18 =	vadd.f32 v34, v18;
	v34 =	vmul.f32 v37, v5;
	v37 =	vld [tilespmem:s28+$0xFFFFFF58]  }
.Ltmp3:
0x293: {  	v19 =	vadd.f32 v33, v19;
	v33 =	vmul.f32 v39, v5;
	v40 =	vld [tilespmem:s28+$0xFFFFFF68];
	(pc) =	sbr.rel @p0 .LBB2_9-.Ltmp3, $4  }
0x294: {  	v17 =	vadd.f32 v34, v17;
	v34 =	vmul.f32 v36, v5;
	v38 =	vld [tilespmem:s28+$0xFFFFFF78]  }
0x295: {  	v16 =	vadd.f32 v33, v16;
	v33 =	vmul.f32 v41, v5;
	v39 =	vld [tilespmem:s28+$0xFFFFFF88]  }
0x296: {  	v14 =	vadd.f32 v34, v14;
	v42 =	vmul.f32 v35, v5;
	v36 =	vld [tilespmem:s28+$0xFFFFFF98]  }
0x297: {  	s30 =	sadd.s32 s24, s29;
	s29 =	sadd.s32 $0x1, s29;
	v15 =	vadd.f32 v33, v15;
	v41 =	vmul.f32 v37, v5;
	v37 =	vld [tilespmem:s28+$0xFFFFFFA8]  }
0x298: {  	v34 =	vld [tilespmem:s28+$0xFFFFFFB8];
	s24 =	sadd.s32 $0x408, s28  }
0x299: {  	v46 =	vld [tilespmem:s24+$0xFFFFFF78]  }
0x29a: {  	v62 =	vld [tilespmem:s28+$0xFFFFFFC8]  }
0x29b: {  	v63 =	vld [tilespmem:s28+$0xFFFFFFD8]  }
0x29c: {  	v43 =	vld [tilespmem:s28+$0xFFFFFFE8]  }
0x29d: {  	v44 =	vld [tilespmem:s28+$0xFFFFFFF8]  }
0x29e: {  	[tilespmem:$0x1FCA0] =	vst v46;
	v46 =	vld [tilespmem:s24+$0xFFFFFF88]  }
0x29f: {  	v45 =	vld [tilespmem:s24+$0x0]  }
0x2a0: {  	v47 =	vld [tilespmem:s24+$0xFFFFFE18]  }
0x2a1: {  	v48 =	vld [tilespmem:s24+$0xFFFFFE28]  }
0x2a2: {  	v49 =	vld [tilespmem:s24+$0xFFFFFE38]  }
0x2a3: {  	[tilespmem:$0x1FCB0] =	vst v46;
	v46 =	vld [tilespmem:s24+$0xFFFFFF98]  }
0x2a4: {  	v50 =	vld [tilespmem:s24+$0xFFFFFE48]  }
0x2a5: {  	v51 =	vld [tilespmem:s24+$0xFFFFFE58]  }
0x2a6: {  	v52 =	vld [tilespmem:s24+$0xFFFFFE68]  }
0x2a7: {  	v53 =	vld [tilespmem:s24+$0xFFFFFE78]  }
0x2a8: {  	[tilespmem:$0x1FCD0] =	vst v46;
	v46 =	vld [tilespmem:s24+$0xFFFFFFA8]  }
0x2a9: {  	v54 =	vld [tilespmem:s24+$0xFFFFFE88]  }
0x2aa: {  	v55 =	vld [tilespmem:s24+$0xFFFFFE98]  }
0x2ab: {  	v56 =	vld [tilespmem:s24+$0xFFFFFEA8]  }
0x2ac: {  	v57 =	vld [tilespmem:s24+$0xFFFFFEB8]  }
0x2ad: {  	[tilespmem:$0x1FCE0] =	vst v46;
	v46 =	vld [tilespmem:s24+$0xFFFFFFB8]  }
0x2ae: {  	v33 =	vmov s30;
	v58 =	vld [tilespmem:s24+$0xFFFFFEC8]  }
0x2af: {  	v59 =	vld [tilespmem:s24+$0xFFFFFED8]  }
0x2b0: {  	v60 =	vld [tilespmem:s24+$0xFFFFFEE8]  }
0x2b1: {  	v61 =	vld [tilespmem:s24+$0xFFFFFEF8]  }
0x2b2: {  	[tilespmem:$0x1FD00] =	vst v46;
	v46 =	vld [tilespmem:s24+$0xFFFFFFC8]  }
0x2b3: {  	v33 =	vld.idx.msk [tilespmem:v33+s15+$0x0], $0xffff  }
0x2b4: {  	v35 =	vld [tilespmem:s24+$0xFFFFFF38]  }
0x2b5: {  	[tilespmem:$0x1FC90] =	vst v62;
	v62 =	vld [tilespmem:s24+$0xFFFFFF08]  }
0x2b6: {  	[tilespmem:$0x1FCC0] =	vst v63;
	v63 =	vld [tilespmem:s24+$0xFFFFFF18]  }
0x2b7: {  	[tilespmem:$0x1FD10] =	vst v46;
	v46 =	vld [tilespmem:s24+$0xFFFFFFD8]  }
0x2b8: {  	[tilespmem:$0x1FC80] =	vst v34;
	v34 =	vld [tilespmem:s24+$0xFFFFFF28];
	v47 =	vmul.f32 v47, v33  }
0x2b9: {  	[tilespmem:$0x1FCF0] =	vst v43;
	v43 =	vld [tilespmem:s24+$0xFFFFFF48];
	v48 =	vmul.f32 v48, v33  }
0x2ba: {  	[tilespmem:$0x1FD20] =	vst v44;
	v44 =	vld [tilespmem:s24+$0xFFFFFF58];
	v28 =	vadd.f32 v47, v28;
	v47 =	vmul.f32 v49, v33  }
0x2bb: {  	[tilespmem:$0x1FD40] =	vst v45;
	v45 =	vld [tilespmem:s24+$0xFFFFFF68];
	v31 =	vadd.f32 v48, v31  }
0x2bc: {  	v49 =	vld [tilespmem:s24+$0xFFFFFFE8];
	v48 =	vmul.f32 v52, v33;
	v32 =	vadd.f32 v47, v32;
	v47 =	vmul.f32 v51, v33;
	[tilespmem:$0x1FD30] =	vst v46  }
0x2bd: {  	v51 =	vmul.f32 v53, v33;
	v46 =	vmul.f32 v50, v33;
	v50 =	vld [tilespmem:s24+$0xFFFFFFF8];
	[tilespmem:s25+$0x1D798] =	vst v28  }
0x2be: {  	v52 =	vmul.f32 v54, v33;
	v24 =	vadd.f32 v48, v24;
	[tilespmem:s25+$0x1D7A8] =	vst v31  }
0x2bf: {  	v53 =	vmul.f32 v55, v33;
	v25 =	vadd.f32 v51, v25;
	[tilespmem:s25+$0x1D7B8] =	vst v32  }
0x2c0: {  	v54 =	vmul.f32 v56, v33;
	v26 =	vadd.f32 v52, v26;
	[tilespmem:s25+$0x1D7E8] =	vst v24  }
0x2c1: {  	v56 =	vmul.f32 v57, v33;
	v27 =	vadd.f32 v53, v27;
	[tilespmem:s25+$0x1D7F8] =	vst v25  }
0x2c2: {  	v57 =	vmul.f32 v58, v33;
	v23 =	vadd.f32 v54, v23;
	[tilespmem:s25+$0x1D808] =	vst v26  }
0x2c3: {  	v13 =	vadd.f32 v42, v13;
	v58 =	vmul.f32 v59, v33;
	v22 =	vadd.f32 v56, v22;
	[tilespmem:s25+$0x1D818] =	vst v27  }
0x2c4: {  	v12 =	vadd.f32 v41, v12;
	v41 =	vmul.f32 v35, v33;
	v21 =	vadd.f32 v57, v21;
	[tilespmem:s25+$0x1D828] =	vst v23  }
0x2c5: {  	v42 =	vmul.f32 v43, v33;
	v44 =	vmul.f32 v44, v33;
	v20 =	vadd.f32 v58, v20;
	v58 =	vld [tilespmem:$0x1FD20];
	[tilespmem:s25+$0x1D838] =	vst v22  }
0x2c6: {  	v59 =	vmul.f32 v38, v5;
	v38 =	vmul.f32 v36, v5;
	v15 =	vadd.f32 v41, v15;
	[tilespmem:s25+$0x1D848] =	vst v21  }
0x2c7: {  	v13 =	vadd.f32 v42, v13;
	v12 =	vadd.f32 v44, v12;
	v55 =	vmul.f32 v40, v5;
	v54 =	vld [tilespmem:$0x1FCE0];
	[tilespmem:s25+$0x1D858] =	vst v20  }
0x2c8: {  	v10 =	vadd.f32 v59, v10;
	v40 =	vmul.f32 v37, v5;
	v8 =	vadd.f32 v38, v8;
	v51 =	vld [tilespmem:$0x1FCB0];
	[tilespmem:s25+$0x1D8B8] =	vst v15  }
0x2c9: {  	v43 =	vld [tilespmem:$0x1FC80];
	v11 =	vadd.f32 v55, v11;
	v28 =	vadd.f32 v47, v30;
	v30 =	vmul.f32 v61, v33;
	[tilespmem:s25+$0x1D8C8] =	vst v13  }
0x2ca: {  	v52 =	vld [tilespmem:$0x1FCC0];
	v59 =	vmul.f32 v58, v5;
	v31 =	vmul.f32 v62, v33;
	[tilespmem:s25+$0x1D8D8] =	vst v12;
	v29 =	vadd.f32 v46, v29  }
0x2cb: {  	v7 =	vadd.f32 v40, v7;
	v53 =	vld [tilespmem:$0x1FCD0];
	v32 =	vmul.f32 v63, v33;
	[tilespmem:s25+$0x1D7D8] =	vst v28;
	v19 =	vadd.f32 v30, v19  }
0x2cc: {  	v48 =	vld [tilespmem:$0x1FCA0];
	v0 =	vadd.f32 v59, v0;
	v12 =	vmul.f32 v54, v33;
	v17 =	vadd.f32 v31, v17;
	[tilespmem:s25+$0x1D7C8] =	vst v29  }
0x2cd: {  	v47 =	vld [tilespmem:$0x1FC90];
	v15 =	vmul.f32 v51, v33;
	v28 =	vmul.f32 v60, v33;
	v16 =	vadd.f32 v32, v16;
	[tilespmem:s25+$0x1D878] =	vst v19  }
0x2ce: {  	v55 =	vld [tilespmem:$0x1FCF0];
	v7 =	vadd.f32 v12, v7;
	v29 =	vmul.f32 v39, v5;
	v39 =	vmul.f32 v34, v33;
	[tilespmem:s25+$0x1D888] =	vst v17  }
0x2cf: {  	v56 =	vld [tilespmem:$0x1FD00];
	v13 =	vmul.f32 v52, v5;
	v46 =	vmul.f32 v45, v33;
	v18 =	vadd.f32 v28, v18;
	[tilespmem:s25+$0x1D898] =	vst v16  }
0x2d0: {  	v17 =	vmul.f32 v43, v5;
	v16 =	vmul.f32 v53, v33;
	[tilespmem:s25+$0x1D928] =	vst v7;
	v14 =	vadd.f32 v39, v14  }
0x2d1: {  	v57 =	vld [tilespmem:$0x1FD10];
	v11 =	vadd.f32 v46, v11;
	v62 =	vmul.f32 v50, v33;
	v9 =	vadd.f32 v29, v9;
	[tilespmem:s25+$0x1D868] =	vst v18  }
0x2d2: {  	v60 =	vld [tilespmem:$0x1FD30];
	v18 =	vmul.f32 v48, v33;
	v8 =	vadd.f32 v16, v8;
	[tilespmem:s25+$0x1D8A8] =	vst v14;
	v14 =	vmul.f32 v47, v5  }
0x2d3: {  	v63 =	vld [tilespmem:$0x1FD40];
	v6 =	vadd.f32 v17, v6;
	[tilespmem:s25+$0x1D8E8] =	vst v11;
	v11 =	vmul.f32 v55, v5;
	v0 =	vadd.f32 v62, v0  }
0x2d4: {  	v10 =	vadd.f32 v18, v10;
	[tilespmem:s25+$0x1D918] =	vst v8;
	v4 =	vadd.f32 v14, v4;
	v14 =	vmul.f32 v56, v33  }
0x2d5: {  	v61 =	vmul.f32 v49, v33;
	v9 =	vadd.f32 v15, v9;
	v1 =	vadd.f32 v11, v1;
	[tilespmem:s25+$0x1D978] =	vst v0  }
0x2d6: {  	p0 =	sne.s32 s26, $0x7;
	[tilespmem:s25+$0x1D8F8] =	vst v10;
	v10 =	vmul.f32 v57, v33;
	v6 =	vadd.f32 v14, v6  }
0x2d7: {  	s23 =	sadd.s32 @!p0 s7, s23;
	v3 =	vadd.f32 v13, v3;
	[tilespmem:s25+$0x1D908] =	vst v9;
	v9 =	vmul.f32 v60, v33;
	v1 =	vadd.f32 v61, v1  }
0x2d8: {  	s23 =	smul.u32 @!p0 $0x408, s23;
	v4 =	vadd.f32 v10, v4;
	[tilespmem:s25+$0x1D938] =	vst v6;
	v6 =	vmul.f32 v63, v33  }
0x2d9: {  	v3 =	vadd.f32 v9, v3;
	[tilespmem:s25+$0x1D968] =	vst v1  }
0x2da: {  	s22 =	sadd.s32 $0x1, s22;
	s23 =	sadd.s32 @!p0 $0xFFFFE3C8, s23;
	[tilespmem:s25+$0x1D948] =	vst v4;
	v2 =	vadd.f32 v6, v2  }
0x2db: {  	p1 =	sne.s32 s22, $0x10;
	s23 =	sshrl.u32 @!p0 s23, $0x3;
	[tilespmem:s25+$0x1D958] =	vst v3  }
0x2dc: {  	s23 =	sadd.s32 @!p0 s3, s23;
	s24 =	simm.s32 @!p0 $0x0;
	[tilespmem:s25+$0x1D980] =	vst v2;
	s25 =	simm.s32 @!p0 $0x1D588  }
0x2dd: {  	[hbm4b:s23+s24] =	stream.linear.scatter @!p0 [tilespmem:s25], [sflag:$0x3], $0x2040, $0x38;
	[tilespmem:$0x1F5C8] =	vst v63  }
.Ltmp4:
0x2de: {  	_ = 	snop;
	(pc) =	sbr.rel @p1 .LBB2_2-.Ltmp4, $4  }
0x2df: {  	s23 =	simm.s32 @!p0 $0x3  }
0x2e0: {  	_ =	swait.ge @!p0 [sflag:s23], $0x2040  }
0x2e1: {  	[sflag:s23] =	ssyncset.done @!p0 $0x0  }
0x2e2: {  	[sflag:s23] =	ssyncadd.s32 @!p0 $0xFFFFDFC0  }
0x2e3: {  	s22 =	simm.s32 $0x0  }
0x2e4: {  	[tilespmem:s22], [sflag:$0x3] =	stream.linear.gather [hbm4b:s10+s22], $0x700, $0x38;
	[tilespmem:$0x1F5C8] =	vst v63  }
0x2e5: {  	_ =	swait.ge [sflag:s14], $0x700  }
0x2e6: {  	[sflag:s14] =	ssyncset.done $0x0  }
0x2e7: {  	[sflag:s14] =	ssyncadd.s32 $0xFFFFF900  }
0x2e8: {  	[tilespmem:s15], [sflag:$0x3] =	stream.linear.gather [hbm4b:s11+s22], $0x700, $0x38;
	[tilespmem:$0x1F5C8] =	vst v63  }
0x2e9: {  	_ =	swait.ge [sflag:s14], $0x700  }
0x2ea: {  	[sflag:s14] =	ssyncset.done $0x0  }
0x2eb: {  	[sflag:s14] =	ssyncadd.s32 $0xFFFFF900  }
0x2ec: {  	[tilespmem:s17], [sflag:$0x1] =	stream.indirect.gather [hbm4b:s5+s16], $0x408, s22, s16, $0xb8;
	[tilespmem:$0x1F5C8] =	vst v63  }
.LBB2_12:
0x2ed: {  	s23 =	sshllo.u32 s22, $0x1  }
0x2ee: {  	s24 =	smul.u32 $0x38, s23;
	_ =	sdelay $0x1  }
0x2ef: {  	[tilespmem:s18], [sflag:$0x2] =	stream.indirect.gather [hbm4b:s5+s16], $0x408, s24, s16, $0xb8;
	[tilespmem:$0x1F5C8] =	vst v63  }
0x2f0: {  	_ =	swait.ge [sflag:s19], $0xE1C0  }
0x2f1: {  	[sflag:s19] =	ssyncset.done $0x0  }
0x2f2: {  	[sflag:s19] =	ssyncadd.s32 $0xFFFF1E40  }
0x2f3: {  	v14 =	vld [tilespmem:$0x1D180]  }
0x2f4: {  	v15 =	vld [tilespmem:$0x1D190]  }
0x2f5: {  	v16 =	vld [tilespmem:$0x1D1A0]  }
0x2f6: {  	v17 =	vld [tilespmem:$0x1D1B0]  }
0x2f7: {  	v18 =	vld [tilespmem:$0x1D1C0]  }
0x2f8: {  	v19 =	vld [tilespmem:$0x1D1D0]  }
0x2f9: {  	v20 =	vld [tilespmem:$0x1D1E0]  }
0x2fa: {  	v21 =	vld [tilespmem:$0x1D1F0]  }
0x2fb: {  	v22 =	vld [tilespmem:$0x1D200]  }
0x2fc: {  	v23 =	vld [tilespmem:$0x1D210]  }
0x2fd: {  	v34 =	vld [tilespmem:$0x1D220]  }
0x2fe: {  	v35 =	vld [tilespmem:$0x1D230]  }
0x2ff: {  	v36 =	vld [tilespmem:$0x1D240]  }
0x300: {  	v37 =	vld [tilespmem:$0x1D250]  }
0x301: {  	v38 =	vld [tilespmem:$0x1D260]  }
0x302: {  	v39 =	vld [tilespmem:$0x1D270]  }
0x303: {  	v40 =	vld [tilespmem:$0x1D280]  }
0x304: {  	v43 =	vld [tilespmem:$0x1D290]  }
0x305: {  	v44 =	vld [tilespmem:$0x1D2A0]  }
0x306: {  	v45 =	vld [tilespmem:$0x1D2B0]  }
0x307: {  	v13 =	vld [tilespmem:$0x1D2C0]  }
0x308: {  	v12 =	vld [tilespmem:$0x1D2D0]  }
0x309: {  	v11 =	vld [tilespmem:$0x1D2E0]  }
0x30a: {  	v10 =	vld [tilespmem:$0x1D2F0]  }
0x30b: {  	v9 =	vld [tilespmem:$0x1D300]  }
0x30c: {  	v8 =	vld [tilespmem:$0x1D310]  }
0x30d: {  	v7 =	vld [tilespmem:$0x1D320]  }
0x30e: {  	v6 =	vld [tilespmem:$0x1D330]  }
0x30f: {  	v4 =	vld [tilespmem:$0x1D340]  }
0x310: {  	s25 =	smul.u32 $0x70, s22;
	v2 =	vld [tilespmem:$0x1D350]  }
0x311: {  	v1 =	vld [tilespmem:$0x1D360]  }
0x312: {  	s26 =	sadd.s32 $0x0, s25;
	v0 =	vld [tilespmem:$0x1D370]  }
0x313: {  	v3 =	vmov s26;
	s26 =	simm.s32 $0xF00;
	v24 =	vld [tilespmem:$0x1D380]  }
0x314: {  	v25 =	vld [tilespmem:s26+$0xFFFFFF00]  }
0x315: {  	v26 =	vld [tilespmem:s26+$0xFFFFFF10]  }
0x316: {  	v27 =	vld [tilespmem:s26+$0xFFFFFF20]  }
0x317: {  	v28 =	vld [tilespmem:s26+$0xFFFFFF30]  }
0x318: {  	v29 =	vld [tilespmem:s26+$0xFFFFFF40]  }
0x319: {  	v33 =	vld [tilespmem:s26+$0xFFFFFF50]  }
0x31a: {  	v41 =	vld [tilespmem:s26+$0xFFFFFF60]  }
0x31b: {  	v42 =	vld [tilespmem:s26+$0xFFFFFF70]  }
0x31c: {  	v5 =	vld.idx.msk [tilespmem:v3+s15+$0x0], $0xffff  }
0x31d: {  	v3 =	vld [tilespmem:s26+$0x100]  }
0x31e: {  	v46 =	vld [tilespmem:s26+$0xFFFFFF80]  }
0x31f: {  	v47 =	vld [tilespmem:s26+$0xFFFFFF90]  }
0x320: {  	v48 =	vld [tilespmem:s26+$0xFFFFFFA0]  }
0x321: {  	v49 =	vld [tilespmem:s26+$0xFFFFFFB0];
	v25 =	vmul.f32 v25, v5  }
0x322: {  	v50 =	vld [tilespmem:s26+$0xFFFFFFC0];
	v3 =	vmul.f32 v3, v5;
	v26 =	vmul.f32 v26, v5  }
0x323: {  	v51 =	vld [tilespmem:s26+$0xFFFFFFD0];
	v30 =	vadd.f32 v25, v14;
	v14 =	vmul.f32 v27, v5  }
0x324: {  	v52 =	vld [tilespmem:s26+$0xFFFFFFE0];
	v3 =	vadd.f32 v3, v24;
	v31 =	vadd.f32 v26, v15;
	v15 =	vmul.f32 v28, v5  }
0x325: {  	v59 =	vld [tilespmem:s26+$0xFFFFFFF0];
	v24 =	vmul.f32 v29, v5;
	v32 =	vadd.f32 v14, v16;
	v14 =	vmul.f32 v33, v5  }
0x326: {  	v60 =	vld [tilespmem:s26+$0x30];
	v16 =	vmul.f32 v41, v5;
	v33 =	vadd.f32 v15, v17;
	v15 =	vmul.f32 v42, v5  }
0x327: {  	v28 =	vadd.f32 v24, v18;
	v17 =	vld [tilespmem:s26+$0x0];
	v29 =	vadd.f32 v14, v19;
	v14 =	vmul.f32 v46, v5  }
0x328: {  	v24 =	vadd.f32 v16, v20;
	v16 =	vld [tilespmem:s26+$0x10];
	v25 =	vadd.f32 v15, v21;
	v15 =	vmul.f32 v47, v5  }
0x329: {  	v18 =	vmul.f32 v48, v5;
	v21 =	vld [tilespmem:s26+$0x20];
	v26 =	vadd.f32 v14, v22;
	v14 =	vmul.f32 v49, v5  }
0x32a: {  	v61 =	vld [tilespmem:s26+$0x40];
	v19 =	vmul.f32 v50, v5;
	v27 =	vadd.f32 v15, v23;
	v15 =	vmul.f32 v51, v5  }
0x32b: {  	v62 =	vld [tilespmem:s26+$0x50];
	v23 =	vadd.f32 v18, v34;
	v22 =	vadd.f32 v14, v35;
	v14 =	vmul.f32 v52, v5  }
0x32c: {  	v41 =	vld [tilespmem:s26+$0x60];
	v19 =	vadd.f32 v19, v36;
	v18 =	vadd.f32 v15, v37;
	v15 =	vmul.f32 v59, v5  }
0x32d: {  	v42 =	vld [tilespmem:s26+$0x70];
	v17 =	vmul.f32 v17, v5;
	v20 =	vadd.f32 v14, v38;
	v14 =	vmul.f32 v16, v5  }
0x32e: {  	v63 =	vmul.f32 v21, v5;
	v21 =	vadd.f32 v15, v39;
	v15 =	vmul.f32 v60, v5;
	v39 =	vld [tilespmem:s26+$0x80]  }
0x32f: {  	v37 =	vld [tilespmem:s26+$0x90];
	v17 =	vadd.f32 v17, v40;
	v16 =	vadd.f32 v14, v43;
	v43 =	vmul.f32 v61, v5  }
0x330: {  	s28 =	sshll.u32 s22, $0x1;
	s29 =	simm.s32 $0x2;
	s30 =	sadd.s32 $0x1, s25;
	v40 =	vld [tilespmem:s26+$0xA0];
	v14 =	vadd.f32 v63, v44;
	v15 =	vadd.f32 v15, v45;
	v44 =	vmul.f32 v62, v5  }
.LBB2_13:
0x331: {  	p0 =	sne.s32 s29, $0x31;
	v34 =	vmov s30;
	v13 =	vadd.f32 v43, v13;
	v35 =	vmul.f32 v41, v5;
	v36 =	vld [tilespmem:s26+$0xB0]  }
0x332: {  	v12 =	vadd.f32 v44, v12;
	v38 =	vmul.f32 v42, v5;
	v41 =	vld [tilespmem:s26+$0xC0]  }
0x333: {  	v11 =	vadd.f32 v35, v11;
	v35 =	vmul.f32 v39, v5;
	v39 =	vld [tilespmem:s26+$0xD0]  }
0x334: {  	v10 =	vadd.f32 v38, v10;
	v37 =	vmul.f32 v37, v5;
	v38 =	vld [tilespmem:s26+$0xE0]  }
0x335: {  	v9 =	vadd.f32 v35, v9;
	v35 =	vmul.f32 v40, v5;
	v40 =	vld [tilespmem:s26+$0xF0]  }
0x336: {  	s26 =	sadd.s32 $0x408, s26;
	v34 =	vld.idx.msk [tilespmem:v34+s15+$0x0], $0xffff;
	v8 =	vadd.f32 v37, v8;
	v36 =	vmul.f32 v36, v5  }
0x337: {  	v37 =	vld [tilespmem:s26+$0x100];
	v7 =	vadd.f32 v35, v7;
	v35 =	vmul.f32 v41, v5  }
0x338: {  	v41 =	vld [tilespmem:s26+$0xFFFFFF00];
	v6 =	vadd.f32 v36, v6;
	v36 =	vmul.f32 v39, v5  }
0x339: {  	v39 =	vld [tilespmem:s26+$0xFFFFFF10];
	v4 =	vadd.f32 v35, v4;
	v35 =	vmul.f32 v38, v5  }
0x33a: {  	v38 =	vld [tilespmem:s26+$0xFFFFFF20];
	v2 =	vadd.f32 v36, v2;
	v40 =	vmul.f32 v40, v5  }
0x33b: {  	v36 =	vld [tilespmem:s26+$0xFFFFFF30];
	v1 =	vadd.f32 v35, v1  }
0x33c: {  	v5 =	vmov v34;
	v35 =	vld [tilespmem:s26+$0xFFFFFF40];
	v37 =	vmul.f32 v37, v34;
	v0 =	vadd.f32 v40, v0  }
0x33d: {  	v34 =	vmul.f32 v41, v5;
	v40 =	vld [tilespmem:s26+$0xFFFFFF50]  }
0x33e: {  	v39 =	vmul.f32 v39, v5;
	v41 =	vld [tilespmem:s26+$0xFFFFFF60];
	v3 =	vadd.f32 v37, v3  }
0x33f: {  	v30 =	vadd.f32 v34, v30;
	v34 =	vmul.f32 v38, v5;
	v37 =	vld [tilespmem:s26+$0xFFFFFF70]  }
0x340: {  	v31 =	vadd.f32 v39, v31;
	v36 =	vmul.f32 v36, v5;
	v38 =	vld [tilespmem:s26+$0xFFFFFF80]  }
0x341: {  	v32 =	vadd.f32 v34, v32;
	v34 =	vmul.f32 v35, v5;
	v35 =	vld [tilespmem:s26+$0xFFFFFF90]  }
0x342: {  	v33 =	vadd.f32 v36, v33;
	v36 =	vmul.f32 v40, v5;
	v39 =	vld [tilespmem:s26+$0xFFFFFFA0]  }
0x343: {  	v28 =	vadd.f32 v34, v28;
	v34 =	vmul.f32 v41, v5;
	v40 =	vld [tilespmem:s26+$0xFFFFFFB0]  }
0x344: {  	v29 =	vadd.f32 v36, v29;
	v36 =	vmul.f32 v37, v5;
	v37 =	vld [tilespmem:s26+$0xFFFFFFC0]  }
0x345: {  	v24 =	vadd.f32 v34, v24;
	v34 =	vmul.f32 v38, v5;
	v38 =	vld [tilespmem:s26+$0xFFFFFFD0]  }
0x346: {  	v25 =	vadd.f32 v36, v25;
	v35 =	vmul.f32 v35, v5;
	v36 =	vld [tilespmem:s26+$0xFFFFFFE0]  }
0x347: {  	v26 =	vadd.f32 v34, v26;
	v34 =	vmul.f32 v39, v5;
	v39 =	vld [tilespmem:s26+$0xFFFFFFF0]  }
0x348: {  	v27 =	vadd.f32 v35, v27;
	v35 =	vmul.f32 v40, v5;
	v40 =	vld [tilespmem:s26+$0x0]  }
0x349: {  	v23 =	vadd.f32 v34, v23;
	v34 =	vmul.f32 v37, v5;
	v37 =	vld [tilespmem:s26+$0x10]  }
0x34a: {  	v22 =	vadd.f32 v35, v22;
	v35 =	vmul.f32 v38, v5;
	v38 =	vld [tilespmem:s26+$0x20]  }
0x34b: {  	v19 =	vadd.f32 v34, v19;
	v34 =	vmul.f32 v36, v5;
	v36 =	vld [tilespmem:s26+$0x30]  }
0x34c: {  	v18 =	vadd.f32 v35, v18;
	v35 =	vmul.f32 v39, v5;
	v43 =	vld [tilespmem:s26+$0x40]  }
0x34d: {  	v20 =	vadd.f32 v34, v20;
	v34 =	vmul.f32 v40, v5;
	v40 =	vld [tilespmem:s26+$0x50]  }
.Ltmp5:
0x34e: {  	v21 =	vadd.f32 v35, v21;
	v35 =	vmul.f32 v37, v5;
	v41 =	vld [tilespmem:s26+$0x60];
	(pc) =	sbr.rel @p0 .LBB2_13-.Ltmp5, $4  }
0x34f: {  	v17 =	vadd.f32 v34, v17;
	v34 =	vmul.f32 v38, v5;
	v42 =	vld [tilespmem:s26+$0x70]  }
0x350: {  	v16 =	vadd.f32 v35, v16;
	v35 =	vmul.f32 v36, v5;
	v39 =	vld [tilespmem:s26+$0x80]  }
0x351: {  	v14 =	vadd.f32 v34, v14;
	v43 =	vmul.f32 v43, v5;
	v37 =	vld [tilespmem:s26+$0x90]  }
0x352: {  	s30 =	sadd.s32 s25, s29;
	s29 =	sadd.s32 $0x1, s29;
	v15 =	vadd.f32 v35, v15;
	v44 =	vmul.f32 v40, v5;
	v40 =	vld [tilespmem:s26+$0xA0]  }
0x353: {  	s29 =	sadd.s32 $0x408, s26  }
0x354: {  	v47 =	vld [tilespmem:s29+$0x50];
	_ =	sdelay $0x4  }
0x355: {  	[tilespmem:$0x1FBA0] =	vst v47;
	v47 =	vld [tilespmem:s29+$0x60];
	_ =	sdelay $0x4  }
0x356: {  	[tilespmem:$0x1FBB0] =	vst v47;
	v47 =	vld [tilespmem:s29+$0x70]  }
0x357: {  	v35 =	vld [tilespmem:s26+$0xB0]  }
0x358: {  	v63 =	vld [tilespmem:s26+$0xC0]  }
0x359: {  	v36 =	vld [tilespmem:s26+$0xD0]  }
0x35a: {  	v38 =	vld [tilespmem:s26+$0xE0]  }
0x35b: {  	[tilespmem:$0x1FBD0] =	vst v47;
	v47 =	vld [tilespmem:s29+$0x80]  }
0x35c: {  	v45 =	vld [tilespmem:s26+$0xF0]  }
0x35d: {  	v46 =	vld [tilespmem:s29+$0x100]  }
0x35e: {  	v48 =	vld [tilespmem:s29+$0xFFFFFF00]  }
0x35f: {  	v49 =	vld [tilespmem:s29+$0xFFFFFF10]  }
0x360: {  	[tilespmem:$0x1FBE0] =	vst v47;
	v47 =	vld [tilespmem:s29+$0x90]  }
0x361: {  	v50 =	vld [tilespmem:s29+$0xFFFFFF20]  }
0x362: {  	v51 =	vld [tilespmem:s29+$0xFFFFFF30]  }
0x363: {  	v52 =	vld [tilespmem:s29+$0xFFFFFF40]  }
0x364: {  	v53 =	vld [tilespmem:s29+$0xFFFFFF50]  }
0x365: {  	[tilespmem:$0x1FC00] =	vst v47;
	v47 =	vld [tilespmem:s29+$0xA0]  }
0x366: {  	v54 =	vld [tilespmem:s29+$0xFFFFFF60]  }
0x367: {  	v55 =	vld [tilespmem:s29+$0xFFFFFF70]  }
0x368: {  	v56 =	vld [tilespmem:s29+$0xFFFFFF80]  }
0x369: {  	v57 =	vld [tilespmem:s29+$0xFFFFFF90]  }
0x36a: {  	[tilespmem:$0x1FC10] =	vst v47;
	v47 =	vld [tilespmem:s29+$0xB0]  }
0x36b: {  	v58 =	vld [tilespmem:s29+$0xFFFFFFA0]  }
0x36c: {  	v34 =	vmov s30;
	v59 =	vld [tilespmem:s29+$0xFFFFFFB0]  }
0x36d: {  	v60 =	vld [tilespmem:s29+$0xFFFFFFC0]  }
0x36e: {  	v61 =	vld [tilespmem:s29+$0xFFFFFFD0]  }
0x36f: {  	[tilespmem:$0x1FC30] =	vst v47;
	v47 =	vld [tilespmem:s29+$0xC0]  }
0x370: {  	v62 =	vld [tilespmem:s29+$0xFFFFFFE0]  }
0x371: {  	v34 =	vld.idx.msk [tilespmem:v34+s15+$0x0], $0xffff  }
0x372: {  	[tilespmem:$0x1FBC0] =	vst v63;
	v63 =	vld [tilespmem:s29+$0xFFFFFFF0]  }
0x373: {  	[tilespmem:$0x1FB90] =	vst v35;
	v35 =	vld [tilespmem:s29+$0x0]  }
0x374: {  	[tilespmem:$0x1FC40] =	vst v47;
	v47 =	vld [tilespmem:s29+$0xD0]  }
0x375: {  	[tilespmem:$0x1FBF0] =	vst v36;
	v36 =	vld [tilespmem:s29+$0x10]  }
0x376: {  	s31 =	sand.u32 $0x6, s28;
	[tilespmem:$0x1FC20] =	vst v38;
	v38 =	vld [tilespmem:s29+$0x20];
	v48 =	vmul.f32 v48, v34  }
0x377: {  	s26 =	smul.u32 $0x1020, s31;
	[tilespmem:$0x1FC50] =	vst v45;
	v45 =	vld [tilespmem:s29+$0x30];
	v49 =	vmul.f32 v49, v34  }
0x378: {  	[tilespmem:$0x1FC70] =	vst v46;
	v46 =	vld [tilespmem:s29+$0x40];
	v30 =	vadd.f32 v48, v30  }
0x379: {  	s26 =	sshrl.u32 s26, $0x2;
	v48 =	vmul.f32 v50, v34;
	v50 =	vld [tilespmem:s29+$0xE0];
	v31 =	vadd.f32 v49, v31;
	[tilespmem:$0x1FC60] =	vst v47  }
0x37a: {  	v47 =	vld [tilespmem:s29+$0xF0];
	[tilespmem:s26+$0x1D588] =	vst v30;
	v30 =	vmul.f32 v52, v34  }
0x37b: {  	[tilespmem:s26+$0x1D598] =	vst v31;
	v31 =	vmul.f32 v53, v34  }
0x37c: {  	v28 =	vadd.f32 v30, v28  }
0x37d: {  	v29 =	vadd.f32 v31, v29;
	v31 =	vmul.f32 v55, v34  }
0x37e: {  	[tilespmem:s26+$0x1D5C8] =	vst v28;
	v28 =	vmul.f32 v56, v34  }
0x37f: {  	v30 =	vmul.f32 v54, v34;
	v25 =	vadd.f32 v31, v25  }
0x380: {  	[tilespmem:s26+$0x1D5D8] =	vst v29;
	v29 =	vmul.f32 v57, v34;
	v26 =	vadd.f32 v28, v26  }
0x381: {  	v24 =	vadd.f32 v30, v24;
	[tilespmem:s26+$0x1D5F8] =	vst v25;
	v25 =	vmul.f32 v59, v34  }
0x382: {  	v27 =	vadd.f32 v29, v27;
	[tilespmem:s26+$0x1D608] =	vst v26;
	v26 =	vmul.f32 v60, v34  }
0x383: {  	[tilespmem:s26+$0x1D5E8] =	vst v24;
	v22 =	vadd.f32 v25, v22  }
0x384: {  	[tilespmem:s26+$0x1D618] =	vst v27;
	v19 =	vadd.f32 v26, v19  }
0x385: {  	v24 =	vmul.f32 v58, v34;
	[tilespmem:s26+$0x1D638] =	vst v22;
	v22 =	vmul.f32 v63, v34  }
0x386: {  	v27 =	vmul.f32 v61, v34;
	[tilespmem:s26+$0x1D648] =	vst v19;
	v19 =	vmul.f32 v39, v5  }
0x387: {  	v23 =	vadd.f32 v24, v23;
	v21 =	vadd.f32 v22, v21;
	v22 =	vmul.f32 v36, v34  }
0x388: {  	v18 =	vadd.f32 v27, v18;
	v9 =	vadd.f32 v19, v9;
	v19 =	vmul.f32 v38, v34  }
0x389: {  	[tilespmem:s26+$0x1D628] =	vst v23;
	v16 =	vadd.f32 v22, v16;
	v22 =	vmul.f32 v45, v34  }
0x38a: {  	[tilespmem:s26+$0x1D658] =	vst v18;
	v14 =	vadd.f32 v19, v14  }
0x38b: {  	v23 =	vmul.f32 v62, v34;
	v15 =	vadd.f32 v22, v15;
	[tilespmem:s26+$0x1D698] =	vst v16;
	v16 =	vld [tilespmem:$0x1FBB0]  }
0x38c: {  	v18 =	vmul.f32 v37, v5;
	[tilespmem:s26+$0x1D6A8] =	vst v14;
	v14 =	vld [tilespmem:$0x1FBC0]  }
0x38d: {  	v20 =	vadd.f32 v23, v20;
	v23 =	vmul.f32 v35, v34;
	[tilespmem:s26+$0x1D6B8] =	vst v15;
	v15 =	vld [tilespmem:$0x1FBE0]  }
0x38e: {  	v13 =	vadd.f32 v43, v13;
	v8 =	vadd.f32 v18, v8;
	v18 =	vmul.f32 v46, v34  }
0x38f: {  	v24 =	vmul.f32 v41, v5;
	v17 =	vadd.f32 v23, v17;
	v19 =	vld [tilespmem:$0x1FBA0]  }
0x390: {  	v13 =	vadd.f32 v18, v13;
	v18 =	vld [tilespmem:$0x1FBD0]  }
0x391: {  	v11 =	vadd.f32 v24, v11;
	[tilespmem:s26+$0x1D688] =	vst v17;
	v17 =	vld [tilespmem:$0x1FB90];
	v16 =	vmul.f32 v16, v34  }
0x392: {  	[tilespmem:s26+$0x1D6C8] =	vst v13;
	v13 =	vld [tilespmem:$0x1FBF0];
	v14 =	vmul.f32 v14, v5;
	v15 =	vmul.f32 v15, v34  }
0x393: {  	v12 =	vadd.f32 v44, v12;
	v25 =	vmul.f32 v42, v5;
	v11 =	vadd.f32 v16, v11;
	v16 =	vld [tilespmem:$0x1FC00]  }
0x394: {  	v19 =	vmul.f32 v19, v34;
	v4 =	vadd.f32 v14, v4;
	v9 =	vadd.f32 v15, v9;
	v14 =	vld [tilespmem:$0x1FC30]  }
0x395: {  	v10 =	vadd.f32 v25, v10;
	v18 =	vmul.f32 v18, v34;
	[tilespmem:s26+$0x1D6E8] =	vst v11;
	v11 =	vld [tilespmem:$0x1FC20]  }
0x396: {  	v12 =	vadd.f32 v19, v12;
	[tilespmem:s26+$0x1D708] =	vst v9;
	v9 =	vld [tilespmem:$0x1FC50]  }
0x397: {  	[tilespmem:s26+$0x1D668] =	vst v20;
	v17 =	vmul.f32 v17, v5;
	v10 =	vadd.f32 v18, v10  }
0x398: {  	v49 =	vmul.f32 v51, v34;
	[tilespmem:s26+$0x1D6D8] =	vst v12;
	v12 =	vld [tilespmem:$0x1FC10]  }
0x399: {  	v20 =	vmul.f32 v40, v5;
	v6 =	vadd.f32 v17, v6;
	[tilespmem:s26+$0x1D6F8] =	vst v10;
	v10 =	vld [tilespmem:$0x1FC40];
	v14 =	vmul.f32 v14, v34  }
0x39a: {  	v32 =	vadd.f32 v48, v32;
	v13 =	vmul.f32 v13, v5;
	v16 =	vmul.f32 v16, v34  }
0x39b: {  	v11 =	vmul.f32 v11, v5;
	v5 =	vmul.f32 v9, v5;
	v6 =	vadd.f32 v14, v6;
	v9 =	vld [tilespmem:$0x1FC60]  }
0x39c: {  	v33 =	vadd.f32 v49, v33;
	[tilespmem:s26+$0x1D5A8] =	vst v32  }
0x39d: {  	v7 =	vadd.f32 v20, v7;
	v12 =	vmul.f32 v12, v34;
	v8 =	vadd.f32 v16, v8;
	[tilespmem:s26+$0x1D738] =	vst v6;
	v6 =	vld [tilespmem:$0x1FC70]  }
0x39e: {  	[tilespmem:s26+$0x1D5B8] =	vst v33;
	v10 =	vmul.f32 v10, v34  }
0x39f: {  	v7 =	vadd.f32 v12, v7;
	[tilespmem:s26+$0x1D718] =	vst v8;
	v1 =	vadd.f32 v11, v1;
	v8 =	vmul.f32 v50, v34  }
0x3a0: {  	[tilespmem:s26+$0x1D678] =	vst v21;
	v2 =	vadd.f32 v13, v2;
	v4 =	vadd.f32 v10, v4;
	v9 =	vmul.f32 v9, v34  }
0x3a1: {  	[tilespmem:s26+$0x1D728] =	vst v7;
	v0 =	vadd.f32 v5, v0;
	v5 =	vmul.f32 v47, v34;
	v1 =	vadd.f32 v8, v1  }
0x3a2: {  	[tilespmem:s26+$0x1D748] =	vst v4;
	v2 =	vadd.f32 v9, v2;
	v6 =	vmul.f32 v6, v34  }
0x3a3: {  	v0 =	vadd.f32 v5, v0;
	[tilespmem:s26+$0x1D768] =	vst v1  }
0x3a4: {  	[tilespmem:s26+$0x1D758] =	vst v2;
	v2 =	vadd.f32 v6, v3  }
0x3a5: {  	[tilespmem:s26+$0x1D778] =	vst v0  }
0x3a6: {  	[tilespmem:s26+$0x1D788] =	vst v2  }
0x3a7: {  	v14 =	vld [tilespmem:$0x1D390]  }
0x3a8: {  	v15 =	vld [tilespmem:$0x1D3A0]  }
0x3a9: {  	v16 =	vld [tilespmem:$0x1D3B0]  }
0x3aa: {  	v17 =	vld [tilespmem:$0x1D3C0]  }
0x3ab: {  	v18 =	vld [tilespmem:$0x1D3D0]  }
0x3ac: {  	v19 =	vld [tilespmem:$0x1D3E0]  }
0x3ad: {  	v20 =	vld [tilespmem:$0x1D3F0]  }
0x3ae: {  	v21 =	vld [tilespmem:$0x1D400]  }
0x3af: {  	v22 =	vld [tilespmem:$0x1D410]  }
0x3b0: {  	v23 =	vld [tilespmem:$0x1D420]  }
0x3b1: {  	v33 =	vld [tilespmem:$0x1D430]  }
0x3b2: {  	v61 =	vld [tilespmem:$0x1D440]  }
0x3b3: {  	v35 =	vld [tilespmem:$0x1D450]  }
0x3b4: {  	v36 =	vld [tilespmem:$0x1D460]  }
0x3b5: {  	v37 =	vld [tilespmem:$0x1D470]  }
0x3b6: {  	v38 =	vld [tilespmem:$0x1D480]  }
0x3b7: {  	v41 =	vld [tilespmem:$0x1D490]  }
0x3b8: {  	v42 =	vld [tilespmem:$0x1D4A0]  }
0x3b9: {  	v43 =	vld [tilespmem:$0x1D4B0]  }
0x3ba: {  	v13 =	vld [tilespmem:$0x1D4C0]  }
0x3bb: {  	v12 =	vld [tilespmem:$0x1D4D0]  }
0x3bc: {  	v11 =	vld [tilespmem:$0x1D4E0]  }
0x3bd: {  	v10 =	vld [tilespmem:$0x1D4F0]  }
0x3be: {  	v9 =	vld [tilespmem:$0x1D500]  }
0x3bf: {  	v8 =	vld [tilespmem:$0x1D510]  }
0x3c0: {  	v7 =	vld [tilespmem:$0x1D520]  }
0x3c1: {  	v6 =	vld [tilespmem:$0x1D530]  }
0x3c2: {  	v4 =	vld [tilespmem:$0x1D540]  }
0x3c3: {  	v3 =	vld [tilespmem:$0x1D550]  }
0x3c4: {  	v1 =	vld [tilespmem:$0x1D560]  }
0x3c5: {  	s28 =	sadd.s32 $0x0, s25;
	v0 =	vld [tilespmem:$0x1D570]  }
0x3c6: {  	v2 =	vmov s28;
	s28 =	simm.s32 $0x11F8;
	v24 =	vld [tilespmem:$0x1D578]  }
0x3c7: {  	v25 =	vld [tilespmem:s28+$0xFFFFFE18]  }
0x3c8: {  	v26 =	vld [tilespmem:s28+$0xFFFFFE28]  }
0x3c9: {  	v27 =	vld [tilespmem:s28+$0xFFFFFE38]  }
0x3ca: {  	v29 =	vld [tilespmem:s28+$0xFFFFFE48]  }
0x3cb: {  	v30 =	vld [tilespmem:s28+$0xFFFFFE58]  }
0x3cc: {  	v32 =	vld [tilespmem:s28+$0xFFFFFE68]  }
0x3cd: {  	v62 =	vld [tilespmem:s28+$0xFFFFFE78]  }
0x3ce: {  	v5 =	vld.idx.msk [tilespmem:v2+s15+$0x0], $0xffff  }
0x3cf: {  	v2 =	vld [tilespmem:s28+$0x0]  }
0x3d0: {  	v63 =	vld [tilespmem:s28+$0xFFFFFE88]  }
0x3d1: {  	v52 =	vld [tilespmem:s28+$0xFFFFFE98]  }
0x3d2: {  	v53 =	vld [tilespmem:s28+$0xFFFFFEA8]  }
0x3d3: {  	v54 =	vld [tilespmem:s28+$0xFFFFFEB8]  }
0x3d4: {  	v55 =	vld [tilespmem:s28+$0xFFFFFEC8];
	v2 =	vmul.f32 v2, v5;
	v25 =	vmul.f32 v25, v5  }
0x3d5: {  	v56 =	vld [tilespmem:s28+$0xFFFFFED8];
	v26 =	vmul.f32 v26, v5  }
0x3d6: {  	v57 =	vld [tilespmem:s28+$0xFFFFFEE8];
	v2 =	vadd.f32 v2, v24;
	v28 =	vadd.f32 v25, v14;
	v14 =	vmul.f32 v27, v5  }
0x3d7: {  	v58 =	vld [tilespmem:s28+$0xFFFFFEF8];
	v24 =	vmul.f32 v29, v5;
	v31 =	vadd.f32 v26, v15;
	v15 =	vmul.f32 v30, v5  }
0x3d8: {  	v59 =	vld [tilespmem:s28+$0xFFFFFF38];
	v25 =	vmul.f32 v32, v5;
	v32 =	vadd.f32 v14, v16;
	v14 =	vmul.f32 v62, v5  }
0x3d9: {  	v29 =	vadd.f32 v24, v17;
	v16 =	vld [tilespmem:s28+$0xFFFFFF08];
	v30 =	vadd.f32 v15, v18;
	v15 =	vmul.f32 v63, v5  }
0x3da: {  	v24 =	vadd.f32 v25, v19;
	v17 =	vld [tilespmem:s28+$0xFFFFFF18];
	v25 =	vadd.f32 v14, v20;
	v14 =	vmul.f32 v52, v5  }
0x3db: {  	v19 =	vld [tilespmem:s28+$0xFFFFFF28];
	v26 =	vadd.f32 v15, v21;
	v15 =	vmul.f32 v54, v5;
	v20 =	vmul.f32 v55, v5  }
0x3dc: {  	v60 =	vld [tilespmem:s28+$0xFFFFFF48];
	v18 =	vmul.f32 v53, v5;
	v27 =	vadd.f32 v14, v22;
	v14 =	vmul.f32 v56, v5  }
0x3dd: {  	v22 =	vadd.f32 v15, v33;
	v20 =	vadd.f32 v20, v61;
	v15 =	vmul.f32 v57, v5;
	v61 =	vld [tilespmem:s28+$0xFFFFFF58]  }
0x3de: {  	v39 =	vld [tilespmem:s28+$0xFFFFFF68];
	v23 =	vadd.f32 v18, v23;
	v16 =	vmul.f32 v16, v5;
	v18 =	vadd.f32 v14, v35  }
0x3df: {  	v40 =	vld [tilespmem:s28+$0xFFFFFF78];
	v14 =	vmul.f32 v58, v5;
	v21 =	vadd.f32 v15, v36;
	v15 =	vmul.f32 v17, v5  }
0x3e0: {  	v63 =	vmul.f32 v59, v5;
	v62 =	vmul.f32 v19, v5;
	v36 =	vld [tilespmem:s28+$0xFFFFFF88];
	v17 =	vadd.f32 v16, v38  }
0x3e1: {  	v19 =	vadd.f32 v14, v37;
	v16 =	vadd.f32 v15, v41;
	v37 =	vld [tilespmem:s28+$0xFFFFFF98];
	v41 =	vmul.f32 v60, v5  }
0x3e2: {  	s30 =	sadd.s32 $0x1, s25;
	s29 =	simm.s32 $0x2;
	v38 =	vld [tilespmem:s28+$0xFFFFFFA8];
	v14 =	vadd.f32 v62, v42;
	v15 =	vadd.f32 v63, v43;
	v42 =	vmul.f32 v61, v5  }
.LBB2_15:
0x3e3: {  	p0 =	sne.s32 s29, $0x31;
	v33 =	vmov s30;
	v13 =	vadd.f32 v41, v13;
	v34 =	vmul.f32 v39, v5;
	v35 =	vld [tilespmem:s28+$0xFFFFFFB8]  }
0x3e4: {  	v12 =	vadd.f32 v42, v12;
	v39 =	vmul.f32 v40, v5;
	v40 =	vld [tilespmem:s28+$0xFFFFFFC8]  }
0x3e5: {  	v11 =	vadd.f32 v34, v11;
	v34 =	vmul.f32 v36, v5;
	v36 =	vld [tilespmem:s28+$0xFFFFFFD8]  }
0x3e6: {  	v10 =	vadd.f32 v39, v10;
	v37 =	vmul.f32 v37, v5;
	v39 =	vld [tilespmem:s28+$0xFFFFFFE8]  }
0x3e7: {  	v9 =	vadd.f32 v34, v9;
	v34 =	vmul.f32 v38, v5;
	v38 =	vld [tilespmem:s28+$0xFFFFFFF8]  }
0x3e8: {  	s28 =	sadd.s32 $0x408, s28;
	v33 =	vld.idx.msk [tilespmem:v33+s15+$0x0], $0xffff;
	v8 =	vadd.f32 v37, v8;
	v35 =	vmul.f32 v35, v5  }
0x3e9: {  	v37 =	vld [tilespmem:s28+$0x0];
	v7 =	vadd.f32 v34, v7;
	v34 =	vmul.f32 v40, v5  }
0x3ea: {  	v40 =	vld [tilespmem:s28+$0xFFFFFE18];
	v6 =	vadd.f32 v35, v6;
	v35 =	vmul.f32 v36, v5  }
0x3eb: {  	v36 =	vld [tilespmem:s28+$0xFFFFFE28];
	v4 =	vadd.f32 v34, v4;
	v34 =	vmul.f32 v39, v5  }
0x3ec: {  	v39 =	vld [tilespmem:s28+$0xFFFFFE38];
	v3 =	vadd.f32 v35, v3;
	v38 =	vmul.f32 v38, v5  }
0x3ed: {  	v35 =	vld [tilespmem:s28+$0xFFFFFE48];
	v1 =	vadd.f32 v34, v1  }
0x3ee: {  	v5 =	vmov v33;
	v34 =	vld [tilespmem:s28+$0xFFFFFE58];
	v37 =	vmul.f32 v37, v33;
	v0 =	vadd.f32 v38, v0  }
0x3ef: {  	v33 =	vmul.f32 v40, v5;
	v38 =	vld [tilespmem:s28+$0xFFFFFE68]  }
0x3f0: {  	v36 =	vmul.f32 v36, v5;
	v40 =	vld [tilespmem:s28+$0xFFFFFE78];
	v2 =	vadd.f32 v37, v2  }
0x3f1: {  	v28 =	vadd.f32 v33, v28;
	v33 =	vmul.f32 v39, v5;
	v37 =	vld [tilespmem:s28+$0xFFFFFE88]  }
0x3f2: {  	v31 =	vadd.f32 v36, v31;
	v35 =	vmul.f32 v35, v5;
	v36 =	vld [tilespmem:s28+$0xFFFFFE98]  }
0x3f3: {  	v32 =	vadd.f32 v33, v32;
	v33 =	vmul.f32 v34, v5;
	v34 =	vld [tilespmem:s28+$0xFFFFFEA8]  }
0x3f4: {  	v29 =	vadd.f32 v35, v29;
	v35 =	vmul.f32 v38, v5;
	v38 =	vld [tilespmem:s28+$0xFFFFFEB8]  }
0x3f5: {  	v30 =	vadd.f32 v33, v30;
	v33 =	vmul.f32 v40, v5;
	v39 =	vld [tilespmem:s28+$0xFFFFFEC8]  }
0x3f6: {  	v24 =	vadd.f32 v35, v24;
	v35 =	vmul.f32 v37, v5;
	v37 =	vld [tilespmem:s28+$0xFFFFFED8]  }
0x3f7: {  	v25 =	vadd.f32 v33, v25;
	v33 =	vmul.f32 v36, v5;
	v36 =	vld [tilespmem:s28+$0xFFFFFEE8]  }
0x3f8: {  	v26 =	vadd.f32 v35, v26;
	v34 =	vmul.f32 v34, v5;
	v35 =	vld [tilespmem:s28+$0xFFFFFEF8]  }
0x3f9: {  	v27 =	vadd.f32 v33, v27;
	v33 =	vmul.f32 v38, v5;
	v38 =	vld [tilespmem:s28+$0xFFFFFF08]  }
0x3fa: {  	v23 =	vadd.f32 v34, v23;
	v34 =	vmul.f32 v39, v5;
	v39 =	vld [tilespmem:s28+$0xFFFFFF18]  }
0x3fb: {  	v22 =	vadd.f32 v33, v22;
	v33 =	vmul.f32 v37, v5;
	v37 =	vld [tilespmem:s28+$0xFFFFFF28]  }
0x3fc: {  	v20 =	vadd.f32 v34, v20;
	v34 =	vmul.f32 v36, v5;
	v36 =	vld [tilespmem:s28+$0xFFFFFF38]  }
0x3fd: {  	v18 =	vadd.f32 v33, v18;
	v33 =	vmul.f32 v35, v5;
	v35 =	vld [tilespmem:s28+$0xFFFFFF48]  }
0x3fe: {  	v21 =	vadd.f32 v34, v21;
	v34 =	vmul.f32 v38, v5;
	v38 =	vld [tilespmem:s28+$0xFFFFFF58]  }
.Ltmp6:
0x3ff: {  	v19 =	vadd.f32 v33, v19;
	v33 =	vmul.f32 v39, v5;
	v39 =	vld [tilespmem:s28+$0xFFFFFF68];
	(pc) =	sbr.rel @p0 .LBB2_15-.Ltmp6, $4  }
0x400: {  	v17 =	vadd.f32 v34, v17;
	v34 =	vmul.f32 v37, v5;
	v40 =	vld [tilespmem:s28+$0xFFFFFF78]  }
0x401: {  	v16 =	vadd.f32 v33, v16;
	v33 =	vmul.f32 v36, v5;
	v36 =	vld [tilespmem:s28+$0xFFFFFF88]  }
0x402: {  	v14 =	vadd.f32 v34, v14;
	v41 =	vmul.f32 v35, v5;
	v37 =	vld [tilespmem:s28+$0xFFFFFF98]  }
0x403: {  	s30 =	sadd.s32 s25, s29;
	s29 =	sadd.s32 $0x1, s29;
	v15 =	vadd.f32 v33, v15;
	v42 =	vmul.f32 v38, v5;
	v38 =	vld [tilespmem:s28+$0xFFFFFFA8]  }
0x404: {  	v34 =	vld [tilespmem:s28+$0xFFFFFFB8];
	s25 =	sadd.s32 $0x408, s28  }
0x405: {  	v46 =	vld [tilespmem:s25+$0xFFFFFF78]  }
0x406: {  	v62 =	vld [tilespmem:s28+$0xFFFFFFC8]  }
0x407: {  	v63 =	vld [tilespmem:s28+$0xFFFFFFD8]  }
0x408: {  	v43 =	vld [tilespmem:s28+$0xFFFFFFE8]  }
0x409: {  	v44 =	vld [tilespmem:s28+$0xFFFFFFF8]  }
0x40a: {  	[tilespmem:$0x1FAE0] =	vst v46;
	v46 =	vld [tilespmem:s25+$0xFFFFFF88]  }
0x40b: {  	v45 =	vld [tilespmem:s25+$0x0]  }
0x40c: {  	v47 =	vld [tilespmem:s25+$0xFFFFFE18]  }
0x40d: {  	v48 =	vld [tilespmem:s25+$0xFFFFFE28]  }
0x40e: {  	v49 =	vld [tilespmem:s25+$0xFFFFFE38]  }
0x40f: {  	[tilespmem:$0x1FAF0] =	vst v46;
	v46 =	vld [tilespmem:s25+$0xFFFFFF98]  }
0x410: {  	v50 =	vld [tilespmem:s25+$0xFFFFFE48]  }
0x411: {  	v51 =	vld [tilespmem:s25+$0xFFFFFE58]  }
0x412: {  	v52 =	vld [tilespmem:s25+$0xFFFFFE68]  }
0x413: {  	v53 =	vld [tilespmem:s25+$0xFFFFFE78]  }
0x414: {  	[tilespmem:$0x1FB10] =	vst v46;
	v46 =	vld [tilespmem:s25+$0xFFFFFFA8]  }
0x415: {  	v54 =	vld [tilespmem:s25+$0xFFFFFE88]  }
0x416: {  	v55 =	vld [tilespmem:s25+$0xFFFFFE98]  }
0x417: {  	v56 =	vld [tilespmem:s25+$0xFFFFFEA8]  }
0x418: {  	v57 =	vld [tilespmem:s25+$0xFFFFFEB8]  }
0x419: {  	[tilespmem:$0x1FB20] =	vst v46;
	v46 =	vld [tilespmem:s25+$0xFFFFFFB8]  }
0x41a: {  	v58 =	vld [tilespmem:s25+$0xFFFFFEC8]  }
0x41b: {  	v33 =	vmov s30;
	v59 =	vld [tilespmem:s25+$0xFFFFFED8]  }
0x41c: {  	v60 =	vld [tilespmem:s25+$0xFFFFFEE8]  }
0x41d: {  	v61 =	vld [tilespmem:s25+$0xFFFFFEF8]  }
0x41e: {  	[tilespmem:$0x1FB40] =	vst v46;
	v46 =	vld [tilespmem:s25+$0xFFFFFFC8]  }
0x41f: {  	v35 =	vld [tilespmem:s25+$0xFFFFFF38]  }
0x420: {  	v33 =	vld.idx.msk [tilespmem:v33+s15+$0x0], $0xffff  }
0x421: {  	[tilespmem:$0x1FAD0] =	vst v62;
	v62 =	vld [tilespmem:s25+$0xFFFFFF08]  }
0x422: {  	[tilespmem:$0x1FB00] =	vst v63;
	v63 =	vld [tilespmem:s25+$0xFFFFFF18]  }
0x423: {  	[tilespmem:$0x1FB50] =	vst v46;
	v46 =	vld [tilespmem:s25+$0xFFFFFFD8]  }
0x424: {  	[tilespmem:$0x1FAC0] =	vst v34;
	v34 =	vld [tilespmem:s25+$0xFFFFFF28]  }
0x425: {  	[tilespmem:$0x1FB30] =	vst v43;
	v43 =	vld [tilespmem:s25+$0xFFFFFF48];
	v47 =	vmul.f32 v47, v33  }
0x426: {  	[tilespmem:$0x1FB60] =	vst v44;
	v44 =	vld [tilespmem:s25+$0xFFFFFF58];
	v48 =	vmul.f32 v48, v33  }
0x427: {  	[tilespmem:$0x1FB80] =	vst v45;
	v45 =	vld [tilespmem:s25+$0xFFFFFF68];
	v28 =	vadd.f32 v47, v28  }
0x428: {  	v47 =	vmul.f32 v49, v33;
	v49 =	vld [tilespmem:s25+$0xFFFFFFE8];
	v31 =	vadd.f32 v48, v31;
	[tilespmem:$0x1FB70] =	vst v46  }
0x429: {  	v46 =	vld [tilespmem:s25+$0xFFFFFFF8];
	[tilespmem:s26+$0x1D798] =	vst v28;
	v28 =	vmul.f32 v51, v33  }
0x42a: {  	[tilespmem:s26+$0x1D7A8] =	vst v31;
	v31 =	vmul.f32 v52, v33  }
0x42b: {  	v28 =	vadd.f32 v28, v30  }
0x42c: {  	v24 =	vadd.f32 v31, v24  }
0x42d: {  	[tilespmem:s26+$0x1D7D8] =	vst v28;
	v28 =	vmul.f32 v55, v33  }
0x42e: {  	[tilespmem:s26+$0x1D7E8] =	vst v24;
	v24 =	vmul.f32 v56, v33  }
0x42f: {  	v48 =	vmul.f32 v50, v33;
	v27 =	vadd.f32 v28, v27  }
0x430: {  	v30 =	vmul.f32 v53, v33;
	v23 =	vadd.f32 v24, v23  }
0x431: {  	v29 =	vadd.f32 v48, v29;
	[tilespmem:s26+$0x1D818] =	vst v27;
	v27 =	vmul.f32 v59, v33  }
0x432: {  	v25 =	vadd.f32 v30, v25;
	[tilespmem:s26+$0x1D828] =	vst v23;
	v23 =	vmul.f32 v60, v33  }
0x433: {  	[tilespmem:s26+$0x1D7C8] =	vst v29;
	v29 =	vmul.f32 v54, v33;
	v18 =	vadd.f32 v27, v18  }
0x434: {  	[tilespmem:s26+$0x1D7F8] =	vst v25;
	v25 =	vmul.f32 v57, v33;
	v21 =	vadd.f32 v23, v21  }
0x435: {  	v26 =	vadd.f32 v29, v26;
	[tilespmem:s26+$0x1D858] =	vst v18;
	v18 =	vmul.f32 v34, v33  }
0x436: {  	v22 =	vadd.f32 v25, v22;
	[tilespmem:s26+$0x1D868] =	vst v21;
	v21 =	vmul.f32 v35, v33  }
0x437: {  	[tilespmem:s26+$0x1D808] =	vst v26;
	v14 =	vadd.f32 v18, v14  }
0x438: {  	v26 =	vmul.f32 v58, v33;
	[tilespmem:s26+$0x1D838] =	vst v22;
	v22 =	vmul.f32 v61, v33;
	v15 =	vadd.f32 v21, v15  }
0x439: {  	v23 =	vmul.f32 v62, v33;
	[tilespmem:s26+$0x1D8A8] =	vst v14;
	v14 =	vld [tilespmem:$0x1FAD0]  }
0x43a: {  	v20 =	vadd.f32 v26, v20;
	v19 =	vadd.f32 v22, v19;
	v22 =	vmul.f32 v63, v33;
	[tilespmem:s26+$0x1D8B8] =	vst v15;
	v15 =	vld [tilespmem:$0x1FAF0]  }
0x43b: {  	v13 =	vadd.f32 v41, v13;
	v17 =	vadd.f32 v23, v17;
	v18 =	vmul.f32 v43, v33  }
0x43c: {  	v24 =	vmul.f32 v39, v5;
	[tilespmem:s26+$0x1D848] =	vst v20;
	v16 =	vadd.f32 v22, v16  }
0x43d: {  	v12 =	vadd.f32 v42, v12;
	v20 =	vmul.f32 v36, v5;
	[tilespmem:s26+$0x1D888] =	vst v17;
	v13 =	vadd.f32 v18, v13;
	v18 =	vld [tilespmem:$0x1FAE0]  }
0x43e: {  	v11 =	vadd.f32 v24, v11;
	v17 =	vld [tilespmem:$0x1FAC0];
	[tilespmem:s26+$0x1D898] =	vst v16;
	v16 =	vmul.f32 v45, v33;
	v14 =	vmul.f32 v14, v5  }
0x43f: {  	v25 =	vmul.f32 v40, v5;
	v9 =	vadd.f32 v20, v9;
	[tilespmem:s26+$0x1D8C8] =	vst v13;
	v13 =	vld [tilespmem:$0x1FB00];
	v15 =	vmul.f32 v15, v33  }
0x440: {  	[tilespmem:s26+$0x1D878] =	vst v19;
	v19 =	vmul.f32 v44, v33;
	v11 =	vadd.f32 v16, v11;
	v4 =	vadd.f32 v14, v4;
	v14 =	vld [tilespmem:$0x1FB40]  }
0x441: {  	v16 =	vld [tilespmem:$0x1FB10];
	v9 =	vadd.f32 v15, v9  }
0x442: {  	v10 =	vadd.f32 v25, v10;
	v12 =	vadd.f32 v19, v12;
	[tilespmem:s26+$0x1D8E8] =	vst v11;
	v11 =	vld [tilespmem:$0x1FB30];
	v18 =	vmul.f32 v18, v33  }
0x443: {  	v17 =	vmul.f32 v17, v5;
	[tilespmem:s26+$0x1D908] =	vst v9;
	v9 =	vld [tilespmem:$0x1FB60]  }
0x444: {  	v24 =	vmul.f32 v37, v5;
	[tilespmem:s26+$0x1D8D8] =	vst v12;
	v12 =	vld [tilespmem:$0x1FB20];
	v10 =	vadd.f32 v18, v10  }
0x445: {  	v6 =	vadd.f32 v17, v6;
	v14 =	vmul.f32 v14, v33  }
0x446: {  	v8 =	vadd.f32 v24, v8;
	v16 =	vmul.f32 v16, v33;
	[tilespmem:s26+$0x1D8F8] =	vst v10;
	v10 =	vld [tilespmem:$0x1FB50]  }
0x447: {  	v20 =	vmul.f32 v38, v5;
	v13 =	vmul.f32 v13, v5;
	v6 =	vadd.f32 v14, v6  }
0x448: {  	v11 =	vmul.f32 v11, v5;
	v8 =	vadd.f32 v16, v8;
	v5 =	vmul.f32 v9, v5;
	v9 =	vld [tilespmem:$0x1FB70]  }
0x449: {  	v7 =	vadd.f32 v20, v7;
	v12 =	vmul.f32 v12, v33;
	[tilespmem:s26+$0x1D938] =	vst v6;
	v6 =	vld [tilespmem:$0x1FB80]  }
0x44a: {  	v32 =	vadd.f32 v47, v32;
	[tilespmem:s26+$0x1D918] =	vst v8;
	v1 =	vadd.f32 v11, v1;
	v8 =	vmul.f32 v49, v33  }
0x44b: {  	v7 =	vadd.f32 v12, v7;
	v10 =	vmul.f32 v10, v33  }
0x44c: {  	[tilespmem:s26+$0x1D7B8] =	vst v32;
	v1 =	vadd.f32 v8, v1;
	v0 =	vadd.f32 v5, v0;
	v5 =	vmul.f32 v46, v33  }
0x44d: {  	v3 =	vadd.f32 v13, v3;
	[tilespmem:s26+$0x1D928] =	vst v7;
	v4 =	vadd.f32 v10, v4;
	v9 =	vmul.f32 v9, v33  }
0x44e: {  	p0 =	seq.s32 s22, $0xF;
	[tilespmem:s26+$0x1D968] =	vst v1;
	v0 =	vadd.f32 v5, v0;
	v6 =	vmul.f32 v6, v33  }
0x44f: {  	s25 =	smul.u32 @!p0 $0x1C0, s22;
	[tilespmem:s26+$0x1D948] =	vst v4;
	v3 =	vadd.f32 v9, v3  }
0x450: {  	[tilespmem:s26+$0x1D978] =	vst v0;
	v2 =	vadd.f32 v6, v2  }
0x451: {  	s25 =	sshra.s32 @!p0 s25, $0x2;
	[tilespmem:s26+$0x1D958] =	vst v3  }
0x452: {  	s28 =	simm.s32 @!p0 $0xE00;
	s25 =	sadd.s32 @!p0 $0x70, s25;
	[tilespmem:s26+$0x1D980] =	vst v2;
	s26 =	simm.s32 @!p0 $0x38  }
0x453: {  	[tilespmem:s28], [sflag:$0x1] =	stream.indirect.gather @!p0 [hbm4b:s5+s26], $0x408, s25, s26, $0xb8;
	[tilespmem:$0x1F5C8] =	vst v63  }
0x454: {  	_ =	swait.ge [sflag:s20], $0xE1C0  }
0x455: {  	[sflag:s20] =	ssyncset.done $0x0  }
0x456: {  	[sflag:s20] =	ssyncadd.s32 $0xFFFF1E40  }
0x457: {  	v14 =	vld [tilespmem:$0x1D180]  }
0x458: {  	v15 =	vld [tilespmem:$0x1D190]  }
0x459: {  	v16 =	vld [tilespmem:$0x1D1A0]  }
0x45a: {  	v17 =	vld [tilespmem:$0x1D1B0]  }
0x45b: {  	v18 =	vld [tilespmem:$0x1D1C0]  }
0x45c: {  	v19 =	vld [tilespmem:$0x1D1D0]  }
0x45d: {  	v20 =	vld [tilespmem:$0x1D1E0]  }
0x45e: {  	v21 =	vld [tilespmem:$0x1D1F0]  }
0x45f: {  	v22 =	vld [tilespmem:$0x1D200]  }
0x460: {  	v23 =	vld [tilespmem:$0x1D210]  }
0x461: {  	v34 =	vld [tilespmem:$0x1D220]  }
0x462: {  	v35 =	vld [tilespmem:$0x1D230]  }
0x463: {  	v36 =	vld [tilespmem:$0x1D240]  }
0x464: {  	v37 =	vld [tilespmem:$0x1D250]  }
0x465: {  	v38 =	vld [tilespmem:$0x1D260]  }
0x466: {  	v39 =	vld [tilespmem:$0x1D270]  }
0x467: {  	v40 =	vld [tilespmem:$0x1D280]  }
0x468: {  	v43 =	vld [tilespmem:$0x1D290]  }
0x469: {  	v44 =	vld [tilespmem:$0x1D2A0]  }
0x46a: {  	v45 =	vld [tilespmem:$0x1D2B0]  }
0x46b: {  	v13 =	vld [tilespmem:$0x1D2C0]  }
0x46c: {  	v12 =	vld [tilespmem:$0x1D2D0]  }
0x46d: {  	v11 =	vld [tilespmem:$0x1D2E0]  }
0x46e: {  	v10 =	vld [tilespmem:$0x1D2F0]  }
0x46f: {  	v9 =	vld [tilespmem:$0x1D300]  }
0x470: {  	v8 =	vld [tilespmem:$0x1D310]  }
0x471: {  	v7 =	vld [tilespmem:$0x1D320]  }
0x472: {  	s31 =	sadd.s32 $0x0, s24;
	v6 =	vld [tilespmem:$0x1D330]  }
0x473: {  	v3 =	vmov s31;
	v4 =	vld [tilespmem:$0x1D340]  }
0x474: {  	v2 =	vld [tilespmem:$0x1D350]  }
0x475: {  	v1 =	vld [tilespmem:$0x1D360]  }
0x476: {  	v0 =	vld [tilespmem:$0x1D370]  }
0x477: {  	v24 =	vld [tilespmem:$0x1D380]  }
0x478: {  	s25 =	simm.s32 $0xF0C0;
	v5 =	vld.idx.msk [tilespmem:v3+s15+$0x0], $0xffff  }
0x479: {  	v3 =	vld [tilespmem:s25+$0x100]  }
0x47a: {  	v25 =	vld [tilespmem:s25+$0xFFFFFF00]  }
0x47b: {  	v26 =	vld [tilespmem:s25+$0xFFFFFF10]  }
0x47c: {  	v27 =	vld [tilespmem:s25+$0xFFFFFF20]  }
0x47d: {  	v28 =	vld [tilespmem:s25+$0xFFFFFF30]  }
0x47e: {  	v29 =	vld [tilespmem:s25+$0xFFFFFF40]  }
0x47f: {  	v33 =	vld [tilespmem:s25+$0xFFFFFF50]  }
0x480: {  	v59 =	vld [tilespmem:s25+$0xFFFFFF60]  }
0x481: {  	v42 =	vld [tilespmem:s25+$0xFFFFFF70]  }
0x482: {  	v60 =	vld [tilespmem:s25+$0xFFFFFF80]  }
0x483: {  	v61 =	vld [tilespmem:s25+$0xFFFFFF90]  }
0x484: {  	v62 =	vld [tilespmem:s25+$0xFFFFFFA0]  }
0x485: {  	v63 =	vld [tilespmem:s25+$0xFFFFFFB0];
	v3 =	vmul.f32 v3, v5;
	v25 =	vmul.f32 v25, v5  }
0x486: {  	v56 =	vld [tilespmem:s25+$0xFFFFFFC0];
	v26 =	vmul.f32 v26, v5  }
0x487: {  	v57 =	vld [tilespmem:s25+$0xFFFFFFD0];
	v3 =	vadd.f32 v3, v24;
	v30 =	vadd.f32 v25, v14;
	v14 =	vmul.f32 v27, v5  }
0x488: {  	v58 =	vld [tilespmem:s25+$0xFFFFFFE0];
	v31 =	vadd.f32 v26, v15;
	v15 =	vmul.f32 v28, v5;
	v24 =	vmul.f32 v29, v5  }
0x489: {  	v32 =	vadd.f32 v14, v16;
	v14 =	vmul.f32 v33, v5;
	v16 =	vmul.f32 v59, v5;
	v59 =	vld [tilespmem:s25+$0xFFFFFFF0]  }
0x48a: {  	v33 =	vadd.f32 v15, v17;
	v28 =	vadd.f32 v24, v18;
	v15 =	vmul.f32 v42, v5;
	v17 =	vld [tilespmem:s25+$0x0]  }
0x48b: {  	v29 =	vadd.f32 v14, v19;
	v24 =	vadd.f32 v16, v20;
	v14 =	vmul.f32 v60, v5;
	v16 =	vld [tilespmem:s25+$0x10]  }
0x48c: {  	v25 =	vadd.f32 v15, v21;
	v15 =	vmul.f32 v61, v5;
	v21 =	vld [tilespmem:s25+$0x20]  }
0x48d: {  	v18 =	vmul.f32 v62, v5;
	v60 =	vld [tilespmem:s25+$0x30];
	v26 =	vadd.f32 v14, v22;
	v14 =	vmul.f32 v63, v5  }
0x48e: {  	v19 =	vmul.f32 v56, v5;
	v61 =	vld [tilespmem:s25+$0x40];
	v27 =	vadd.f32 v15, v23;
	v15 =	vmul.f32 v57, v5  }
0x48f: {  	v62 =	vld [tilespmem:s25+$0x50];
	v23 =	vadd.f32 v18, v34;
	v22 =	vadd.f32 v14, v35;
	v14 =	vmul.f32 v58, v5  }
0x490: {  	v41 =	vld [tilespmem:s25+$0x60];
	v19 =	vadd.f32 v19, v36;
	v18 =	vadd.f32 v15, v37;
	v15 =	vmul.f32 v59, v5  }
0x491: {  	v42 =	vld [tilespmem:s25+$0x70];
	v17 =	vmul.f32 v17, v5;
	v20 =	vadd.f32 v14, v38;
	v14 =	vmul.f32 v16, v5  }
0x492: {  	v63 =	vmul.f32 v21, v5;
	v21 =	vadd.f32 v15, v39;
	v15 =	vmul.f32 v60, v5;
	v39 =	vld [tilespmem:s25+$0x80]  }
0x493: {  	v17 =	vadd.f32 v17, v40;
	v38 =	vld [tilespmem:s25+$0x90];
	v16 =	vadd.f32 v14, v43;
	v43 =	vmul.f32 v61, v5  }
0x494: {  	s28 =	sadd.s32 $0x1, s24;
	s26 =	simm.s32 $0x2;
	v40 =	vld [tilespmem:s25+$0xA0];
	v14 =	vadd.f32 v63, v44;
	v15 =	vadd.f32 v15, v45;
	v44 =	vmul.f32 v62, v5  }
.LBB2_17:
0x495: {  	p0 =	sne.s32 s26, $0x31;
	v34 =	vmov s28;
	v13 =	vadd.f32 v43, v13;
	v35 =	vmul.f32 v41, v5;
	v36 =	vld [tilespmem:s25+$0xB0]  }
0x496: {  	v12 =	vadd.f32 v44, v12;
	v37 =	vmul.f32 v42, v5;
	v41 =	vld [tilespmem:s25+$0xC0]  }
0x497: {  	v11 =	vadd.f32 v35, v11;
	v35 =	vmul.f32 v39, v5;
	v39 =	vld [tilespmem:s25+$0xD0]  }
0x498: {  	v10 =	vadd.f32 v37, v10;
	v37 =	vmul.f32 v38, v5;
	v38 =	vld [tilespmem:s25+$0xE0]  }
0x499: {  	v9 =	vadd.f32 v35, v9;
	v35 =	vmul.f32 v40, v5;
	v40 =	vld [tilespmem:s25+$0xF0]  }
0x49a: {  	s25 =	sadd.s32 $0x408, s25;
	v34 =	vld.idx.msk [tilespmem:v34+s15+$0x0], $0xffff;
	v8 =	vadd.f32 v37, v8;
	v36 =	vmul.f32 v36, v5  }
0x49b: {  	v37 =	vld [tilespmem:s25+$0x100];
	v7 =	vadd.f32 v35, v7;
	v35 =	vmul.f32 v41, v5  }
0x49c: {  	v41 =	vld [tilespmem:s25+$0xFFFFFF00];
	v6 =	vadd.f32 v36, v6;
	v36 =	vmul.f32 v39, v5  }
0x49d: {  	v39 =	vld [tilespmem:s25+$0xFFFFFF10];
	v4 =	vadd.f32 v35, v4;
	v35 =	vmul.f32 v38, v5  }
0x49e: {  	v38 =	vld [tilespmem:s25+$0xFFFFFF20];
	v2 =	vadd.f32 v36, v2;
	v40 =	vmul.f32 v40, v5  }
0x49f: {  	v36 =	vld [tilespmem:s25+$0xFFFFFF30];
	v1 =	vadd.f32 v35, v1  }
0x4a0: {  	v5 =	vmov v34;
	v35 =	vld [tilespmem:s25+$0xFFFFFF40];
	v37 =	vmul.f32 v37, v34;
	v0 =	vadd.f32 v40, v0  }
0x4a1: {  	v34 =	vmul.f32 v41, v5;
	v40 =	vld [tilespmem:s25+$0xFFFFFF50]  }
0x4a2: {  	v39 =	vmul.f32 v39, v5;
	v41 =	vld [tilespmem:s25+$0xFFFFFF60];
	v3 =	vadd.f32 v37, v3  }
0x4a3: {  	v30 =	vadd.f32 v34, v30;
	v34 =	vmul.f32 v38, v5;
	v37 =	vld [tilespmem:s25+$0xFFFFFF70]  }
0x4a4: {  	v31 =	vadd.f32 v39, v31;
	v36 =	vmul.f32 v36, v5;
	v38 =	vld [tilespmem:s25+$0xFFFFFF80]  }
0x4a5: {  	v32 =	vadd.f32 v34, v32;
	v34 =	vmul.f32 v35, v5;
	v35 =	vld [tilespmem:s25+$0xFFFFFF90]  }
0x4a6: {  	v33 =	vadd.f32 v36, v33;
	v36 =	vmul.f32 v40, v5;
	v39 =	vld [tilespmem:s25+$0xFFFFFFA0]  }
0x4a7: {  	v28 =	vadd.f32 v34, v28;
	v34 =	vmul.f32 v41, v5;
	v40 =	vld [tilespmem:s25+$0xFFFFFFB0]  }
0x4a8: {  	v29 =	vadd.f32 v36, v29;
	v36 =	vmul.f32 v37, v5;
	v37 =	vld [tilespmem:s25+$0xFFFFFFC0]  }
0x4a9: {  	v24 =	vadd.f32 v34, v24;
	v34 =	vmul.f32 v38, v5;
	v38 =	vld [tilespmem:s25+$0xFFFFFFD0]  }
0x4aa: {  	v25 =	vadd.f32 v36, v25;
	v35 =	vmul.f32 v35, v5;
	v36 =	vld [tilespmem:s25+$0xFFFFFFE0]  }
0x4ab: {  	v26 =	vadd.f32 v34, v26;
	v34 =	vmul.f32 v39, v5;
	v39 =	vld [tilespmem:s25+$0xFFFFFFF0]  }
0x4ac: {  	v27 =	vadd.f32 v35, v27;
	v35 =	vmul.f32 v40, v5;
	v40 =	vld [tilespmem:s25+$0x0]  }
0x4ad: {  	v23 =	vadd.f32 v34, v23;
	v34 =	vmul.f32 v37, v5;
	v37 =	vld [tilespmem:s25+$0x10]  }
0x4ae: {  	v22 =	vadd.f32 v35, v22;
	v35 =	vmul.f32 v38, v5;
	v38 =	vld [tilespmem:s25+$0x20]  }
0x4af: {  	v19 =	vadd.f32 v34, v19;
	v34 =	vmul.f32 v36, v5;
	v36 =	vld [tilespmem:s25+$0x30]  }
0x4b0: {  	v18 =	vadd.f32 v35, v18;
	v35 =	vmul.f32 v39, v5;
	v43 =	vld [tilespmem:s25+$0x40]  }
0x4b1: {  	v20 =	vadd.f32 v34, v20;
	v34 =	vmul.f32 v40, v5;
	v40 =	vld [tilespmem:s25+$0x50]  }
.Ltmp7:
0x4b2: {  	v21 =	vadd.f32 v35, v21;
	v35 =	vmul.f32 v37, v5;
	v41 =	vld [tilespmem:s25+$0x60];
	(pc) =	sbr.rel @p0 .LBB2_17-.Ltmp7, $4  }
0x4b3: {  	v17 =	vadd.f32 v34, v17;
	v34 =	vmul.f32 v38, v5;
	v42 =	vld [tilespmem:s25+$0x70]  }
0x4b4: {  	v16 =	vadd.f32 v35, v16;
	v35 =	vmul.f32 v36, v5;
	v39 =	vld [tilespmem:s25+$0x80]  }
0x4b5: {  	v14 =	vadd.f32 v34, v14;
	v43 =	vmul.f32 v43, v5;
	v38 =	vld [tilespmem:s25+$0x90]  }
0x4b6: {  	s28 =	sadd.s32 s24, s26;
	s26 =	sadd.s32 $0x1, s26;
	v15 =	vadd.f32 v35, v15;
	v44 =	vmul.f32 v40, v5;
	v40 =	vld [tilespmem:s25+$0xA0]  }
0x4b7: {  	v34 =	vmov s28;
	s28 =	sadd.s32 $0x408, s25  }
0x4b8: {  	v47 =	vld [tilespmem:s28+$0x50];
	_ =	sdelay $0x4  }
0x4b9: {  	[tilespmem:$0x1F9E0] =	vst v47;
	v47 =	vld [tilespmem:s28+$0x60];
	_ =	sdelay $0x4  }
0x4ba: {  	[tilespmem:$0x1F9F0] =	vst v47;
	v47 =	vld [tilespmem:s28+$0x70]  }
0x4bb: {  	v35 =	vld [tilespmem:s25+$0xB0]  }
0x4bc: {  	v63 =	vld [tilespmem:s25+$0xC0]  }
0x4bd: {  	v36 =	vld [tilespmem:s25+$0xD0]  }
0x4be: {  	v37 =	vld [tilespmem:s25+$0xE0]  }
0x4bf: {  	[tilespmem:$0x1FA10] =	vst v47;
	v47 =	vld [tilespmem:s28+$0x80]  }
0x4c0: {  	v45 =	vld [tilespmem:s25+$0xF0]  }
0x4c1: {  	v46 =	vld [tilespmem:s28+$0x100]  }
0x4c2: {  	v48 =	vld [tilespmem:s28+$0xFFFFFF00]  }
0x4c3: {  	v49 =	vld [tilespmem:s28+$0xFFFFFF10]  }
0x4c4: {  	[tilespmem:$0x1FA20] =	vst v47;
	v47 =	vld [tilespmem:s28+$0x90]  }
0x4c5: {  	v50 =	vld [tilespmem:s28+$0xFFFFFF20]  }
0x4c6: {  	v51 =	vld [tilespmem:s28+$0xFFFFFF30]  }
0x4c7: {  	v52 =	vld [tilespmem:s28+$0xFFFFFF40]  }
0x4c8: {  	v53 =	vld [tilespmem:s28+$0xFFFFFF50]  }
0x4c9: {  	[tilespmem:$0x1FA40] =	vst v47;
	v47 =	vld [tilespmem:s28+$0xA0]  }
0x4ca: {  	v54 =	vld [tilespmem:s28+$0xFFFFFF60]  }
0x4cb: {  	v55 =	vld [tilespmem:s28+$0xFFFFFF70]  }
0x4cc: {  	v56 =	vld [tilespmem:s28+$0xFFFFFF80]  }
0x4cd: {  	v57 =	vld [tilespmem:s28+$0xFFFFFF90]  }
0x4ce: {  	[tilespmem:$0x1FA50] =	vst v47;
	v47 =	vld [tilespmem:s28+$0xB0]  }
0x4cf: {  	v58 =	vld [tilespmem:s28+$0xFFFFFFA0]  }
0x4d0: {  	v59 =	vld [tilespmem:s28+$0xFFFFFFB0]  }
0x4d1: {  	v60 =	vld [tilespmem:s28+$0xFFFFFFC0]  }
0x4d2: {  	v61 =	vld [tilespmem:s28+$0xFFFFFFD0]  }
0x4d3: {  	[tilespmem:$0x1FA70] =	vst v47;
	v47 =	vld [tilespmem:s28+$0xC0]  }
0x4d4: {  	v62 =	vld [tilespmem:s28+$0xFFFFFFE0]  }
0x4d5: {  	v34 =	vld.idx.msk [tilespmem:v34+s15+$0x0], $0xffff  }
0x4d6: {  	[tilespmem:$0x1FA00] =	vst v63;
	v63 =	vld [tilespmem:s28+$0xFFFFFFF0]  }
0x4d7: {  	[tilespmem:$0x1F9D0] =	vst v35;
	v35 =	vld [tilespmem:s28+$0x0]  }
0x4d8: {  	[tilespmem:$0x1FA80] =	vst v47;
	v47 =	vld [tilespmem:s28+$0xD0]  }
0x4d9: {  	[tilespmem:$0x1FA30] =	vst v36;
	v36 =	vld [tilespmem:s28+$0x10]  }
0x4da: {  	s26 =	sand.u32 $0x7, s23;
	[tilespmem:$0x1FA60] =	vst v37;
	v37 =	vld [tilespmem:s28+$0x20];
	v48 =	vmul.f32 v48, v34  }
0x4db: {  	s31 =	smul.u32 $0x1020, s26;
	[tilespmem:$0x1FA90] =	vst v45;
	v45 =	vld [tilespmem:s28+$0x30];
	v49 =	vmul.f32 v49, v34  }
0x4dc: {  	[tilespmem:$0x1FAB0] =	vst v46;
	v46 =	vld [tilespmem:s28+$0x40];
	v30 =	vadd.f32 v48, v30  }
0x4dd: {  	s25 =	sshrl.u32 s31, $0x2;
	v48 =	vmul.f32 v50, v34;
	v50 =	vld [tilespmem:s28+$0xE0];
	v31 =	vadd.f32 v49, v31;
	[tilespmem:$0x1FAA0] =	vst v47  }
0x4de: {  	v47 =	vld [tilespmem:s28+$0xF0];
	[tilespmem:s25+$0x1D588] =	vst v30;
	v30 =	vmul.f32 v52, v34  }
0x4df: {  	[tilespmem:s25+$0x1D598] =	vst v31;
	v31 =	vmul.f32 v53, v34  }
0x4e0: {  	v28 =	vadd.f32 v30, v28  }
0x4e1: {  	v29 =	vadd.f32 v31, v29;
	v31 =	vmul.f32 v55, v34  }
0x4e2: {  	[tilespmem:s25+$0x1D5C8] =	vst v28;
	v28 =	vmul.f32 v56, v34  }
0x4e3: {  	v30 =	vmul.f32 v54, v34;
	v25 =	vadd.f32 v31, v25  }
0x4e4: {  	[tilespmem:s25+$0x1D5D8] =	vst v29;
	v29 =	vmul.f32 v57, v34;
	v26 =	vadd.f32 v28, v26  }
0x4e5: {  	v24 =	vadd.f32 v30, v24;
	[tilespmem:s25+$0x1D5F8] =	vst v25;
	v25 =	vmul.f32 v59, v34  }
0x4e6: {  	v27 =	vadd.f32 v29, v27;
	[tilespmem:s25+$0x1D608] =	vst v26;
	v26 =	vmul.f32 v60, v34  }
0x4e7: {  	[tilespmem:s25+$0x1D5E8] =	vst v24;
	v22 =	vadd.f32 v25, v22  }
0x4e8: {  	[tilespmem:s25+$0x1D618] =	vst v27;
	v19 =	vadd.f32 v26, v19  }
0x4e9: {  	v24 =	vmul.f32 v58, v34;
	[tilespmem:s25+$0x1D638] =	vst v22;
	v22 =	vmul.f32 v63, v34  }
0x4ea: {  	v27 =	vmul.f32 v61, v34;
	[tilespmem:s25+$0x1D648] =	vst v19;
	v19 =	vmul.f32 v39, v5  }
0x4eb: {  	v23 =	vadd.f32 v24, v23;
	v21 =	vadd.f32 v22, v21;
	v22 =	vmul.f32 v36, v34  }
0x4ec: {  	v18 =	vadd.f32 v27, v18;
	v9 =	vadd.f32 v19, v9;
	v19 =	vmul.f32 v37, v34  }
0x4ed: {  	[tilespmem:s25+$0x1D628] =	vst v23;
	v16 =	vadd.f32 v22, v16;
	v22 =	vmul.f32 v45, v34  }
0x4ee: {  	[tilespmem:s25+$0x1D658] =	vst v18;
	v14 =	vadd.f32 v19, v14  }
0x4ef: {  	v23 =	vmul.f32 v62, v34;
	v15 =	vadd.f32 v22, v15;
	[tilespmem:s25+$0x1D698] =	vst v16;
	v16 =	vld [tilespmem:$0x1F9F0]  }
0x4f0: {  	v18 =	vmul.f32 v38, v5;
	[tilespmem:s25+$0x1D6A8] =	vst v14;
	v14 =	vld [tilespmem:$0x1FA00]  }
0x4f1: {  	v20 =	vadd.f32 v23, v20;
	v23 =	vmul.f32 v35, v34;
	[tilespmem:s25+$0x1D6B8] =	vst v15;
	v15 =	vld [tilespmem:$0x1FA20]  }
0x4f2: {  	v13 =	vadd.f32 v43, v13;
	v8 =	vadd.f32 v18, v8;
	v18 =	vmul.f32 v46, v34  }
0x4f3: {  	v24 =	vmul.f32 v41, v5;
	v17 =	vadd.f32 v23, v17;
	v19 =	vld [tilespmem:$0x1F9E0]  }
0x4f4: {  	v13 =	vadd.f32 v18, v13;
	v18 =	vld [tilespmem:$0x1FA10]  }
0x4f5: {  	v11 =	vadd.f32 v24, v11;
	[tilespmem:s25+$0x1D688] =	vst v17;
	v17 =	vld [tilespmem:$0x1F9D0];
	v16 =	vmul.f32 v16, v34  }
0x4f6: {  	[tilespmem:s25+$0x1D6C8] =	vst v13;
	v13 =	vld [tilespmem:$0x1FA30];
	v14 =	vmul.f32 v14, v5;
	v15 =	vmul.f32 v15, v34  }
0x4f7: {  	v12 =	vadd.f32 v44, v12;
	v25 =	vmul.f32 v42, v5;
	v11 =	vadd.f32 v16, v11;
	v16 =	vld [tilespmem:$0x1FA40]  }
0x4f8: {  	v19 =	vmul.f32 v19, v34;
	v4 =	vadd.f32 v14, v4;
	v9 =	vadd.f32 v15, v9;
	v14 =	vld [tilespmem:$0x1FA70]  }
0x4f9: {  	v10 =	vadd.f32 v25, v10;
	v18 =	vmul.f32 v18, v34;
	[tilespmem:s25+$0x1D6E8] =	vst v11;
	v11 =	vld [tilespmem:$0x1FA60]  }
0x4fa: {  	v12 =	vadd.f32 v19, v12;
	[tilespmem:s25+$0x1D708] =	vst v9;
	v9 =	vld [tilespmem:$0x1FA90]  }
0x4fb: {  	[tilespmem:s25+$0x1D668] =	vst v20;
	v17 =	vmul.f32 v17, v5;
	v10 =	vadd.f32 v18, v10  }
0x4fc: {  	v49 =	vmul.f32 v51, v34;
	[tilespmem:s25+$0x1D6D8] =	vst v12;
	v12 =	vld [tilespmem:$0x1FA50]  }
0x4fd: {  	v20 =	vmul.f32 v40, v5;
	v6 =	vadd.f32 v17, v6;
	[tilespmem:s25+$0x1D6F8] =	vst v10;
	v10 =	vld [tilespmem:$0x1FA80];
	v14 =	vmul.f32 v14, v34  }
0x4fe: {  	v32 =	vadd.f32 v48, v32;
	v13 =	vmul.f32 v13, v5;
	v16 =	vmul.f32 v16, v34  }
0x4ff: {  	v11 =	vmul.f32 v11, v5;
	v5 =	vmul.f32 v9, v5;
	v6 =	vadd.f32 v14, v6;
	v9 =	vld [tilespmem:$0x1FAA0]  }
0x500: {  	v33 =	vadd.f32 v49, v33;
	[tilespmem:s25+$0x1D5A8] =	vst v32  }
0x501: {  	v7 =	vadd.f32 v20, v7;
	v12 =	vmul.f32 v12, v34;
	v8 =	vadd.f32 v16, v8;
	[tilespmem:s25+$0x1D738] =	vst v6;
	v6 =	vld [tilespmem:$0x1FAB0]  }
0x502: {  	[tilespmem:s25+$0x1D5B8] =	vst v33;
	v10 =	vmul.f32 v10, v34  }
0x503: {  	v7 =	vadd.f32 v12, v7;
	[tilespmem:s25+$0x1D718] =	vst v8;
	v1 =	vadd.f32 v11, v1;
	v8 =	vmul.f32 v50, v34  }
0x504: {  	[tilespmem:s25+$0x1D678] =	vst v21;
	v2 =	vadd.f32 v13, v2;
	v4 =	vadd.f32 v10, v4;
	v9 =	vmul.f32 v9, v34  }
0x505: {  	[tilespmem:s25+$0x1D728] =	vst v7;
	v0 =	vadd.f32 v5, v0;
	v5 =	vmul.f32 v47, v34;
	v1 =	vadd.f32 v8, v1  }
0x506: {  	[tilespmem:s25+$0x1D748] =	vst v4;
	v2 =	vadd.f32 v9, v2;
	v6 =	vmul.f32 v6, v34  }
0x507: {  	v0 =	vadd.f32 v5, v0;
	[tilespmem:s25+$0x1D768] =	vst v1  }
0x508: {  	[tilespmem:s25+$0x1D758] =	vst v2;
	v2 =	vadd.f32 v6, v3  }
0x509: {  	[tilespmem:s25+$0x1D778] =	vst v0  }
0x50a: {  	[tilespmem:s25+$0x1D788] =	vst v2  }
0x50b: {  	v14 =	vld [tilespmem:$0x1D390]  }
0x50c: {  	v15 =	vld [tilespmem:$0x1D3A0]  }
0x50d: {  	v16 =	vld [tilespmem:$0x1D3B0]  }
0x50e: {  	v17 =	vld [tilespmem:$0x1D3C0]  }
0x50f: {  	v18 =	vld [tilespmem:$0x1D3D0]  }
0x510: {  	v19 =	vld [tilespmem:$0x1D3E0]  }
0x511: {  	v20 =	vld [tilespmem:$0x1D3F0]  }
0x512: {  	v21 =	vld [tilespmem:$0x1D400]  }
0x513: {  	v22 =	vld [tilespmem:$0x1D410]  }
0x514: {  	v23 =	vld [tilespmem:$0x1D420]  }
0x515: {  	v33 =	vld [tilespmem:$0x1D430]  }
0x516: {  	v61 =	vld [tilespmem:$0x1D440]  }
0x517: {  	v35 =	vld [tilespmem:$0x1D450]  }
0x518: {  	v36 =	vld [tilespmem:$0x1D460]  }
0x519: {  	v37 =	vld [tilespmem:$0x1D470]  }
0x51a: {  	v39 =	vld [tilespmem:$0x1D480]  }
0x51b: {  	v41 =	vld [tilespmem:$0x1D490]  }
0x51c: {  	v42 =	vld [tilespmem:$0x1D4A0]  }
0x51d: {  	v43 =	vld [tilespmem:$0x1D4B0]  }
0x51e: {  	v13 =	vld [tilespmem:$0x1D4C0]  }
0x51f: {  	v12 =	vld [tilespmem:$0x1D4D0]  }
0x520: {  	v11 =	vld [tilespmem:$0x1D4E0]  }
0x521: {  	v10 =	vld [tilespmem:$0x1D4F0]  }
0x522: {  	v9 =	vld [tilespmem:$0x1D500]  }
0x523: {  	v8 =	vld [tilespmem:$0x1D510]  }
0x524: {  	v7 =	vld [tilespmem:$0x1D520]  }
0x525: {  	v6 =	vld [tilespmem:$0x1D530]  }
0x526: {  	v4 =	vld [tilespmem:$0x1D540]  }
0x527: {  	v3 =	vld [tilespmem:$0x1D550]  }
0x528: {  	v1 =	vld [tilespmem:$0x1D560]  }
0x529: {  	s28 =	sadd.s32 $0x0, s24;
	v0 =	vld [tilespmem:$0x1D570]  }
0x52a: {  	v2 =	vmov s28;
	s28 =	simm.s32 $0xF3B8;
	v24 =	vld [tilespmem:$0x1D578]  }
0x52b: {  	v25 =	vld [tilespmem:s28+$0xFFFFFE18]  }
0x52c: {  	v26 =	vld [tilespmem:s28+$0xFFFFFE28]  }
0x52d: {  	v27 =	vld [tilespmem:s28+$0xFFFFFE38]  }
0x52e: {  	v29 =	vld [tilespmem:s28+$0xFFFFFE48]  }
0x52f: {  	v30 =	vld [tilespmem:s28+$0xFFFFFE58]  }
0x530: {  	v32 =	vld [tilespmem:s28+$0xFFFFFE68]  }
0x531: {  	v5 =	vld.idx.msk [tilespmem:v2+s15+$0x0], $0xffff  }
0x532: {  	v2 =	vld [tilespmem:s28+$0x0]  }
0x533: {  	v62 =	vld [tilespmem:s28+$0xFFFFFE78]  }
0x534: {  	v63 =	vld [tilespmem:s28+$0xFFFFFE88]  }
0x535: {  	v52 =	vld [tilespmem:s28+$0xFFFFFE98]  }
0x536: {  	v53 =	vld [tilespmem:s28+$0xFFFFFEA8]  }
0x537: {  	v54 =	vld [tilespmem:s28+$0xFFFFFEB8];
	v2 =	vmul.f32 v2, v5  }
0x538: {  	v55 =	vld [tilespmem:s28+$0xFFFFFEC8];
	v25 =	vmul.f32 v25, v5  }
0x539: {  	v59 =	vld [tilespmem:s28+$0xFFFFFF38];
	v26 =	vmul.f32 v26, v5;
	v2 =	vadd.f32 v2, v24  }
0x53a: {  	v56 =	vld [tilespmem:s28+$0xFFFFFED8];
	v28 =	vadd.f32 v25, v14;
	v14 =	vmul.f32 v27, v5;
	v24 =	vmul.f32 v29, v5  }
0x53b: {  	v57 =	vld [tilespmem:s28+$0xFFFFFEE8];
	v31 =	vadd.f32 v26, v15;
	v15 =	vmul.f32 v30, v5  }
0x53c: {  	v58 =	vld [tilespmem:s28+$0xFFFFFEF8];
	v25 =	vmul.f32 v32, v5;
	v32 =	vadd.f32 v14, v16;
	v29 =	vadd.f32 v24, v17  }
0x53d: {  	v14 =	vmul.f32 v62, v5;
	v16 =	vld [tilespmem:s28+$0xFFFFFF08];
	v30 =	vadd.f32 v15, v18;
	v15 =	vmul.f32 v63, v5  }
0x53e: {  	v24 =	vadd.f32 v25, v19;
	v18 =	vmul.f32 v53, v5;
	v19 =	vld [tilespmem:s28+$0xFFFFFF28];
	v63 =	vmul.f32 v59, v5  }
0x53f: {  	v17 =	vld [tilespmem:s28+$0xFFFFFF18];
	v25 =	vadd.f32 v14, v20;
	v14 =	vmul.f32 v52, v5;
	v20 =	vmul.f32 v55, v5  }
0x540: {  	v60 =	vld [tilespmem:s28+$0xFFFFFF48];
	v26 =	vadd.f32 v15, v21;
	v15 =	vmul.f32 v54, v5;
	v23 =	vadd.f32 v18, v23  }
0x541: {  	v27 =	vadd.f32 v14, v22;
	v14 =	vmul.f32 v56, v5;
	v21 =	vadd.f32 v20, v61;
	v61 =	vld [tilespmem:s28+$0xFFFFFF58]  }
0x542: {  	v40 =	vld [tilespmem:s28+$0xFFFFFF68];
	v22 =	vadd.f32 v15, v33;
	v15 =	vmul.f32 v57, v5;
	v16 =	vmul.f32 v16, v5  }
0x543: {  	v38 =	vld [tilespmem:s28+$0xFFFFFF78];
	v62 =	vmul.f32 v19, v5;
	v20 =	vadd.f32 v14, v35;
	v14 =	vmul.f32 v58, v5  }
0x544: {  	v18 =	vadd.f32 v15, v36;
	v15 =	vmul.f32 v17, v5;
	v17 =	vadd.f32 v16, v39;
	v39 =	vld [tilespmem:s28+$0xFFFFFF88]  }
0x545: {  	v36 =	vld [tilespmem:s28+$0xFFFFFF98];
	v19 =	vadd.f32 v14, v37;
	v14 =	vadd.f32 v62, v42;
	v42 =	vmul.f32 v60, v5  }
0x546: {  	s30 =	sadd.s32 $0x1, s24;
	s29 =	simm.s32 $0x2;
	v16 =	vadd.f32 v15, v41;
	v15 =	vadd.f32 v63, v43;
	v37 =	vld [tilespmem:s28+$0xFFFFFFA8];
	v41 =	vmul.f32 v61, v5  }
.LBB2_19:
0x547: {  	p0 =	sne.s32 s29, $0x31;
	v33 =	vmov s30;
	v13 =	vadd.f32 v42, v13;
	v34 =	vmul.f32 v40, v5;
	v35 =	vld [tilespmem:s28+$0xFFFFFFB8]  }
0x548: {  	v12 =	vadd.f32 v41, v12;
	v38 =	vmul.f32 v38, v5;
	v40 =	vld [tilespmem:s28+$0xFFFFFFC8]  }
0x549: {  	v11 =	vadd.f32 v34, v11;
	v34 =	vmul.f32 v39, v5;
	v39 =	vld [tilespmem:s28+$0xFFFFFFD8]  }
0x54a: {  	v10 =	vadd.f32 v38, v10;
	v36 =	vmul.f32 v36, v5;
	v38 =	vld [tilespmem:s28+$0xFFFFFFE8]  }
0x54b: {  	v9 =	vadd.f32 v34, v9;
	v34 =	vmul.f32 v37, v5;
	v37 =	vld [tilespmem:s28+$0xFFFFFFF8]  }
0x54c: {  	s28 =	sadd.s32 $0x408, s28;
	v33 =	vld.idx.msk [tilespmem:v33+s15+$0x0], $0xffff;
	v8 =	vadd.f32 v36, v8;
	v35 =	vmul.f32 v35, v5  }
0x54d: {  	v36 =	vld [tilespmem:s28+$0x0];
	v7 =	vadd.f32 v34, v7;
	v34 =	vmul.f32 v40, v5  }
0x54e: {  	v40 =	vld [tilespmem:s28+$0xFFFFFE18];
	v6 =	vadd.f32 v35, v6;
	v35 =	vmul.f32 v39, v5  }
0x54f: {  	v39 =	vld [tilespmem:s28+$0xFFFFFE28];
	v4 =	vadd.f32 v34, v4;
	v34 =	vmul.f32 v38, v5  }
0x550: {  	v38 =	vld [tilespmem:s28+$0xFFFFFE38];
	v3 =	vadd.f32 v35, v3;
	v37 =	vmul.f32 v37, v5  }
0x551: {  	v35 =	vld [tilespmem:s28+$0xFFFFFE48];
	v1 =	vadd.f32 v34, v1  }
0x552: {  	v5 =	vmov v33;
	v34 =	vld [tilespmem:s28+$0xFFFFFE58];
	v36 =	vmul.f32 v36, v33;
	v0 =	vadd.f32 v37, v0  }
0x553: {  	v33 =	vmul.f32 v40, v5;
	v37 =	vld [tilespmem:s28+$0xFFFFFE68]  }
0x554: {  	v39 =	vmul.f32 v39, v5;
	v40 =	vld [tilespmem:s28+$0xFFFFFE78];
	v2 =	vadd.f32 v36, v2  }
0x555: {  	v28 =	vadd.f32 v33, v28;
	v33 =	vmul.f32 v38, v5;
	v36 =	vld [tilespmem:s28+$0xFFFFFE88]  }
0x556: {  	v31 =	vadd.f32 v39, v31;
	v35 =	vmul.f32 v35, v5;
	v38 =	vld [tilespmem:s28+$0xFFFFFE98]  }
0x557: {  	v32 =	vadd.f32 v33, v32;
	v33 =	vmul.f32 v34, v5;
	v34 =	vld [tilespmem:s28+$0xFFFFFEA8]  }
0x558: {  	v29 =	vadd.f32 v35, v29;
	v35 =	vmul.f32 v37, v5;
	v37 =	vld [tilespmem:s28+$0xFFFFFEB8]  }
0x559: {  	v30 =	vadd.f32 v33, v30;
	v33 =	vmul.f32 v40, v5;
	v39 =	vld [tilespmem:s28+$0xFFFFFEC8]  }
0x55a: {  	v24 =	vadd.f32 v35, v24;
	v35 =	vmul.f32 v36, v5;
	v36 =	vld [tilespmem:s28+$0xFFFFFED8]  }
0x55b: {  	v25 =	vadd.f32 v33, v25;
	v33 =	vmul.f32 v38, v5;
	v38 =	vld [tilespmem:s28+$0xFFFFFEE8]  }
0x55c: {  	v26 =	vadd.f32 v35, v26;
	v34 =	vmul.f32 v34, v5;
	v35 =	vld [tilespmem:s28+$0xFFFFFEF8]  }
0x55d: {  	v27 =	vadd.f32 v33, v27;
	v33 =	vmul.f32 v37, v5;
	v37 =	vld [tilespmem:s28+$0xFFFFFF08]  }
0x55e: {  	v23 =	vadd.f32 v34, v23;
	v34 =	vmul.f32 v39, v5;
	v39 =	vld [tilespmem:s28+$0xFFFFFF18]  }
0x55f: {  	v22 =	vadd.f32 v33, v22;
	v33 =	vmul.f32 v36, v5;
	v36 =	vld [tilespmem:s28+$0xFFFFFF28]  }
0x560: {  	v21 =	vadd.f32 v34, v21;
	v34 =	vmul.f32 v38, v5;
	v41 =	vld [tilespmem:s28+$0xFFFFFF38]  }
0x561: {  	v20 =	vadd.f32 v33, v20;
	v33 =	vmul.f32 v35, v5;
	v35 =	vld [tilespmem:s28+$0xFFFFFF48]  }
0x562: {  	v18 =	vadd.f32 v34, v18;
	v34 =	vmul.f32 v37, v5;
	v37 =	vld [tilespmem:s28+$0xFFFFFF58]  }
.Ltmp8:
0x563: {  	v19 =	vadd.f32 v33, v19;
	v33 =	vmul.f32 v39, v5;
	v40 =	vld [tilespmem:s28+$0xFFFFFF68];
	(pc) =	sbr.rel @p0 .LBB2_19-.Ltmp8, $4  }
0x564: {  	v17 =	vadd.f32 v34, v17;
	v34 =	vmul.f32 v36, v5;
	v38 =	vld [tilespmem:s28+$0xFFFFFF78]  }
0x565: {  	v16 =	vadd.f32 v33, v16;
	v33 =	vmul.f32 v41, v5;
	v39 =	vld [tilespmem:s28+$0xFFFFFF88]  }
0x566: {  	v14 =	vadd.f32 v34, v14;
	v42 =	vmul.f32 v35, v5;
	v36 =	vld [tilespmem:s28+$0xFFFFFF98]  }
0x567: {  	s30 =	sadd.s32 s24, s29;
	s29 =	sadd.s32 $0x1, s29;
	v15 =	vadd.f32 v33, v15;
	v41 =	vmul.f32 v37, v5;
	v37 =	vld [tilespmem:s28+$0xFFFFFFA8]  }
0x568: {  	v34 =	vld [tilespmem:s28+$0xFFFFFFB8];
	s24 =	sadd.s32 $0x408, s28  }
0x569: {  	v46 =	vld [tilespmem:s24+$0xFFFFFF78]  }
0x56a: {  	v62 =	vld [tilespmem:s28+$0xFFFFFFC8]  }
0x56b: {  	v63 =	vld [tilespmem:s28+$0xFFFFFFD8]  }
0x56c: {  	v43 =	vld [tilespmem:s28+$0xFFFFFFE8]  }
0x56d: {  	v44 =	vld [tilespmem:s28+$0xFFFFFFF8]  }
0x56e: {  	[tilespmem:$0x1F920] =	vst v46;
	v46 =	vld [tilespmem:s24+$0xFFFFFF88]  }
0x56f: {  	v45 =	vld [tilespmem:s24+$0x0]  }
0x570: {  	v47 =	vld [tilespmem:s24+$0xFFFFFE18]  }
0x571: {  	v48 =	vld [tilespmem:s24+$0xFFFFFE28]  }
0x572: {  	v49 =	vld [tilespmem:s24+$0xFFFFFE38]  }
0x573: {  	[tilespmem:$0x1F930] =	vst v46;
	v46 =	vld [tilespmem:s24+$0xFFFFFF98]  }
0x574: {  	v50 =	vld [tilespmem:s24+$0xFFFFFE48]  }
0x575: {  	v51 =	vld [tilespmem:s24+$0xFFFFFE58]  }
0x576: {  	v52 =	vld [tilespmem:s24+$0xFFFFFE68]  }
0x577: {  	v53 =	vld [tilespmem:s24+$0xFFFFFE78]  }
0x578: {  	[tilespmem:$0x1F950] =	vst v46;
	v46 =	vld [tilespmem:s24+$0xFFFFFFA8]  }
0x579: {  	v54 =	vld [tilespmem:s24+$0xFFFFFE88]  }
0x57a: {  	v55 =	vld [tilespmem:s24+$0xFFFFFE98]  }
0x57b: {  	v56 =	vld [tilespmem:s24+$0xFFFFFEA8]  }
0x57c: {  	v57 =	vld [tilespmem:s24+$0xFFFFFEB8]  }
0x57d: {  	[tilespmem:$0x1F960] =	vst v46;
	v46 =	vld [tilespmem:s24+$0xFFFFFFB8]  }
0x57e: {  	v33 =	vmov s30;
	v58 =	vld [tilespmem:s24+$0xFFFFFEC8]  }
0x57f: {  	v59 =	vld [tilespmem:s24+$0xFFFFFED8]  }
0x580: {  	v60 =	vld [tilespmem:s24+$0xFFFFFEE8]  }
0x581: {  	v61 =	vld [tilespmem:s24+$0xFFFFFEF8]  }
0x582: {  	[tilespmem:$0x1F980] =	vst v46;
	v46 =	vld [tilespmem:s24+$0xFFFFFFC8]  }
0x583: {  	v33 =	vld.idx.msk [tilespmem:v33+s15+$0x0], $0xffff  }
0x584: {  	v35 =	vld [tilespmem:s24+$0xFFFFFF38]  }
0x585: {  	[tilespmem:$0x1F910] =	vst v62;
	v62 =	vld [tilespmem:s24+$0xFFFFFF08]  }
0x586: {  	[tilespmem:$0x1F940] =	vst v63;
	v63 =	vld [tilespmem:s24+$0xFFFFFF18]  }
0x587: {  	[tilespmem:$0x1F990] =	vst v46;
	v46 =	vld [tilespmem:s24+$0xFFFFFFD8]  }
0x588: {  	[tilespmem:$0x1F900] =	vst v34;
	v34 =	vld [tilespmem:s24+$0xFFFFFF28];
	v47 =	vmul.f32 v47, v33  }
0x589: {  	[tilespmem:$0x1F970] =	vst v43;
	v43 =	vld [tilespmem:s24+$0xFFFFFF48];
	v48 =	vmul.f32 v48, v33  }
0x58a: {  	[tilespmem:$0x1F9A0] =	vst v44;
	v44 =	vld [tilespmem:s24+$0xFFFFFF58];
	v28 =	vadd.f32 v47, v28;
	v47 =	vmul.f32 v49, v33  }
0x58b: {  	[tilespmem:$0x1F9C0] =	vst v45;
	v45 =	vld [tilespmem:s24+$0xFFFFFF68];
	v31 =	vadd.f32 v48, v31  }
0x58c: {  	v49 =	vld [tilespmem:s24+$0xFFFFFFE8];
	v48 =	vmul.f32 v52, v33;
	v32 =	vadd.f32 v47, v32;
	v47 =	vmul.f32 v51, v33;
	[tilespmem:$0x1F9B0] =	vst v46  }
0x58d: {  	v51 =	vmul.f32 v53, v33;
	v46 =	vmul.f32 v50, v33;
	v50 =	vld [tilespmem:s24+$0xFFFFFFF8];
	[tilespmem:s25+$0x1D798] =	vst v28  }
0x58e: {  	v52 =	vmul.f32 v54, v33;
	v24 =	vadd.f32 v48, v24;
	[tilespmem:s25+$0x1D7A8] =	vst v31  }
0x58f: {  	v53 =	vmul.f32 v55, v33;
	v25 =	vadd.f32 v51, v25;
	[tilespmem:s25+$0x1D7B8] =	vst v32  }
0x590: {  	v54 =	vmul.f32 v56, v33;
	v26 =	vadd.f32 v52, v26;
	[tilespmem:s25+$0x1D7E8] =	vst v24  }
0x591: {  	v56 =	vmul.f32 v57, v33;
	v27 =	vadd.f32 v53, v27;
	[tilespmem:s25+$0x1D7F8] =	vst v25  }
0x592: {  	v57 =	vmul.f32 v58, v33;
	v23 =	vadd.f32 v54, v23;
	[tilespmem:s25+$0x1D808] =	vst v26  }
0x593: {  	v13 =	vadd.f32 v42, v13;
	v58 =	vmul.f32 v59, v33;
	v22 =	vadd.f32 v56, v22;
	[tilespmem:s25+$0x1D818] =	vst v27  }
0x594: {  	v12 =	vadd.f32 v41, v12;
	v41 =	vmul.f32 v35, v33;
	v21 =	vadd.f32 v57, v21;
	[tilespmem:s25+$0x1D828] =	vst v23  }
0x595: {  	v42 =	vmul.f32 v43, v33;
	v44 =	vmul.f32 v44, v33;
	v20 =	vadd.f32 v58, v20;
	v58 =	vld [tilespmem:$0x1F9A0];
	[tilespmem:s25+$0x1D838] =	vst v22  }
0x596: {  	v59 =	vmul.f32 v38, v5;
	v38 =	vmul.f32 v36, v5;
	v15 =	vadd.f32 v41, v15;
	[tilespmem:s25+$0x1D848] =	vst v21  }
0x597: {  	v13 =	vadd.f32 v42, v13;
	v12 =	vadd.f32 v44, v12;
	v55 =	vmul.f32 v40, v5;
	v54 =	vld [tilespmem:$0x1F960];
	[tilespmem:s25+$0x1D858] =	vst v20  }
0x598: {  	v10 =	vadd.f32 v59, v10;
	v40 =	vmul.f32 v37, v5;
	v8 =	vadd.f32 v38, v8;
	v51 =	vld [tilespmem:$0x1F930];
	[tilespmem:s25+$0x1D8B8] =	vst v15  }
0x599: {  	v43 =	vld [tilespmem:$0x1F900];
	v11 =	vadd.f32 v55, v11;
	v28 =	vadd.f32 v47, v30;
	v30 =	vmul.f32 v61, v33;
	[tilespmem:s25+$0x1D8C8] =	vst v13  }
0x59a: {  	v52 =	vld [tilespmem:$0x1F940];
	v59 =	vmul.f32 v58, v5;
	v31 =	vmul.f32 v62, v33;
	[tilespmem:s25+$0x1D8D8] =	vst v12;
	v29 =	vadd.f32 v46, v29  }
0x59b: {  	v7 =	vadd.f32 v40, v7;
	v53 =	vld [tilespmem:$0x1F950];
	v32 =	vmul.f32 v63, v33;
	[tilespmem:s25+$0x1D7D8] =	vst v28;
	v19 =	vadd.f32 v30, v19  }
0x59c: {  	v48 =	vld [tilespmem:$0x1F920];
	v0 =	vadd.f32 v59, v0;
	v12 =	vmul.f32 v54, v33;
	v17 =	vadd.f32 v31, v17;
	[tilespmem:s25+$0x1D7C8] =	vst v29  }
0x59d: {  	v47 =	vld [tilespmem:$0x1F910];
	v15 =	vmul.f32 v51, v33;
	v28 =	vmul.f32 v60, v33;
	v16 =	vadd.f32 v32, v16;
	[tilespmem:s25+$0x1D878] =	vst v19  }
0x59e: {  	v55 =	vld [tilespmem:$0x1F970];
	v7 =	vadd.f32 v12, v7;
	v29 =	vmul.f32 v39, v5;
	v39 =	vmul.f32 v34, v33;
	[tilespmem:s25+$0x1D888] =	vst v17  }
0x59f: {  	v56 =	vld [tilespmem:$0x1F980];
	v13 =	vmul.f32 v52, v5;
	v46 =	vmul.f32 v45, v33;
	v18 =	vadd.f32 v28, v18;
	[tilespmem:s25+$0x1D898] =	vst v16  }
0x5a0: {  	v17 =	vmul.f32 v43, v5;
	v16 =	vmul.f32 v53, v33;
	[tilespmem:s25+$0x1D928] =	vst v7;
	v14 =	vadd.f32 v39, v14  }
0x5a1: {  	v57 =	vld [tilespmem:$0x1F990];
	v11 =	vadd.f32 v46, v11;
	v62 =	vmul.f32 v50, v33;
	v9 =	vadd.f32 v29, v9;
	[tilespmem:s25+$0x1D868] =	vst v18  }
0x5a2: {  	v60 =	vld [tilespmem:$0x1F9B0];
	v18 =	vmul.f32 v48, v33;
	v8 =	vadd.f32 v16, v8;
	[tilespmem:s25+$0x1D8A8] =	vst v14;
	v14 =	vmul.f32 v47, v5  }
0x5a3: {  	v63 =	vld [tilespmem:$0x1F9C0];
	v6 =	vadd.f32 v17, v6;
	[tilespmem:s25+$0x1D8E8] =	vst v11;
	v11 =	vmul.f32 v55, v5;
	v0 =	vadd.f32 v62, v0  }
0x5a4: {  	v10 =	vadd.f32 v18, v10;
	[tilespmem:s25+$0x1D918] =	vst v8;
	v4 =	vadd.f32 v14, v4;
	v14 =	vmul.f32 v56, v33  }
0x5a5: {  	v61 =	vmul.f32 v49, v33;
	v9 =	vadd.f32 v15, v9;
	v1 =	vadd.f32 v11, v1;
	[tilespmem:s25+$0x1D978] =	vst v0  }
0x5a6: {  	p0 =	sne.s32 s26, $0x7;
	[tilespmem:s25+$0x1D8F8] =	vst v10;
	v10 =	vmul.f32 v57, v33;
	v6 =	vadd.f32 v14, v6  }
0x5a7: {  	s23 =	sadd.s32 @!p0 s7, s23;
	v3 =	vadd.f32 v13, v3;
	[tilespmem:s25+$0x1D908] =	vst v9;
	v9 =	vmul.f32 v60, v33;
	v1 =	vadd.f32 v61, v1  }
0x5a8: {  	s23 =	smul.u32 @!p0 $0x408, s23;
	v4 =	vadd.f32 v10, v4;
	[tilespmem:s25+$0x1D938] =	vst v6;
	v6 =	vmul.f32 v63, v33  }
0x5a9: {  	v3 =	vadd.f32 v9, v3;
	[tilespmem:s25+$0x1D968] =	vst v1  }
0x5aa: {  	s22 =	sadd.s32 $0x1, s22;
	s23 =	sadd.s32 @!p0 $0xFFFFE3C8, s23;
	[tilespmem:s25+$0x1D948] =	vst v4;
	v2 =	vadd.f32 v6, v2  }
0x5ab: {  	p1 =	sne.s32 s22, $0x10;
	s23 =	sshrl.u32 @!p0 s23, $0x3;
	[tilespmem:s25+$0x1D958] =	vst v3  }
0x5ac: {  	s23 =	sadd.s32 @!p0 s6, s23;
	s24 =	simm.s32 @!p0 $0x0;
	[tilespmem:s25+$0x1D980] =	vst v2;
	s25 =	simm.s32 @!p0 $0x1D588  }
0x5ad: {  	[hbm4b:s23+s24] =	stream.linear.scatter @!p0 [tilespmem:s25], [sflag:$0x3], $0x2040, $0x38;
	[tilespmem:$0x1F5C8] =	vst v63  }
.Ltmp9:
0x5ae: {  	_ = 	snop;
	(pc) =	sbr.rel @p1 .LBB2_12-.Ltmp9, $4  }
0x5af: {  	s23 =	simm.s32 @!p0 $0x3  }
0x5b0: {  	_ =	swait.ge @!p0 [sflag:s23], $0x2040  }
0x5b1: {  	[sflag:s23] =	ssyncset.done @!p0 $0x0  }
0x5b2: {  	[sflag:s23] =	ssyncadd.s32 @!p0 $0xFFFFDFC0  }
0x5b3: {  	s21 =	sadd.s32 $0x1, s21  }
0x5b4: {  	p0 =	sne.s32 s21, s12  }
.Ltmp10:
0x5b5: {  	_ = 	snop;
	(pc) =	sbr.rel @p0 .LBB2_1-.Ltmp10, $1  }
0x5b6: {  	_ =	sdelay $0x3  }
0x5b7: {  	_ =	sfence.sel $0x180000  }
0x5b8: {  	[bflag:$0x0] =	sbarrier.arrive $0xFFFF  }
0x5b9: {  	p0 =	sne.s32 s0, $0x0;
	_ =	strace $0x90000047  }
0x5ba: {  	s0 =	sadd.s32 @!p0 $0x100000, s1;
	[bflag:$0x2] =	sbarrier.arrive $0xFFFF  }
0x5bb: {  	[sflag:s0] =	ssyncadd.tile.s32 @!p0 $0x1;
	_ =	shalt  }
.Lfunc_end2:
_tile_overlayer_lowered:
.L_overlay_start_2:
0x5bc: {  	(tag) =	ssettag $0x2  }
0x5bd: {  	s0 =	rddreg [dreg:$0x0];
	s2 =	stileid.u32  }
0x5be: {  	s1 =	rddreg [dreg:$0x1];
	p0 =	sne.s32 s2, $0x0  }
0x5bf: {  	s3 =	rddreg [dreg:$0x2];
	[bflag:$0x3] =	sbarrier.arrive $0xFFFF;
	s2 =	simm.s32 @!p0 $0x1C03  }
0x5c0: {  	[timem:s3], [sflag:s2] =	dma.local @!p0 [hbm:s0], s1  }
0x5c1: {  	s0 =	simm.s32 @!p0 $0x3  }
0x5c2: {  	_ =	swait.ge @!p0 [sflag:s0], s1  }
0x5c3: {  	s1 =	ssub.s32 @!p0 $0x0, s1;
	[sflag:s0] =	ssyncset.done @!p0 $0x0  }
0x5c4: {  	[sflag:s0] =	ssyncadd.s32 @!p0 s1  }
0x5c5: {  	[bflag:$0x3] =	sbarrier.arrive $0xFFFF  }
0x5c6: {  	_ =	shalt  }

</sc_bundles>
